<compile_context>
chip_gen: v7x
topology: tpu7x:2x2x1
jax: 0.10.2.dev20260603
libtpu: 0.0.44.dev20260713+nightly
codegen_flags: <defaults>
</compile_context>

<pallas_src>
import functools

import jax
import jax.numpy as jnp
from jax import lax
from jax.experimental import pallas as pl
from jax.experimental.pallas import tpu as pltpu
from jax.experimental.pallas import tpu_sc as plsc

N = 10000
E = 320000
DIN = 128
DH = 256
DOUT = 128

NP = 10240
EP = 327680
EPR = EP // 128
RPT = NP // 16
EB = 8
BR = 1024
NCH0 = 112
NCH1 = 48

_MESH = plsc.VectorSubcoreMesh(core_axis_name="c", subcore_axis_name="s")


def _deg_body(dst_hbm, ones_hbm, zeros_hbm, deg_out, deg_sh, dstb, onesb,
              sem):
    c = lax.axis_index("c")
    s = lax.axis_index("s")

    @pl.when(c == 0)
    def _():
        rb = s * RPT
        pltpu.sync_copy(zeros_hbm.at[pl.ds(rb, RPT)], deg_sh.at[pl.ds(rb, RPT)])
        pltpu.sync_copy(ones_hbm, onesb)
        plsc.subcore_barrier()

        ept_rows = EPR // 16
        row0 = s * ept_rows

        def blk(b, _):
            pltpu.sync_copy(dst_hbm.at[pl.ds(row0 + b * EB, EB)], dstb)

            def j_body(j, _):
                pltpu.sync_copy(onesb, deg_sh.at[dstb.at[j]], add=True)
                return 0

            return lax.fori_loop(0, EB, j_body, 0)

        lax.fori_loop(0, ept_rows // EB, blk, 0)
        plsc.subcore_barrier()
        pltpu.sync_copy(deg_sh.at[pl.ds(rb, RPT)], deg_out.at[pl.ds(rb, RPT)])


def _deg_kernel(dst2d, ones8, zeros8):
    return pl.kernel(
        _deg_body,
        out_type=jax.ShapeDtypeStruct((NP, 16), jnp.float32),
        mesh=_MESH,
        scratch_types=[
            pltpu.VMEM_SHARED((NP, 16), jnp.float32),
            pltpu.VMEM((EB, 128), jnp.int32),
            pltpu.VMEM((128, 16), jnp.float32),
            pltpu.SemaphoreType.DMA,
        ],
        compiler_params=pltpu.CompilerParams(use_tc_tiling_on_sc=False),
    )(dst2d, ones8, zeros8)


def _agg_body(table, src_hbm, dst_hbm, zeros_hbm, out, agg_sh, srcA, srcB,
              dstA, dstB, r0, r1, gsem, ssem, isem):
    c = lax.axis_index("c")
    s = lax.axis_index("s")
    rows = [r0, r1]
    rb = s * RPT
    pltpu.sync_copy(zeros_hbm.at[pl.ds(rb, RPT)], agg_sh.at[pl.ds(rb, RPT)])
    plsc.subcore_barrier()

    is0 = c == 0
    nchunks = jnp.where(is0, NCH0, NCH1)
    row0 = jnp.where(is0, s * NCH0, 16 * NCH0 + s * NCH1)
    nbody = nchunks // 16
    tbl = table.at[c]

    def drain_one(sem, k):
        pltpu.make_async_copy(zeros_hbm.at[pl.ds(0, 128)], rows[k],
                              sem).wait()

    def issue_gather(m, srcbuf, r_local, k):
        @pl.when(m < nchunks)
        def _():
            @pl.when(m >= 2)
            def _():
                drain_one(ssem, k)
            pltpu.async_copy(tbl.at[srcbuf.at[r_local]], rows[k], gsem)

    def process(dstbuf, r_local, k):
        drain_one(gsem, k)
        pltpu.async_copy(rows[k], agg_sh.at[dstbuf.at[r_local]], ssem,
                         add=True)

    pltpu.sync_copy(src_hbm.at[pl.ds(row0, EB)], srcA)
    pltpu.sync_copy(dst_hbm.at[pl.ds(row0, EB)], dstA)
    pltpu.async_copy(tbl.at[srcA.at[0]], rows[0], gsem)

    def fbody(h, _):
        base = row0 + h * 16
        m0 = h * 16
        desc_b = desc_a = None
        for ml in range(16):
            if ml == 7:
                desc_b[0].wait()
                desc_b[1].wait()
            if ml == 15:
                desc_a[0].wait()
                desc_a[1].wait()
            dstbuf = dstA if ml < 8 else dstB
            process(dstbuf, ml % 8, ml % 2)
            kk = ml + 1
            srcbuf = srcA if (kk < 8 or kk >= 16) else srcB
            issue_gather(m0 + kk, srcbuf, kk % 8, kk % 2)
            if ml == 1:
                desc_b = (
                    pltpu.async_copy(src_hbm.at[pl.ds(base + 8, EB)],
                                     srcB, isem),
                    pltpu.async_copy(dst_hbm.at[pl.ds(base + 8, EB)],
                                     dstB, isem),
                )
            if ml == 8:
                nb = jnp.minimum(base + 16, EPR - EB)
                desc_a = (
                    pltpu.async_copy(src_hbm.at[pl.ds(nb, EB)], srcA,
                                     isem),
                    pltpu.async_copy(dst_hbm.at[pl.ds(nb, EB)], dstA,
                                     isem),
                )
        return 0

    lax.fori_loop(0, nbody, fbody, 0)
    for k in range(2):
        drain_one(ssem, k)
    plsc.subcore_barrier()
    pltpu.sync_copy(agg_sh.at[pl.ds(rb, RPT)], out.at[c, pl.ds(rb, RPT)])


def _agg_kernel(table, src2d, dst2d, zeros128):
    return pl.kernel(
        _agg_body,
        out_type=jax.ShapeDtypeStruct((2, NP, 128), jnp.float32),
        mesh=_MESH,
        scratch_types=[
            pltpu.VMEM_SHARED((NP, 128), jnp.float32),
            pltpu.VMEM((EB, 128), jnp.int32),
            pltpu.VMEM((EB, 128), jnp.int32),
            pltpu.VMEM((EB, 128), jnp.int32),
            pltpu.VMEM((EB, 128), jnp.int32),
            pltpu.VMEM((128, 128), jnp.float32),
            pltpu.VMEM((128, 128), jnp.float32),
            pltpu.SemaphoreType.DMA,
            pltpu.SemaphoreType.DMA,
            pltpu.SemaphoreType.DMA,
        ],
    )(table, src2d, dst2d, zeros128)


def _tc_scale(xp, deg8):
    def body(x_ref, d_ref, t_ref, dis_ref):
        dis = lax.rsqrt(d_ref[...][:, 0:1] + 1.0)
        t = x_ref[...] * dis
        t_ref[0] = t
        t_ref[1] = t
        dis_ref[...] = dis

    return pl.pallas_call(
        body,
        grid=(NP // BR,),
        in_specs=[
            pl.BlockSpec((BR, DIN), lambda i: (i, 0)),
            pl.BlockSpec((BR, 16), lambda i: (i, 0)),
        ],
        out_specs=[
            pl.BlockSpec((2, BR, DIN), lambda i: (0, i, 0)),
            pl.BlockSpec((BR, 1), lambda i: (i, 0)),
        ],
        out_shape=[
            jax.ShapeDtypeStruct((2, NP, DIN), jnp.float32),
            jax.ShapeDtypeStruct((NP, 1), jnp.float32),
        ],
    )(xp, deg8)


def _tc_mid(aggx, t, dis2, W1, b1, gam, bet, mu, var, W2):
    def body(a_ref, t_ref, d_ref, w1_ref, b_ref, g_ref, be_ref, m_ref, v_ref,
             w2_ref, o_ref):
        sm = a_ref[0] + a_ref[1] + t_ref[0]
        u = jnp.dot(sm, w1_ref[...], preferred_element_type=jnp.float32)
        d = d_ref[...]
        g = d * u + b_ref[...]
        scale = g_ref[...] * lax.rsqrt(v_ref[...] + 1e-5)
        h = jnp.maximum(g * scale + (be_ref[...] - m_ref[...] * scale), 0.0)
        y2 = jnp.dot(h, w2_ref[...], preferred_element_type=jnp.float32) * d
        o_ref[0] = y2
        o_ref[1] = y2

    return pl.pallas_call(
        body,
        grid=(NP // BR,),
        in_specs=[
            pl.BlockSpec((2, BR, 128), lambda i: (0, i, 0)),
            pl.BlockSpec((2, BR, DIN), lambda i: (0, i, 0)),
            pl.BlockSpec((BR, 1), lambda i: (i, 0)),
            pl.BlockSpec((DIN, DH), lambda i: (0, 0)),
            pl.BlockSpec((1, DH), lambda i: (0, 0)),
            pl.BlockSpec((1, DH), lambda i: (0, 0)),
            pl.BlockSpec((1, DH), lambda i: (0, 0)),
            pl.BlockSpec((1, DH), lambda i: (0, 0)),
            pl.BlockSpec((1, DH), lambda i: (0, 0)),
            pl.BlockSpec((DH, DOUT), lambda i: (0, 0)),
        ],
        out_specs=pl.BlockSpec((2, BR, DOUT), lambda i: (0, i, 0)),
        out_shape=jax.ShapeDtypeStruct((2, NP, DOUT), jnp.float32),
    )(aggx, t, dis2, W1, b1, gam, bet, mu, var, W2)


def _tc_final(agg2, y2, dis2, b2):
    def body(a_ref, y_ref, d_ref, b_ref, o_ref):
        o_ref[...] = d_ref[...] * (a_ref[0] + a_ref[1] + y_ref[0]) + b_ref[...]

    return pl.pallas_call(
        body,
        grid=(NP // BR,),
        in_specs=[
            pl.BlockSpec((2, BR, DOUT), lambda i: (0, i, 0)),
            pl.BlockSpec((2, BR, DOUT), lambda i: (0, i, 0)),
            pl.BlockSpec((BR, 1), lambda i: (i, 0)),
            pl.BlockSpec((1, DOUT), lambda i: (0, 0)),
        ],
        out_specs=pl.BlockSpec((BR, DOUT), lambda i: (i, 0)),
        out_shape=jax.ShapeDtypeStruct((NP, DOUT), jnp.float32),
    )(agg2, y2, dis2, b2)


@jax.jit
def kernel(node_feat, edge_index, W1, b1, W2, b2, bn_gamma, bn_beta, bn_mean,
           bn_var):
    f32 = jnp.float32
    xp = jnp.zeros((NP, DIN), f32).at[:N].set(node_feat)
    pad = jnp.full((EP - E,), N, jnp.int32)
    src = jnp.concatenate([edge_index[0], pad])
    dst = jnp.concatenate([edge_index[1], pad])
    src2d = src.reshape(EPR, 128)
    dst2d = dst.reshape(EPR, 128)

    ones8 = jnp.ones((128, 16), f32)
    zeros8 = jnp.zeros((NP, 16), f32)
    zeros128 = jnp.zeros((NP, 128), f32)

    deg8 = _deg_kernel(dst2d, ones8, zeros8)
    t, dis2 = _tc_scale(xp, deg8)
    aggx = _agg_kernel(t, src2d, dst2d, zeros128)
    y2 = _tc_mid(aggx, t, dis2, W1, b1.reshape(1, DH), bn_gamma.reshape(1, DH),
                 bn_beta.reshape(1, DH), bn_mean.reshape(1, DH),
                 bn_var.reshape(1, DH), W2)
    agg2 = _agg_kernel(y2, src2d, dst2d, zeros128)
    out = _tc_final(agg2, y2, dis2, b2.reshape(1, DOUT))
    return out[:N]

# --- scband reference (transcript-rebuilt; emitter-appended) ---
"""Pipeline reference for scband-gcn-15530601742979 (READ-ONLY COPY).

The authoritative reference and input builder live on the scoring server;
editing this copy changes nothing except your own understanding.
"""

import jax, jax.numpy as jnp
import numpy as np

N = 10000
E = 320000
DIN = 128
DH = 256
DOUT = 128


def gcn_conv(x, edge_index, W, b, num_nodes):
    # GCNConv with add_self_loops=True and symmetric normalization (PyG gcn_norm)
    src = edge_index[0]
    dst = edge_index[1]
    loop = jnp.arange(num_nodes, dtype=src.dtype)
    src = jnp.concatenate([src, loop])
    dst = jnp.concatenate([dst, loop])
    ones = jnp.ones(src.shape[0], dtype=x.dtype)
    deg = jnp.zeros((num_nodes,), dtype=x.dtype).at[dst].add(ones)
    deg_inv_sqrt = jnp.where(deg > 0, 1.0 / jnp.sqrt(deg), 0.0)
    norm = deg_inv_sqrt[src] * deg_inv_sqrt[dst]
    xw = x @ W
    msg = jnp.take(xw, src, axis=0) * norm[:, None]
    out = jnp.zeros((num_nodes, W.shape[1]), dtype=x.dtype).at[dst].add(msg)
    return out + b


def setup_inputs(seed: int = 0) -> dict:
    key = jax.random.key(seed)
    ks = jax.random.split(key, 8)
    node_feat = jax.random.normal(ks[0], (N, DIN), dtype=jnp.float32)
    edge_index = jax.random.randint(ks[1], (2, E), 0, N, dtype=jnp.int32)
    W1 = jax.random.normal(ks[2], (DIN, DH), dtype=jnp.float32) * (1.0 / np.sqrt(DIN))
    b1 = jnp.zeros((DH,), dtype=jnp.float32)
    W2 = jax.random.normal(ks[3], (DH, DOUT), dtype=jnp.float32) * (1.0 / np.sqrt(DH))
    b2 = jnp.zeros((DOUT,), dtype=jnp.float32)
    bn_gamma = jnp.ones((DH,), dtype=jnp.float32)
    bn_beta = jnp.zeros((DH,), dtype=jnp.float32)
    bn_mean = jnp.zeros((DH,), dtype=jnp.float32)
    bn_var = jnp.ones((DH,), dtype=jnp.float32)
    return {"node_feat": node_feat, "edge_index": edge_index, "W1": W1, "b1": b1,
            "W2": W2, "b2": b2, "bn_gamma": bn_gamma, "bn_beta": bn_beta,
            "bn_mean": bn_mean, "bn_var": bn_var}


def reference(node_feat, edge_index, W1, b1, W2, b2, bn_gamma, bn_beta, bn_mean, bn_var):
    # layer 1: GCNConv -> BatchNorm1d (eval mode, running stats) -> ReLU -> dropout (eval = identity)
    h = gcn_conv(node_feat, edge_index, W1, b1, N)
    h = (h - bn_mean) / jnp.sqrt(bn_var + 1e-5) * bn_gamma + bn_beta
    h = jax.nn.relu(h)
    # dropout with training=False is identity
    out = gcn_conv(h, edge_index, W2, b2, N)
    return out

if __name__ == "__main__":
    import jax
    _d = setup_inputs()
    print(jax.jit(kernel)(*tuple(_d.values())))

</pallas_src>

<mosaic_0001>
#map = affine_map<(d0, d1) -> (0, 0)>
module attributes {stable_mosaic.version = 14 : i64} {
  func.func @_deg_body(%arg0: i32, %arg1: i32, %arg2: memref<2560x128xi32, #tpu.memory_space<hbm>>, %arg3: memref<128x16xf32, #tpu.memory_space<hbm>>, %arg4: memref<10240x16xf32, #tpu.memory_space<hbm>>, %arg5: memref<10240x16xf32, #tpu.memory_space<hbm>>, %arg6: memref<10240x16xf32, #tpu.memory_space<vmem_shared>>, %arg7: memref<8x128xi32, #tpu.memory_space<vmem>>, %arg8: memref<128x16xf32, #tpu.memory_space<vmem>>, %arg9: memref<!tpu.dma_semaphore, #tpu.memory_space<semaphore_mem>>) attributes {dimension_semantics = [#tpu.dimension_semantics<core_parallel>, #tpu.dimension_semantics<subcore_parallel>], iteration_bounds = array<i64: 2, 16>, scalar_prefetch = 0 : i64, scratch_operands = 4 : i64, tpu.core_type = #tpu.core_type<sc_vector_subcore>, window_params = [{transform_indices = #map}, {transform_indices = #map}, {transform_indices = #map}, {transform_indices = #map}]} {
    %eq3A = arith.constant 0 : i32
    %eq3A_0 = arith.cmpi eq, %arg0, %eq3A : i32
    %convert_element_type3A = arith.extui %eq3A_0 : i1 to i32
    %cond3A = arith.constant 0 : i32
    %cond3A_1 = arith.cmpi ne, %convert_element_type3A, %cond3A : i32
    scf.if %cond3A_1 {
      %mul3A = arith.constant 640 : i32
      %mul3A_2 = arith.muli %arg1, %mul3A : i32
      "tpu.region"() ({
        %run_scoped3A = tpu.sem_alloc : memref<!tpu.dma_semaphore, #tpu.memory_space<semaphore_mem>>
        %dma_start3A = arith.constant 0 : i32
        %dma_start3A_12 = tpu.memref_slice %arg6[%mul3A_2, %dma_start3A] : memref<10240x16xf32, #tpu.memory_space<vmem_shared>> -> memref<640x16xf32, #tpu.memory_space<vmem_shared>>
        %dma_start3A_13 = arith.constant 0 : i32
        %dma_start3A_14 = tpu.memref_slice %arg4[%mul3A_2, %dma_start3A_13] : memref<10240x16xf32, #tpu.memory_space<hbm>> -> memref<640x16xf32, #tpu.memory_space<hbm>>
        tpu.enqueue_dma source(%dma_start3A_14 : memref<640x16xf32, #tpu.memory_space<hbm>>) target(%dma_start3A_12 : memref<640x16xf32, #tpu.memory_space<vmem_shared>>) target_semaphore(%run_scoped3A : memref<!tpu.dma_semaphore, #tpu.memory_space<semaphore_mem>>)
        %dma_wait3A = arith.constant 0 : i32
        %dma_wait3A_15 = tpu.memref_slice %arg6[%mul3A_2, %dma_wait3A] : memref<10240x16xf32, #tpu.memory_space<vmem_shared>> -> memref<640x16xf32, #tpu.memory_space<vmem_shared>>
        %dma_wait3A_16 = arith.constant 0 : i32
        %dma_wait3A_17 = tpu.memref_slice %arg4[%mul3A_2, %dma_wait3A_16] : memref<10240x16xf32, #tpu.memory_space<hbm>> -> memref<640x16xf32, #tpu.memory_space<hbm>>
        tpu.wait_dma2 semaphore(%run_scoped3A : memref<!tpu.dma_semaphore, #tpu.memory_space<semaphore_mem>>) src(%dma_wait3A_17 : memref<640x16xf32, #tpu.memory_space<hbm>>) dst(%dma_wait3A_15 : memref<640x16xf32, #tpu.memory_space<vmem_shared>>)
        tpu.yield
      }) : () -> ()
      "tpu.region"() ({
        %run_scoped3A = tpu.sem_alloc : memref<!tpu.dma_semaphore, #tpu.memory_space<semaphore_mem>>
        tpu.enqueue_dma source(%arg3 : memref<128x16xf32, #tpu.memory_space<hbm>>) target(%arg8 : memref<128x16xf32, #tpu.memory_space<vmem>>) target_semaphore(%run_scoped3A : memref<!tpu.dma_semaphore, #tpu.memory_space<semaphore_mem>>)
        tpu.wait_dma2 semaphore(%run_scoped3A : memref<!tpu.dma_semaphore, #tpu.memory_space<semaphore_mem>>) src(%arg3 : memref<128x16xf32, #tpu.memory_space<hbm>>) dst(%arg8 : memref<128x16xf32, #tpu.memory_space<vmem>>)
        tpu.yield
      }) : () -> ()
      %barrier3A = arith.constant 0 : index
      tpu.barrier barrier_id(%barrier3A)
      %mul3A_3 = arith.constant 160 : i32
      %mul3A_4 = arith.muli %arg1, %mul3A_3 : i32
      %scan3A = arith.constant 0 : i32
      %scan3A_5 = arith.constant 0 : i32
      %scan3A_6 = arith.constant 20 : i32
      %scan3A_7 = arith.addi %scan3A_5, %scan3A_6 : i32
      %scan3A_8 = arith.constant 1 : i32
      %scan3A_9 = scf.for %scan3A_12 = %scan3A_5 to %scan3A_7 step %scan3A_8 iter_args(%scan3A_13 = %scan3A) -> (i32)  : i32 {
        %mul3A_14 = arith.constant 8 : i32
        %mul3A_15 = arith.muli %scan3A_12, %mul3A_14 : i32
        %add3A = arith.addi %mul3A_4, %mul3A_15 : i32
        "tpu.region"() ({
          %run_scoped3A = tpu.sem_alloc : memref<!tpu.dma_semaphore, #tpu.memory_space<semaphore_mem>>
          %dma_start3A = arith.constant 0 : i32
          %dma_start3A_23 = tpu.memref_slice %arg2[%add3A, %dma_start3A] : memref<2560x128xi32, #tpu.memory_space<hbm>> -> memref<8x128xi32, #tpu.memory_space<hbm>>
          %dma_start3A_24 = arith.constant 0 : i32
          %dma_start3A_25 = tpu.memref_slice %arg2[%add3A, %dma_start3A_24] : memref<2560x128xi32, #tpu.memory_space<hbm>> -> memref<8x128xi32, #tpu.memory_space<hbm>>
          tpu.enqueue_dma source(%dma_start3A_25 : memref<8x128xi32, #tpu.memory_space<hbm>>) target(%arg7 : memref<8x128xi32, #tpu.memory_space<vmem>>) target_semaphore(%run_scoped3A : memref<!tpu.dma_semaphore, #tpu.memory_space<semaphore_mem>>)
          %dma_wait3A = arith.constant 0 : i32
          %dma_wait3A_26 = tpu.memref_slice %arg2[%add3A, %dma_wait3A] : memref<2560x128xi32, #tpu.memory_space<hbm>> -> memref<8x128xi32, #tpu.memory_space<hbm>>
          %dma_wait3A_27 = arith.constant 0 : i32
          %dma_wait3A_28 = tpu.memref_slice %arg2[%add3A, %dma_wait3A_27] : memref<2560x128xi32, #tpu.memory_space<hbm>> -> memref<8x128xi32, #tpu.memory_space<hbm>>
          tpu.wait_dma2 semaphore(%run_scoped3A : memref<!tpu.dma_semaphore, #tpu.memory_space<semaphore_mem>>) src(%dma_wait3A_28 : memref<8x128xi32, #tpu.memory_space<hbm>>) dst(%arg7 : memref<8x128xi32, #tpu.memory_space<vmem>>)
          tpu.yield
        }) : () -> ()
        %scan3A_16 = arith.constant 0 : i32
        %scan3A_17 = arith.constant 0 : i32
        %scan3A_18 = arith.constant 8 : i32
        %scan3A_19 = arith.addi %scan3A_17, %scan3A_18 : i32
        %scan3A_20 = arith.constant 1 : i32
        %scan3A_21 = scf.for %scan3A_23 = %scan3A_17 to %scan3A_19 step %scan3A_20 iter_args(%scan3A_24 = %scan3A_16) -> (i32)  : i32 {
          "tpu.region"() ({
            %run_scoped3A = tpu.sem_alloc : memref<!tpu.dma_semaphore, #tpu.memory_space<semaphore_mem>>
            %dma_start3A = arith.constant 0 : i32
            %dma_start3A_26 = tpu.memref_slice %arg7[%scan3A_23, %dma_start3A] : memref<8x128xi32, #tpu.memory_space<vmem>> -> memref<1x128xi32, #tpu.memory_space<vmem>>
            %dma_start3A_27 = tpu.memref_squeeze %dma_start3A_26 : memref<1x128xi32, #tpu.memory_space<vmem>> -> memref<128xi32, #tpu.memory_space<vmem>>
            %dma_start3A_28 = arith.constant 0 : i32
            %dma_start3A_29 = arith.constant 0 : i32
            %dma_start3A_30 = tpu.memref_slice %arg6[%dma_start3A_28, %dma_start3A_29] : memref<10240x16xf32, #tpu.memory_space<vmem_shared>> -> memref<10240x16xf32, #tpu.memory_space<vmem_shared>>
            tpu.enqueue_indirect_dma source(%arg8 : memref<128x16xf32, #tpu.memory_space<vmem>>) target(%dma_start3A_30 : memref<10240x16xf32, #tpu.memory_space<vmem_shared>>) offsets(%dma_start3A_27 : memref<128xi32, #tpu.memory_space<vmem>>) semaphore(%run_scoped3A : memref<!tpu.dma_semaphore, #tpu.memory_space<semaphore_mem>>) {add = true}
            %dma_wait3A = arith.constant 0 : i32
            %dma_wait3A_31 = tpu.memref_slice %arg7[%scan3A_23, %dma_wait3A] : memref<8x128xi32, #tpu.memory_space<vmem>> -> memref<1x128xi32, #tpu.memory_space<vmem>>
            %dma_wait3A_32 = tpu.memref_squeeze %dma_wait3A_31 : memref<1x128xi32, #tpu.memory_space<vmem>> -> memref<128xi32, #tpu.memory_space<vmem>>
            %dma_wait3A_33 = arith.constant 0 : i32
            %dma_wait3A_34 = arith.constant 0 : i32
            %dma_wait3A_35 = tpu.memref_slice %arg6[%dma_wait3A_33, %dma_wait3A_34] : memref<10240x16xf32, #tpu.memory_space<vmem_shared>> -> memref<10240x16xf32, #tpu.memory_space<vmem_shared>>
            tpu.wait_indirect_dma semaphore(%run_scoped3A : memref<!tpu.dma_semaphore, #tpu.memory_space<semaphore_mem>>) src(%arg8 : memref<128x16xf32, #tpu.memory_space<vmem>>) dst(%dma_wait3A_35 : memref<10240x16xf32, #tpu.memory_space<vmem_shared>>)
            tpu.yield
          }) : () -> ()
          %scan3A_25 = arith.constant 0 : i32
          scf.yield %scan3A_25 : i32
        }
        %scan3A_22 = arith.constant 8 : i32
        scf.yield %scan3A_21 : i32
      }
      %scan3A_10 = arith.constant 20 : i32
      %barrier3A_11 = arith.constant 0 : index
      tpu.barrier barrier_id(%barrier3A_11)
      "tpu.region"() ({
        %run_scoped3A = tpu.sem_alloc : memref<!tpu.dma_semaphore, #tpu.memory_space<semaphore_mem>>
        %dma_start3A = arith.constant 0 : i32
        %dma_start3A_12 = tpu.memref_slice %arg5[%mul3A_2, %dma_start3A] : memref<10240x16xf32, #tpu.memory_space<hbm>> -> memref<640x16xf32, #tpu.memory_space<hbm>>
        %dma_start3A_13 = arith.constant 0 : i32
        %dma_start3A_14 = tpu.memref_slice %arg6[%mul3A_2, %dma_start3A_13] : memref<10240x16xf32, #tpu.memory_space<vmem_shared>> -> memref<640x16xf32, #tpu.memory_space<vmem_shared>>
        tpu.enqueue_dma source(%dma_start3A_14 : memref<640x16xf32, #tpu.memory_space<vmem_shared>>) target(%dma_start3A_12 : memref<640x16xf32, #tpu.memory_space<hbm>>) target_semaphore(%run_scoped3A : memref<!tpu.dma_semaphore, #tpu.memory_space<semaphore_mem>>)
        %dma_wait3A = arith.constant 0 : i32
        %dma_wait3A_15 = tpu.memref_slice %arg5[%mul3A_2, %dma_wait3A] : memref<10240x16xf32, #tpu.memory_space<hbm>> -> memref<640x16xf32, #tpu.memory_space<hbm>>
        %dma_wait3A_16 = arith.constant 0 : i32
        %dma_wait3A_17 = tpu.memref_slice %arg6[%mul3A_2, %dma_wait3A_16] : memref<10240x16xf32, #tpu.memory_space<vmem_shared>> -> memref<640x16xf32, #tpu.memory_space<vmem_shared>>
        tpu.wait_dma2 semaphore(%run_scoped3A : memref<!tpu.dma_semaphore, #tpu.memory_space<semaphore_mem>>) src(%dma_wait3A_17 : memref<640x16xf32, #tpu.memory_space<vmem_shared>>) dst(%dma_wait3A_15 : memref<640x16xf32, #tpu.memory_space<hbm>>)
        tpu.yield
      }) : () -> ()
    } else {
    }
    return
  }
}

#map = affine_map<(d0, d1) -> (0, 0, 0)>
#map1 = affine_map<(d0, d1) -> (0, 0)>
module attributes {stable_mosaic.version = 14 : i64} {
  func.func @_agg_body(%arg0: i32, %arg1: i32, %arg2: memref<2x10240x128xf32, #tpu.memory_space<hbm>>, %arg3: memref<2560x128xi32, #tpu.memory_space<hbm>>, %arg4: memref<2560x128xi32, #tpu.memory_space<hbm>>, %arg5: memref<10240x128xf32, #tpu.memory_space<hbm>>, %arg6: memref<2x10240x128xf32, #tpu.memory_space<hbm>>, %arg7: memref<10240x128xf32, #tpu.memory_space<vmem_shared>>, %arg8: memref<8x128xi32, #tpu.memory_space<vmem>>, %arg9: memref<8x128xi32, #tpu.memory_space<vmem>>, %arg10: memref<8x128xi32, #tpu.memory_space<vmem>>, %arg11: memref<8x128xi32, #tpu.memory_space<vmem>>, %arg12: memref<128x128xf32, #tpu.memory_space<vmem>>, %arg13: memref<128x128xf32, #tpu.memory_space<vmem>>, %arg14: memref<!tpu.dma_semaphore, #tpu.memory_space<semaphore_mem>>, %arg15: memref<!tpu.dma_semaphore, #tpu.memory_space<semaphore_mem>>, %arg16: memref<!tpu.dma_semaphore, #tpu.memory_space<semaphore_mem>>) attributes {dimension_semantics = [#tpu.dimension_semantics<core_parallel>, #tpu.dimension_semantics<subcore_parallel>], iteration_bounds = array<i64: 2, 16>, scalar_prefetch = 0 : i64, scratch_operands = 10 : i64, tpu.core_type = #tpu.core_type<sc_vector_subcore>, window_params = [{transform_indices = #map}, {transform_indices = #map1}, {transform_indices = #map1}, {transform_indices = #map1}, {transform_indices = #map}]} {
    %mul3A = arith.constant 640 : i32
    %mul3A_0 = arith.muli %arg1, %mul3A : i32
    "tpu.region"() ({
      %run_scoped3A = tpu.sem_alloc : memref<!tpu.dma_semaphore, #tpu.memory_space<semaphore_mem>>
      %dma_start3A_60 = arith.constant 0 : i32
      %dma_start3A_61 = tpu.memref_slice %arg7[%mul3A_0, %dma_start3A_60] : memref<10240x128xf32, #tpu.memory_space<vmem_shared>> -> memref<640x128xf32, #tpu.memory_space<vmem_shared>>
      %dma_start3A_62 = arith.constant 0 : i32
      %dma_start3A_63 = tpu.memref_slice %arg5[%mul3A_0, %dma_start3A_62] : memref<10240x128xf32, #tpu.memory_space<hbm>> -> memref<640x128xf32, #tpu.memory_space<hbm>>
      tpu.enqueue_dma source(%dma_start3A_63 : memref<640x128xf32, #tpu.memory_space<hbm>>) target(%dma_start3A_61 : memref<640x128xf32, #tpu.memory_space<vmem_shared>>) target_semaphore(%run_scoped3A : memref<!tpu.dma_semaphore, #tpu.memory_space<semaphore_mem>>)
      %dma_wait3A_64 = arith.constant 0 : i32
      %dma_wait3A_65 = tpu.memref_slice %arg7[%mul3A_0, %dma_wait3A_64] : memref<10240x128xf32, #tpu.memory_space<vmem_shared>> -> memref<640x128xf32, #tpu.memory_space<vmem_shared>>
      %dma_wait3A_66 = arith.constant 0 : i32
      %dma_wait3A_67 = tpu.memref_slice %arg5[%mul3A_0, %dma_wait3A_66] : memref<10240x128xf32, #tpu.memory_space<hbm>> -> memref<640x128xf32, #tpu.memory_space<hbm>>
      tpu.wait_dma2 semaphore(%run_scoped3A : memref<!tpu.dma_semaphore, #tpu.memory_space<semaphore_mem>>) src(%dma_wait3A_67 : memref<640x128xf32, #tpu.memory_space<hbm>>) dst(%dma_wait3A_65 : memref<640x128xf32, #tpu.memory_space<vmem_shared>>)
      tpu.yield
    }) : () -> ()
    %barrier3A = arith.constant 0 : index
    tpu.barrier barrier_id(%barrier3A)
    %eq3A = arith.constant 0 : i32
    %eq3A_1 = arith.cmpi eq, %arg0, %eq3A : i32
    %jit3A = arith.constant 112 : i32
    %jit3A_2 = arith.constant 48 : i32
    %select_n3A = arith.select %eq3A_1, %jit3A, %jit3A_2 : i32
    %mul3A_3 = arith.constant 112 : i32
    %mul3A_4 = arith.muli %arg1, %mul3A_3 : i32
    %mul3A_5 = arith.constant 48 : i32
    %mul3A_6 = arith.muli %arg1, %mul3A_5 : i32
    %add3A = arith.constant 1792 : i32
    %add3A_7 = arith.addi %add3A, %mul3A_6 : i32
    %select_n3A_8 = arith.select %eq3A_1, %mul3A_4, %add3A_7 : i32
    %jit3A_9 = arith.constant 16 : i32
    %div3A = arith.divsi %select_n3A, %jit3A_9 : i32
    %sign3A = arith.constant 0 : i32
    %sign3A_10 = arith.cmpi sgt, %select_n3A, %sign3A : i32
    %sign3A_11 = arith.extui %sign3A_10 : i1 to i32
    %sign3A_12 = arith.constant 0 : i32
    %sign3A_13 = arith.cmpi slt, %select_n3A, %sign3A_12 : i32
    %sign3A_14 = arith.extui %sign3A_13 : i1 to i32
    %sign3A_15 = arith.subi %sign3A_11, %sign3A_14 : i32
    %sign3A_16 = arith.constant 0 : i32
    %sign3A_17 = arith.cmpi sgt, %jit3A_9, %sign3A_16 : i32
    %sign3A_18 = arith.extui %sign3A_17 : i1 to i32
    %sign3A_19 = arith.constant 0 : i32
    %sign3A_20 = arith.cmpi slt, %jit3A_9, %sign3A_19 : i32
    %sign3A_21 = arith.extui %sign3A_20 : i1 to i32
    %sign3A_22 = arith.subi %sign3A_18, %sign3A_21 : i32
    %ne3A = arith.cmpi ne, %sign3A_15, %sign3A_22 : i32
    %rem3A = arith.remsi %select_n3A, %jit3A_9 : i32
    %ne3A_23 = arith.constant 0 : i32
    %ne3A_24 = arith.cmpi ne, %rem3A, %ne3A_23 : i32
    %and3A = arith.andi %ne3A, %ne3A_24 : i1
    %sub3A = arith.constant 1 : i32
    %sub3A_25 = arith.subi %div3A, %sub3A : i32
    %select_n3A_26 = arith.select %and3A, %sub3A_25, %div3A : i32
    "tpu.region"() ({
      %run_scoped3A = tpu.sem_alloc : memref<!tpu.dma_semaphore, #tpu.memory_space<semaphore_mem>>
      %dma_start3A_60 = arith.constant 0 : i32
      %dma_start3A_61 = tpu.memref_slice %arg3[%select_n3A_8, %dma_start3A_60] : memref<2560x128xi32, #tpu.memory_space<hbm>> -> memref<8x128xi32, #tpu.memory_space<hbm>>
      %dma_start3A_62 = arith.constant 0 : i32
      %dma_start3A_63 = tpu.memref_slice %arg3[%select_n3A_8, %dma_start3A_62] : memref<2560x128xi32, #tpu.memory_space<hbm>> -> memref<8x128xi32, #tpu.memory_space<hbm>>
      tpu.enqueue_dma source(%dma_start3A_63 : memref<8x128xi32, #tpu.memory_space<hbm>>) target(%arg8 : memref<8x128xi32, #tpu.memory_space<vmem>>) target_semaphore(%run_scoped3A : memref<!tpu.dma_semaphore, #tpu.memory_space<semaphore_mem>>)
      %dma_wait3A_64 = arith.constant 0 : i32
      %dma_wait3A_65 = tpu.memref_slice %arg3[%select_n3A_8, %dma_wait3A_64] : memref<2560x128xi32, #tpu.memory_space<hbm>> -> memref<8x128xi32, #tpu.memory_space<hbm>>
      %dma_wait3A_66 = arith.constant 0 : i32
      %dma_wait3A_67 = tpu.memref_slice %arg3[%select_n3A_8, %dma_wait3A_66] : memref<2560x128xi32, #tpu.memory_space<hbm>> -> memref<8x128xi32, #tpu.memory_space<hbm>>
      tpu.wait_dma2 semaphore(%run_scoped3A : memref<!tpu.dma_semaphore, #tpu.memory_space<semaphore_mem>>) src(%dma_wait3A_67 : memref<8x128xi32, #tpu.memory_space<hbm>>) dst(%arg8 : memref<8x128xi32, #tpu.memory_space<vmem>>)
      tpu.yield
    }) : () -> ()
    "tpu.region"() ({
      %run_scoped3A = tpu.sem_alloc : memref<!tpu.dma_semaphore, #tpu.memory_space<semaphore_mem>>
      %dma_start3A_60 = arith.constant 0 : i32
      %dma_start3A_61 = tpu.memref_slice %arg4[%select_n3A_8, %dma_start3A_60] : memref<2560x128xi32, #tpu.memory_space<hbm>> -> memref<8x128xi32, #tpu.memory_space<hbm>>
      %dma_start3A_62 = arith.constant 0 : i32
      %dma_start3A_63 = tpu.memref_slice %arg4[%select_n3A_8, %dma_start3A_62] : memref<2560x128xi32, #tpu.memory_space<hbm>> -> memref<8x128xi32, #tpu.memory_space<hbm>>
      tpu.enqueue_dma source(%dma_start3A_63 : memref<8x128xi32, #tpu.memory_space<hbm>>) target(%arg10 : memref<8x128xi32, #tpu.memory_space<vmem>>) target_semaphore(%run_scoped3A : memref<!tpu.dma_semaphore, #tpu.memory_space<semaphore_mem>>)
      %dma_wait3A_64 = arith.constant 0 : i32
      %dma_wait3A_65 = tpu.memref_slice %arg4[%select_n3A_8, %dma_wait3A_64] : memref<2560x128xi32, #tpu.memory_space<hbm>> -> memref<8x128xi32, #tpu.memory_space<hbm>>
      %dma_wait3A_66 = arith.constant 0 : i32
      %dma_wait3A_67 = tpu.memref_slice %arg4[%select_n3A_8, %dma_wait3A_66] : memref<2560x128xi32, #tpu.memory_space<hbm>> -> memref<8x128xi32, #tpu.memory_space<hbm>>
      tpu.wait_dma2 semaphore(%run_scoped3A : memref<!tpu.dma_semaphore, #tpu.memory_space<semaphore_mem>>) src(%dma_wait3A_67 : memref<8x128xi32, #tpu.memory_space<hbm>>) dst(%arg10 : memref<8x128xi32, #tpu.memory_space<vmem>>)
      tpu.yield
    }) : () -> ()
    %dma_start3A = arith.constant 0 : i32
    %dma_start3A_27 = arith.constant 0 : i32
    %dma_start3A_28 = tpu.memref_slice %arg8[%dma_start3A, %dma_start3A_27] : memref<8x128xi32, #tpu.memory_space<vmem>> -> memref<1x128xi32, #tpu.memory_space<vmem>>
    %dma_start3A_29 = tpu.memref_squeeze %dma_start3A_28 : memref<1x128xi32, #tpu.memory_space<vmem>> -> memref<128xi32, #tpu.memory_space<vmem>>
    %dma_start3A_30 = arith.constant 0 : i32
    %dma_start3A_31 = arith.constant 0 : i32
    %dma_start3A_32 = tpu.memref_slice %arg2[%arg0, %dma_start3A_30, %dma_start3A_31] : memref<2x10240x128xf32, #tpu.memory_space<hbm>> -> memref<1x10240x128xf32, #tpu.memory_space<hbm>>
    %dma_start3A_33 = tpu.memref_squeeze %dma_start3A_32 : memref<1x10240x128xf32, #tpu.memory_space<hbm>> -> memref<10240x128xf32, #tpu.memory_space<hbm>>
    %dma_start3A_34 = arith.constant 0 : i32
    %dma_start3A_35 = arith.constant 0 : i32
    %dma_start3A_36 = tpu.memref_slice %dma_start3A_33[%dma_start3A_34, %dma_start3A_35] : memref<10240x128xf32, #tpu.memory_space<hbm>> -> memref<10240x128xf32, #tpu.memory_space<hbm>>
    tpu.enqueue_indirect_dma source(%dma_start3A_36 : memref<10240x128xf32, #tpu.memory_space<hbm>>) target(%arg12 : memref<128x128xf32, #tpu.memory_space<vmem>>) offsets(%dma_start3A_29 : memref<128xi32, #tpu.memory_space<vmem>>) semaphore(%arg14 : memref<!tpu.dma_semaphore, #tpu.memory_space<semaphore_mem>>)
    %while3A = arith.constant 0 : i32
    %while3A_37 = arith.constant 0 : i32
    %while3A_38 = arith.subi %select_n3A_26, %while3A : i32
    %while3A_39 = arith.addi %while3A, %while3A_38 : i32
    %while3A_40 = arith.constant 1 : i32
    %while3A_41 = arith.divsi %while3A_38, %while3A_40 : i32
    %while3A_42 = arith.muli %while3A_41, %while3A_40 : i32
    %while3A_43 = arith.addi %while3A, %while3A_42 : i32
    %while3A_44 = arith.constant 1 : i32
    %while3A_45 = scf.for %while3A_60 = %while3A to %while3A_43 step %while3A_44 iter_args(%while3A_61 = %while3A_37) -> (i32)  : i32 {
      %mul3A_62 = arith.constant 16 : i32
      %mul3A_63 = arith.muli %while3A_60, %mul3A_62 : i32
      %add3A_64 = arith.addi %select_n3A_8, %mul3A_63 : i32
      %mul3A_65 = arith.constant 16 : i32
      %mul3A_66 = arith.muli %while3A_60, %mul3A_65 : i32
      %dma_wait3A_67 = arith.constant 0 : i32
      %dma_wait3A_68 = arith.constant 0 : i32
      %dma_wait3A_69 = tpu.memref_slice %arg5[%dma_wait3A_67, %dma_wait3A_68] : memref<10240x128xf32, #tpu.memory_space<hbm>> -> memref<128x128xf32, #tpu.memory_space<hbm>>
      %dma_wait3A_70 = arith.constant 0 : i32
      %dma_wait3A_71 = arith.constant 0 : i32
      %dma_wait3A_72 = tpu.memref_slice %arg5[%dma_wait3A_70, %dma_wait3A_71] : memref<10240x128xf32, #tpu.memory_space<hbm>> -> memref<128x128xf32, #tpu.memory_space<hbm>>
      tpu.wait_dma2 semaphore(%arg14 : memref<!tpu.dma_semaphore, #tpu.memory_space<semaphore_mem>>) src(%dma_wait3A_72 : memref<128x128xf32, #tpu.memory_space<hbm>>) dst(%arg12 : memref<128x128xf32, #tpu.memory_space<vmem>>)
      %dma_start3A_73 = arith.constant 0 : i32
      %dma_start3A_74 = arith.constant 0 : i32
      %dma_start3A_75 = tpu.memref_slice %arg10[%dma_start3A_73, %dma_start3A_74] : memref<8x128xi32, #tpu.memory_space<vmem>> -> memref<1x128xi32, #tpu.memory_space<vmem>>
      %dma_start3A_76 = tpu.memref_squeeze %dma_start3A_75 : memref<1x128xi32, #tpu.memory_space<vmem>> -> memref<128xi32, #tpu.memory_space<vmem>>
      %dma_start3A_77 = arith.constant 0 : i32
      %dma_start3A_78 = arith.constant 0 : i32
      %dma_start3A_79 = tpu.memref_slice %arg7[%dma_start3A_77, %dma_start3A_78] : memref<10240x128xf32, #tpu.memory_space<vmem_shared>> -> memref<10240x128xf32, #tpu.memory_space<vmem_shared>>
      tpu.enqueue_indirect_dma source(%arg12 : memref<128x128xf32, #tpu.memory_space<vmem>>) target(%dma_start3A_79 : memref<10240x128xf32, #tpu.memory_space<vmem_shared>>) offsets(%dma_start3A_76 : memref<128xi32, #tpu.memory_space<vmem>>) semaphore(%arg15 : memref<!tpu.dma_semaphore, #tpu.memory_space<semaphore_mem>>) {add = true}
      %add3A_80 = arith.constant 1 : i32
      %add3A_81 = arith.addi %mul3A_66, %add3A_80 : i32
      %lt3A = arith.cmpi slt, %add3A_81, %select_n3A : i32
      %convert_element_type3A = arith.extui %lt3A : i1 to i32
      %cond3A = arith.constant 0 : i32
      %cond3A_82 = arith.cmpi ne, %convert_element_type3A, %cond3A : i32
      scf.if %cond3A_82 {
        %ge3A = arith.constant 2 : i32
        %ge3A_408 = arith.cmpi sge, %add3A_81, %ge3A : i32
        %convert_element_type3A_409 = arith.extui %ge3A_408 : i1 to i32
        %cond3A_410 = arith.constant 0 : i32
        %cond3A_411 = arith.cmpi ne, %convert_element_type3A_409, %cond3A_410 : i32
        scf.if %cond3A_411 {
          %dma_wait3A_423 = arith.constant 0 : i32
          %dma_wait3A_424 = arith.constant 0 : i32
          %dma_wait3A_425 = tpu.memref_slice %arg5[%dma_wait3A_423, %dma_wait3A_424] : memref<10240x128xf32, #tpu.memory_space<hbm>> -> memref<128x128xf32, #tpu.memory_space<hbm>>
          %dma_wait3A_426 = arith.constant 0 : i32
          %dma_wait3A_427 = arith.constant 0 : i32
          %dma_wait3A_428 = tpu.memref_slice %arg5[%dma_wait3A_426, %dma_wait3A_427] : memref<10240x128xf32, #tpu.memory_space<hbm>> -> memref<128x128xf32, #tpu.memory_space<hbm>>
          tpu.wait_dma2 semaphore(%arg15 : memref<!tpu.dma_semaphore, #tpu.memory_space<semaphore_mem>>) src(%dma_wait3A_428 : memref<128x128xf32, #tpu.memory_space<hbm>>) dst(%arg13 : memref<128x128xf32, #tpu.memory_space<vmem>>)
        } else {
        }
        %dma_start3A_412 = arith.constant 1 : i32
        %dma_start3A_413 = arith.constant 0 : i32
        %dma_start3A_414 = tpu.memref_slice %arg8[%dma_start3A_412, %dma_start3A_413] : memref<8x128xi32, #tpu.memory_space<vmem>> -> memref<1x128xi32, #tpu.memory_space<vmem>>
        %dma_start3A_415 = tpu.memref_squeeze %dma_start3A_414 : memref<1x128xi32, #tpu.memory_space<vmem>> -> memref<128xi32, #tpu.memory_space<vmem>>
        %dma_start3A_416 = arith.constant 0 : i32
        %dma_start3A_417 = arith.constant 0 : i32
        %dma_start3A_418 = tpu.memref_slice %arg2[%arg0, %dma_start3A_416, %dma_start3A_417] : memref<2x10240x128xf32, #tpu.memory_space<hbm>> -> memref<1x10240x128xf32, #tpu.memory_space<hbm>>
        %dma_start3A_419 = tpu.memref_squeeze %dma_start3A_418 : memref<1x10240x128xf32, #tpu.memory_space<hbm>> -> memref<10240x128xf32, #tpu.memory_space<hbm>>
        %dma_start3A_420 = arith.constant 0 : i32
        %dma_start3A_421 = arith.constant 0 : i32
        %dma_start3A_422 = tpu.memref_slice %dma_start3A_419[%dma_start3A_420, %dma_start3A_421] : memref<10240x128xf32, #tpu.memory_space<hbm>> -> memref<10240x128xf32, #tpu.memory_space<hbm>>
        tpu.enqueue_indirect_dma source(%dma_start3A_422 : memref<10240x128xf32, #tpu.memory_space<hbm>>) target(%arg13 : memref<128x128xf32, #tpu.memory_space<vmem>>) offsets(%dma_start3A_415 : memref<128xi32, #tpu.memory_space<vmem>>) semaphore(%arg14 : memref<!tpu.dma_semaphore, #tpu.memory_space<semaphore_mem>>)
      } else {
      }
      %dma_wait3A_83 = arith.constant 0 : i32
      %dma_wait3A_84 = arith.constant 0 : i32
      %dma_wait3A_85 = tpu.memref_slice %arg5[%dma_wait3A_83, %dma_wait3A_84] : memref<10240x128xf32, #tpu.memory_space<hbm>> -> memref<128x128xf32, #tpu.memory_space<hbm>>
      %dma_wait3A_86 = arith.constant 0 : i32
      %dma_wait3A_87 = arith.constant 0 : i32
      %dma_wait3A_88 = tpu.memref_slice %arg5[%dma_wait3A_86, %dma_wait3A_87] : memref<10240x128xf32, #tpu.memory_space<hbm>> -> memref<128x128xf32, #tpu.memory_space<hbm>>
      tpu.wait_dma2 semaphore(%arg14 : memref<!tpu.dma_semaphore, #tpu.memory_space<semaphore_mem>>) src(%dma_wait3A_88 : memref<128x128xf32, #tpu.memory_space<hbm>>) dst(%arg13 : memref<128x128xf32, #tpu.memory_space<vmem>>)
      %dma_start3A_89 = arith.constant 1 : i32
      %dma_start3A_90 = arith.constant 0 : i32
      %dma_start3A_91 = tpu.memref_slice %arg10[%dma_start3A_89, %dma_start3A_90] : memref<8x128xi32, #tpu.memory_space<vmem>> -> memref<1x128xi32, #tpu.memory_space<vmem>>
      %dma_start3A_92 = tpu.memref_squeeze %dma_start3A_91 : memref<1x128xi32, #tpu.memory_space<vmem>> -> memref<128xi32, #tpu.memory_space<vmem>>
      %dma_start3A_93 = arith.constant 0 : i32
      %dma_start3A_94 = arith.constant 0 : i32
      %dma_start3A_95 = tpu.memref_slice %arg7[%dma_start3A_93, %dma_start3A_94] : memref<10240x128xf32, #tpu.memory_space<vmem_shared>> -> memref<10240x128xf32, #tpu.memory_space<vmem_shared>>
      tpu.enqueue_indirect_dma source(%arg13 : memref<128x128xf32, #tpu.memory_space<vmem>>) target(%dma_start3A_95 : memref<10240x128xf32, #tpu.memory_space<vmem_shared>>) offsets(%dma_start3A_92 : memref<128xi32, #tpu.memory_space<vmem>>) semaphore(%arg15 : memref<!tpu.dma_semaphore, #tpu.memory_space<semaphore_mem>>) {add = true}
      %add3A_96 = arith.constant 2 : i32
      %add3A_97 = arith.addi %mul3A_66, %add3A_96 : i32
      %lt3A_98 = arith.cmpi slt, %add3A_97, %select_n3A : i32
      %convert_element_type3A_99 = arith.extui %lt3A_98 : i1 to i32
      %cond3A_100 = arith.constant 0 : i32
      %cond3A_101 = arith.cmpi ne, %convert_element_type3A_99, %cond3A_100 : i32
      scf.if %cond3A_101 {
        %ge3A = arith.constant 2 : i32
        %ge3A_408 = arith.cmpi sge, %add3A_97, %ge3A : i32
        %convert_element_type3A_409 = arith.extui %ge3A_408 : i1 to i32
        %cond3A_410 = arith.constant 0 : i32
        %cond3A_411 = arith.cmpi ne, %convert_element_type3A_409, %cond3A_410 : i32
        scf.if %cond3A_411 {
          %dma_wait3A_423 = arith.constant 0 : i32
          %dma_wait3A_424 = arith.constant 0 : i32
          %dma_wait3A_425 = tpu.memref_slice %arg5[%dma_wait3A_423, %dma_wait3A_424] : memref<10240x128xf32, #tpu.memory_space<hbm>> -> memref<128x128xf32, #tpu.memory_space<hbm>>
          %dma_wait3A_426 = arith.constant 0 : i32
          %dma_wait3A_427 = arith.constant 0 : i32
          %dma_wait3A_428 = tpu.memref_slice %arg5[%dma_wait3A_426, %dma_wait3A_427] : memref<10240x128xf32, #tpu.memory_space<hbm>> -> memref<128x128xf32, #tpu.memory_space<hbm>>
          tpu.wait_dma2 semaphore(%arg15 : memref<!tpu.dma_semaphore, #tpu.memory_space<semaphore_mem>>) src(%dma_wait3A_428 : memref<128x128xf32, #tpu.memory_space<hbm>>) dst(%arg12 : memref<128x128xf32, #tpu.memory_space<vmem>>)
        } else {
        }
        %dma_start3A_412 = arith.constant 2 : i32
        %dma_start3A_413 = arith.constant 0 : i32
        %dma_start3A_414 = tpu.memref_slice %arg8[%dma_start3A_412, %dma_start3A_413] : memref<8x128xi32, #tpu.memory_space<vmem>> -> memref<1x128xi32, #tpu.memory_space<vmem>>
        %dma_start3A_415 = tpu.memref_squeeze %dma_start3A_414 : memref<1x128xi32, #tpu.memory_space<vmem>> -> memref<128xi32, #tpu.memory_space<vmem>>
        %dma_start3A_416 = arith.constant 0 : i32
        %dma_start3A_417 = arith.constant 0 : i32
        %dma_start3A_418 = tpu.memref_slice %arg2[%arg0, %dma_start3A_416, %dma_start3A_417] : memref<2x10240x128xf32, #tpu.memory_space<hbm>> -> memref<1x10240x128xf32, #tpu.memory_space<hbm>>
        %dma_start3A_419 = tpu.memref_squeeze %dma_start3A_418 : memref<1x10240x128xf32, #tpu.memory_space<hbm>> -> memref<10240x128xf32, #tpu.memory_space<hbm>>
        %dma_start3A_420 = arith.constant 0 : i32
        %dma_start3A_421 = arith.constant 0 : i32
        %dma_start3A_422 = tpu.memref_slice %dma_start3A_419[%dma_start3A_420, %dma_start3A_421] : memref<10240x128xf32, #tpu.memory_space<hbm>> -> memref<10240x128xf32, #tpu.memory_space<hbm>>
        tpu.enqueue_indirect_dma source(%dma_start3A_422 : memref<10240x128xf32, #tpu.memory_space<hbm>>) target(%arg12 : memref<128x128xf32, #tpu.memory_space<vmem>>) offsets(%dma_start3A_415 : memref<128xi32, #tpu.memory_space<vmem>>) semaphore(%arg14 : memref<!tpu.dma_semaphore, #tpu.memory_space<semaphore_mem>>)
      } else {
      }
      %add3A_102 = arith.constant 8 : i32
      %add3A_103 = arith.addi %add3A_64, %add3A_102 : i32
      %dma_start3A_104 = arith.constant 0 : i32
      %dma_start3A_105 = tpu.memref_slice %arg3[%add3A_103, %dma_start3A_104] : memref<2560x128xi32, #tpu.memory_space<hbm>> -> memref<8x128xi32, #tpu.memory_space<hbm>>
      %dma_start3A_106 = arith.constant 0 : i32
      %dma_start3A_107 = tpu.memref_slice %arg3[%add3A_103, %dma_start3A_106] : memref<2560x128xi32, #tpu.memory_space<hbm>> -> memref<8x128xi32, #tpu.memory_space<hbm>>
      tpu.enqueue_dma source(%dma_start3A_107 : memref<8x128xi32, #tpu.memory_space<hbm>>) target(%arg9 : memref<8x128xi32, #tpu.memory_space<vmem>>) target_semaphore(%arg16 : memref<!tpu.dma_semaphore, #tpu.memory_space<semaphore_mem>>)
      %add3A_108 = arith.constant 8 : i32
      %add3A_109 = arith.addi %add3A_64, %add3A_108 : i32
      %dma_start3A_110 = arith.constant 0 : i32
      %dma_start3A_111 = tpu.memref_slice %arg4[%add3A_109, %dma_start3A_110] : memref<2560x128xi32, #tpu.memory_space<hbm>> -> memref<8x128xi32, #tpu.memory_space<hbm>>
      %dma_start3A_112 = arith.constant 0 : i32
      %dma_start3A_113 = tpu.memref_slice %arg4[%add3A_109, %dma_start3A_112] : memref<2560x128xi32, #tpu.memory_space<hbm>> -> memref<8x128xi32, #tpu.memory_space<hbm>>
      tpu.enqueue_dma source(%dma_start3A_113 : memref<8x128xi32, #tpu.memory_space<hbm>>) target(%arg11 : memref<8x128xi32, #tpu.memory_space<vmem>>) target_semaphore(%arg16 : memref<!tpu.dma_semaphore, #tpu.memory_space<semaphore_mem>>)
      %dma_wait3A_114 = arith.constant 0 : i32
      %dma_wait3A_115 = arith.constant 0 : i32
      %dma_wait3A_116 = tpu.memref_slice %arg5[%dma_wait3A_114, %dma_wait3A_115] : memref<10240x128xf32, #tpu.memory_space<hbm>> -> memref<128x128xf32, #tpu.memory_space<hbm>>
      %dma_wait3A_117 = arith.constant 0 : i32
      %dma_wait3A_118 = arith.constant 0 : i32
      %dma_wait3A_119 = tpu.memref_slice %arg5[%dma_wait3A_117, %dma_wait3A_118] : memref<10240x128xf32, #tpu.memory_space<hbm>> -> memref<128x128xf32, #tpu.memory_space<hbm>>
      tpu.wait_dma2 semaphore(%arg14 : memref<!tpu.dma_semaphore, #tpu.memory_space<semaphore_mem>>) src(%dma_wait3A_119 : memref<128x128xf32, #tpu.memory_space<hbm>>) dst(%arg12 : memref<128x128xf32, #tpu.memory_space<vmem>>)
      %dma_start3A_120 = arith.constant 2 : i32
      %dma_start3A_121 = arith.constant 0 : i32
      %dma_start3A_122 = tpu.memref_slice %arg10[%dma_start3A_120, %dma_start3A_121] : memref<8x128xi32, #tpu.memory_space<vmem>> -> memref<1x128xi32, #tpu.memory_space<vmem>>
      %dma_start3A_123 = tpu.memref_squeeze %dma_start3A_122 : memref<1x128xi32, #tpu.memory_space<vmem>> -> memref<128xi32, #tpu.memory_space<vmem>>
      %dma_start3A_124 = arith.constant 0 : i32
      %dma_start3A_125 = arith.constant 0 : i32
      %dma_start3A_126 = tpu.memref_slice %arg7[%dma_start3A_124, %dma_start3A_125] : memref<10240x128xf32, #tpu.memory_space<vmem_shared>> -> memref<10240x128xf32, #tpu.memory_space<vmem_shared>>
      tpu.enqueue_indirect_dma source(%arg12 : memref<128x128xf32, #tpu.memory_space<vmem>>) target(%dma_start3A_126 : memref<10240x128xf32, #tpu.memory_space<vmem_shared>>) offsets(%dma_start3A_123 : memref<128xi32, #tpu.memory_space<vmem>>) semaphore(%arg15 : memref<!tpu.dma_semaphore, #tpu.memory_space<semaphore_mem>>) {add = true}
      %add3A_127 = arith.constant 3 : i32
      %add3A_128 = arith.addi %mul3A_66, %add3A_127 : i32
      %lt3A_129 = arith.cmpi slt, %add3A_128, %select_n3A : i32
      %convert_element_type3A_130 = arith.extui %lt3A_129 : i1 to i32
      %cond3A_131 = arith.constant 0 : i32
      %cond3A_132 = arith.cmpi ne, %convert_element_type3A_130, %cond3A_131 : i32
      scf.if %cond3A_132 {
        %ge3A = arith.constant 2 : i32
        %ge3A_408 = arith.cmpi sge, %add3A_128, %ge3A : i32
        %convert_element_type3A_409 = arith.extui %ge3A_408 : i1 to i32
        %cond3A_410 = arith.constant 0 : i32
        %cond3A_411 = arith.cmpi ne, %convert_element_type3A_409, %cond3A_410 : i32
        scf.if %cond3A_411 {
          %dma_wait3A_423 = arith.constant 0 : i32
          %dma_wait3A_424 = arith.constant 0 : i32
          %dma_wait3A_425 = tpu.memref_slice %arg5[%dma_wait3A_423, %dma_wait3A_424] : memref<10240x128xf32, #tpu.memory_space<hbm>> -> memref<128x128xf32, #tpu.memory_space<hbm>>
          %dma_wait3A_426 = arith.constant 0 : i32
          %dma_wait3A_427 = arith.constant 0 : i32
          %dma_wait3A_428 = tpu.memref_slice %arg5[%dma_wait3A_426, %dma_wait3A_427] : memref<10240x128xf32, #tpu.memory_space<hbm>> -> memref<128x128xf32, #tpu.memory_space<hbm>>
          tpu.wait_dma2 semaphore(%arg15 : memref<!tpu.dma_semaphore, #tpu.memory_space<semaphore_mem>>) src(%dma_wait3A_428 : memref<128x128xf32, #tpu.memory_space<hbm>>) dst(%arg13 : memref<128x128xf32, #tpu.memory_space<vmem>>)
        } else {
        }
        %dma_start3A_412 = arith.constant 3 : i32
        %dma_start3A_413 = arith.constant 0 : i32
        %dma_start3A_414 = tpu.memref_slice %arg8[%dma_start3A_412, %dma_start3A_413] : memref<8x128xi32, #tpu.memory_space<vmem>> -> memref<1x128xi32, #tpu.memory_space<vmem>>
        %dma_start3A_415 = tpu.memref_squeeze %dma_start3A_414 : memref<1x128xi32, #tpu.memory_space<vmem>> -> memref<128xi32, #tpu.memory_space<vmem>>
        %dma_start3A_416 = arith.constant 0 : i32
        %dma_start3A_417 = arith.constant 0 : i32
        %dma_start3A_418 = tpu.memref_slice %arg2[%arg0, %dma_start3A_416, %dma_start3A_417] : memref<2x10240x128xf32, #tpu.memory_space<hbm>> -> memref<1x10240x128xf32, #tpu.memory_space<hbm>>
        %dma_start3A_419 = tpu.memref_squeeze %dma_start3A_418 : memref<1x10240x128xf32, #tpu.memory_space<hbm>> -> memref<10240x128xf32, #tpu.memory_space<hbm>>
        %dma_start3A_420 = arith.constant 0 : i32
        %dma_start3A_421 = arith.constant 0 : i32
        %dma_start3A_422 = tpu.memref_slice %dma_start3A_419[%dma_start3A_420, %dma_start3A_421] : memref<10240x128xf32, #tpu.memory_space<hbm>> -> memref<10240x128xf32, #tpu.memory_space<hbm>>
        tpu.enqueue_indirect_dma source(%dma_start3A_422 : memref<10240x128xf32, #tpu.memory_space<hbm>>) target(%arg13 : memref<128x128xf32, #tpu.memory_space<vmem>>) offsets(%dma_start3A_415 : memref<128xi32, #tpu.memory_space<vmem>>) semaphore(%arg14 : memref<!tpu.dma_semaphore, #tpu.memory_space<semaphore_mem>>)
      } else {
      }
      %dma_wait3A_133 = arith.constant 0 : i32
      %dma_wait3A_134 = arith.constant 0 : i32
      %dma_wait3A_135 = tpu.memref_slice %arg5[%dma_wait3A_133, %dma_wait3A_134] : memref<10240x128xf32, #tpu.memory_space<hbm>> -> memref<128x128xf32, #tpu.memory_space<hbm>>
      %dma_wait3A_136 = arith.constant 0 : i32
      %dma_wait3A_137 = arith.constant 0 : i32
      %dma_wait3A_138 = tpu.memref_slice %arg5[%dma_wait3A_136, %dma_wait3A_137] : memref<10240x128xf32, #tpu.memory_space<hbm>> -> memref<128x128xf32, #tpu.memory_space<hbm>>
      tpu.wait_dma2 semaphore(%arg14 : memref<!tpu.dma_semaphore, #tpu.memory_space<semaphore_mem>>) src(%dma_wait3A_138 : memref<128x128xf32, #tpu.memory_space<hbm>>) dst(%arg13 : memref<128x128xf32, #tpu.memory_space<vmem>>)
      %dma_start3A_139 = arith.constant 3 : i32
      %dma_start3A_140 = arith.constant 0 : i32
      %dma_start3A_141 = tpu.memref_slice %arg10[%dma_start3A_139, %dma_start3A_140] : memref<8x128xi32, #tpu.memory_space<vmem>> -> memref<1x128xi32, #tpu.memory_space<vmem>>
      %dma_start3A_142 = tpu.memref_squeeze %dma_start3A_141 : memref<1x128xi32, #tpu.memory_space<vmem>> -> memref<128xi32, #tpu.memory_space<vmem>>
      %dma_start3A_143 = arith.constant 0 : i32
      %dma_start3A_144 = arith.constant 0 : i32
      %dma_start3A_145 = tpu.memref_slice %arg7[%dma_start3A_143, %dma_start3A_144] : memref<10240x128xf32, #tpu.memory_space<vmem_shared>> -> memref<10240x128xf32, #tpu.memory_space<vmem_shared>>
      tpu.enqueue_indirect_dma source(%arg13 : memref<128x128xf32, #tpu.memory_space<vmem>>) target(%dma_start3A_145 : memref<10240x128xf32, #tpu.memory_space<vmem_shared>>) offsets(%dma_start3A_142 : memref<128xi32, #tpu.memory_space<vmem>>) semaphore(%arg15 : memref<!tpu.dma_semaphore, #tpu.memory_space<semaphore_mem>>) {add = true}
      %add3A_146 = arith.constant 4 : i32
      %add3A_147 = arith.addi %mul3A_66, %add3A_146 : i32
      %lt3A_148 = arith.cmpi slt, %add3A_147, %select_n3A : i32
      %convert_element_type3A_149 = arith.extui %lt3A_148 : i1 to i32
      %cond3A_150 = arith.constant 0 : i32
      %cond3A_151 = arith.cmpi ne, %convert_element_type3A_149, %cond3A_150 : i32
      scf.if %cond3A_151 {
        %ge3A = arith.constant 2 : i32
        %ge3A_408 = arith.cmpi sge, %add3A_147, %ge3A : i32
        %convert_element_type3A_409 = arith.extui %ge3A_408 : i1 to i32
        %cond3A_410 = arith.constant 0 : i32
        %cond3A_411 = arith.cmpi ne, %convert_element_type3A_409, %cond3A_410 : i32
        scf.if %cond3A_411 {
          %dma_wait3A_423 = arith.constant 0 : i32
          %dma_wait3A_424 = arith.constant 0 : i32
          %dma_wait3A_425 = tpu.memref_slice %arg5[%dma_wait3A_423, %dma_wait3A_424] : memref<10240x128xf32, #tpu.memory_space<hbm>> -> memref<128x128xf32, #tpu.memory_space<hbm>>
          %dma_wait3A_426 = arith.constant 0 : i32
          %dma_wait3A_427 = arith.constant 0 : i32
          %dma_wait3A_428 = tpu.memref_slice %arg5[%dma_wait3A_426, %dma_wait3A_427] : memref<10240x128xf32, #tpu.memory_space<hbm>> -> memref<128x128xf32, #tpu.memory_space<hbm>>
          tpu.wait_dma2 semaphore(%arg15 : memref<!tpu.dma_semaphore, #tpu.memory_space<semaphore_mem>>) src(%dma_wait3A_428 : memref<128x128xf32, #tpu.memory_space<hbm>>) dst(%arg12 : memref<128x128xf32, #tpu.memory_space<vmem>>)
        } else {
        }
        %dma_start3A_412 = arith.constant 4 : i32
        %dma_start3A_413 = arith.constant 0 : i32
        %dma_start3A_414 = tpu.memref_slice %arg8[%dma_start3A_412, %dma_start3A_413] : memref<8x128xi32, #tpu.memory_space<vmem>> -> memref<1x128xi32, #tpu.memory_space<vmem>>
        %dma_start3A_415 = tpu.memref_squeeze %dma_start3A_414 : memref<1x128xi32, #tpu.memory_space<vmem>> -> memref<128xi32, #tpu.memory_space<vmem>>
        %dma_start3A_416 = arith.constant 0 : i32
        %dma_start3A_417 = arith.constant 0 : i32
        %dma_start3A_418 = tpu.memref_slice %arg2[%arg0, %dma_start3A_416, %dma_start3A_417] : memref<2x10240x128xf32, #tpu.memory_space<hbm>> -> memref<1x10240x128xf32, #tpu.memory_space<hbm>>
        %dma_start3A_419 = tpu.memref_squeeze %dma_start3A_418 : memref<1x10240x128xf32, #tpu.memory_space<hbm>> -> memref<10240x128xf32, #tpu.memory_space<hbm>>
        %dma_start3A_420 = arith.constant 0 : i32
        %dma_start3A_421 = arith.constant 0 : i32
        %dma_start3A_422 = tpu.memref_slice %dma_start3A_419[%dma_start3A_420, %dma_start3A_421] : memref<10240x128xf32, #tpu.memory_space<hbm>> -> memref<10240x128xf32, #tpu.memory_space<hbm>>
        tpu.enqueue_indirect_dma source(%dma_start3A_422 : memref<10240x128xf32, #tpu.memory_space<hbm>>) target(%arg12 : memref<128x128xf32, #tpu.memory_space<vmem>>) offsets(%dma_start3A_415 : memref<128xi32, #tpu.memory_space<vmem>>) semaphore(%arg14 : memref<!tpu.dma_semaphore, #tpu.memory_space<semaphore_mem>>)
      } else {
      }
      %dma_wait3A_152 = arith.constant 0 : i32
      %dma_wait3A_153 = arith.constant 0 : i32
      %dma_wait3A_154 = tpu.memref_slice %arg5[%dma_wait3A_152, %dma_wait3A_153] : memref<10240x128xf32, #tpu.memory_space<hbm>> -> memref<128x128xf32, #tpu.memory_space<hbm>>
      %dma_wait3A_155 = arith.constant 0 : i32
      %dma_wait3A_156 = arith.constant 0 : i32
      %dma_wait3A_157 = tpu.memref_slice %arg5[%dma_wait3A_155, %dma_wait3A_156] : memref<10240x128xf32, #tpu.memory_space<hbm>> -> memref<128x128xf32, #tpu.memory_space<hbm>>
      tpu.wait_dma2 semaphore(%arg14 : memref<!tpu.dma_semaphore, #tpu.memory_space<semaphore_mem>>) src(%dma_wait3A_157 : memref<128x128xf32, #tpu.memory_space<hbm>>) dst(%arg12 : memref<128x128xf32, #tpu.memory_space<vmem>>)
      %dma_start3A_158 = arith.constant 4 : i32
      %dma_start3A_159 = arith.constant 0 : i32
      %dma_start3A_160 = tpu.memref_slice %arg10[%dma_start3A_158, %dma_start3A_159] : memref<8x128xi32, #tpu.memory_space<vmem>> -> memref<1x128xi32, #tpu.memory_space<vmem>>
      %dma_start3A_161 = tpu.memref_squeeze %dma_start3A_160 : memref<1x128xi32, #tpu.memory_space<vmem>> -> memref<128xi32, #tpu.memory_space<vmem>>
      %dma_start3A_162 = arith.constant 0 : i32
      %dma_start3A_163 = arith.constant 0 : i32
      %dma_start3A_164 = tpu.memref_slice %arg7[%dma_start3A_162, %dma_start3A_163] : memref<10240x128xf32, #tpu.memory_space<vmem_shared>> -> memref<10240x128xf32, #tpu.memory_space<vmem_shared>>
      tpu.enqueue_indirect_dma source(%arg12 : memref<128x128xf32, #tpu.memory_space<vmem>>) target(%dma_start3A_164 : memref<10240x128xf32, #tpu.memory_space<vmem_shared>>) offsets(%dma_start3A_161 : memref<128xi32, #tpu.memory_space<vmem>>) semaphore(%arg15 : memref<!tpu.dma_semaphore, #tpu.memory_space<semaphore_mem>>) {add = true}
      %add3A_165 = arith.constant 5 : i32
      %add3A_166 = arith.addi %mul3A_66, %add3A_165 : i32
      %lt3A_167 = arith.cmpi slt, %add3A_166, %select_n3A : i32
      %convert_element_type3A_168 = arith.extui %lt3A_167 : i1 to i32
      %cond3A_169 = arith.constant 0 : i32
      %cond3A_170 = arith.cmpi ne, %convert_element_type3A_168, %cond3A_169 : i32
      scf.if %cond3A_170 {
        %ge3A = arith.constant 2 : i32
        %ge3A_408 = arith.cmpi sge, %add3A_166, %ge3A : i32
        %convert_element_type3A_409 = arith.extui %ge3A_408 : i1 to i32
        %cond3A_410 = arith.constant 0 : i32
        %cond3A_411 = arith.cmpi ne, %convert_element_type3A_409, %cond3A_410 : i32
        scf.if %cond3A_411 {
          %dma_wait3A_423 = arith.constant 0 : i32
          %dma_wait3A_424 = arith.constant 0 : i32
          %dma_wait3A_425 = tpu.memref_slice %arg5[%dma_wait3A_423, %dma_wait3A_424] : memref<10240x128xf32, #tpu.memory_space<hbm>> -> memref<128x128xf32, #tpu.memory_space<hbm>>
          %dma_wait3A_426 = arith.constant 0 : i32
          %dma_wait3A_427 = arith.constant 0 : i32
          %dma_wait3A_428 = tpu.memref_slice %arg5[%dma_wait3A_426, %dma_wait3A_427] : memref<10240x128xf32, #tpu.memory_space<hbm>> -> memref<128x128xf32, #tpu.memory_space<hbm>>
          tpu.wait_dma2 semaphore(%arg15 : memref<!tpu.dma_semaphore, #tpu.memory_space<semaphore_mem>>) src(%dma_wait3A_428 : memref<128x128xf32, #tpu.memory_space<hbm>>) dst(%arg13 : memref<128x128xf32, #tpu.memory_space<vmem>>)
        } else {
        }
        %dma_start3A_412 = arith.constant 5 : i32
        %dma_start3A_413 = arith.constant 0 : i32
        %dma_start3A_414 = tpu.memref_slice %arg8[%dma_start3A_412, %dma_start3A_413] : memref<8x128xi32, #tpu.memory_space<vmem>> -> memref<1x128xi32, #tpu.memory_space<vmem>>
        %dma_start3A_415 = tpu.memref_squeeze %dma_start3A_414 : memref<1x128xi32, #tpu.memory_space<vmem>> -> memref<128xi32, #tpu.memory_space<vmem>>
        %dma_start3A_416 = arith.constant 0 : i32
        %dma_start3A_417 = arith.constant 0 : i32
        %dma_start3A_418 = tpu.memref_slice %arg2[%arg0, %dma_start3A_416, %dma_start3A_417] : memref<2x10240x128xf32, #tpu.memory_space<hbm>> -> memref<1x10240x128xf32, #tpu.memory_space<hbm>>
        %dma_start3A_419 = tpu.memref_squeeze %dma_start3A_418 : memref<1x10240x128xf32, #tpu.memory_space<hbm>> -> memref<10240x128xf32, #tpu.memory_space<hbm>>
        %dma_start3A_420 = arith.constant 0 : i32
        %dma_start3A_421 = arith.constant 0 : i32
        %dma_start3A_422 = tpu.memref_slice %dma_start3A_419[%dma_start3A_420, %dma_start3A_421] : memref<10240x128xf32, #tpu.memory_space<hbm>> -> memref<10240x128xf32, #tpu.memory_space<hbm>>
        tpu.enqueue_indirect_dma source(%dma_start3A_422 : memref<10240x128xf32, #tpu.memory_space<hbm>>) target(%arg13 : memref<128x128xf32, #tpu.memory_space<vmem>>) offsets(%dma_start3A_415 : memref<128xi32, #tpu.memory_space<vmem>>) semaphore(%arg14 : memref<!tpu.dma_semaphore, #tpu.memory_space<semaphore_mem>>)
      } else {
      }
      %dma_wait3A_171 = arith.constant 0 : i32
      %dma_wait3A_172 = arith.constant 0 : i32
      %dma_wait3A_173 = tpu.memref_slice %arg5[%dma_wait3A_171, %dma_wait3A_172] : memref<10240x128xf32, #tpu.memory_space<hbm>> -> memref<128x128xf32, #tpu.memory_space<hbm>>
      %dma_wait3A_174 = arith.constant 0 : i32
      %dma_wait3A_175 = arith.constant 0 : i32
      %dma_wait3A_176 = tpu.memref_slice %arg5[%dma_wait3A_174, %dma_wait3A_175] : memref<10240x128xf32, #tpu.memory_space<hbm>> -> memref<128x128xf32, #tpu.memory_space<hbm>>
      tpu.wait_dma2 semaphore(%arg14 : memref<!tpu.dma_semaphore, #tpu.memory_space<semaphore_mem>>) src(%dma_wait3A_176 : memref<128x128xf32, #tpu.memory_space<hbm>>) dst(%arg13 : memref<128x128xf32, #tpu.memory_space<vmem>>)
      %dma_start3A_177 = arith.constant 5 : i32
      %dma_start3A_178 = arith.constant 0 : i32
      %dma_start3A_179 = tpu.memref_slice %arg10[%dma_start3A_177, %dma_start3A_178] : memref<8x128xi32, #tpu.memory_space<vmem>> -> memref<1x128xi32, #tpu.memory_space<vmem>>
      %dma_start3A_180 = tpu.memref_squeeze %dma_start3A_179 : memref<1x128xi32, #tpu.memory_space<vmem>> -> memref<128xi32, #tpu.memory_space<vmem>>
      %dma_start3A_181 = arith.constant 0 : i32
      %dma_start3A_182 = arith.constant 0 : i32
      %dma_start3A_183 = tpu.memref_slice %arg7[%dma_start3A_181, %dma_start3A_182] : memref<10240x128xf32, #tpu.memory_space<vmem_shared>> -> memref<10240x128xf32, #tpu.memory_space<vmem_shared>>
      tpu.enqueue_indirect_dma source(%arg13 : memref<128x128xf32, #tpu.memory_space<vmem>>) target(%dma_start3A_183 : memref<10240x128xf32, #tpu.memory_space<vmem_shared>>) offsets(%dma_start3A_180 : memref<128xi32, #tpu.memory_space<vmem>>) semaphore(%arg15 : memref<!tpu.dma_semaphore, #tpu.memory_space<semaphore_mem>>) {add = true}
      %add3A_184 = arith.constant 6 : i32
      %add3A_185 = arith.addi %mul3A_66, %add3A_184 : i32
      %lt3A_186 = arith.cmpi slt, %add3A_185, %select_n3A : i32
      %convert_element_type3A_187 = arith.extui %lt3A_186 : i1 to i32
      %cond3A_188 = arith.constant 0 : i32
      %cond3A_189 = arith.cmpi ne, %convert_element_type3A_187, %cond3A_188 : i32
      scf.if %cond3A_189 {
        %ge3A = arith.constant 2 : i32
        %ge3A_408 = arith.cmpi sge, %add3A_185, %ge3A : i32
        %convert_element_type3A_409 = arith.extui %ge3A_408 : i1 to i32
        %cond3A_410 = arith.constant 0 : i32
        %cond3A_411 = arith.cmpi ne, %convert_element_type3A_409, %cond3A_410 : i32
        scf.if %cond3A_411 {
          %dma_wait3A_423 = arith.constant 0 : i32
          %dma_wait3A_424 = arith.constant 0 : i32
          %dma_wait3A_425 = tpu.memref_slice %arg5[%dma_wait3A_423, %dma_wait3A_424] : memref<10240x128xf32, #tpu.memory_space<hbm>> -> memref<128x128xf32, #tpu.memory_space<hbm>>
          %dma_wait3A_426 = arith.constant 0 : i32
          %dma_wait3A_427 = arith.constant 0 : i32
          %dma_wait3A_428 = tpu.memref_slice %arg5[%dma_wait3A_426, %dma_wait3A_427] : memref<10240x128xf32, #tpu.memory_space<hbm>> -> memref<128x128xf32, #tpu.memory_space<hbm>>
          tpu.wait_dma2 semaphore(%arg15 : memref<!tpu.dma_semaphore, #tpu.memory_space<semaphore_mem>>) src(%dma_wait3A_428 : memref<128x128xf32, #tpu.memory_space<hbm>>) dst(%arg12 : memref<128x128xf32, #tpu.memory_space<vmem>>)
        } else {
        }
        %dma_start3A_412 = arith.constant 6 : i32
        %dma_start3A_413 = arith.constant 0 : i32
        %dma_start3A_414 = tpu.memref_slice %arg8[%dma_start3A_412, %dma_start3A_413] : memref<8x128xi32, #tpu.memory_space<vmem>> -> memref<1x128xi32, #tpu.memory_space<vmem>>
        %dma_start3A_415 = tpu.memref_squeeze %dma_start3A_414 : memref<1x128xi32, #tpu.memory_space<vmem>> -> memref<128xi32, #tpu.memory_space<vmem>>
        %dma_start3A_416 = arith.constant 0 : i32
        %dma_start3A_417 = arith.constant 0 : i32
        %dma_start3A_418 = tpu.memref_slice %arg2[%arg0, %dma_start3A_416, %dma_start3A_417] : memref<2x10240x128xf32, #tpu.memory_space<hbm>> -> memref<1x10240x128xf32, #tpu.memory_space<hbm>>
        %dma_start3A_419 = tpu.memref_squeeze %dma_start3A_418 : memref<1x10240x128xf32, #tpu.memory_space<hbm>> -> memref<10240x128xf32, #tpu.memory_space<hbm>>
        %dma_start3A_420 = arith.constant 0 : i32
        %dma_start3A_421 = arith.constant 0 : i32
        %dma_start3A_422 = tpu.memref_slice %dma_start3A_419[%dma_start3A_420, %dma_start3A_421] : memref<10240x128xf32, #tpu.memory_space<hbm>> -> memref<10240x128xf32, #tpu.memory_space<hbm>>
        tpu.enqueue_indirect_dma source(%dma_start3A_422 : memref<10240x128xf32, #tpu.memory_space<hbm>>) target(%arg12 : memref<128x128xf32, #tpu.memory_space<vmem>>) offsets(%dma_start3A_415 : memref<128xi32, #tpu.memory_space<vmem>>) semaphore(%arg14 : memref<!tpu.dma_semaphore, #tpu.memory_space<semaphore_mem>>)
      } else {
      }
      %dma_wait3A_190 = arith.constant 0 : i32
      %dma_wait3A_191 = arith.constant 0 : i32
      %dma_wait3A_192 = tpu.memref_slice %arg5[%dma_wait3A_190, %dma_wait3A_191] : memref<10240x128xf32, #tpu.memory_space<hbm>> -> memref<128x128xf32, #tpu.memory_space<hbm>>
      %dma_wait3A_193 = arith.constant 0 : i32
      %dma_wait3A_194 = arith.constant 0 : i32
      %dma_wait3A_195 = tpu.memref_slice %arg5[%dma_wait3A_193, %dma_wait3A_194] : memref<10240x128xf32, #tpu.memory_space<hbm>> -> memref<128x128xf32, #tpu.memory_space<hbm>>
      tpu.wait_dma2 semaphore(%arg14 : memref<!tpu.dma_semaphore, #tpu.memory_space<semaphore_mem>>) src(%dma_wait3A_195 : memref<128x128xf32, #tpu.memory_space<hbm>>) dst(%arg12 : memref<128x128xf32, #tpu.memory_space<vmem>>)
      %dma_start3A_196 = arith.constant 6 : i32
      %dma_start3A_197 = arith.constant 0 : i32
      %dma_start3A_198 = tpu.memref_slice %arg10[%dma_start3A_196, %dma_start3A_197] : memref<8x128xi32, #tpu.memory_space<vmem>> -> memref<1x128xi32, #tpu.memory_space<vmem>>
      %dma_start3A_199 = tpu.memref_squeeze %dma_start3A_198 : memref<1x128xi32, #tpu.memory_space<vmem>> -> memref<128xi32, #tpu.memory_space<vmem>>
      %dma_start3A_200 = arith.constant 0 : i32
      %dma_start3A_201 = arith.constant 0 : i32
      %dma_start3A_202 = tpu.memref_slice %arg7[%dma_start3A_200, %dma_start3A_201] : memref<10240x128xf32, #tpu.memory_space<vmem_shared>> -> memref<10240x128xf32, #tpu.memory_space<vmem_shared>>
      tpu.enqueue_indirect_dma source(%arg12 : memref<128x128xf32, #tpu.memory_space<vmem>>) target(%dma_start3A_202 : memref<10240x128xf32, #tpu.memory_space<vmem_shared>>) offsets(%dma_start3A_199 : memref<128xi32, #tpu.memory_space<vmem>>) semaphore(%arg15 : memref<!tpu.dma_semaphore, #tpu.memory_space<semaphore_mem>>) {add = true}
      %add3A_203 = arith.constant 7 : i32
      %add3A_204 = arith.addi %mul3A_66, %add3A_203 : i32
      %lt3A_205 = arith.cmpi slt, %add3A_204, %select_n3A : i32
      %convert_element_type3A_206 = arith.extui %lt3A_205 : i1 to i32
      %cond3A_207 = arith.constant 0 : i32
      %cond3A_208 = arith.cmpi ne, %convert_element_type3A_206, %cond3A_207 : i32
      scf.if %cond3A_208 {
        %ge3A = arith.constant 2 : i32
        %ge3A_408 = arith.cmpi sge, %add3A_204, %ge3A : i32
        %convert_element_type3A_409 = arith.extui %ge3A_408 : i1 to i32
        %cond3A_410 = arith.constant 0 : i32
        %cond3A_411 = arith.cmpi ne, %convert_element_type3A_409, %cond3A_410 : i32
        scf.if %cond3A_411 {
          %dma_wait3A_423 = arith.constant 0 : i32
          %dma_wait3A_424 = arith.constant 0 : i32
          %dma_wait3A_425 = tpu.memref_slice %arg5[%dma_wait3A_423, %dma_wait3A_424] : memref<10240x128xf32, #tpu.memory_space<hbm>> -> memref<128x128xf32, #tpu.memory_space<hbm>>
          %dma_wait3A_426 = arith.constant 0 : i32
          %dma_wait3A_427 = arith.constant 0 : i32
          %dma_wait3A_428 = tpu.memref_slice %arg5[%dma_wait3A_426, %dma_wait3A_427] : memref<10240x128xf32, #tpu.memory_space<hbm>> -> memref<128x128xf32, #tpu.memory_space<hbm>>
          tpu.wait_dma2 semaphore(%arg15 : memref<!tpu.dma_semaphore, #tpu.memory_space<semaphore_mem>>) src(%dma_wait3A_428 : memref<128x128xf32, #tpu.memory_space<hbm>>) dst(%arg13 : memref<128x128xf32, #tpu.memory_space<vmem>>)
        } else {
        }
        %dma_start3A_412 = arith.constant 7 : i32
        %dma_start3A_413 = arith.constant 0 : i32
        %dma_start3A_414 = tpu.memref_slice %arg8[%dma_start3A_412, %dma_start3A_413] : memref<8x128xi32, #tpu.memory_space<vmem>> -> memref<1x128xi32, #tpu.memory_space<vmem>>
        %dma_start3A_415 = tpu.memref_squeeze %dma_start3A_414 : memref<1x128xi32, #tpu.memory_space<vmem>> -> memref<128xi32, #tpu.memory_space<vmem>>
        %dma_start3A_416 = arith.constant 0 : i32
        %dma_start3A_417 = arith.constant 0 : i32
        %dma_start3A_418 = tpu.memref_slice %arg2[%arg0, %dma_start3A_416, %dma_start3A_417] : memref<2x10240x128xf32, #tpu.memory_space<hbm>> -> memref<1x10240x128xf32, #tpu.memory_space<hbm>>
        %dma_start3A_419 = tpu.memref_squeeze %dma_start3A_418 : memref<1x10240x128xf32, #tpu.memory_space<hbm>> -> memref<10240x128xf32, #tpu.memory_space<hbm>>
        %dma_start3A_420 = arith.constant 0 : i32
        %dma_start3A_421 = arith.constant 0 : i32
        %dma_start3A_422 = tpu.memref_slice %dma_start3A_419[%dma_start3A_420, %dma_start3A_421] : memref<10240x128xf32, #tpu.memory_space<hbm>> -> memref<10240x128xf32, #tpu.memory_space<hbm>>
        tpu.enqueue_indirect_dma source(%dma_start3A_422 : memref<10240x128xf32, #tpu.memory_space<hbm>>) target(%arg13 : memref<128x128xf32, #tpu.memory_space<vmem>>) offsets(%dma_start3A_415 : memref<128xi32, #tpu.memory_space<vmem>>) semaphore(%arg14 : memref<!tpu.dma_semaphore, #tpu.memory_space<semaphore_mem>>)
      } else {
      }
      %dma_wait3A_209 = arith.constant 0 : i32
      %dma_wait3A_210 = tpu.memref_slice %arg3[%add3A_103, %dma_wait3A_209] : memref<2560x128xi32, #tpu.memory_space<hbm>> -> memref<8x128xi32, #tpu.memory_space<hbm>>
      %dma_wait3A_211 = arith.constant 0 : i32
      %dma_wait3A_212 = tpu.memref_slice %arg3[%add3A_103, %dma_wait3A_211] : memref<2560x128xi32, #tpu.memory_space<hbm>> -> memref<8x128xi32, #tpu.memory_space<hbm>>
      tpu.wait_dma2 semaphore(%arg16 : memref<!tpu.dma_semaphore, #tpu.memory_space<semaphore_mem>>) src(%dma_wait3A_212 : memref<8x128xi32, #tpu.memory_space<hbm>>) dst(%arg9 : memref<8x128xi32, #tpu.memory_space<vmem>>)
      %dma_wait3A_213 = arith.constant 0 : i32
      %dma_wait3A_214 = tpu.memref_slice %arg4[%add3A_109, %dma_wait3A_213] : memref<2560x128xi32, #tpu.memory_space<hbm>> -> memref<8x128xi32, #tpu.memory_space<hbm>>
      %dma_wait3A_215 = arith.constant 0 : i32
      %dma_wait3A_216 = tpu.memref_slice %arg4[%add3A_109, %dma_wait3A_215] : memref<2560x128xi32, #tpu.memory_space<hbm>> -> memref<8x128xi32, #tpu.memory_space<hbm>>
      tpu.wait_dma2 semaphore(%arg16 : memref<!tpu.dma_semaphore, #tpu.memory_space<semaphore_mem>>) src(%dma_wait3A_216 : memref<8x128xi32, #tpu.memory_space<hbm>>) dst(%arg11 : memref<8x128xi32, #tpu.memory_space<vmem>>)
      %dma_wait3A_217 = arith.constant 0 : i32
      %dma_wait3A_218 = arith.constant 0 : i32
      %dma_wait3A_219 = tpu.memref_slice %arg5[%dma_wait3A_217, %dma_wait3A_218] : memref<10240x128xf32, #tpu.memory_space<hbm>> -> memref<128x128xf32, #tpu.memory_space<hbm>>
      %dma_wait3A_220 = arith.constant 0 : i32
      %dma_wait3A_221 = arith.constant 0 : i32
      %dma_wait3A_222 = tpu.memref_slice %arg5[%dma_wait3A_220, %dma_wait3A_221] : memref<10240x128xf32, #tpu.memory_space<hbm>> -> memref<128x128xf32, #tpu.memory_space<hbm>>
      tpu.wait_dma2 semaphore(%arg14 : memref<!tpu.dma_semaphore, #tpu.memory_space<semaphore_mem>>) src(%dma_wait3A_222 : memref<128x128xf32, #tpu.memory_space<hbm>>) dst(%arg13 : memref<128x128xf32, #tpu.memory_space<vmem>>)
      %dma_start3A_223 = arith.constant 7 : i32
      %dma_start3A_224 = arith.constant 0 : i32
      %dma_start3A_225 = tpu.memref_slice %arg10[%dma_start3A_223, %dma_start3A_224] : memref<8x128xi32, #tpu.memory_space<vmem>> -> memref<1x128xi32, #tpu.memory_space<vmem>>
      %dma_start3A_226 = tpu.memref_squeeze %dma_start3A_225 : memref<1x128xi32, #tpu.memory_space<vmem>> -> memref<128xi32, #tpu.memory_space<vmem>>
      %dma_start3A_227 = arith.constant 0 : i32
      %dma_start3A_228 = arith.constant 0 : i32
      %dma_start3A_229 = tpu.memref_slice %arg7[%dma_start3A_227, %dma_start3A_228] : memref<10240x128xf32, #tpu.memory_space<vmem_shared>> -> memref<10240x128xf32, #tpu.memory_space<vmem_shared>>
      tpu.enqueue_indirect_dma source(%arg13 : memref<128x128xf32, #tpu.memory_space<vmem>>) target(%dma_start3A_229 : memref<10240x128xf32, #tpu.memory_space<vmem_shared>>) offsets(%dma_start3A_226 : memref<128xi32, #tpu.memory_space<vmem>>) semaphore(%arg15 : memref<!tpu.dma_semaphore, #tpu.memory_space<semaphore_mem>>) {add = true}
      %add3A_230 = arith.constant 8 : i32
      %add3A_231 = arith.addi %mul3A_66, %add3A_230 : i32
      %lt3A_232 = arith.cmpi slt, %add3A_231, %select_n3A : i32
      %convert_element_type3A_233 = arith.extui %lt3A_232 : i1 to i32
      %cond3A_234 = arith.constant 0 : i32
      %cond3A_235 = arith.cmpi ne, %convert_element_type3A_233, %cond3A_234 : i32
      scf.if %cond3A_235 {
        %ge3A = arith.constant 2 : i32
        %ge3A_408 = arith.cmpi sge, %add3A_231, %ge3A : i32
        %convert_element_type3A_409 = arith.extui %ge3A_408 : i1 to i32
        %cond3A_410 = arith.constant 0 : i32
        %cond3A_411 = arith.cmpi ne, %convert_element_type3A_409, %cond3A_410 : i32
        scf.if %cond3A_411 {
          %dma_wait3A_423 = arith.constant 0 : i32
          %dma_wait3A_424 = arith.constant 0 : i32
          %dma_wait3A_425 = tpu.memref_slice %arg5[%dma_wait3A_423, %dma_wait3A_424] : memref<10240x128xf32, #tpu.memory_space<hbm>> -> memref<128x128xf32, #tpu.memory_space<hbm>>
          %dma_wait3A_426 = arith.constant 0 : i32
          %dma_wait3A_427 = arith.constant 0 : i32
          %dma_wait3A_428 = tpu.memref_slice %arg5[%dma_wait3A_426, %dma_wait3A_427] : memref<10240x128xf32, #tpu.memory_space<hbm>> -> memref<128x128xf32, #tpu.memory_space<hbm>>
          tpu.wait_dma2 semaphore(%arg15 : memref<!tpu.dma_semaphore, #tpu.memory_space<semaphore_mem>>) src(%dma_wait3A_428 : memref<128x128xf32, #tpu.memory_space<hbm>>) dst(%arg12 : memref<128x128xf32, #tpu.memory_space<vmem>>)
        } else {
        }
        %dma_start3A_412 = arith.constant 0 : i32
        %dma_start3A_413 = arith.constant 0 : i32
        %dma_start3A_414 = tpu.memref_slice %arg9[%dma_start3A_412, %dma_start3A_413] : memref<8x128xi32, #tpu.memory_space<vmem>> -> memref<1x128xi32, #tpu.memory_space<vmem>>
        %dma_start3A_415 = tpu.memref_squeeze %dma_start3A_414 : memref<1x128xi32, #tpu.memory_space<vmem>> -> memref<128xi32, #tpu.memory_space<vmem>>
        %dma_start3A_416 = arith.constant 0 : i32
        %dma_start3A_417 = arith.constant 0 : i32
        %dma_start3A_418 = tpu.memref_slice %arg2[%arg0, %dma_start3A_416, %dma_start3A_417] : memref<2x10240x128xf32, #tpu.memory_space<hbm>> -> memref<1x10240x128xf32, #tpu.memory_space<hbm>>
        %dma_start3A_419 = tpu.memref_squeeze %dma_start3A_418 : memref<1x10240x128xf32, #tpu.memory_space<hbm>> -> memref<10240x128xf32, #tpu.memory_space<hbm>>
        %dma_start3A_420 = arith.constant 0 : i32
        %dma_start3A_421 = arith.constant 0 : i32
        %dma_start3A_422 = tpu.memref_slice %dma_start3A_419[%dma_start3A_420, %dma_start3A_421] : memref<10240x128xf32, #tpu.memory_space<hbm>> -> memref<10240x128xf32, #tpu.memory_space<hbm>>
        tpu.enqueue_indirect_dma source(%dma_start3A_422 : memref<10240x128xf32, #tpu.memory_space<hbm>>) target(%arg12 : memref<128x128xf32, #tpu.memory_space<vmem>>) offsets(%dma_start3A_415 : memref<128xi32, #tpu.memory_space<vmem>>) semaphore(%arg14 : memref<!tpu.dma_semaphore, #tpu.memory_space<semaphore_mem>>)
      } else {
      }
      %dma_wait3A_236 = arith.constant 0 : i32
      %dma_wait3A_237 = arith.constant 0 : i32
      %dma_wait3A_238 = tpu.memref_slice %arg5[%dma_wait3A_236, %dma_wait3A_237] : memref<10240x128xf32, #tpu.memory_space<hbm>> -> memref<128x128xf32, #tpu.memory_space<hbm>>
      %dma_wait3A_239 = arith.constant 0 : i32
      %dma_wait3A_240 = arith.constant 0 : i32
      %dma_wait3A_241 = tpu.memref_slice %arg5[%dma_wait3A_239, %dma_wait3A_240] : memref<10240x128xf32, #tpu.memory_space<hbm>> -> memref<128x128xf32, #tpu.memory_space<hbm>>
      tpu.wait_dma2 semaphore(%arg14 : memref<!tpu.dma_semaphore, #tpu.memory_space<semaphore_mem>>) src(%dma_wait3A_241 : memref<128x128xf32, #tpu.memory_space<hbm>>) dst(%arg12 : memref<128x128xf32, #tpu.memory_space<vmem>>)
      %dma_start3A_242 = arith.constant 0 : i32
      %dma_start3A_243 = arith.constant 0 : i32
      %dma_start3A_244 = tpu.memref_slice %arg11[%dma_start3A_242, %dma_start3A_243] : memref<8x128xi32, #tpu.memory_space<vmem>> -> memref<1x128xi32, #tpu.memory_space<vmem>>
      %dma_start3A_245 = tpu.memref_squeeze %dma_start3A_244 : memref<1x128xi32, #tpu.memory_space<vmem>> -> memref<128xi32, #tpu.memory_space<vmem>>
      %dma_start3A_246 = arith.constant 0 : i32
      %dma_start3A_247 = arith.constant 0 : i32
      %dma_start3A_248 = tpu.memref_slice %arg7[%dma_start3A_246, %dma_start3A_247] : memref<10240x128xf32, #tpu.memory_space<vmem_shared>> -> memref<10240x128xf32, #tpu.memory_space<vmem_shared>>
      tpu.enqueue_indirect_dma source(%arg12 : memref<128x128xf32, #tpu.memory_space<vmem>>) target(%dma_start3A_248 : memref<10240x128xf32, #tpu.memory_space<vmem_shared>>) offsets(%dma_start3A_245 : memref<128xi32, #tpu.memory_space<vmem>>) semaphore(%arg15 : memref<!tpu.dma_semaphore, #tpu.memory_space<semaphore_mem>>) {add = true}
      %add3A_249 = arith.constant 9 : i32
      %add3A_250 = arith.addi %mul3A_66, %add3A_249 : i32
      %lt3A_251 = arith.cmpi slt, %add3A_250, %select_n3A : i32
      %convert_element_type3A_252 = arith.extui %lt3A_251 : i1 to i32
      %cond3A_253 = arith.constant 0 : i32
      %cond3A_254 = arith.cmpi ne, %convert_element_type3A_252, %cond3A_253 : i32
      scf.if %cond3A_254 {
        %ge3A = arith.constant 2 : i32
        %ge3A_408 = arith.cmpi sge, %add3A_250, %ge3A : i32
        %convert_element_type3A_409 = arith.extui %ge3A_408 : i1 to i32
        %cond3A_410 = arith.constant 0 : i32
        %cond3A_411 = arith.cmpi ne, %convert_element_type3A_409, %cond3A_410 : i32
        scf.if %cond3A_411 {
          %dma_wait3A_423 = arith.constant 0 : i32
          %dma_wait3A_424 = arith.constant 0 : i32
          %dma_wait3A_425 = tpu.memref_slice %arg5[%dma_wait3A_423, %dma_wait3A_424] : memref<10240x128xf32, #tpu.memory_space<hbm>> -> memref<128x128xf32, #tpu.memory_space<hbm>>
          %dma_wait3A_426 = arith.constant 0 : i32
          %dma_wait3A_427 = arith.constant 0 : i32
          %dma_wait3A_428 = tpu.memref_slice %arg5[%dma_wait3A_426, %dma_wait3A_427] : memref<10240x128xf32, #tpu.memory_space<hbm>> -> memref<128x128xf32, #tpu.memory_space<hbm>>
          tpu.wait_dma2 semaphore(%arg15 : memref<!tpu.dma_semaphore, #tpu.memory_space<semaphore_mem>>) src(%dma_wait3A_428 : memref<128x128xf32, #tpu.memory_space<hbm>>) dst(%arg13 : memref<128x128xf32, #tpu.memory_space<vmem>>)
        } else {
        }
        %dma_start3A_412 = arith.constant 1 : i32
        %dma_start3A_413 = arith.constant 0 : i32
        %dma_start3A_414 = tpu.memref_slice %arg9[%dma_start3A_412, %dma_start3A_413] : memref<8x128xi32, #tpu.memory_space<vmem>> -> memref<1x128xi32, #tpu.memory_space<vmem>>
        %dma_start3A_415 = tpu.memref_squeeze %dma_start3A_414 : memref<1x128xi32, #tpu.memory_space<vmem>> -> memref<128xi32, #tpu.memory_space<vmem>>
        %dma_start3A_416 = arith.constant 0 : i32
        %dma_start3A_417 = arith.constant 0 : i32
        %dma_start3A_418 = tpu.memref_slice %arg2[%arg0, %dma_start3A_416, %dma_start3A_417] : memref<2x10240x128xf32, #tpu.memory_space<hbm>> -> memref<1x10240x128xf32, #tpu.memory_space<hbm>>
        %dma_start3A_419 = tpu.memref_squeeze %dma_start3A_418 : memref<1x10240x128xf32, #tpu.memory_space<hbm>> -> memref<10240x128xf32, #tpu.memory_space<hbm>>
        %dma_start3A_420 = arith.constant 0 : i32
        %dma_start3A_421 = arith.constant 0 : i32
        %dma_start3A_422 = tpu.memref_slice %dma_start3A_419[%dma_start3A_420, %dma_start3A_421] : memref<10240x128xf32, #tpu.memory_space<hbm>> -> memref<10240x128xf32, #tpu.memory_space<hbm>>
        tpu.enqueue_indirect_dma source(%dma_start3A_422 : memref<10240x128xf32, #tpu.memory_space<hbm>>) target(%arg13 : memref<128x128xf32, #tpu.memory_space<vmem>>) offsets(%dma_start3A_415 : memref<128xi32, #tpu.memory_space<vmem>>) semaphore(%arg14 : memref<!tpu.dma_semaphore, #tpu.memory_space<semaphore_mem>>)
      } else {
      }
      %add3A_255 = arith.constant 16 : i32
      %add3A_256 = arith.addi %add3A_64, %add3A_255 : i32
      %min3A = arith.constant 2552 : i32
      %min3A_257 = arith.minsi %add3A_256, %min3A : i32
      %dma_start3A_258 = arith.constant 0 : i32
      %dma_start3A_259 = tpu.memref_slice %arg3[%min3A_257, %dma_start3A_258] : memref<2560x128xi32, #tpu.memory_space<hbm>> -> memref<8x128xi32, #tpu.memory_space<hbm>>
      %dma_start3A_260 = arith.constant 0 : i32
      %dma_start3A_261 = tpu.memref_slice %arg3[%min3A_257, %dma_start3A_260] : memref<2560x128xi32, #tpu.memory_space<hbm>> -> memref<8x128xi32, #tpu.memory_space<hbm>>
      tpu.enqueue_dma source(%dma_start3A_261 : memref<8x128xi32, #tpu.memory_space<hbm>>) target(%arg8 : memref<8x128xi32, #tpu.memory_space<vmem>>) target_semaphore(%arg16 : memref<!tpu.dma_semaphore, #tpu.memory_space<semaphore_mem>>)
      %dma_start3A_262 = arith.constant 0 : i32
      %dma_start3A_263 = tpu.memref_slice %arg4[%min3A_257, %dma_start3A_262] : memref<2560x128xi32, #tpu.memory_space<hbm>> -> memref<8x128xi32, #tpu.memory_space<hbm>>
      %dma_start3A_264 = arith.constant 0 : i32
      %dma_start3A_265 = tpu.memref_slice %arg4[%min3A_257, %dma_start3A_264] : memref<2560x128xi32, #tpu.memory_space<hbm>> -> memref<8x128xi32, #tpu.memory_space<hbm>>
      tpu.enqueue_dma source(%dma_start3A_265 : memref<8x128xi32, #tpu.memory_space<hbm>>) target(%arg10 : memref<8x128xi32, #tpu.memory_space<vmem>>) target_semaphore(%arg16 : memref<!tpu.dma_semaphore, #tpu.memory_space<semaphore_mem>>)
      %dma_wait3A_266 = arith.constant 0 : i32
      %dma_wait3A_267 = arith.constant 0 : i32
      %dma_wait3A_268 = tpu.memref_slice %arg5[%dma_wait3A_266, %dma_wait3A_267] : memref<10240x128xf32, #tpu.memory_space<hbm>> -> memref<128x128xf32, #tpu.memory_space<hbm>>
      %dma_wait3A_269 = arith.constant 0 : i32
      %dma_wait3A_270 = arith.constant 0 : i32
      %dma_wait3A_271 = tpu.memref_slice %arg5[%dma_wait3A_269, %dma_wait3A_270] : memref<10240x128xf32, #tpu.memory_space<hbm>> -> memref<128x128xf32, #tpu.memory_space<hbm>>
      tpu.wait_dma2 semaphore(%arg14 : memref<!tpu.dma_semaphore, #tpu.memory_space<semaphore_mem>>) src(%dma_wait3A_271 : memref<128x128xf32, #tpu.memory_space<hbm>>) dst(%arg13 : memref<128x128xf32, #tpu.memory_space<vmem>>)
      %dma_start3A_272 = arith.constant 1 : i32
      %dma_start3A_273 = arith.constant 0 : i32
      %dma_start3A_274 = tpu.memref_slice %arg11[%dma_start3A_272, %dma_start3A_273] : memref<8x128xi32, #tpu.memory_space<vmem>> -> memref<1x128xi32, #tpu.memory_space<vmem>>
      %dma_start3A_275 = tpu.memref_squeeze %dma_start3A_274 : memref<1x128xi32, #tpu.memory_space<vmem>> -> memref<128xi32, #tpu.memory_space<vmem>>
      %dma_start3A_276 = arith.constant 0 : i32
      %dma_start3A_277 = arith.constant 0 : i32
      %dma_start3A_278 = tpu.memref_slice %arg7[%dma_start3A_276, %dma_start3A_277] : memref<10240x128xf32, #tpu.memory_space<vmem_shared>> -> memref<10240x128xf32, #tpu.memory_space<vmem_shared>>
      tpu.enqueue_indirect_dma source(%arg13 : memref<128x128xf32, #tpu.memory_space<vmem>>) target(%dma_start3A_278 : memref<10240x128xf32, #tpu.memory_space<vmem_shared>>) offsets(%dma_start3A_275 : memref<128xi32, #tpu.memory_space<vmem>>) semaphore(%arg15 : memref<!tpu.dma_semaphore, #tpu.memory_space<semaphore_mem>>) {add = true}
      %add3A_279 = arith.constant 10 : i32
      %add3A_280 = arith.addi %mul3A_66, %add3A_279 : i32
      %lt3A_281 = arith.cmpi slt, %add3A_280, %select_n3A : i32
      %convert_element_type3A_282 = arith.extui %lt3A_281 : i1 to i32
      %cond3A_283 = arith.constant 0 : i32
      %cond3A_284 = arith.cmpi ne, %convert_element_type3A_282, %cond3A_283 : i32
      scf.if %cond3A_284 {
        %ge3A = arith.constant 2 : i32
        %ge3A_408 = arith.cmpi sge, %add3A_280, %ge3A : i32
        %convert_element_type3A_409 = arith.extui %ge3A_408 : i1 to i32
        %cond3A_410 = arith.constant 0 : i32
        %cond3A_411 = arith.cmpi ne, %convert_element_type3A_409, %cond3A_410 : i32
        scf.if %cond3A_411 {
          %dma_wait3A_423 = arith.constant 0 : i32
          %dma_wait3A_424 = arith.constant 0 : i32
          %dma_wait3A_425 = tpu.memref_slice %arg5[%dma_wait3A_423, %dma_wait3A_424] : memref<10240x128xf32, #tpu.memory_space<hbm>> -> memref<128x128xf32, #tpu.memory_space<hbm>>
          %dma_wait3A_426 = arith.constant 0 : i32
          %dma_wait3A_427 = arith.constant 0 : i32
          %dma_wait3A_428 = tpu.memref_slice %arg5[%dma_wait3A_426, %dma_wait3A_427] : memref<10240x128xf32, #tpu.memory_space<hbm>> -> memref<128x128xf32, #tpu.memory_space<hbm>>
          tpu.wait_dma2 semaphore(%arg15 : memref<!tpu.dma_semaphore, #tpu.memory_space<semaphore_mem>>) src(%dma_wait3A_428 : memref<128x128xf32, #tpu.memory_space<hbm>>) dst(%arg12 : memref<128x128xf32, #tpu.memory_space<vmem>>)
        } else {
        }
        %dma_start3A_412 = arith.constant 2 : i32
        %dma_start3A_413 = arith.constant 0 : i32
        %dma_start3A_414 = tpu.memref_slice %arg9[%dma_start3A_412, %dma_start3A_413] : memref<8x128xi32, #tpu.memory_space<vmem>> -> memref<1x128xi32, #tpu.memory_space<vmem>>
        %dma_start3A_415 = tpu.memref_squeeze %dma_start3A_414 : memref<1x128xi32, #tpu.memory_space<vmem>> -> memref<128xi32, #tpu.memory_space<vmem>>
        %dma_start3A_416 = arith.constant 0 : i32
        %dma_start3A_417 = arith.constant 0 : i32
        %dma_start3A_418 = tpu.memref_slice %arg2[%arg0, %dma_start3A_416, %dma_start3A_417] : memref<2x10240x128xf32, #tpu.memory_space<hbm>> -> memref<1x10240x128xf32, #tpu.memory_space<hbm>>
        %dma_start3A_419 = tpu.memref_squeeze %dma_start3A_418 : memref<1x10240x128xf32, #tpu.memory_space<hbm>> -> memref<10240x128xf32, #tpu.memory_space<hbm>>
        %dma_start3A_420 = arith.constant 0 : i32
        %dma_start3A_421 = arith.constant 0 : i32
        %dma_start3A_422 = tpu.memref_slice %dma_start3A_419[%dma_start3A_420, %dma_start3A_421] : memref<10240x128xf32, #tpu.memory_space<hbm>> -> memref<10240x128xf32, #tpu.memory_space<hbm>>
        tpu.enqueue_indirect_dma source(%dma_start3A_422 : memref<10240x128xf32, #tpu.memory_space<hbm>>) target(%arg12 : memref<128x128xf32, #tpu.memory_space<vmem>>) offsets(%dma_start3A_415 : memref<128xi32, #tpu.memory_space<vmem>>) semaphore(%arg14 : memref<!tpu.dma_semaphore, #tpu.memory_space<semaphore_mem>>)
      } else {
      }
      %dma_wait3A_285 = arith.constant 0 : i32
      %dma_wait3A_286 = arith.constant 0 : i32
      %dma_wait3A_287 = tpu.memref_slice %arg5[%dma_wait3A_285, %dma_wait3A_286] : memref<10240x128xf32, #tpu.memory_space<hbm>> -> memref<128x128xf32, #tpu.memory_space<hbm>>
      %dma_wait3A_288 = arith.constant 0 : i32
      %dma_wait3A_289 = arith.constant 0 : i32
      %dma_wait3A_290 = tpu.memref_slice %arg5[%dma_wait3A_288, %dma_wait3A_289] : memref<10240x128xf32, #tpu.memory_space<hbm>> -> memref<128x128xf32, #tpu.memory_space<hbm>>
      tpu.wait_dma2 semaphore(%arg14 : memref<!tpu.dma_semaphore, #tpu.memory_space<semaphore_mem>>) src(%dma_wait3A_290 : memref<128x128xf32, #tpu.memory_space<hbm>>) dst(%arg12 : memref<128x128xf32, #tpu.memory_space<vmem>>)
      %dma_start3A_291 = arith.constant 2 : i32
      %dma_start3A_292 = arith.constant 0 : i32
      %dma_start3A_293 = tpu.memref_slice %arg11[%dma_start3A_291, %dma_start3A_292] : memref<8x128xi32, #tpu.memory_space<vmem>> -> memref<1x128xi32, #tpu.memory_space<vmem>>
      %dma_start3A_294 = tpu.memref_squeeze %dma_start3A_293 : memref<1x128xi32, #tpu.memory_space<vmem>> -> memref<128xi32, #tpu.memory_space<vmem>>
      %dma_start3A_295 = arith.constant 0 : i32
      %dma_start3A_296 = arith.constant 0 : i32
      %dma_start3A_297 = tpu.memref_slice %arg7[%dma_start3A_295, %dma_start3A_296] : memref<10240x128xf32, #tpu.memory_space<vmem_shared>> -> memref<10240x128xf32, #tpu.memory_space<vmem_shared>>
      tpu.enqueue_indirect_dma source(%arg12 : memref<128x128xf32, #tpu.memory_space<vmem>>) target(%dma_start3A_297 : memref<10240x128xf32, #tpu.memory_space<vmem_shared>>) offsets(%dma_start3A_294 : memref<128xi32, #tpu.memory_space<vmem>>) semaphore(%arg15 : memref<!tpu.dma_semaphore, #tpu.memory_space<semaphore_mem>>) {add = true}
      %add3A_298 = arith.constant 11 : i32
      %add3A_299 = arith.addi %mul3A_66, %add3A_298 : i32
      %lt3A_300 = arith.cmpi slt, %add3A_299, %select_n3A : i32
      %convert_element_type3A_301 = arith.extui %lt3A_300 : i1 to i32
      %cond3A_302 = arith.constant 0 : i32
      %cond3A_303 = arith.cmpi ne, %convert_element_type3A_301, %cond3A_302 : i32
      scf.if %cond3A_303 {
        %ge3A = arith.constant 2 : i32
        %ge3A_408 = arith.cmpi sge, %add3A_299, %ge3A : i32
        %convert_element_type3A_409 = arith.extui %ge3A_408 : i1 to i32
        %cond3A_410 = arith.constant 0 : i32
        %cond3A_411 = arith.cmpi ne, %convert_element_type3A_409, %cond3A_410 : i32
        scf.if %cond3A_411 {
          %dma_wait3A_423 = arith.constant 0 : i32
          %dma_wait3A_424 = arith.constant 0 : i32
          %dma_wait3A_425 = tpu.memref_slice %arg5[%dma_wait3A_423, %dma_wait3A_424] : memref<10240x128xf32, #tpu.memory_space<hbm>> -> memref<128x128xf32, #tpu.memory_space<hbm>>
          %dma_wait3A_426 = arith.constant 0 : i32
          %dma_wait3A_427 = arith.constant 0 : i32
          %dma_wait3A_428 = tpu.memref_slice %arg5[%dma_wait3A_426, %dma_wait3A_427] : memref<10240x128xf32, #tpu.memory_space<hbm>> -> memref<128x128xf32, #tpu.memory_space<hbm>>
          tpu.wait_dma2 semaphore(%arg15 : memref<!tpu.dma_semaphore, #tpu.memory_space<semaphore_mem>>) src(%dma_wait3A_428 : memref<128x128xf32, #tpu.memory_space<hbm>>) dst(%arg13 : memref<128x128xf32, #tpu.memory_space<vmem>>)
        } else {
        }
        %dma_start3A_412 = arith.constant 3 : i32
        %dma_start3A_413 = arith.constant 0 : i32
        %dma_start3A_414 = tpu.memref_slice %arg9[%dma_start3A_412, %dma_start3A_413] : memref<8x128xi32, #tpu.memory_space<vmem>> -> memref<1x128xi32, #tpu.memory_space<vmem>>
        %dma_start3A_415 = tpu.memref_squeeze %dma_start3A_414 : memref<1x128xi32, #tpu.memory_space<vmem>> -> memref<128xi32, #tpu.memory_space<vmem>>
        %dma_start3A_416 = arith.constant 0 : i32
        %dma_start3A_417 = arith.constant 0 : i32
        %dma_start3A_418 = tpu.memref_slice %arg2[%arg0, %dma_start3A_416, %dma_start3A_417] : memref<2x10240x128xf32, #tpu.memory_space<hbm>> -> memref<1x10240x128xf32, #tpu.memory_space<hbm>>
        %dma_start3A_419 = tpu.memref_squeeze %dma_start3A_418 : memref<1x10240x128xf32, #tpu.memory_space<hbm>> -> memref<10240x128xf32, #tpu.memory_space<hbm>>
        %dma_start3A_420 = arith.constant 0 : i32
        %dma_start3A_421 = arith.constant 0 : i32
        %dma_start3A_422 = tpu.memref_slice %dma_start3A_419[%dma_start3A_420, %dma_start3A_421] : memref<10240x128xf32, #tpu.memory_space<hbm>> -> memref<10240x128xf32, #tpu.memory_space<hbm>>
        tpu.enqueue_indirect_dma source(%dma_start3A_422 : memref<10240x128xf32, #tpu.memory_space<hbm>>) target(%arg13 : memref<128x128xf32, #tpu.memory_space<vmem>>) offsets(%dma_start3A_415 : memref<128xi32, #tpu.memory_space<vmem>>) semaphore(%arg14 : memref<!tpu.dma_semaphore, #tpu.memory_space<semaphore_mem>>)
      } else {
      }
      %dma_wait3A_304 = arith.constant 0 : i32
      %dma_wait3A_305 = arith.constant 0 : i32
      %dma_wait3A_306 = tpu.memref_slice %arg5[%dma_wait3A_304, %dma_wait3A_305] : memref<10240x128xf32, #tpu.memory_space<hbm>> -> memref<128x128xf32, #tpu.memory_space<hbm>>
      %dma_wait3A_307 = arith.constant 0 : i32
      %dma_wait3A_308 = arith.constant 0 : i32
      %dma_wait3A_309 = tpu.memref_slice %arg5[%dma_wait3A_307, %dma_wait3A_308] : memref<10240x128xf32, #tpu.memory_space<hbm>> -> memref<128x128xf32, #tpu.memory_space<hbm>>
      tpu.wait_dma2 semaphore(%arg14 : memref<!tpu.dma_semaphore, #tpu.memory_space<semaphore_mem>>) src(%dma_wait3A_309 : memref<128x128xf32, #tpu.memory_space<hbm>>) dst(%arg13 : memref<128x128xf32, #tpu.memory_space<vmem>>)
      %dma_start3A_310 = arith.constant 3 : i32
      %dma_start3A_311 = arith.constant 0 : i32
      %dma_start3A_312 = tpu.memref_slice %arg11[%dma_start3A_310, %dma_start3A_311] : memref<8x128xi32, #tpu.memory_space<vmem>> -> memref<1x128xi32, #tpu.memory_space<vmem>>
      %dma_start3A_313 = tpu.memref_squeeze %dma_start3A_312 : memref<1x128xi32, #tpu.memory_space<vmem>> -> memref<128xi32, #tpu.memory_space<vmem>>
      %dma_start3A_314 = arith.constant 0 : i32
      %dma_start3A_315 = arith.constant 0 : i32
      %dma_start3A_316 = tpu.memref_slice %arg7[%dma_start3A_314, %dma_start3A_315] : memref<10240x128xf32, #tpu.memory_space<vmem_shared>> -> memref<10240x128xf32, #tpu.memory_space<vmem_shared>>
      tpu.enqueue_indirect_dma source(%arg13 : memref<128x128xf32, #tpu.memory_space<vmem>>) target(%dma_start3A_316 : memref<10240x128xf32, #tpu.memory_space<vmem_shared>>) offsets(%dma_start3A_313 : memref<128xi32, #tpu.memory_space<vmem>>) semaphore(%arg15 : memref<!tpu.dma_semaphore, #tpu.memory_space<semaphore_mem>>) {add = true}
      %add3A_317 = arith.constant 12 : i32
      %add3A_318 = arith.addi %mul3A_66, %add3A_317 : i32
      %lt3A_319 = arith.cmpi slt, %add3A_318, %select_n3A : i32
      %convert_element_type3A_320 = arith.extui %lt3A_319 : i1 to i32
      %cond3A_321 = arith.constant 0 : i32
      %cond3A_322 = arith.cmpi ne, %convert_element_type3A_320, %cond3A_321 : i32
      scf.if %cond3A_322 {
        %ge3A = arith.constant 2 : i32
        %ge3A_408 = arith.cmpi sge, %add3A_318, %ge3A : i32
        %convert_element_type3A_409 = arith.extui %ge3A_408 : i1 to i32
        %cond3A_410 = arith.constant 0 : i32
        %cond3A_411 = arith.cmpi ne, %convert_element_type3A_409, %cond3A_410 : i32
        scf.if %cond3A_411 {
          %dma_wait3A_423 = arith.constant 0 : i32
          %dma_wait3A_424 = arith.constant 0 : i32
          %dma_wait3A_425 = tpu.memref_slice %arg5[%dma_wait3A_423, %dma_wait3A_424] : memref<10240x128xf32, #tpu.memory_space<hbm>> -> memref<128x128xf32, #tpu.memory_space<hbm>>
          %dma_wait3A_426 = arith.constant 0 : i32
          %dma_wait3A_427 = arith.constant 0 : i32
          %dma_wait3A_428 = tpu.memref_slice %arg5[%dma_wait3A_426, %dma_wait3A_427] : memref<10240x128xf32, #tpu.memory_space<hbm>> -> memref<128x128xf32, #tpu.memory_space<hbm>>
          tpu.wait_dma2 semaphore(%arg15 : memref<!tpu.dma_semaphore, #tpu.memory_space<semaphore_mem>>) src(%dma_wait3A_428 : memref<128x128xf32, #tpu.memory_space<hbm>>) dst(%arg12 : memref<128x128xf32, #tpu.memory_space<vmem>>)
        } else {
        }
        %dma_start3A_412 = arith.constant 4 : i32
        %dma_start3A_413 = arith.constant 0 : i32
        %dma_start3A_414 = tpu.memref_slice %arg9[%dma_start3A_412, %dma_start3A_413] : memref<8x128xi32, #tpu.memory_space<vmem>> -> memref<1x128xi32, #tpu.memory_space<vmem>>
        %dma_start3A_415 = tpu.memref_squeeze %dma_start3A_414 : memref<1x128xi32, #tpu.memory_space<vmem>> -> memref<128xi32, #tpu.memory_space<vmem>>
        %dma_start3A_416 = arith.constant 0 : i32
        %dma_start3A_417 = arith.constant 0 : i32
        %dma_start3A_418 = tpu.memref_slice %arg2[%arg0, %dma_start3A_416, %dma_start3A_417] : memref<2x10240x128xf32, #tpu.memory_space<hbm>> -> memref<1x10240x128xf32, #tpu.memory_space<hbm>>
        %dma_start3A_419 = tpu.memref_squeeze %dma_start3A_418 : memref<1x10240x128xf32, #tpu.memory_space<hbm>> -> memref<10240x128xf32, #tpu.memory_space<hbm>>
        %dma_start3A_420 = arith.constant 0 : i32
        %dma_start3A_421 = arith.constant 0 : i32
        %dma_start3A_422 = tpu.memref_slice %dma_start3A_419[%dma_start3A_420, %dma_start3A_421] : memref<10240x128xf32, #tpu.memory_space<hbm>> -> memref<10240x128xf32, #tpu.memory_space<hbm>>
        tpu.enqueue_indirect_dma source(%dma_start3A_422 : memref<10240x128xf32, #tpu.memory_space<hbm>>) target(%arg12 : memref<128x128xf32, #tpu.memory_space<vmem>>) offsets(%dma_start3A_415 : memref<128xi32, #tpu.memory_space<vmem>>) semaphore(%arg14 : memref<!tpu.dma_semaphore, #tpu.memory_space<semaphore_mem>>)
      } else {
      }
      %dma_wait3A_323 = arith.constant 0 : i32
      %dma_wait3A_324 = arith.constant 0 : i32
      %dma_wait3A_325 = tpu.memref_slice %arg5[%dma_wait3A_323, %dma_wait3A_324] : memref<10240x128xf32, #tpu.memory_space<hbm>> -> memref<128x128xf32, #tpu.memory_space<hbm>>
      %dma_wait3A_326 = arith.constant 0 : i32
      %dma_wait3A_327 = arith.constant 0 : i32
      %dma_wait3A_328 = tpu.memref_slice %arg5[%dma_wait3A_326, %dma_wait3A_327] : memref<10240x128xf32, #tpu.memory_space<hbm>> -> memref<128x128xf32, #tpu.memory_space<hbm>>
      tpu.wait_dma2 semaphore(%arg14 : memref<!tpu.dma_semaphore, #tpu.memory_space<semaphore_mem>>) src(%dma_wait3A_328 : memref<128x128xf32, #tpu.memory_space<hbm>>) dst(%arg12 : memref<128x128xf32, #tpu.memory_space<vmem>>)
      %dma_start3A_329 = arith.constant 4 : i32
      %dma_start3A_330 = arith.constant 0 : i32
      %dma_start3A_331 = tpu.memref_slice %arg11[%dma_start3A_329, %dma_start3A_330] : memref<8x128xi32, #tpu.memory_space<vmem>> -> memref<1x128xi32, #tpu.memory_space<vmem>>
      %dma_start3A_332 = tpu.memref_squeeze %dma_start3A_331 : memref<1x128xi32, #tpu.memory_space<vmem>> -> memref<128xi32, #tpu.memory_space<vmem>>
      %dma_start3A_333 = arith.constant 0 : i32
      %dma_start3A_334 = arith.constant 0 : i32
      %dma_start3A_335 = tpu.memref_slice %arg7[%dma_start3A_333, %dma_start3A_334] : memref<10240x128xf32, #tpu.memory_space<vmem_shared>> -> memref<10240x128xf32, #tpu.memory_space<vmem_shared>>
      tpu.enqueue_indirect_dma source(%arg12 : memref<128x128xf32, #tpu.memory_space<vmem>>) target(%dma_start3A_335 : memref<10240x128xf32, #tpu.memory_space<vmem_shared>>) offsets(%dma_start3A_332 : memref<128xi32, #tpu.memory_space<vmem>>) semaphore(%arg15 : memref<!tpu.dma_semaphore, #tpu.memory_space<semaphore_mem>>) {add = true}
      %add3A_336 = arith.constant 13 : i32
      %add3A_337 = arith.addi %mul3A_66, %add3A_336 : i32
      %lt3A_338 = arith.cmpi slt, %add3A_337, %select_n3A : i32
      %convert_element_type3A_339 = arith.extui %lt3A_338 : i1 to i32
      %cond3A_340 = arith.constant 0 : i32
      %cond3A_341 = arith.cmpi ne, %convert_element_type3A_339, %cond3A_340 : i32
      scf.if %cond3A_341 {
        %ge3A = arith.constant 2 : i32
        %ge3A_408 = arith.cmpi sge, %add3A_337, %ge3A : i32
        %convert_element_type3A_409 = arith.extui %ge3A_408 : i1 to i32
        %cond3A_410 = arith.constant 0 : i32
        %cond3A_411 = arith.cmpi ne, %convert_element_type3A_409, %cond3A_410 : i32
        scf.if %cond3A_411 {
          %dma_wait3A_423 = arith.constant 0 : i32
          %dma_wait3A_424 = arith.constant 0 : i32
          %dma_wait3A_425 = tpu.memref_slice %arg5[%dma_wait3A_423, %dma_wait3A_424] : memref<10240x128xf32, #tpu.memory_space<hbm>> -> memref<128x128xf32, #tpu.memory_space<hbm>>
          %dma_wait3A_426 = arith.constant 0 : i32
          %dma_wait3A_427 = arith.constant 0 : i32
          %dma_wait3A_428 = tpu.memref_slice %arg5[%dma_wait3A_426, %dma_wait3A_427] : memref<10240x128xf32, #tpu.memory_space<hbm>> -> memref<128x128xf32, #tpu.memory_space<hbm>>
          tpu.wait_dma2 semaphore(%arg15 : memref<!tpu.dma_semaphore, #tpu.memory_space<semaphore_mem>>) src(%dma_wait3A_428 : memref<128x128xf32, #tpu.memory_space<hbm>>) dst(%arg13 : memref<128x128xf32, #tpu.memory_space<vmem>>)
        } else {
        }
        %dma_start3A_412 = arith.constant 5 : i32
        %dma_start3A_413 = arith.constant 0 : i32
        %dma_start3A_414 = tpu.memref_slice %arg9[%dma_start3A_412, %dma_start3A_413] : memref<8x128xi32, #tpu.memory_space<vmem>> -> memref<1x128xi32, #tpu.memory_space<vmem>>
        %dma_start3A_415 = tpu.memref_squeeze %dma_start3A_414 : memref<1x128xi32, #tpu.memory_space<vmem>> -> memref<128xi32, #tpu.memory_space<vmem>>
        %dma_start3A_416 = arith.constant 0 : i32
        %dma_start3A_417 = arith.constant 0 : i32
        %dma_start3A_418 = tpu.memref_slice %arg2[%arg0, %dma_start3A_416, %dma_start3A_417] : memref<2x10240x128xf32, #tpu.memory_space<hbm>> -> memref<1x10240x128xf32, #tpu.memory_space<hbm>>
        %dma_start3A_419 = tpu.memref_squeeze %dma_start3A_418 : memref<1x10240x128xf32, #tpu.memory_space<hbm>> -> memref<10240x128xf32, #tpu.memory_space<hbm>>
        %dma_start3A_420 = arith.constant 0 : i32
        %dma_start3A_421 = arith.constant 0 : i32
        %dma_start3A_422 = tpu.memref_slice %dma_start3A_419[%dma_start3A_420, %dma_start3A_421] : memref<10240x128xf32, #tpu.memory_space<hbm>> -> memref<10240x128xf32, #tpu.memory_space<hbm>>
        tpu.enqueue_indirect_dma source(%dma_start3A_422 : memref<10240x128xf32, #tpu.memory_space<hbm>>) target(%arg13 : memref<128x128xf32, #tpu.memory_space<vmem>>) offsets(%dma_start3A_415 : memref<128xi32, #tpu.memory_space<vmem>>) semaphore(%arg14 : memref<!tpu.dma_semaphore, #tpu.memory_space<semaphore_mem>>)
      } else {
      }
      %dma_wait3A_342 = arith.constant 0 : i32
      %dma_wait3A_343 = arith.constant 0 : i32
      %dma_wait3A_344 = tpu.memref_slice %arg5[%dma_wait3A_342, %dma_wait3A_343] : memref<10240x128xf32, #tpu.memory_space<hbm>> -> memref<128x128xf32, #tpu.memory_space<hbm>>
      %dma_wait3A_345 = arith.constant 0 : i32
      %dma_wait3A_346 = arith.constant 0 : i32
      %dma_wait3A_347 = tpu.memref_slice %arg5[%dma_wait3A_345, %dma_wait3A_346] : memref<10240x128xf32, #tpu.memory_space<hbm>> -> memref<128x128xf32, #tpu.memory_space<hbm>>
      tpu.wait_dma2 semaphore(%arg14 : memref<!tpu.dma_semaphore, #tpu.memory_space<semaphore_mem>>) src(%dma_wait3A_347 : memref<128x128xf32, #tpu.memory_space<hbm>>) dst(%arg13 : memref<128x128xf32, #tpu.memory_space<vmem>>)
      %dma_start3A_348 = arith.constant 5 : i32
      %dma_start3A_349 = arith.constant 0 : i32
      %dma_start3A_350 = tpu.memref_slice %arg11[%dma_start3A_348, %dma_start3A_349] : memref<8x128xi32, #tpu.memory_space<vmem>> -> memref<1x128xi32, #tpu.memory_space<vmem>>
      %dma_start3A_351 = tpu.memref_squeeze %dma_start3A_350 : memref<1x128xi32, #tpu.memory_space<vmem>> -> memref<128xi32, #tpu.memory_space<vmem>>
      %dma_start3A_352 = arith.constant 0 : i32
      %dma_start3A_353 = arith.constant 0 : i32
      %dma_start3A_354 = tpu.memref_slice %arg7[%dma_start3A_352, %dma_start3A_353] : memref<10240x128xf32, #tpu.memory_space<vmem_shared>> -> memref<10240x128xf32, #tpu.memory_space<vmem_shared>>
      tpu.enqueue_indirect_dma source(%arg13 : memref<128x128xf32, #tpu.memory_space<vmem>>) target(%dma_start3A_354 : memref<10240x128xf32, #tpu.memory_space<vmem_shared>>) offsets(%dma_start3A_351 : memref<128xi32, #tpu.memory_space<vmem>>) semaphore(%arg15 : memref<!tpu.dma_semaphore, #tpu.memory_space<semaphore_mem>>) {add = true}
      %add3A_355 = arith.constant 14 : i32
      %add3A_356 = arith.addi %mul3A_66, %add3A_355 : i32
      %lt3A_357 = arith.cmpi slt, %add3A_356, %select_n3A : i32
      %convert_element_type3A_358 = arith.extui %lt3A_357 : i1 to i32
      %cond3A_359 = arith.constant 0 : i32
      %cond3A_360 = arith.cmpi ne, %convert_element_type3A_358, %cond3A_359 : i32
      scf.if %cond3A_360 {
        %ge3A = arith.constant 2 : i32
        %ge3A_408 = arith.cmpi sge, %add3A_356, %ge3A : i32
        %convert_element_type3A_409 = arith.extui %ge3A_408 : i1 to i32
        %cond3A_410 = arith.constant 0 : i32
        %cond3A_411 = arith.cmpi ne, %convert_element_type3A_409, %cond3A_410 : i32
        scf.if %cond3A_411 {
          %dma_wait3A_423 = arith.constant 0 : i32
          %dma_wait3A_424 = arith.constant 0 : i32
          %dma_wait3A_425 = tpu.memref_slice %arg5[%dma_wait3A_423, %dma_wait3A_424] : memref<10240x128xf32, #tpu.memory_space<hbm>> -> memref<128x128xf32, #tpu.memory_space<hbm>>
          %dma_wait3A_426 = arith.constant 0 : i32
          %dma_wait3A_427 = arith.constant 0 : i32
          %dma_wait3A_428 = tpu.memref_slice %arg5[%dma_wait3A_426, %dma_wait3A_427] : memref<10240x128xf32, #tpu.memory_space<hbm>> -> memref<128x128xf32, #tpu.memory_space<hbm>>
          tpu.wait_dma2 semaphore(%arg15 : memref<!tpu.dma_semaphore, #tpu.memory_space<semaphore_mem>>) src(%dma_wait3A_428 : memref<128x128xf32, #tpu.memory_space<hbm>>) dst(%arg12 : memref<128x128xf32, #tpu.memory_space<vmem>>)
        } else {
        }
        %dma_start3A_412 = arith.constant 6 : i32
        %dma_start3A_413 = arith.constant 0 : i32
        %dma_start3A_414 = tpu.memref_slice %arg9[%dma_start3A_412, %dma_start3A_413] : memref<8x128xi32, #tpu.memory_space<vmem>> -> memref<1x128xi32, #tpu.memory_space<vmem>>
        %dma_start3A_415 = tpu.memref_squeeze %dma_start3A_414 : memref<1x128xi32, #tpu.memory_space<vmem>> -> memref<128xi32, #tpu.memory_space<vmem>>
        %dma_start3A_416 = arith.constant 0 : i32
        %dma_start3A_417 = arith.constant 0 : i32
        %dma_start3A_418 = tpu.memref_slice %arg2[%arg0, %dma_start3A_416, %dma_start3A_417] : memref<2x10240x128xf32, #tpu.memory_space<hbm>> -> memref<1x10240x128xf32, #tpu.memory_space<hbm>>
        %dma_start3A_419 = tpu.memref_squeeze %dma_start3A_418 : memref<1x10240x128xf32, #tpu.memory_space<hbm>> -> memref<10240x128xf32, #tpu.memory_space<hbm>>
        %dma_start3A_420 = arith.constant 0 : i32
        %dma_start3A_421 = arith.constant 0 : i32
        %dma_start3A_422 = tpu.memref_slice %dma_start3A_419[%dma_start3A_420, %dma_start3A_421] : memref<10240x128xf32, #tpu.memory_space<hbm>> -> memref<10240x128xf32, #tpu.memory_space<hbm>>
        tpu.enqueue_indirect_dma source(%dma_start3A_422 : memref<10240x128xf32, #tpu.memory_space<hbm>>) target(%arg12 : memref<128x128xf32, #tpu.memory_space<vmem>>) offsets(%dma_start3A_415 : memref<128xi32, #tpu.memory_space<vmem>>) semaphore(%arg14 : memref<!tpu.dma_semaphore, #tpu.memory_space<semaphore_mem>>)
      } else {
      }
      %dma_wait3A_361 = arith.constant 0 : i32
      %dma_wait3A_362 = arith.constant 0 : i32
      %dma_wait3A_363 = tpu.memref_slice %arg5[%dma_wait3A_361, %dma_wait3A_362] : memref<10240x128xf32, #tpu.memory_space<hbm>> -> memref<128x128xf32, #tpu.memory_space<hbm>>
      %dma_wait3A_364 = arith.constant 0 : i32
      %dma_wait3A_365 = arith.constant 0 : i32
      %dma_wait3A_366 = tpu.memref_slice %arg5[%dma_wait3A_364, %dma_wait3A_365] : memref<10240x128xf32, #tpu.memory_space<hbm>> -> memref<128x128xf32, #tpu.memory_space<hbm>>
      tpu.wait_dma2 semaphore(%arg14 : memref<!tpu.dma_semaphore, #tpu.memory_space<semaphore_mem>>) src(%dma_wait3A_366 : memref<128x128xf32, #tpu.memory_space<hbm>>) dst(%arg12 : memref<128x128xf32, #tpu.memory_space<vmem>>)
      %dma_start3A_367 = arith.constant 6 : i32
      %dma_start3A_368 = arith.constant 0 : i32
      %dma_start3A_369 = tpu.memref_slice %arg11[%dma_start3A_367, %dma_start3A_368] : memref<8x128xi32, #tpu.memory_space<vmem>> -> memref<1x128xi32, #tpu.memory_space<vmem>>
      %dma_start3A_370 = tpu.memref_squeeze %dma_start3A_369 : memref<1x128xi32, #tpu.memory_space<vmem>> -> memref<128xi32, #tpu.memory_space<vmem>>
      %dma_start3A_371 = arith.constant 0 : i32
      %dma_start3A_372 = arith.constant 0 : i32
      %dma_start3A_373 = tpu.memref_slice %arg7[%dma_start3A_371, %dma_start3A_372] : memref<10240x128xf32, #tpu.memory_space<vmem_shared>> -> memref<10240x128xf32, #tpu.memory_space<vmem_shared>>
      tpu.enqueue_indirect_dma source(%arg12 : memref<128x128xf32, #tpu.memory_space<vmem>>) target(%dma_start3A_373 : memref<10240x128xf32, #tpu.memory_space<vmem_shared>>) offsets(%dma_start3A_370 : memref<128xi32, #tpu.memory_space<vmem>>) semaphore(%arg15 : memref<!tpu.dma_semaphore, #tpu.memory_space<semaphore_mem>>) {add = true}
      %add3A_374 = arith.constant 15 : i32
      %add3A_375 = arith.addi %mul3A_66, %add3A_374 : i32
      %lt3A_376 = arith.cmpi slt, %add3A_375, %select_n3A : i32
      %convert_element_type3A_377 = arith.extui %lt3A_376 : i1 to i32
      %cond3A_378 = arith.constant 0 : i32
      %cond3A_379 = arith.cmpi ne, %convert_element_type3A_377, %cond3A_378 : i32
      scf.if %cond3A_379 {
        %ge3A = arith.constant 2 : i32
        %ge3A_408 = arith.cmpi sge, %add3A_375, %ge3A : i32
        %convert_element_type3A_409 = arith.extui %ge3A_408 : i1 to i32
        %cond3A_410 = arith.constant 0 : i32
        %cond3A_411 = arith.cmpi ne, %convert_element_type3A_409, %cond3A_410 : i32
        scf.if %cond3A_411 {
          %dma_wait3A_423 = arith.constant 0 : i32
          %dma_wait3A_424 = arith.constant 0 : i32
          %dma_wait3A_425 = tpu.memref_slice %arg5[%dma_wait3A_423, %dma_wait3A_424] : memref<10240x128xf32, #tpu.memory_space<hbm>> -> memref<128x128xf32, #tpu.memory_space<hbm>>
          %dma_wait3A_426 = arith.constant 0 : i32
          %dma_wait3A_427 = arith.constant 0 : i32
          %dma_wait3A_428 = tpu.memref_slice %arg5[%dma_wait3A_426, %dma_wait3A_427] : memref<10240x128xf32, #tpu.memory_space<hbm>> -> memref<128x128xf32, #tpu.memory_space<hbm>>
          tpu.wait_dma2 semaphore(%arg15 : memref<!tpu.dma_semaphore, #tpu.memory_space<semaphore_mem>>) src(%dma_wait3A_428 : memref<128x128xf32, #tpu.memory_space<hbm>>) dst(%arg13 : memref<128x128xf32, #tpu.memory_space<vmem>>)
        } else {
        }
        %dma_start3A_412 = arith.constant 7 : i32
        %dma_start3A_413 = arith.constant 0 : i32
        %dma_start3A_414 = tpu.memref_slice %arg9[%dma_start3A_412, %dma_start3A_413] : memref<8x128xi32, #tpu.memory_space<vmem>> -> memref<1x128xi32, #tpu.memory_space<vmem>>
        %dma_start3A_415 = tpu.memref_squeeze %dma_start3A_414 : memref<1x128xi32, #tpu.memory_space<vmem>> -> memref<128xi32, #tpu.memory_space<vmem>>
        %dma_start3A_416 = arith.constant 0 : i32
        %dma_start3A_417 = arith.constant 0 : i32
        %dma_start3A_418 = tpu.memref_slice %arg2[%arg0, %dma_start3A_416, %dma_start3A_417] : memref<2x10240x128xf32, #tpu.memory_space<hbm>> -> memref<1x10240x128xf32, #tpu.memory_space<hbm>>
        %dma_start3A_419 = tpu.memref_squeeze %dma_start3A_418 : memref<1x10240x128xf32, #tpu.memory_space<hbm>> -> memref<10240x128xf32, #tpu.memory_space<hbm>>
        %dma_start3A_420 = arith.constant 0 : i32
        %dma_start3A_421 = arith.constant 0 : i32
        %dma_start3A_422 = tpu.memref_slice %dma_start3A_419[%dma_start3A_420, %dma_start3A_421] : memref<10240x128xf32, #tpu.memory_space<hbm>> -> memref<10240x128xf32, #tpu.memory_space<hbm>>
        tpu.enqueue_indirect_dma source(%dma_start3A_422 : memref<10240x128xf32, #tpu.memory_space<hbm>>) target(%arg13 : memref<128x128xf32, #tpu.memory_space<vmem>>) offsets(%dma_start3A_415 : memref<128xi32, #tpu.memory_space<vmem>>) semaphore(%arg14 : memref<!tpu.dma_semaphore, #tpu.memory_space<semaphore_mem>>)
      } else {
      }
      %dma_wait3A_380 = arith.constant 0 : i32
      %dma_wait3A_381 = tpu.memref_slice %arg3[%min3A_257, %dma_wait3A_380] : memref<2560x128xi32, #tpu.memory_space<hbm>> -> memref<8x128xi32, #tpu.memory_space<hbm>>
      %dma_wait3A_382 = arith.constant 0 : i32
      %dma_wait3A_383 = tpu.memref_slice %arg3[%min3A_257, %dma_wait3A_382] : memref<2560x128xi32, #tpu.memory_space<hbm>> -> memref<8x128xi32, #tpu.memory_space<hbm>>
      tpu.wait_dma2 semaphore(%arg16 : memref<!tpu.dma_semaphore, #tpu.memory_space<semaphore_mem>>) src(%dma_wait3A_383 : memref<8x128xi32, #tpu.memory_space<hbm>>) dst(%arg8 : memref<8x128xi32, #tpu.memory_space<vmem>>)
      %dma_wait3A_384 = arith.constant 0 : i32
      %dma_wait3A_385 = tpu.memref_slice %arg4[%min3A_257, %dma_wait3A_384] : memref<2560x128xi32, #tpu.memory_space<hbm>> -> memref<8x128xi32, #tpu.memory_space<hbm>>
      %dma_wait3A_386 = arith.constant 0 : i32
      %dma_wait3A_387 = tpu.memref_slice %arg4[%min3A_257, %dma_wait3A_386] : memref<2560x128xi32, #tpu.memory_space<hbm>> -> memref<8x128xi32, #tpu.memory_space<hbm>>
      tpu.wait_dma2 semaphore(%arg16 : memref<!tpu.dma_semaphore, #tpu.memory_space<semaphore_mem>>) src(%dma_wait3A_387 : memref<8x128xi32, #tpu.memory_space<hbm>>) dst(%arg10 : memref<8x128xi32, #tpu.memory_space<vmem>>)
      %dma_wait3A_388 = arith.constant 0 : i32
      %dma_wait3A_389 = arith.constant 0 : i32
      %dma_wait3A_390 = tpu.memref_slice %arg5[%dma_wait3A_388, %dma_wait3A_389] : memref<10240x128xf32, #tpu.memory_space<hbm>> -> memref<128x128xf32, #tpu.memory_space<hbm>>
      %dma_wait3A_391 = arith.constant 0 : i32
      %dma_wait3A_392 = arith.constant 0 : i32
      %dma_wait3A_393 = tpu.memref_slice %arg5[%dma_wait3A_391, %dma_wait3A_392] : memref<10240x128xf32, #tpu.memory_space<hbm>> -> memref<128x128xf32, #tpu.memory_space<hbm>>
      tpu.wait_dma2 semaphore(%arg14 : memref<!tpu.dma_semaphore, #tpu.memory_space<semaphore_mem>>) src(%dma_wait3A_393 : memref<128x128xf32, #tpu.memory_space<hbm>>) dst(%arg13 : memref<128x128xf32, #tpu.memory_space<vmem>>)
      %dma_start3A_394 = arith.constant 7 : i32
      %dma_start3A_395 = arith.constant 0 : i32
      %dma_start3A_396 = tpu.memref_slice %arg11[%dma_start3A_394, %dma_start3A_395] : memref<8x128xi32, #tpu.memory_space<vmem>> -> memref<1x128xi32, #tpu.memory_space<vmem>>
      %dma_start3A_397 = tpu.memref_squeeze %dma_start3A_396 : memref<1x128xi32, #tpu.memory_space<vmem>> -> memref<128xi32, #tpu.memory_space<vmem>>
      %dma_start3A_398 = arith.constant 0 : i32
      %dma_start3A_399 = arith.constant 0 : i32
      %dma_start3A_400 = tpu.memref_slice %arg7[%dma_start3A_398, %dma_start3A_399] : memref<10240x128xf32, #tpu.memory_space<vmem_shared>> -> memref<10240x128xf32, #tpu.memory_space<vmem_shared>>
      tpu.enqueue_indirect_dma source(%arg13 : memref<128x128xf32, #tpu.memory_space<vmem>>) target(%dma_start3A_400 : memref<10240x128xf32, #tpu.memory_space<vmem_shared>>) offsets(%dma_start3A_397 : memref<128xi32, #tpu.memory_space<vmem>>) semaphore(%arg15 : memref<!tpu.dma_semaphore, #tpu.memory_space<semaphore_mem>>) {add = true}
      %add3A_401 = arith.constant 16 : i32
      %add3A_402 = arith.addi %mul3A_66, %add3A_401 : i32
      %lt3A_403 = arith.cmpi slt, %add3A_402, %select_n3A : i32
      %convert_element_type3A_404 = arith.extui %lt3A_403 : i1 to i32
      %cond3A_405 = arith.constant 0 : i32
      %cond3A_406 = arith.cmpi ne, %convert_element_type3A_404, %cond3A_405 : i32
      scf.if %cond3A_406 {
        %ge3A = arith.constant 2 : i32
        %ge3A_408 = arith.cmpi sge, %add3A_402, %ge3A : i32
        %convert_element_type3A_409 = arith.extui %ge3A_408 : i1 to i32
        %cond3A_410 = arith.constant 0 : i32
        %cond3A_411 = arith.cmpi ne, %convert_element_type3A_409, %cond3A_410 : i32
        scf.if %cond3A_411 {
          %dma_wait3A_423 = arith.constant 0 : i32
          %dma_wait3A_424 = arith.constant 0 : i32
          %dma_wait3A_425 = tpu.memref_slice %arg5[%dma_wait3A_423, %dma_wait3A_424] : memref<10240x128xf32, #tpu.memory_space<hbm>> -> memref<128x128xf32, #tpu.memory_space<hbm>>
          %dma_wait3A_426 = arith.constant 0 : i32
          %dma_wait3A_427 = arith.constant 0 : i32
          %dma_wait3A_428 = tpu.memref_slice %arg5[%dma_wait3A_426, %dma_wait3A_427] : memref<10240x128xf32, #tpu.memory_space<hbm>> -> memref<128x128xf32, #tpu.memory_space<hbm>>
          tpu.wait_dma2 semaphore(%arg15 : memref<!tpu.dma_semaphore, #tpu.memory_space<semaphore_mem>>) src(%dma_wait3A_428 : memref<128x128xf32, #tpu.memory_space<hbm>>) dst(%arg12 : memref<128x128xf32, #tpu.memory_space<vmem>>)
        } else {
        }
        %dma_start3A_412 = arith.constant 0 : i32
        %dma_start3A_413 = arith.constant 0 : i32
        %dma_start3A_414 = tpu.memref_slice %arg8[%dma_start3A_412, %dma_start3A_413] : memref<8x128xi32, #tpu.memory_space<vmem>> -> memref<1x128xi32, #tpu.memory_space<vmem>>
        %dma_start3A_415 = tpu.memref_squeeze %dma_start3A_414 : memref<1x128xi32, #tpu.memory_space<vmem>> -> memref<128xi32, #tpu.memory_space<vmem>>
        %dma_start3A_416 = arith.constant 0 : i32
        %dma_start3A_417 = arith.constant 0 : i32
        %dma_start3A_418 = tpu.memref_slice %arg2[%arg0, %dma_start3A_416, %dma_start3A_417] : memref<2x10240x128xf32, #tpu.memory_space<hbm>> -> memref<1x10240x128xf32, #tpu.memory_space<hbm>>
        %dma_start3A_419 = tpu.memref_squeeze %dma_start3A_418 : memref<1x10240x128xf32, #tpu.memory_space<hbm>> -> memref<10240x128xf32, #tpu.memory_space<hbm>>
        %dma_start3A_420 = arith.constant 0 : i32
        %dma_start3A_421 = arith.constant 0 : i32
        %dma_start3A_422 = tpu.memref_slice %dma_start3A_419[%dma_start3A_420, %dma_start3A_421] : memref<10240x128xf32, #tpu.memory_space<hbm>> -> memref<10240x128xf32, #tpu.memory_space<hbm>>
        tpu.enqueue_indirect_dma source(%dma_start3A_422 : memref<10240x128xf32, #tpu.memory_space<hbm>>) target(%arg12 : memref<128x128xf32, #tpu.memory_space<vmem>>) offsets(%dma_start3A_415 : memref<128xi32, #tpu.memory_space<vmem>>) semaphore(%arg14 : memref<!tpu.dma_semaphore, #tpu.memory_space<semaphore_mem>>)
      } else {
      }
      %while3A_407 = arith.constant 0 : i32
      scf.yield %while3A_407 : i32
    }
    %while3A_46 = arith.constant 1 : i32
    %while3A_47 = scf.for %while3A_60 = %while3A_43 to %while3A_39 step %while3A_46 iter_args(%while3A_61 = %while3A_45) -> (i32)  : i32 {
      %mul3A_62 = arith.constant 16 : i32
      %mul3A_63 = arith.muli %while3A_60, %mul3A_62 : i32
      %add3A_64 = arith.addi %select_n3A_8, %mul3A_63 : i32
      %mul3A_65 = arith.constant 16 : i32
      %mul3A_66 = arith.muli %while3A_60, %mul3A_65 : i32
      %dma_wait3A_67 = arith.constant 0 : i32
      %dma_wait3A_68 = arith.constant 0 : i32
      %dma_wait3A_69 = tpu.memref_slice %arg5[%dma_wait3A_67, %dma_wait3A_68] : memref<10240x128xf32, #tpu.memory_space<hbm>> -> memref<128x128xf32, #tpu.memory_space<hbm>>
      %dma_wait3A_70 = arith.constant 0 : i32
      %dma_wait3A_71 = arith.constant 0 : i32
      %dma_wait3A_72 = tpu.memref_slice %arg5[%dma_wait3A_70, %dma_wait3A_71] : memref<10240x128xf32, #tpu.memory_space<hbm>> -> memref<128x128xf32, #tpu.memory_space<hbm>>
      tpu.wait_dma2 semaphore(%arg14 : memref<!tpu.dma_semaphore, #tpu.memory_space<semaphore_mem>>) src(%dma_wait3A_72 : memref<128x128xf32, #tpu.memory_space<hbm>>) dst(%arg12 : memref<128x128xf32, #tpu.memory_space<vmem>>)
      %dma_start3A_73 = arith.constant 0 : i32
      %dma_start3A_74 = arith.constant 0 : i32
      %dma_start3A_75 = tpu.memref_slice %arg10[%dma_start3A_73, %dma_start3A_74] : memref<8x128xi32, #tpu.memory_space<vmem>> -> memref<1x128xi32, #tpu.memory_space<vmem>>
      %dma_start3A_76 = tpu.memref_squeeze %dma_start3A_75 : memref<1x128xi32, #tpu.memory_space<vmem>> -> memref<128xi32, #tpu.memory_space<vmem>>
      %dma_start3A_77 = arith.constant 0 : i32
      %dma_start3A_78 = arith.constant 0 : i32
      %dma_start3A_79 = tpu.memref_slice %arg7[%dma_start3A_77, %dma_start3A_78] : memref<10240x128xf32, #tpu.memory_space<vmem_shared>> -> memref<10240x128xf32, #tpu.memory_space<vmem_shared>>
      tpu.enqueue_indirect_dma source(%arg12 : memref<128x128xf32, #tpu.memory_space<vmem>>) target(%dma_start3A_79 : memref<10240x128xf32, #tpu.memory_space<vmem_shared>>) offsets(%dma_start3A_76 : memref<128xi32, #tpu.memory_space<vmem>>) semaphore(%arg15 : memref<!tpu.dma_semaphore, #tpu.memory_space<semaphore_mem>>) {add = true}
      %add3A_80 = arith.constant 1 : i32
      %add3A_81 = arith.addi %mul3A_66, %add3A_80 : i32
      %lt3A = arith.cmpi slt, %add3A_81, %select_n3A : i32
      %convert_element_type3A = arith.extui %lt3A : i1 to i32
      %cond3A = arith.constant 0 : i32
      %cond3A_82 = arith.cmpi ne, %convert_element_type3A, %cond3A : i32
      scf.if %cond3A_82 {
        %ge3A = arith.constant 2 : i32
        %ge3A_408 = arith.cmpi sge, %add3A_81, %ge3A : i32
        %convert_element_type3A_409 = arith.extui %ge3A_408 : i1 to i32
        %cond3A_410 = arith.constant 0 : i32
        %cond3A_411 = arith.cmpi ne, %convert_element_type3A_409, %cond3A_410 : i32
        scf.if %cond3A_411 {
          %dma_wait3A_423 = arith.constant 0 : i32
          %dma_wait3A_424 = arith.constant 0 : i32
          %dma_wait3A_425 = tpu.memref_slice %arg5[%dma_wait3A_423, %dma_wait3A_424] : memref<10240x128xf32, #tpu.memory_space<hbm>> -> memref<128x128xf32, #tpu.memory_space<hbm>>
          %dma_wait3A_426 = arith.constant 0 : i32
          %dma_wait3A_427 = arith.constant 0 : i32
          %dma_wait3A_428 = tpu.memref_slice %arg5[%dma_wait3A_426, %dma_wait3A_427] : memref<10240x128xf32, #tpu.memory_space<hbm>> -> memref<128x128xf32, #tpu.memory_space<hbm>>
          tpu.wait_dma2 semaphore(%arg15 : memref<!tpu.dma_semaphore, #tpu.memory_space<semaphore_mem>>) src(%dma_wait3A_428 : memref<128x128xf32, #tpu.memory_space<hbm>>) dst(%arg13 : memref<128x128xf32, #tpu.memory_space<vmem>>)
        } else {
        }
        %dma_start3A_412 = arith.constant 1 : i32
        %dma_start3A_413 = arith.constant 0 : i32
        %dma_start3A_414 = tpu.memref_slice %arg8[%dma_start3A_412, %dma_start3A_413] : memref<8x128xi32, #tpu.memory_space<vmem>> -> memref<1x128xi32, #tpu.memory_space<vmem>>
        %dma_start3A_415 = tpu.memref_squeeze %dma_start3A_414 : memref<1x128xi32, #tpu.memory_space<vmem>> -> memref<128xi32, #tpu.memory_space<vmem>>
        %dma_start3A_416 = arith.constant 0 : i32
        %dma_start3A_417 = arith.constant 0 : i32
        %dma_start3A_418 = tpu.memref_slice %arg2[%arg0, %dma_start3A_416, %dma_start3A_417] : memref<2x10240x128xf32, #tpu.memory_space<hbm>> -> memref<1x10240x128xf32, #tpu.memory_space<hbm>>
        %dma_start3A_419 = tpu.memref_squeeze %dma_start3A_418 : memref<1x10240x128xf32, #tpu.memory_space<hbm>> -> memref<10240x128xf32, #tpu.memory_space<hbm>>
        %dma_start3A_420 = arith.constant 0 : i32
        %dma_start3A_421 = arith.constant 0 : i32
        %dma_start3A_422 = tpu.memref_slice %dma_start3A_419[%dma_start3A_420, %dma_start3A_421] : memref<10240x128xf32, #tpu.memory_space<hbm>> -> memref<10240x128xf32, #tpu.memory_space<hbm>>
        tpu.enqueue_indirect_dma source(%dma_start3A_422 : memref<10240x128xf32, #tpu.memory_space<hbm>>) target(%arg13 : memref<128x128xf32, #tpu.memory_space<vmem>>) offsets(%dma_start3A_415 : memref<128xi32, #tpu.memory_space<vmem>>) semaphore(%arg14 : memref<!tpu.dma_semaphore, #tpu.memory_space<semaphore_mem>>)
      } else {
      }
      %dma_wait3A_83 = arith.constant 0 : i32
      %dma_wait3A_84 = arith.constant 0 : i32
      %dma_wait3A_85 = tpu.memref_slice %arg5[%dma_wait3A_83, %dma_wait3A_84] : memref<10240x128xf32, #tpu.memory_space<hbm>> -> memref<128x128xf32, #tpu.memory_space<hbm>>
      %dma_wait3A_86 = arith.constant 0 : i32
      %dma_wait3A_87 = arith.constant 0 : i32
      %dma_wait3A_88 = tpu.memref_slice %arg5[%dma_wait3A_86, %dma_wait3A_87] : memref<10240x128xf32, #tpu.memory_space<hbm>> -> memref<128x128xf32, #tpu.memory_space<hbm>>
      tpu.wait_dma2 semaphore(%arg14 : memref<!tpu.dma_semaphore, #tpu.memory_space<semaphore_mem>>) src(%dma_wait3A_88 : memref<128x128xf32, #tpu.memory_space<hbm>>) dst(%arg13 : memref<128x128xf32, #tpu.memory_space<vmem>>)
      %dma_start3A_89 = arith.constant 1 : i32
      %dma_start3A_90 = arith.constant 0 : i32
      %dma_start3A_91 = tpu.memref_slice %arg10[%dma_start3A_89, %dma_start3A_90] : memref<8x128xi32, #tpu.memory_space<vmem>> -> memref<1x128xi32, #tpu.memory_space<vmem>>
      %dma_start3A_92 = tpu.memref_squeeze %dma_start3A_91 : memref<1x128xi32, #tpu.memory_space<vmem>> -> memref<128xi32, #tpu.memory_space<vmem>>
      %dma_start3A_93 = arith.constant 0 : i32
      %dma_start3A_94 = arith.constant 0 : i32
      %dma_start3A_95 = tpu.memref_slice %arg7[%dma_start3A_93, %dma_start3A_94] : memref<10240x128xf32, #tpu.memory_space<vmem_shared>> -> memref<10240x128xf32, #tpu.memory_space<vmem_shared>>
      tpu.enqueue_indirect_dma source(%arg13 : memref<128x128xf32, #tpu.memory_space<vmem>>) target(%dma_start3A_95 : memref<10240x128xf32, #tpu.memory_space<vmem_shared>>) offsets(%dma_start3A_92 : memref<128xi32, #tpu.memory_space<vmem>>) semaphore(%arg15 : memref<!tpu.dma_semaphore, #tpu.memory_space<semaphore_mem>>) {add = true}
      %add3A_96 = arith.constant 2 : i32
      %add3A_97 = arith.addi %mul3A_66, %add3A_96 : i32
      %lt3A_98 = arith.cmpi slt, %add3A_97, %select_n3A : i32
      %convert_element_type3A_99 = arith.extui %lt3A_98 : i1 to i32
      %cond3A_100 = arith.constant 0 : i32
      %cond3A_101 = arith.cmpi ne, %convert_element_type3A_99, %cond3A_100 : i32
      scf.if %cond3A_101 {
        %ge3A = arith.constant 2 : i32
        %ge3A_408 = arith.cmpi sge, %add3A_97, %ge3A : i32
        %convert_element_type3A_409 = arith.extui %ge3A_408 : i1 to i32
        %cond3A_410 = arith.constant 0 : i32
        %cond3A_411 = arith.cmpi ne, %convert_element_type3A_409, %cond3A_410 : i32
        scf.if %cond3A_411 {
          %dma_wait3A_423 = arith.constant 0 : i32
          %dma_wait3A_424 = arith.constant 0 : i32
          %dma_wait3A_425 = tpu.memref_slice %arg5[%dma_wait3A_423, %dma_wait3A_424] : memref<10240x128xf32, #tpu.memory_space<hbm>> -> memref<128x128xf32, #tpu.memory_space<hbm>>
          %dma_wait3A_426 = arith.constant 0 : i32
          %dma_wait3A_427 = arith.constant 0 : i32
          %dma_wait3A_428 = tpu.memref_slice %arg5[%dma_wait3A_426, %dma_wait3A_427] : memref<10240x128xf32, #tpu.memory_space<hbm>> -> memref<128x128xf32, #tpu.memory_space<hbm>>
          tpu.wait_dma2 semaphore(%arg15 : memref<!tpu.dma_semaphore, #tpu.memory_space<semaphore_mem>>) src(%dma_wait3A_428 : memref<128x128xf32, #tpu.memory_space<hbm>>) dst(%arg12 : memref<128x128xf32, #tpu.memory_space<vmem>>)
        } else {
        }
        %dma_start3A_412 = arith.constant 2 : i32
        %dma_start3A_413 = arith.constant 0 : i32
        %dma_start3A_414 = tpu.memref_slice %arg8[%dma_start3A_412, %dma_start3A_413] : memref<8x128xi32, #tpu.memory_space<vmem>> -> memref<1x128xi32, #tpu.memory_space<vmem>>
        %dma_start3A_415 = tpu.memref_squeeze %dma_start3A_414 : memref<1x128xi32, #tpu.memory_space<vmem>> -> memref<128xi32, #tpu.memory_space<vmem>>
        %dma_start3A_416 = arith.constant 0 : i32
        %dma_start3A_417 = arith.constant 0 : i32
        %dma_start3A_418 = tpu.memref_slice %arg2[%arg0, %dma_start3A_416, %dma_start3A_417] : memref<2x10240x128xf32, #tpu.memory_space<hbm>> -> memref<1x10240x128xf32, #tpu.memory_space<hbm>>
        %dma_start3A_419 = tpu.memref_squeeze %dma_start3A_418 : memref<1x10240x128xf32, #tpu.memory_space<hbm>> -> memref<10240x128xf32, #tpu.memory_space<hbm>>
        %dma_start3A_420 = arith.constant 0 : i32
        %dma_start3A_421 = arith.constant 0 : i32
        %dma_start3A_422 = tpu.memref_slice %dma_start3A_419[%dma_start3A_420, %dma_start3A_421] : memref<10240x128xf32, #tpu.memory_space<hbm>> -> memref<10240x128xf32, #tpu.memory_space<hbm>>
        tpu.enqueue_indirect_dma source(%dma_start3A_422 : memref<10240x128xf32, #tpu.memory_space<hbm>>) target(%arg12 : memref<128x128xf32, #tpu.memory_space<vmem>>) offsets(%dma_start3A_415 : memref<128xi32, #tpu.memory_space<vmem>>) semaphore(%arg14 : memref<!tpu.dma_semaphore, #tpu.memory_space<semaphore_mem>>)
      } else {
      }
      %add3A_102 = arith.constant 8 : i32
      %add3A_103 = arith.addi %add3A_64, %add3A_102 : i32
      %dma_start3A_104 = arith.constant 0 : i32
      %dma_start3A_105 = tpu.memref_slice %arg3[%add3A_103, %dma_start3A_104] : memref<2560x128xi32, #tpu.memory_space<hbm>> -> memref<8x128xi32, #tpu.memory_space<hbm>>
      %dma_start3A_106 = arith.constant 0 : i32
      %dma_start3A_107 = tpu.memref_slice %arg3[%add3A_103, %dma_start3A_106] : memref<2560x128xi32, #tpu.memory_space<hbm>> -> memref<8x128xi32, #tpu.memory_space<hbm>>
      tpu.enqueue_dma source(%dma_start3A_107 : memref<8x128xi32, #tpu.memory_space<hbm>>) target(%arg9 : memref<8x128xi32, #tpu.memory_space<vmem>>) target_semaphore(%arg16 : memref<!tpu.dma_semaphore, #tpu.memory_space<semaphore_mem>>)
      %add3A_108 = arith.constant 8 : i32
      %add3A_109 = arith.addi %add3A_64, %add3A_108 : i32
      %dma_start3A_110 = arith.constant 0 : i32
      %dma_start3A_111 = tpu.memref_slice %arg4[%add3A_109, %dma_start3A_110] : memref<2560x128xi32, #tpu.memory_space<hbm>> -> memref<8x128xi32, #tpu.memory_space<hbm>>
      %dma_start3A_112 = arith.constant 0 : i32
      %dma_start3A_113 = tpu.memref_slice %arg4[%add3A_109, %dma_start3A_112] : memref<2560x128xi32, #tpu.memory_space<hbm>> -> memref<8x128xi32, #tpu.memory_space<hbm>>
      tpu.enqueue_dma source(%dma_start3A_113 : memref<8x128xi32, #tpu.memory_space<hbm>>) target(%arg11 : memref<8x128xi32, #tpu.memory_space<vmem>>) target_semaphore(%arg16 : memref<!tpu.dma_semaphore, #tpu.memory_space<semaphore_mem>>)
      %dma_wait3A_114 = arith.constant 0 : i32
      %dma_wait3A_115 = arith.constant 0 : i32
      %dma_wait3A_116 = tpu.memref_slice %arg5[%dma_wait3A_114, %dma_wait3A_115] : memref<10240x128xf32, #tpu.memory_space<hbm>> -> memref<128x128xf32, #tpu.memory_space<hbm>>
      %dma_wait3A_117 = arith.constant 0 : i32
      %dma_wait3A_118 = arith.constant 0 : i32
      %dma_wait3A_119 = tpu.memref_slice %arg5[%dma_wait3A_117, %dma_wait3A_118] : memref<10240x128xf32, #tpu.memory_space<hbm>> -> memref<128x128xf32, #tpu.memory_space<hbm>>
      tpu.wait_dma2 semaphore(%arg14 : memref<!tpu.dma_semaphore, #tpu.memory_space<semaphore_mem>>) src(%dma_wait3A_119 : memref<128x128xf32, #tpu.memory_space<hbm>>) dst(%arg12 : memref<128x128xf32, #tpu.memory_space<vmem>>)
      %dma_start3A_120 = arith.constant 2 : i32
      %dma_start3A_121 = arith.constant 0 : i32
      %dma_start3A_122 = tpu.memref_slice %arg10[%dma_start3A_120, %dma_start3A_121] : memref<8x128xi32, #tpu.memory_space<vmem>> -> memref<1x128xi32, #tpu.memory_space<vmem>>
      %dma_start3A_123 = tpu.memref_squeeze %dma_start3A_122 : memref<1x128xi32, #tpu.memory_space<vmem>> -> memref<128xi32, #tpu.memory_space<vmem>>
      %dma_start3A_124 = arith.constant 0 : i32
      %dma_start3A_125 = arith.constant 0 : i32
      %dma_start3A_126 = tpu.memref_slice %arg7[%dma_start3A_124, %dma_start3A_125] : memref<10240x128xf32, #tpu.memory_space<vmem_shared>> -> memref<10240x128xf32, #tpu.memory_space<vmem_shared>>
      tpu.enqueue_indirect_dma source(%arg12 : memref<128x128xf32, #tpu.memory_space<vmem>>) target(%dma_start3A_126 : memref<10240x128xf32, #tpu.memory_space<vmem_shared>>) offsets(%dma_start3A_123 : memref<128xi32, #tpu.memory_space<vmem>>) semaphore(%arg15 : memref<!tpu.dma_semaphore, #tpu.memory_space<semaphore_mem>>) {add = true}
      %add3A_127 = arith.constant 3 : i32
      %add3A_128 = arith.addi %mul3A_66, %add3A_127 : i32
      %lt3A_129 = arith.cmpi slt, %add3A_128, %select_n3A : i32
      %convert_element_type3A_130 = arith.extui %lt3A_129 : i1 to i32
      %cond3A_131 = arith.constant 0 : i32
      %cond3A_132 = arith.cmpi ne, %convert_element_type3A_130, %cond3A_131 : i32
      scf.if %cond3A_132 {
        %ge3A = arith.constant 2 : i32
        %ge3A_408 = arith.cmpi sge, %add3A_128, %ge3A : i32
        %convert_element_type3A_409 = arith.extui %ge3A_408 : i1 to i32
        %cond3A_410 = arith.constant 0 : i32
        %cond3A_411 = arith.cmpi ne, %convert_element_type3A_409, %cond3A_410 : i32
        scf.if %cond3A_411 {
          %dma_wait3A_423 = arith.constant 0 : i32
          %dma_wait3A_424 = arith.constant 0 : i32
          %dma_wait3A_425 = tpu.memref_slice %arg5[%dma_wait3A_423, %dma_wait3A_424] : memref<10240x128xf32, #tpu.memory_space<hbm>> -> memref<128x128xf32, #tpu.memory_space<hbm>>
          %dma_wait3A_426 = arith.constant 0 : i32
          %dma_wait3A_427 = arith.constant 0 : i32
          %dma_wait3A_428 = tpu.memref_slice %arg5[%dma_wait3A_426, %dma_wait3A_427] : memref<10240x128xf32, #tpu.memory_space<hbm>> -> memref<128x128xf32, #tpu.memory_space<hbm>>
          tpu.wait_dma2 semaphore(%arg15 : memref<!tpu.dma_semaphore, #tpu.memory_space<semaphore_mem>>) src(%dma_wait3A_428 : memref<128x128xf32, #tpu.memory_space<hbm>>) dst(%arg13 : memref<128x128xf32, #tpu.memory_space<vmem>>)
        } else {
        }
        %dma_start3A_412 = arith.constant 3 : i32
        %dma_start3A_413 = arith.constant 0 : i32
        %dma_start3A_414 = tpu.memref_slice %arg8[%dma_start3A_412, %dma_start3A_413] : memref<8x128xi32, #tpu.memory_space<vmem>> -> memref<1x128xi32, #tpu.memory_space<vmem>>
        %dma_start3A_415 = tpu.memref_squeeze %dma_start3A_414 : memref<1x128xi32, #tpu.memory_space<vmem>> -> memref<128xi32, #tpu.memory_space<vmem>>
        %dma_start3A_416 = arith.constant 0 : i32
        %dma_start3A_417 = arith.constant 0 : i32
        %dma_start3A_418 = tpu.memref_slice %arg2[%arg0, %dma_start3A_416, %dma_start3A_417] : memref<2x10240x128xf32, #tpu.memory_space<hbm>> -> memref<1x10240x128xf32, #tpu.memory_space<hbm>>
        %dma_start3A_419 = tpu.memref_squeeze %dma_start3A_418 : memref<1x10240x128xf32, #tpu.memory_space<hbm>> -> memref<10240x128xf32, #tpu.memory_space<hbm>>
        %dma_start3A_420 = arith.constant 0 : i32
        %dma_start3A_421 = arith.constant 0 : i32
        %dma_start3A_422 = tpu.memref_slice %dma_start3A_419[%dma_start3A_420, %dma_start3A_421] : memref<10240x128xf32, #tpu.memory_space<hbm>> -> memref<10240x128xf32, #tpu.memory_space<hbm>>
        tpu.enqueue_indirect_dma source(%dma_start3A_422 : memref<10240x128xf32, #tpu.memory_space<hbm>>) target(%arg13 : memref<128x128xf32, #tpu.memory_space<vmem>>) offsets(%dma_start3A_415 : memref<128xi32, #tpu.memory_space<vmem>>) semaphore(%arg14 : memref<!tpu.dma_semaphore, #tpu.memory_space<semaphore_mem>>)
      } else {
      }
      %dma_wait3A_133 = arith.constant 0 : i32
      %dma_wait3A_134 = arith.constant 0 : i32
      %dma_wait3A_135 = tpu.memref_slice %arg5[%dma_wait3A_133, %dma_wait3A_134] : memref<10240x128xf32, #tpu.memory_space<hbm>> -> memref<128x128xf32, #tpu.memory_space<hbm>>
      %dma_wait3A_136 = arith.constant 0 : i32
      %dma_wait3A_137 = arith.constant 0 : i32
      %dma_wait3A_138 = tpu.memref_slice %arg5[%dma_wait3A_136, %dma_wait3A_137] : memref<10240x128xf32, #tpu.memory_space<hbm>> -> memref<128x128xf32, #tpu.memory_space<hbm>>
      tpu.wait_dma2 semaphore(%arg14 : memref<!tpu.dma_semaphore, #tpu.memory_space<semaphore_mem>>) src(%dma_wait3A_138 : memref<128x128xf32, #tpu.memory_space<hbm>>) dst(%arg13 : memref<128x128xf32, #tpu.memory_space<vmem>>)
      %dma_start3A_139 = arith.constant 3 : i32
      %dma_start3A_140 = arith.constant 0 : i32
      %dma_start3A_141 = tpu.memref_slice %arg10[%dma_start3A_139, %dma_start3A_140] : memref<8x128xi32, #tpu.memory_space<vmem>> -> memref<1x128xi32, #tpu.memory_space<vmem>>
      %dma_start3A_142 = tpu.memref_squeeze %dma_start3A_141 : memref<1x128xi32, #tpu.memory_space<vmem>> -> memref<128xi32, #tpu.memory_space<vmem>>
      %dma_start3A_143 = arith.constant 0 : i32
      %dma_start3A_144 = arith.constant 0 : i32
      %dma_start3A_145 = tpu.memref_slice %arg7[%dma_start3A_143, %dma_start3A_144] : memref<10240x128xf32, #tpu.memory_space<vmem_shared>> -> memref<10240x128xf32, #tpu.memory_space<vmem_shared>>
      tpu.enqueue_indirect_dma source(%arg13 : memref<128x128xf32, #tpu.memory_space<vmem>>) target(%dma_start3A_145 : memref<10240x128xf32, #tpu.memory_space<vmem_shared>>) offsets(%dma_start3A_142 : memref<128xi32, #tpu.memory_space<vmem>>) semaphore(%arg15 : memref<!tpu.dma_semaphore, #tpu.memory_space<semaphore_mem>>) {add = true}
      %add3A_146 = arith.constant 4 : i32
      %add3A_147 = arith.addi %mul3A_66, %add3A_146 : i32
      %lt3A_148 = arith.cmpi slt, %add3A_147, %select_n3A : i32
      %convert_element_type3A_149 = arith.extui %lt3A_148 : i1 to i32
      %cond3A_150 = arith.constant 0 : i32
      %cond3A_151 = arith.cmpi ne, %convert_element_type3A_149, %cond3A_150 : i32
      scf.if %cond3A_151 {
        %ge3A = arith.constant 2 : i32
        %ge3A_408 = arith.cmpi sge, %add3A_147, %ge3A : i32
        %convert_element_type3A_409 = arith.extui %ge3A_408 : i1 to i32
        %cond3A_410 = arith.constant 0 : i32
        %cond3A_411 = arith.cmpi ne, %convert_element_type3A_409, %cond3A_410 : i32
        scf.if %cond3A_411 {
          %dma_wait3A_423 = arith.constant 0 : i32
          %dma_wait3A_424 = arith.constant 0 : i32
          %dma_wait3A_425 = tpu.memref_slice %arg5[%dma_wait3A_423, %dma_wait3A_424] : memref<10240x128xf32, #tpu.memory_space<hbm>> -> memref<128x128xf32, #tpu.memory_space<hbm>>
          %dma_wait3A_426 = arith.constant 0 : i32
          %dma_wait3A_427 = arith.constant 0 : i32
          %dma_wait3A_428 = tpu.memref_slice %arg5[%dma_wait3A_426, %dma_wait3A_427] : memref<10240x128xf32, #tpu.memory_space<hbm>> -> memref<128x128xf32, #tpu.memory_space<hbm>>
          tpu.wait_dma2 semaphore(%arg15 : memref<!tpu.dma_semaphore, #tpu.memory_space<semaphore_mem>>) src(%dma_wait3A_428 : memref<128x128xf32, #tpu.memory_space<hbm>>) dst(%arg12 : memref<128x128xf32, #tpu.memory_space<vmem>>)
        } else {
        }
        %dma_start3A_412 = arith.constant 4 : i32
        %dma_start3A_413 = arith.constant 0 : i32
        %dma_start3A_414 = tpu.memref_slice %arg8[%dma_start3A_412, %dma_start3A_413] : memref<8x128xi32, #tpu.memory_space<vmem>> -> memref<1x128xi32, #tpu.memory_space<vmem>>
        %dma_start3A_415 = tpu.memref_squeeze %dma_start3A_414 : memref<1x128xi32, #tpu.memory_space<vmem>> -> memref<128xi32, #tpu.memory_space<vmem>>
        %dma_start3A_416 = arith.constant 0 : i32
        %dma_start3A_417 = arith.constant 0 : i32
        %dma_start3A_418 = tpu.memref_slice %arg2[%arg0, %dma_start3A_416, %dma_start3A_417] : memref<2x10240x128xf32, #tpu.memory_space<hbm>> -> memref<1x10240x128xf32, #tpu.memory_space<hbm>>
        %dma_start3A_419 = tpu.memref_squeeze %dma_start3A_418 : memref<1x10240x128xf32, #tpu.memory_space<hbm>> -> memref<10240x128xf32, #tpu.memory_space<hbm>>
        %dma_start3A_420 = arith.constant 0 : i32
        %dma_start3A_421 = arith.constant 0 : i32
        %dma_start3A_422 = tpu.memref_slice %dma_start3A_419[%dma_start3A_420, %dma_start3A_421] : memref<10240x128xf32, #tpu.memory_space<hbm>> -> memref<10240x128xf32, #tpu.memory_space<hbm>>
        tpu.enqueue_indirect_dma source(%dma_start3A_422 : memref<10240x128xf32, #tpu.memory_space<hbm>>) target(%arg12 : memref<128x128xf32, #tpu.memory_space<vmem>>) offsets(%dma_start3A_415 : memref<128xi32, #tpu.memory_space<vmem>>) semaphore(%arg14 : memref<!tpu.dma_semaphore, #tpu.memory_space<semaphore_mem>>)
      } else {
      }
      %dma_wait3A_152 = arith.constant 0 : i32
      %dma_wait3A_153 = arith.constant 0 : i32
      %dma_wait3A_154 = tpu.memref_slice %arg5[%dma_wait3A_152, %dma_wait3A_153] : memref<10240x128xf32, #tpu.memory_space<hbm>> -> memref<128x128xf32, #tpu.memory_space<hbm>>
      %dma_wait3A_155 = arith.constant 0 : i32
      %dma_wait3A_156 = arith.constant 0 : i32
      %dma_wait3A_157 = tpu.memref_slice %arg5[%dma_wait3A_155, %dma_wait3A_156] : memref<10240x128xf32, #tpu.memory_space<hbm>> -> memref<128x128xf32, #tpu.memory_space<hbm>>
      tpu.wait_dma2 semaphore(%arg14 : memref<!tpu.dma_semaphore, #tpu.memory_space<semaphore_mem>>) src(%dma_wait3A_157 : memref<128x128xf32, #tpu.memory_space<hbm>>) dst(%arg12 : memref<128x128xf32, #tpu.memory_space<vmem>>)
      %dma_start3A_158 = arith.constant 4 : i32
      %dma_start3A_159 = arith.constant 0 : i32
      %dma_start3A_160 = tpu.memref_slice %arg10[%dma_start3A_158, %dma_start3A_159] : memref<8x128xi32, #tpu.memory_space<vmem>> -> memref<1x128xi32, #tpu.memory_space<vmem>>
      %dma_start3A_161 = tpu.memref_squeeze %dma_start3A_160 : memref<1x128xi32, #tpu.memory_space<vmem>> -> memref<128xi32, #tpu.memory_space<vmem>>
      %dma_start3A_162 = arith.constant 0 : i32
      %dma_start3A_163 = arith.constant 0 : i32
      %dma_start3A_164 = tpu.memref_slice %arg7[%dma_start3A_162, %dma_start3A_163] : memref<10240x128xf32, #tpu.memory_space<vmem_shared>> -> memref<10240x128xf32, #tpu.memory_space<vmem_shared>>
      tpu.enqueue_indirect_dma source(%arg12 : memref<128x128xf32, #tpu.memory_space<vmem>>) target(%dma_start3A_164 : memref<10240x128xf32, #tpu.memory_space<vmem_shared>>) offsets(%dma_start3A_161 : memref<128xi32, #tpu.memory_space<vmem>>) semaphore(%arg15 : memref<!tpu.dma_semaphore, #tpu.memory_space<semaphore_mem>>) {add = true}
      %add3A_165 = arith.constant 5 : i32
      %add3A_166 = arith.addi %mul3A_66, %add3A_165 : i32
      %lt3A_167 = arith.cmpi slt, %add3A_166, %select_n3A : i32
      %convert_element_type3A_168 = arith.extui %lt3A_167 : i1 to i32
      %cond3A_169 = arith.constant 0 : i32
      %cond3A_170 = arith.cmpi ne, %convert_element_type3A_168, %cond3A_169 : i32
      scf.if %cond3A_170 {
        %ge3A = arith.constant 2 : i32
        %ge3A_408 = arith.cmpi sge, %add3A_166, %ge3A : i32
        %convert_element_type3A_409 = arith.extui %ge3A_408 : i1 to i32
        %cond3A_410 = arith.constant 0 : i32
        %cond3A_411 = arith.cmpi ne, %convert_element_type3A_409, %cond3A_410 : i32
        scf.if %cond3A_411 {
          %dma_wait3A_423 = arith.constant 0 : i32
          %dma_wait3A_424 = arith.constant 0 : i32
          %dma_wait3A_425 = tpu.memref_slice %arg5[%dma_wait3A_423, %dma_wait3A_424] : memref<10240x128xf32, #tpu.memory_space<hbm>> -> memref<128x128xf32, #tpu.memory_space<hbm>>
          %dma_wait3A_426 = arith.constant 0 : i32
          %dma_wait3A_427 = arith.constant 0 : i32
          %dma_wait3A_428 = tpu.memref_slice %arg5[%dma_wait3A_426, %dma_wait3A_427] : memref<10240x128xf32, #tpu.memory_space<hbm>> -> memref<128x128xf32, #tpu.memory_space<hbm>>
          tpu.wait_dma2 semaphore(%arg15 : memref<!tpu.dma_semaphore, #tpu.memory_space<semaphore_mem>>) src(%dma_wait3A_428 : memref<128x128xf32, #tpu.memory_space<hbm>>) dst(%arg13 : memref<128x128xf32, #tpu.memory_space<vmem>>)
        } else {
        }
        %dma_start3A_412 = arith.constant 5 : i32
        %dma_start3A_413 = arith.constant 0 : i32
        %dma_start3A_414 = tpu.memref_slice %arg8[%dma_start3A_412, %dma_start3A_413] : memref<8x128xi32, #tpu.memory_space<vmem>> -> memref<1x128xi32, #tpu.memory_space<vmem>>
        %dma_start3A_415 = tpu.memref_squeeze %dma_start3A_414 : memref<1x128xi32, #tpu.memory_space<vmem>> -> memref<128xi32, #tpu.memory_space<vmem>>
        %dma_start3A_416 = arith.constant 0 : i32
        %dma_start3A_417 = arith.constant 0 : i32
        %dma_start3A_418 = tpu.memref_slice %arg2[%arg0, %dma_start3A_416, %dma_start3A_417] : memref<2x10240x128xf32, #tpu.memory_space<hbm>> -> memref<1x10240x128xf32, #tpu.memory_space<hbm>>
        %dma_start3A_419 = tpu.memref_squeeze %dma_start3A_418 : memref<1x10240x128xf32, #tpu.memory_space<hbm>> -> memref<10240x128xf32, #tpu.memory_space<hbm>>
        %dma_start3A_420 = arith.constant 0 : i32
        %dma_start3A_421 = arith.constant 0 : i32
        %dma_start3A_422 = tpu.memref_slice %dma_start3A_419[%dma_start3A_420, %dma_start3A_421] : memref<10240x128xf32, #tpu.memory_space<hbm>> -> memref<10240x128xf32, #tpu.memory_space<hbm>>
        tpu.enqueue_indirect_dma source(%dma_start3A_422 : memref<10240x128xf32, #tpu.memory_space<hbm>>) target(%arg13 : memref<128x128xf32, #tpu.memory_space<vmem>>) offsets(%dma_start3A_415 : memref<128xi32, #tpu.memory_space<vmem>>) semaphore(%arg14 : memref<!tpu.dma_semaphore, #tpu.memory_space<semaphore_mem>>)
      } else {
      }
      %dma_wait3A_171 = arith.constant 0 : i32
      %dma_wait3A_172 = arith.constant 0 : i32
      %dma_wait3A_173 = tpu.memref_slice %arg5[%dma_wait3A_171, %dma_wait3A_172] : memref<10240x128xf32, #tpu.memory_space<hbm>> -> memref<128x128xf32, #tpu.memory_space<hbm>>
      %dma_wait3A_174 = arith.constant 0 : i32
      %dma_wait3A_175 = arith.constant 0 : i32
      %dma_wait3A_176 = tpu.memref_slice %arg5[%dma_wait3A_174, %dma_wait3A_175] : memref<10240x128xf32, #tpu.memory_space<hbm>> -> memref<128x128xf32, #tpu.memory_space<hbm>>
      tpu.wait_dma2 semaphore(%arg14 : memref<!tpu.dma_semaphore, #tpu.memory_space<semaphore_mem>>) src(%dma_wait3A_176 : memref<128x128xf32, #tpu.memory_space<hbm>>) dst(%arg13 : memref<128x128xf32, #tpu.memory_space<vmem>>)
      %dma_start3A_177 = arith.constant 5 : i32
      %dma_start3A_178 = arith.constant 0 : i32
      %dma_start3A_179 = tpu.memref_slice %arg10[%dma_start3A_177, %dma_start3A_178] : memref<8x128xi32, #tpu.memory_space<vmem>> -> memref<1x128xi32, #tpu.memory_space<vmem>>
      %dma_start3A_180 = tpu.memref_squeeze %dma_start3A_179 : memref<1x128xi32, #tpu.memory_space<vmem>> -> memref<128xi32, #tpu.memory_space<vmem>>
      %dma_start3A_181 = arith.constant 0 : i32
      %dma_start3A_182 = arith.constant 0 : i32
      %dma_start3A_183 = tpu.memref_slice %arg7[%dma_start3A_181, %dma_start3A_182] : memref<10240x128xf32, #tpu.memory_space<vmem_shared>> -> memref<10240x128xf32, #tpu.memory_space<vmem_shared>>
      tpu.enqueue_indirect_dma source(%arg13 : memref<128x128xf32, #tpu.memory_space<vmem>>) target(%dma_start3A_183 : memref<10240x128xf32, #tpu.memory_space<vmem_shared>>) offsets(%dma_start3A_180 : memref<128xi32, #tpu.memory_space<vmem>>) semaphore(%arg15 : memref<!tpu.dma_semaphore, #tpu.memory_space<semaphore_mem>>) {add = true}
      %add3A_184 = arith.constant 6 : i32
      %add3A_185 = arith.addi %mul3A_66, %add3A_184 : i32
      %lt3A_186 = arith.cmpi slt, %add3A_185, %select_n3A : i32
      %convert_element_type3A_187 = arith.extui %lt3A_186 : i1 to i32
      %cond3A_188 = arith.constant 0 : i32
      %cond3A_189 = arith.cmpi ne, %convert_element_type3A_187, %cond3A_188 : i32
      scf.if %cond3A_189 {
        %ge3A = arith.constant 2 : i32
        %ge3A_408 = arith.cmpi sge, %add3A_185, %ge3A : i32
        %convert_element_type3A_409 = arith.extui %ge3A_408 : i1 to i32
        %cond3A_410 = arith.constant 0 : i32
        %cond3A_411 = arith.cmpi ne, %convert_element_type3A_409, %cond3A_410 : i32
        scf.if %cond3A_411 {
          %dma_wait3A_423 = arith.constant 0 : i32
          %dma_wait3A_424 = arith.constant 0 : i32
          %dma_wait3A_425 = tpu.memref_slice %arg5[%dma_wait3A_423, %dma_wait3A_424] : memref<10240x128xf32, #tpu.memory_space<hbm>> -> memref<128x128xf32, #tpu.memory_space<hbm>>
          %dma_wait3A_426 = arith.constant 0 : i32
          %dma_wait3A_427 = arith.constant 0 : i32
          %dma_wait3A_428 = tpu.memref_slice %arg5[%dma_wait3A_426, %dma_wait3A_427] : memref<10240x128xf32, #tpu.memory_space<hbm>> -> memref<128x128xf32, #tpu.memory_space<hbm>>
          tpu.wait_dma2 semaphore(%arg15 : memref<!tpu.dma_semaphore, #tpu.memory_space<semaphore_mem>>) src(%dma_wait3A_428 : memref<128x128xf32, #tpu.memory_space<hbm>>) dst(%arg12 : memref<128x128xf32, #tpu.memory_space<vmem>>)
        } else {
        }
        %dma_start3A_412 = arith.constant 6 : i32
        %dma_start3A_413 = arith.constant 0 : i32
        %dma_start3A_414 = tpu.memref_slice %arg8[%dma_start3A_412, %dma_start3A_413] : memref<8x128xi32, #tpu.memory_space<vmem>> -> memref<1x128xi32, #tpu.memory_space<vmem>>
        %dma_start3A_415 = tpu.memref_squeeze %dma_start3A_414 : memref<1x128xi32, #tpu.memory_space<vmem>> -> memref<128xi32, #tpu.memory_space<vmem>>
        %dma_start3A_416 = arith.constant 0 : i32
        %dma_start3A_417 = arith.constant 0 : i32
        %dma_start3A_418 = tpu.memref_slice %arg2[%arg0, %dma_start3A_416, %dma_start3A_417] : memref<2x10240x128xf32, #tpu.memory_space<hbm>> -> memref<1x10240x128xf32, #tpu.memory_space<hbm>>
        %dma_start3A_419 = tpu.memref_squeeze %dma_start3A_418 : memref<1x10240x128xf32, #tpu.memory_space<hbm>> -> memref<10240x128xf32, #tpu.memory_space<hbm>>
        %dma_start3A_420 = arith.constant 0 : i32
        %dma_start3A_421 = arith.constant 0 : i32
        %dma_start3A_422 = tpu.memref_slice %dma_start3A_419[%dma_start3A_420, %dma_start3A_421] : memref<10240x128xf32, #tpu.memory_space<hbm>> -> memref<10240x128xf32, #tpu.memory_space<hbm>>
        tpu.enqueue_indirect_dma source(%dma_start3A_422 : memref<10240x128xf32, #tpu.memory_space<hbm>>) target(%arg12 : memref<128x128xf32, #tpu.memory_space<vmem>>) offsets(%dma_start3A_415 : memref<128xi32, #tpu.memory_space<vmem>>) semaphore(%arg14 : memref<!tpu.dma_semaphore, #tpu.memory_space<semaphore_mem>>)
      } else {
      }
      %dma_wait3A_190 = arith.constant 0 : i32
      %dma_wait3A_191 = arith.constant 0 : i32
      %dma_wait3A_192 = tpu.memref_slice %arg5[%dma_wait3A_190, %dma_wait3A_191] : memref<10240x128xf32, #tpu.memory_space<hbm>> -> memref<128x128xf32, #tpu.memory_space<hbm>>
      %dma_wait3A_193 = arith.constant 0 : i32
      %dma_wait3A_194 = arith.constant 0 : i32
      %dma_wait3A_195 = tpu.memref_slice %arg5[%dma_wait3A_193, %dma_wait3A_194] : memref<10240x128xf32, #tpu.memory_space<hbm>> -> memref<128x128xf32, #tpu.memory_space<hbm>>
      tpu.wait_dma2 semaphore(%arg14 : memref<!tpu.dma_semaphore, #tpu.memory_space<semaphore_mem>>) src(%dma_wait3A_195 : memref<128x128xf32, #tpu.memory_space<hbm>>) dst(%arg12 : memref<128x128xf32, #tpu.memory_space<vmem>>)
      %dma_start3A_196 = arith.constant 6 : i32
      %dma_start3A_197 = arith.constant 0 : i32
      %dma_start3A_198 = tpu.memref_slice %arg10[%dma_start3A_196, %dma_start3A_197] : memref<8x128xi32, #tpu.memory_space<vmem>> -> memref<1x128xi32, #tpu.memory_space<vmem>>
      %dma_start3A_199 = tpu.memref_squeeze %dma_start3A_198 : memref<1x128xi32, #tpu.memory_space<vmem>> -> memref<128xi32, #tpu.memory_space<vmem>>
      %dma_start3A_200 = arith.constant 0 : i32
      %dma_start3A_201 = arith.constant 0 : i32
      %dma_start3A_202 = tpu.memref_slice %arg7[%dma_start3A_200, %dma_start3A_201] : memref<10240x128xf32, #tpu.memory_space<vmem_shared>> -> memref<10240x128xf32, #tpu.memory_space<vmem_shared>>
      tpu.enqueue_indirect_dma source(%arg12 : memref<128x128xf32, #tpu.memory_space<vmem>>) target(%dma_start3A_202 : memref<10240x128xf32, #tpu.memory_space<vmem_shared>>) offsets(%dma_start3A_199 : memref<128xi32, #tpu.memory_space<vmem>>) semaphore(%arg15 : memref<!tpu.dma_semaphore, #tpu.memory_space<semaphore_mem>>) {add = true}
      %add3A_203 = arith.constant 7 : i32
      %add3A_204 = arith.addi %mul3A_66, %add3A_203 : i32
      %lt3A_205 = arith.cmpi slt, %add3A_204, %select_n3A : i32
      %convert_element_type3A_206 = arith.extui %lt3A_205 : i1 to i32
      %cond3A_207 = arith.constant 0 : i32
      %cond3A_208 = arith.cmpi ne, %convert_element_type3A_206, %cond3A_207 : i32
      scf.if %cond3A_208 {
        %ge3A = arith.constant 2 : i32
        %ge3A_408 = arith.cmpi sge, %add3A_204, %ge3A : i32
        %convert_element_type3A_409 = arith.extui %ge3A_408 : i1 to i32
        %cond3A_410 = arith.constant 0 : i32
        %cond3A_411 = arith.cmpi ne, %convert_element_type3A_409, %cond3A_410 : i32
        scf.if %cond3A_411 {
          %dma_wait3A_423 = arith.constant 0 : i32
          %dma_wait3A_424 = arith.constant 0 : i32
          %dma_wait3A_425 = tpu.memref_slice %arg5[%dma_wait3A_423, %dma_wait3A_424] : memref<10240x128xf32, #tpu.memory_space<hbm>> -> memref<128x128xf32, #tpu.memory_space<hbm>>
          %dma_wait3A_426 = arith.constant 0 : i32
          %dma_wait3A_427 = arith.constant 0 : i32
          %dma_wait3A_428 = tpu.memref_slice %arg5[%dma_wait3A_426, %dma_wait3A_427] : memref<10240x128xf32, #tpu.memory_space<hbm>> -> memref<128x128xf32, #tpu.memory_space<hbm>>
          tpu.wait_dma2 semaphore(%arg15 : memref<!tpu.dma_semaphore, #tpu.memory_space<semaphore_mem>>) src(%dma_wait3A_428 : memref<128x128xf32, #tpu.memory_space<hbm>>) dst(%arg13 : memref<128x128xf32, #tpu.memory_space<vmem>>)
        } else {
        }
        %dma_start3A_412 = arith.constant 7 : i32
        %dma_start3A_413 = arith.constant 0 : i32
        %dma_start3A_414 = tpu.memref_slice %arg8[%dma_start3A_412, %dma_start3A_413] : memref<8x128xi32, #tpu.memory_space<vmem>> -> memref<1x128xi32, #tpu.memory_space<vmem>>
        %dma_start3A_415 = tpu.memref_squeeze %dma_start3A_414 : memref<1x128xi32, #tpu.memory_space<vmem>> -> memref<128xi32, #tpu.memory_space<vmem>>
        %dma_start3A_416 = arith.constant 0 : i32
        %dma_start3A_417 = arith.constant 0 : i32
        %dma_start3A_418 = tpu.memref_slice %arg2[%arg0, %dma_start3A_416, %dma_start3A_417] : memref<2x10240x128xf32, #tpu.memory_space<hbm>> -> memref<1x10240x128xf32, #tpu.memory_space<hbm>>
        %dma_start3A_419 = tpu.memref_squeeze %dma_start3A_418 : memref<1x10240x128xf32, #tpu.memory_space<hbm>> -> memref<10240x128xf32, #tpu.memory_space<hbm>>
        %dma_start3A_420 = arith.constant 0 : i32
        %dma_start3A_421 = arith.constant 0 : i32
        %dma_start3A_422 = tpu.memref_slice %dma_start3A_419[%dma_start3A_420, %dma_start3A_421] : memref<10240x128xf32, #tpu.memory_space<hbm>> -> memref<10240x128xf32, #tpu.memory_space<hbm>>
        tpu.enqueue_indirect_dma source(%dma_start3A_422 : memref<10240x128xf32, #tpu.memory_space<hbm>>) target(%arg13 : memref<128x128xf32, #tpu.memory_space<vmem>>) offsets(%dma_start3A_415 : memref<128xi32, #tpu.memory_space<vmem>>) semaphore(%arg14 : memref<!tpu.dma_semaphore, #tpu.memory_space<semaphore_mem>>)
      } else {
      }
      %dma_wait3A_209 = arith.constant 0 : i32
      %dma_wait3A_210 = tpu.memref_slice %arg3[%add3A_103, %dma_wait3A_209] : memref<2560x128xi32, #tpu.memory_space<hbm>> -> memref<8x128xi32, #tpu.memory_space<hbm>>
      %dma_wait3A_211 = arith.constant 0 : i32
      %dma_wait3A_212 = tpu.memref_slice %arg3[%add3A_103, %dma_wait3A_211] : memref<2560x128xi32, #tpu.memory_space<hbm>> -> memref<8x128xi32, #tpu.memory_space<hbm>>
      tpu.wait_dma2 semaphore(%arg16 : memref<!tpu.dma_semaphore, #tpu.memory_space<semaphore_mem>>) src(%dma_wait3A_212 : memref<8x128xi32, #tpu.memory_space<hbm>>) dst(%arg9 : memref<8x128xi32, #tpu.memory_space<vmem>>)
      %dma_wait3A_213 = arith.constant 0 : i32
      %dma_wait3A_214 = tpu.memref_slice %arg4[%add3A_109, %dma_wait3A_213] : memref<2560x128xi32, #tpu.memory_space<hbm>> -> memref<8x128xi32, #tpu.memory_space<hbm>>
      %dma_wait3A_215 = arith.constant 0 : i32
      %dma_wait3A_216 = tpu.memref_slice %arg4[%add3A_109, %dma_wait3A_215] : memref<2560x128xi32, #tpu.memory_space<hbm>> -> memref<8x128xi32, #tpu.memory_space<hbm>>
      tpu.wait_dma2 semaphore(%arg16 : memref<!tpu.dma_semaphore, #tpu.memory_space<semaphore_mem>>) src(%dma_wait3A_216 : memref<8x128xi32, #tpu.memory_space<hbm>>) dst(%arg11 : memref<8x128xi32, #tpu.memory_space<vmem>>)
      %dma_wait3A_217 = arith.constant 0 : i32
      %dma_wait3A_218 = arith.constant 0 : i32
      %dma_wait3A_219 = tpu.memref_slice %arg5[%dma_wait3A_217, %dma_wait3A_218] : memref<10240x128xf32, #tpu.memory_space<hbm>> -> memref<128x128xf32, #tpu.memory_space<hbm>>
      %dma_wait3A_220 = arith.constant 0 : i32
      %dma_wait3A_221 = arith.constant 0 : i32
      %dma_wait3A_222 = tpu.memref_slice %arg5[%dma_wait3A_220, %dma_wait3A_221] : memref<10240x128xf32, #tpu.memory_space<hbm>> -> memref<128x128xf32, #tpu.memory_space<hbm>>
      tpu.wait_dma2 semaphore(%arg14 : memref<!tpu.dma_semaphore, #tpu.memory_space<semaphore_mem>>) src(%dma_wait3A_222 : memref<128x128xf32, #tpu.memory_space<hbm>>) dst(%arg13 : memref<128x128xf32, #tpu.memory_space<vmem>>)
      %dma_start3A_223 = arith.constant 7 : i32
      %dma_start3A_224 = arith.constant 0 : i32
      %dma_start3A_225 = tpu.memref_slice %arg10[%dma_start3A_223, %dma_start3A_224] : memref<8x128xi32, #tpu.memory_space<vmem>> -> memref<1x128xi32, #tpu.memory_space<vmem>>
      %dma_start3A_226 = tpu.memref_squeeze %dma_start3A_225 : memref<1x128xi32, #tpu.memory_space<vmem>> -> memref<128xi32, #tpu.memory_space<vmem>>
      %dma_start3A_227 = arith.constant 0 : i32
      %dma_start3A_228 = arith.constant 0 : i32
      %dma_start3A_229 = tpu.memref_slice %arg7[%dma_start3A_227, %dma_start3A_228] : memref<10240x128xf32, #tpu.memory_space<vmem_shared>> -> memref<10240x128xf32, #tpu.memory_space<vmem_shared>>
      tpu.enqueue_indirect_dma source(%arg13 : memref<128x128xf32, #tpu.memory_space<vmem>>) target(%dma_start3A_229 : memref<10240x128xf32, #tpu.memory_space<vmem_shared>>) offsets(%dma_start3A_226 : memref<128xi32, #tpu.memory_space<vmem>>) semaphore(%arg15 : memref<!tpu.dma_semaphore, #tpu.memory_space<semaphore_mem>>) {add = true}
      %add3A_230 = arith.constant 8 : i32
      %add3A_231 = arith.addi %mul3A_66, %add3A_230 : i32
      %lt3A_232 = arith.cmpi slt, %add3A_231, %select_n3A : i32
      %convert_element_type3A_233 = arith.extui %lt3A_232 : i1 to i32
      %cond3A_234 = arith.constant 0 : i32
      %cond3A_235 = arith.cmpi ne, %convert_element_type3A_233, %cond3A_234 : i32
      scf.if %cond3A_235 {
        %ge3A = arith.constant 2 : i32
        %ge3A_408 = arith.cmpi sge, %add3A_231, %ge3A : i32
        %convert_element_type3A_409 = arith.extui %ge3A_408 : i1 to i32
        %cond3A_410 = arith.constant 0 : i32
        %cond3A_411 = arith.cmpi ne, %convert_element_type3A_409, %cond3A_410 : i32
        scf.if %cond3A_411 {
          %dma_wait3A_423 = arith.constant 0 : i32
          %dma_wait3A_424 = arith.constant 0 : i32
          %dma_wait3A_425 = tpu.memref_slice %arg5[%dma_wait3A_423, %dma_wait3A_424] : memref<10240x128xf32, #tpu.memory_space<hbm>> -> memref<128x128xf32, #tpu.memory_space<hbm>>
          %dma_wait3A_426 = arith.constant 0 : i32
          %dma_wait3A_427 = arith.constant 0 : i32
          %dma_wait3A_428 = tpu.memref_slice %arg5[%dma_wait3A_426, %dma_wait3A_427] : memref<10240x128xf32, #tpu.memory_space<hbm>> -> memref<128x128xf32, #tpu.memory_space<hbm>>
          tpu.wait_dma2 semaphore(%arg15 : memref<!tpu.dma_semaphore, #tpu.memory_space<semaphore_mem>>) src(%dma_wait3A_428 : memref<128x128xf32, #tpu.memory_space<hbm>>) dst(%arg12 : memref<128x128xf32, #tpu.memory_space<vmem>>)
        } else {
        }
        %dma_start3A_412 = arith.constant 0 : i32
        %dma_start3A_413 = arith.constant 0 : i32
        %dma_start3A_414 = tpu.memref_slice %arg9[%dma_start3A_412, %dma_start3A_413] : memref<8x128xi32, #tpu.memory_space<vmem>> -> memref<1x128xi32, #tpu.memory_space<vmem>>
        %dma_start3A_415 = tpu.memref_squeeze %dma_start3A_414 : memref<1x128xi32, #tpu.memory_space<vmem>> -> memref<128xi32, #tpu.memory_space<vmem>>
        %dma_start3A_416 = arith.constant 0 : i32
        %dma_start3A_417 = arith.constant 0 : i32
        %dma_start3A_418 = tpu.memref_slice %arg2[%arg0, %dma_start3A_416, %dma_start3A_417] : memref<2x10240x128xf32, #tpu.memory_space<hbm>> -> memref<1x10240x128xf32, #tpu.memory_space<hbm>>
        %dma_start3A_419 = tpu.memref_squeeze %dma_start3A_418 : memref<1x10240x128xf32, #tpu.memory_space<hbm>> -> memref<10240x128xf32, #tpu.memory_space<hbm>>
        %dma_start3A_420 = arith.constant 0 : i32
        %dma_start3A_421 = arith.constant 0 : i32
        %dma_start3A_422 = tpu.memref_slice %dma_start3A_419[%dma_start3A_420, %dma_start3A_421] : memref<10240x128xf32, #tpu.memory_space<hbm>> -> memref<10240x128xf32, #tpu.memory_space<hbm>>
        tpu.enqueue_indirect_dma source(%dma_start3A_422 : memref<10240x128xf32, #tpu.memory_space<hbm>>) target(%arg12 : memref<128x128xf32, #tpu.memory_space<vmem>>) offsets(%dma_start3A_415 : memref<128xi32, #tpu.memory_space<vmem>>) semaphore(%arg14 : memref<!tpu.dma_semaphore, #tpu.memory_space<semaphore_mem>>)
      } else {
      }
      %dma_wait3A_236 = arith.constant 0 : i32
      %dma_wait3A_237 = arith.constant 0 : i32
      %dma_wait3A_238 = tpu.memref_slice %arg5[%dma_wait3A_236, %dma_wait3A_237] : memref<10240x128xf32, #tpu.memory_space<hbm>> -> memref<128x128xf32, #tpu.memory_space<hbm>>
      %dma_wait3A_239 = arith.constant 0 : i32
      %dma_wait3A_240 = arith.constant 0 : i32
      %dma_wait3A_241 = tpu.memref_slice %arg5[%dma_wait3A_239, %dma_wait3A_240] : memref<10240x128xf32, #tpu.memory_space<hbm>> -> memref<128x128xf32, #tpu.memory_space<hbm>>
      tpu.wait_dma2 semaphore(%arg14 : memref<!tpu.dma_semaphore, #tpu.memory_space<semaphore_mem>>) src(%dma_wait3A_241 : memref<128x128xf32, #tpu.memory_space<hbm>>) dst(%arg12 : memref<128x128xf32, #tpu.memory_space<vmem>>)
      %dma_start3A_242 = arith.constant 0 : i32
      %dma_start3A_243 = arith.constant 0 : i32
      %dma_start3A_244 = tpu.memref_slice %arg11[%dma_start3A_242, %dma_start3A_243] : memref<8x128xi32, #tpu.memory_space<vmem>> -> memref<1x128xi32, #tpu.memory_space<vmem>>
      %dma_start3A_245 = tpu.memref_squeeze %dma_start3A_244 : memref<1x128xi32, #tpu.memory_space<vmem>> -> memref<128xi32, #tpu.memory_space<vmem>>
      %dma_start3A_246 = arith.constant 0 : i32
      %dma_start3A_247 = arith.constant 0 : i32
      %dma_start3A_248 = tpu.memref_slice %arg7[%dma_start3A_246, %dma_start3A_247] : memref<10240x128xf32, #tpu.memory_space<vmem_shared>> -> memref<10240x128xf32, #tpu.memory_space<vmem_shared>>
      tpu.enqueue_indirect_dma source(%arg12 : memref<128x128xf32, #tpu.memory_space<vmem>>) target(%dma_start3A_248 : memref<10240x128xf32, #tpu.memory_space<vmem_shared>>) offsets(%dma_start3A_245 : memref<128xi32, #tpu.memory_space<vmem>>) semaphore(%arg15 : memref<!tpu.dma_semaphore, #tpu.memory_space<semaphore_mem>>) {add = true}
      %add3A_249 = arith.constant 9 : i32
      %add3A_250 = arith.addi %mul3A_66, %add3A_249 : i32
      %lt3A_251 = arith.cmpi slt, %add3A_250, %select_n3A : i32
      %convert_element_type3A_252 = arith.extui %lt3A_251 : i1 to i32
      %cond3A_253 = arith.constant 0 : i32
      %cond3A_254 = arith.cmpi ne, %convert_element_type3A_252, %cond3A_253 : i32
      scf.if %cond3A_254 {
        %ge3A = arith.constant 2 : i32
        %ge3A_408 = arith.cmpi sge, %add3A_250, %ge3A : i32
        %convert_element_type3A_409 = arith.extui %ge3A_408 : i1 to i32
        %cond3A_410 = arith.constant 0 : i32
        %cond3A_411 = arith.cmpi ne, %convert_element_type3A_409, %cond3A_410 : i32
        scf.if %cond3A_411 {
          %dma_wait3A_423 = arith.constant 0 : i32
          %dma_wait3A_424 = arith.constant 0 : i32
          %dma_wait3A_425 = tpu.memref_slice %arg5[%dma_wait3A_423, %dma_wait3A_424] : memref<10240x128xf32, #tpu.memory_space<hbm>> -> memref<128x128xf32, #tpu.memory_space<hbm>>
          %dma_wait3A_426 = arith.constant 0 : i32
          %dma_wait3A_427 = arith.constant 0 : i32
          %dma_wait3A_428 = tpu.memref_slice %arg5[%dma_wait3A_426, %dma_wait3A_427] : memref<10240x128xf32, #tpu.memory_space<hbm>> -> memref<128x128xf32, #tpu.memory_space<hbm>>
          tpu.wait_dma2 semaphore(%arg15 : memref<!tpu.dma_semaphore, #tpu.memory_space<semaphore_mem>>) src(%dma_wait3A_428 : memref<128x128xf32, #tpu.memory_space<hbm>>) dst(%arg13 : memref<128x128xf32, #tpu.memory_space<vmem>>)
        } else {
        }
        %dma_start3A_412 = arith.constant 1 : i32
        %dma_start3A_413 = arith.constant 0 : i32
        %dma_start3A_414 = tpu.memref_slice %arg9[%dma_start3A_412, %dma_start3A_413] : memref<8x128xi32, #tpu.memory_space<vmem>> -> memref<1x128xi32, #tpu.memory_space<vmem>>
        %dma_start3A_415 = tpu.memref_squeeze %dma_start3A_414 : memref<1x128xi32, #tpu.memory_space<vmem>> -> memref<128xi32, #tpu.memory_space<vmem>>
        %dma_start3A_416 = arith.constant 0 : i32
        %dma_start3A_417 = arith.constant 0 : i32
        %dma_start3A_418 = tpu.memref_slice %arg2[%arg0, %dma_start3A_416, %dma_start3A_417] : memref<2x10240x128xf32, #tpu.memory_space<hbm>> -> memref<1x10240x128xf32, #tpu.memory_space<hbm>>
        %dma_start3A_419 = tpu.memref_squeeze %dma_start3A_418 : memref<1x10240x128xf32, #tpu.memory_space<hbm>> -> memref<10240x128xf32, #tpu.memory_space<hbm>>
        %dma_start3A_420 = arith.constant 0 : i32
        %dma_start3A_421 = arith.constant 0 : i32
        %dma_start3A_422 = tpu.memref_slice %dma_start3A_419[%dma_start3A_420, %dma_start3A_421] : memref<10240x128xf32, #tpu.memory_space<hbm>> -> memref<10240x128xf32, #tpu.memory_space<hbm>>
        tpu.enqueue_indirect_dma source(%dma_start3A_422 : memref<10240x128xf32, #tpu.memory_space<hbm>>) target(%arg13 : memref<128x128xf32, #tpu.memory_space<vmem>>) offsets(%dma_start3A_415 : memref<128xi32, #tpu.memory_space<vmem>>) semaphore(%arg14 : memref<!tpu.dma_semaphore, #tpu.memory_space<semaphore_mem>>)
      } else {
      }
      %add3A_255 = arith.constant 16 : i32
      %add3A_256 = arith.addi %add3A_64, %add3A_255 : i32
      %min3A = arith.constant 2552 : i32
      %min3A_257 = arith.minsi %add3A_256, %min3A : i32
      %dma_start3A_258 = arith.constant 0 : i32
      %dma_start3A_259 = tpu.memref_slice %arg3[%min3A_257, %dma_start3A_258] : memref<2560x128xi32, #tpu.memory_space<hbm>> -> memref<8x128xi32, #tpu.memory_space<hbm>>
      %dma_start3A_260 = arith.constant 0 : i32
      %dma_start3A_261 = tpu.memref_slice %arg3[%min3A_257, %dma_start3A_260] : memref<2560x128xi32, #tpu.memory_space<hbm>> -> memref<8x128xi32, #tpu.memory_space<hbm>>
      tpu.enqueue_dma source(%dma_start3A_261 : memref<8x128xi32, #tpu.memory_space<hbm>>) target(%arg8 : memref<8x128xi32, #tpu.memory_space<vmem>>) target_semaphore(%arg16 : memref<!tpu.dma_semaphore, #tpu.memory_space<semaphore_mem>>)
      %dma_start3A_262 = arith.constant 0 : i32
      %dma_start3A_263 = tpu.memref_slice %arg4[%min3A_257, %dma_start3A_262] : memref<2560x128xi32, #tpu.memory_space<hbm>> -> memref<8x128xi32, #tpu.memory_space<hbm>>
      %dma_start3A_264 = arith.constant 0 : i32
      %dma_start3A_265 = tpu.memref_slice %arg4[%min3A_257, %dma_start3A_264] : memref<2560x128xi32, #tpu.memory_space<hbm>> -> memref<8x128xi32, #tpu.memory_space<hbm>>
      tpu.enqueue_dma source(%dma_start3A_265 : memref<8x128xi32, #tpu.memory_space<hbm>>) target(%arg10 : memref<8x128xi32, #tpu.memory_space<vmem>>) target_semaphore(%arg16 : memref<!tpu.dma_semaphore, #tpu.memory_space<semaphore_mem>>)
      %dma_wait3A_266 = arith.constant 0 : i32
      %dma_wait3A_267 = arith.constant 0 : i32
      %dma_wait3A_268 = tpu.memref_slice %arg5[%dma_wait3A_266, %dma_wait3A_267] : memref<10240x128xf32, #tpu.memory_space<hbm>> -> memref<128x128xf32, #tpu.memory_space<hbm>>
      %dma_wait3A_269 = arith.constant 0 : i32
      %dma_wait3A_270 = arith.constant 0 : i32
      %dma_wait3A_271 = tpu.memref_slice %arg5[%dma_wait3A_269, %dma_wait3A_270] : memref<10240x128xf32, #tpu.memory_space<hbm>> -> memref<128x128xf32, #tpu.memory_space<hbm>>
      tpu.wait_dma2 semaphore(%arg14 : memref<!tpu.dma_semaphore, #tpu.memory_space<semaphore_mem>>) src(%dma_wait3A_271 : memref<128x128xf32, #tpu.memory_space<hbm>>) dst(%arg13 : memref<128x128xf32, #tpu.memory_space<vmem>>)
      %dma_start3A_272 = arith.constant 1 : i32
      %dma_start3A_273 = arith.constant 0 : i32
      %dma_start3A_274 = tpu.memref_slice %arg11[%dma_start3A_272, %dma_start3A_273] : memref<8x128xi32, #tpu.memory_space<vmem>> -> memref<1x128xi32, #tpu.memory_space<vmem>>
      %dma_start3A_275 = tpu.memref_squeeze %dma_start3A_274 : memref<1x128xi32, #tpu.memory_space<vmem>> -> memref<128xi32, #tpu.memory_space<vmem>>
      %dma_start3A_276 = arith.constant 0 : i32
      %dma_start3A_277 = arith.constant 0 : i32
      %dma_start3A_278 = tpu.memref_slice %arg7[%dma_start3A_276, %dma_start3A_277] : memref<10240x128xf32, #tpu.memory_space<vmem_shared>> -> memref<10240x128xf32, #tpu.memory_space<vmem_shared>>
      tpu.enqueue_indirect_dma source(%arg13 : memref<128x128xf32, #tpu.memory_space<vmem>>) target(%dma_start3A_278 : memref<10240x128xf32, #tpu.memory_space<vmem_shared>>) offsets(%dma_start3A_275 : memref<128xi32, #tpu.memory_space<vmem>>) semaphore(%arg15 : memref<!tpu.dma_semaphore, #tpu.memory_space<semaphore_mem>>) {add = true}
      %add3A_279 = arith.constant 10 : i32
      %add3A_280 = arith.addi %mul3A_66, %add3A_279 : i32
      %lt3A_281 = arith.cmpi slt, %add3A_280, %select_n3A : i32
      %convert_element_type3A_282 = arith.extui %lt3A_281 : i1 to i32
      %cond3A_283 = arith.constant 0 : i32
      %cond3A_284 = arith.cmpi ne, %convert_element_type3A_282, %cond3A_283 : i32
      scf.if %cond3A_284 {
        %ge3A = arith.constant 2 : i32
        %ge3A_408 = arith.cmpi sge, %add3A_280, %ge3A : i32
        %convert_element_type3A_409 = arith.extui %ge3A_408 : i1 to i32
        %cond3A_410 = arith.constant 0 : i32
        %cond3A_411 = arith.cmpi ne, %convert_element_type3A_409, %cond3A_410 : i32
        scf.if %cond3A_411 {
          %dma_wait3A_423 = arith.constant 0 : i32
          %dma_wait3A_424 = arith.constant 0 : i32
          %dma_wait3A_425 = tpu.memref_slice %arg5[%dma_wait3A_423, %dma_wait3A_424] : memref<10240x128xf32, #tpu.memory_space<hbm>> -> memref<128x128xf32, #tpu.memory_space<hbm>>
          %dma_wait3A_426 = arith.constant 0 : i32
          %dma_wait3A_427 = arith.constant 0 : i32
          %dma_wait3A_428 = tpu.memref_slice %arg5[%dma_wait3A_426, %dma_wait3A_427] : memref<10240x128xf32, #tpu.memory_space<hbm>> -> memref<128x128xf32, #tpu.memory_space<hbm>>
          tpu.wait_dma2 semaphore(%arg15 : memref<!tpu.dma_semaphore, #tpu.memory_space<semaphore_mem>>) src(%dma_wait3A_428 : memref<128x128xf32, #tpu.memory_space<hbm>>) dst(%arg12 : memref<128x128xf32, #tpu.memory_space<vmem>>)
        } else {
        }
        %dma_start3A_412 = arith.constant 2 : i32
        %dma_start3A_413 = arith.constant 0 : i32
        %dma_start3A_414 = tpu.memref_slice %arg9[%dma_start3A_412, %dma_start3A_413] : memref<8x128xi32, #tpu.memory_space<vmem>> -> memref<1x128xi32, #tpu.memory_space<vmem>>
        %dma_start3A_415 = tpu.memref_squeeze %dma_start3A_414 : memref<1x128xi32, #tpu.memory_space<vmem>> -> memref<128xi32, #tpu.memory_space<vmem>>
        %dma_start3A_416 = arith.constant 0 : i32
        %dma_start3A_417 = arith.constant 0 : i32
        %dma_start3A_418 = tpu.memref_slice %arg2[%arg0, %dma_start3A_416, %dma_start3A_417] : memref<2x10240x128xf32, #tpu.memory_space<hbm>> -> memref<1x10240x128xf32, #tpu.memory_space<hbm>>
        %dma_start3A_419 = tpu.memref_squeeze %dma_start3A_418 : memref<1x10240x128xf32, #tpu.memory_space<hbm>> -> memref<10240x128xf32, #tpu.memory_space<hbm>>
        %dma_start3A_420 = arith.constant 0 : i32
        %dma_start3A_421 = arith.constant 0 : i32
        %dma_start3A_422 = tpu.memref_slice %dma_start3A_419[%dma_start3A_420, %dma_start3A_421] : memref<10240x128xf32, #tpu.memory_space<hbm>> -> memref<10240x128xf32, #tpu.memory_space<hbm>>
        tpu.enqueue_indirect_dma source(%dma_start3A_422 : memref<10240x128xf32, #tpu.memory_space<hbm>>) target(%arg12 : memref<128x128xf32, #tpu.memory_space<vmem>>) offsets(%dma_start3A_415 : memref<128xi32, #tpu.memory_space<vmem>>) semaphore(%arg14 : memref<!tpu.dma_semaphore, #tpu.memory_space<semaphore_mem>>)
      } else {
      }
      %dma_wait3A_285 = arith.constant 0 : i32
      %dma_wait3A_286 = arith.constant 0 : i32
      %dma_wait3A_287 = tpu.memref_slice %arg5[%dma_wait3A_285, %dma_wait3A_286] : memref<10240x128xf32, #tpu.memory_space<hbm>> -> memref<128x128xf32, #tpu.memory_space<hbm>>
      %dma_wait3A_288 = arith.constant 0 : i32
      %dma_wait3A_289 = arith.constant 0 : i32
      %dma_wait3A_290 = tpu.memref_slice %arg5[%dma_wait3A_288, %dma_wait3A_289] : memref<10240x128xf32, #tpu.memory_space<hbm>> -> memref<128x128xf32, #tpu.memory_space<hbm>>
      tpu.wait_dma2 semaphore(%arg14 : memref<!tpu.dma_semaphore, #tpu.memory_space<semaphore_mem>>) src(%dma_wait3A_290 : memref<128x128xf32, #tpu.memory_space<hbm>>) dst(%arg12 : memref<128x128xf32, #tpu.memory_space<vmem>>)
      %dma_start3A_291 = arith.constant 2 : i32
      %dma_start3A_292 = arith.constant 0 : i32
      %dma_start3A_293 = tpu.memref_slice %arg11[%dma_start3A_291, %dma_start3A_292] : memref<8x128xi32, #tpu.memory_space<vmem>> -> memref<1x128xi32, #tpu.memory_space<vmem>>
      %dma_start3A_294 = tpu.memref_squeeze %dma_start3A_293 : memref<1x128xi32, #tpu.memory_space<vmem>> -> memref<128xi32, #tpu.memory_space<vmem>>
      %dma_start3A_295 = arith.constant 0 : i32
      %dma_start3A_296 = arith.constant 0 : i32
      %dma_start3A_297 = tpu.memref_slice %arg7[%dma_start3A_295, %dma_start3A_296] : memref<10240x128xf32, #tpu.memory_space<vmem_shared>> -> memref<10240x128xf32, #tpu.memory_space<vmem_shared>>
      tpu.enqueue_indirect_dma source(%arg12 : memref<128x128xf32, #tpu.memory_space<vmem>>) target(%dma_start3A_297 : memref<10240x128xf32, #tpu.memory_space<vmem_shared>>) offsets(%dma_start3A_294 : memref<128xi32, #tpu.memory_space<vmem>>) semaphore(%arg15 : memref<!tpu.dma_semaphore, #tpu.memory_space<semaphore_mem>>) {add = true}
      %add3A_298 = arith.constant 11 : i32
      %add3A_299 = arith.addi %mul3A_66, %add3A_298 : i32
      %lt3A_300 = arith.cmpi slt, %add3A_299, %select_n3A : i32
      %convert_element_type3A_301 = arith.extui %lt3A_300 : i1 to i32
      %cond3A_302 = arith.constant 0 : i32
      %cond3A_303 = arith.cmpi ne, %convert_element_type3A_301, %cond3A_302 : i32
      scf.if %cond3A_303 {
        %ge3A = arith.constant 2 : i32
        %ge3A_408 = arith.cmpi sge, %add3A_299, %ge3A : i32
        %convert_element_type3A_409 = arith.extui %ge3A_408 : i1 to i32
        %cond3A_410 = arith.constant 0 : i32
        %cond3A_411 = arith.cmpi ne, %convert_element_type3A_409, %cond3A_410 : i32
        scf.if %cond3A_411 {
          %dma_wait3A_423 = arith.constant 0 : i32
          %dma_wait3A_424 = arith.constant 0 : i32
          %dma_wait3A_425 = tpu.memref_slice %arg5[%dma_wait3A_423, %dma_wait3A_424] : memref<10240x128xf32, #tpu.memory_space<hbm>> -> memref<128x128xf32, #tpu.memory_space<hbm>>
          %dma_wait3A_426 = arith.constant 0 : i32
          %dma_wait3A_427 = arith.constant 0 : i32
          %dma_wait3A_428 = tpu.memref_slice %arg5[%dma_wait3A_426, %dma_wait3A_427] : memref<10240x128xf32, #tpu.memory_space<hbm>> -> memref<128x128xf32, #tpu.memory_space<hbm>>
          tpu.wait_dma2 semaphore(%arg15 : memref<!tpu.dma_semaphore, #tpu.memory_space<semaphore_mem>>) src(%dma_wait3A_428 : memref<128x128xf32, #tpu.memory_space<hbm>>) dst(%arg13 : memref<128x128xf32, #tpu.memory_space<vmem>>)
        } else {
        }
        %dma_start3A_412 = arith.constant 3 : i32
        %dma_start3A_413 = arith.constant 0 : i32
        %dma_start3A_414 = tpu.memref_slice %arg9[%dma_start3A_412, %dma_start3A_413] : memref<8x128xi32, #tpu.memory_space<vmem>> -> memref<1x128xi32, #tpu.memory_space<vmem>>
        %dma_start3A_415 = tpu.memref_squeeze %dma_start3A_414 : memref<1x128xi32, #tpu.memory_space<vmem>> -> memref<128xi32, #tpu.memory_space<vmem>>
        %dma_start3A_416 = arith.constant 0 : i32
        %dma_start3A_417 = arith.constant 0 : i32
        %dma_start3A_418 = tpu.memref_slice %arg2[%arg0, %dma_start3A_416, %dma_start3A_417] : memref<2x10240x128xf32, #tpu.memory_space<hbm>> -> memref<1x10240x128xf32, #tpu.memory_space<hbm>>
        %dma_start3A_419 = tpu.memref_squeeze %dma_start3A_418 : memref<1x10240x128xf32, #tpu.memory_space<hbm>> -> memref<10240x128xf32, #tpu.memory_space<hbm>>
        %dma_start3A_420 = arith.constant 0 : i32
        %dma_start3A_421 = arith.constant 0 : i32
        %dma_start3A_422 = tpu.memref_slice %dma_start3A_419[%dma_start3A_420, %dma_start3A_421] : memref<10240x128xf32, #tpu.memory_space<hbm>> -> memref<10240x128xf32, #tpu.memory_space<hbm>>
        tpu.enqueue_indirect_dma source(%dma_start3A_422 : memref<10240x128xf32, #tpu.memory_space<hbm>>) target(%arg13 : memref<128x128xf32, #tpu.memory_space<vmem>>) offsets(%dma_start3A_415 : memref<128xi32, #tpu.memory_space<vmem>>) semaphore(%arg14 : memref<!tpu.dma_semaphore, #tpu.memory_space<semaphore_mem>>)
      } else {
      }
      %dma_wait3A_304 = arith.constant 0 : i32
      %dma_wait3A_305 = arith.constant 0 : i32
      %dma_wait3A_306 = tpu.memref_slice %arg5[%dma_wait3A_304, %dma_wait3A_305] : memref<10240x128xf32, #tpu.memory_space<hbm>> -> memref<128x128xf32, #tpu.memory_space<hbm>>
      %dma_wait3A_307 = arith.constant 0 : i32
      %dma_wait3A_308 = arith.constant 0 : i32
      %dma_wait3A_309 = tpu.memref_slice %arg5[%dma_wait3A_307, %dma_wait3A_308] : memref<10240x128xf32, #tpu.memory_space<hbm>> -> memref<128x128xf32, #tpu.memory_space<hbm>>
      tpu.wait_dma2 semaphore(%arg14 : memref<!tpu.dma_semaphore, #tpu.memory_space<semaphore_mem>>) src(%dma_wait3A_309 : memref<128x128xf32, #tpu.memory_space<hbm>>) dst(%arg13 : memref<128x128xf32, #tpu.memory_space<vmem>>)
      %dma_start3A_310 = arith.constant 3 : i32
      %dma_start3A_311 = arith.constant 0 : i32
      %dma_start3A_312 = tpu.memref_slice %arg11[%dma_start3A_310, %dma_start3A_311] : memref<8x128xi32, #tpu.memory_space<vmem>> -> memref<1x128xi32, #tpu.memory_space<vmem>>
      %dma_start3A_313 = tpu.memref_squeeze %dma_start3A_312 : memref<1x128xi32, #tpu.memory_space<vmem>> -> memref<128xi32, #tpu.memory_space<vmem>>
      %dma_start3A_314 = arith.constant 0 : i32
      %dma_start3A_315 = arith.constant 0 : i32
      %dma_start3A_316 = tpu.memref_slice %arg7[%dma_start3A_314, %dma_start3A_315] : memref<10240x128xf32, #tpu.memory_space<vmem_shared>> -> memref<10240x128xf32, #tpu.memory_space<vmem_shared>>
      tpu.enqueue_indirect_dma source(%arg13 : memref<128x128xf32, #tpu.memory_space<vmem>>) target(%dma_start3A_316 : memref<10240x128xf32, #tpu.memory_space<vmem_shared>>) offsets(%dma_start3A_313 : memref<128xi32, #tpu.memory_space<vmem>>) semaphore(%arg15 : memref<!tpu.dma_semaphore, #tpu.memory_space<semaphore_mem>>) {add = true}
      %add3A_317 = arith.constant 12 : i32
      %add3A_318 = arith.addi %mul3A_66, %add3A_317 : i32
      %lt3A_319 = arith.cmpi slt, %add3A_318, %select_n3A : i32
      %convert_element_type3A_320 = arith.extui %lt3A_319 : i1 to i32
      %cond3A_321 = arith.constant 0 : i32
      %cond3A_322 = arith.cmpi ne, %convert_element_type3A_320, %cond3A_321 : i32
      scf.if %cond3A_322 {
        %ge3A = arith.constant 2 : i32
        %ge3A_408 = arith.cmpi sge, %add3A_318, %ge3A : i32
        %convert_element_type3A_409 = arith.extui %ge3A_408 : i1 to i32
        %cond3A_410 = arith.constant 0 : i32
        %cond3A_411 = arith.cmpi ne, %convert_element_type3A_409, %cond3A_410 : i32
        scf.if %cond3A_411 {
          %dma_wait3A_423 = arith.constant 0 : i32
          %dma_wait3A_424 = arith.constant 0 : i32
          %dma_wait3A_425 = tpu.memref_slice %arg5[%dma_wait3A_423, %dma_wait3A_424] : memref<10240x128xf32, #tpu.memory_space<hbm>> -> memref<128x128xf32, #tpu.memory_space<hbm>>
          %dma_wait3A_426 = arith.constant 0 : i32
          %dma_wait3A_427 = arith.constant 0 : i32
          %dma_wait3A_428 = tpu.memref_slice %arg5[%dma_wait3A_426, %dma_wait3A_427] : memref<10240x128xf32, #tpu.memory_space<hbm>> -> memref<128x128xf32, #tpu.memory_space<hbm>>
          tpu.wait_dma2 semaphore(%arg15 : memref<!tpu.dma_semaphore, #tpu.memory_space<semaphore_mem>>) src(%dma_wait3A_428 : memref<128x128xf32, #tpu.memory_space<hbm>>) dst(%arg12 : memref<128x128xf32, #tpu.memory_space<vmem>>)
        } else {
        }
        %dma_start3A_412 = arith.constant 4 : i32
        %dma_start3A_413 = arith.constant 0 : i32
        %dma_start3A_414 = tpu.memref_slice %arg9[%dma_start3A_412, %dma_start3A_413] : memref<8x128xi32, #tpu.memory_space<vmem>> -> memref<1x128xi32, #tpu.memory_space<vmem>>
        %dma_start3A_415 = tpu.memref_squeeze %dma_start3A_414 : memref<1x128xi32, #tpu.memory_space<vmem>> -> memref<128xi32, #tpu.memory_space<vmem>>
        %dma_start3A_416 = arith.constant 0 : i32
        %dma_start3A_417 = arith.constant 0 : i32
        %dma_start3A_418 = tpu.memref_slice %arg2[%arg0, %dma_start3A_416, %dma_start3A_417] : memref<2x10240x128xf32, #tpu.memory_space<hbm>> -> memref<1x10240x128xf32, #tpu.memory_space<hbm>>
        %dma_start3A_419 = tpu.memref_squeeze %dma_start3A_418 : memref<1x10240x128xf32, #tpu.memory_space<hbm>> -> memref<10240x128xf32, #tpu.memory_space<hbm>>
        %dma_start3A_420 = arith.constant 0 : i32
        %dma_start3A_421 = arith.constant 0 : i32
        %dma_start3A_422 = tpu.memref_slice %dma_start3A_419[%dma_start3A_420, %dma_start3A_421] : memref<10240x128xf32, #tpu.memory_space<hbm>> -> memref<10240x128xf32, #tpu.memory_space<hbm>>
        tpu.enqueue_indirect_dma source(%dma_start3A_422 : memref<10240x128xf32, #tpu.memory_space<hbm>>) target(%arg12 : memref<128x128xf32, #tpu.memory_space<vmem>>) offsets(%dma_start3A_415 : memref<128xi32, #tpu.memory_space<vmem>>) semaphore(%arg14 : memref<!tpu.dma_semaphore, #tpu.memory_space<semaphore_mem>>)
      } else {
      }
      %dma_wait3A_323 = arith.constant 0 : i32
      %dma_wait3A_324 = arith.constant 0 : i32
      %dma_wait3A_325 = tpu.memref_slice %arg5[%dma_wait3A_323, %dma_wait3A_324] : memref<10240x128xf32, #tpu.memory_space<hbm>> -> memref<128x128xf32, #tpu.memory_space<hbm>>
      %dma_wait3A_326 = arith.constant 0 : i32
      %dma_wait3A_327 = arith.constant 0 : i32
      %dma_wait3A_328 = tpu.memref_slice %arg5[%dma_wait3A_326, %dma_wait3A_327] : memref<10240x128xf32, #tpu.memory_space<hbm>> -> memref<128x128xf32, #tpu.memory_space<hbm>>
      tpu.wait_dma2 semaphore(%arg14 : memref<!tpu.dma_semaphore, #tpu.memory_space<semaphore_mem>>) src(%dma_wait3A_328 : memref<128x128xf32, #tpu.memory_space<hbm>>) dst(%arg12 : memref<128x128xf32, #tpu.memory_space<vmem>>)
      %dma_start3A_329 = arith.constant 4 : i32
      %dma_start3A_330 = arith.constant 0 : i32
      %dma_start3A_331 = tpu.memref_slice %arg11[%dma_start3A_329, %dma_start3A_330] : memref<8x128xi32, #tpu.memory_space<vmem>> -> memref<1x128xi32, #tpu.memory_space<vmem>>
      %dma_start3A_332 = tpu.memref_squeeze %dma_start3A_331 : memref<1x128xi32, #tpu.memory_space<vmem>> -> memref<128xi32, #tpu.memory_space<vmem>>
      %dma_start3A_333 = arith.constant 0 : i32
      %dma_start3A_334 = arith.constant 0 : i32
      %dma_start3A_335 = tpu.memref_slice %arg7[%dma_start3A_333, %dma_start3A_334] : memref<10240x128xf32, #tpu.memory_space<vmem_shared>> -> memref<10240x128xf32, #tpu.memory_space<vmem_shared>>
      tpu.enqueue_indirect_dma source(%arg12 : memref<128x128xf32, #tpu.memory_space<vmem>>) target(%dma_start3A_335 : memref<10240x128xf32, #tpu.memory_space<vmem_shared>>) offsets(%dma_start3A_332 : memref<128xi32, #tpu.memory_space<vmem>>) semaphore(%arg15 : memref<!tpu.dma_semaphore, #tpu.memory_space<semaphore_mem>>) {add = true}
      %add3A_336 = arith.constant 13 : i32
      %add3A_337 = arith.addi %mul3A_66, %add3A_336 : i32
      %lt3A_338 = arith.cmpi slt, %add3A_337, %select_n3A : i32
      %convert_element_type3A_339 = arith.extui %lt3A_338 : i1 to i32
      %cond3A_340 = arith.constant 0 : i32
      %cond3A_341 = arith.cmpi ne, %convert_element_type3A_339, %cond3A_340 : i32
      scf.if %cond3A_341 {
        %ge3A = arith.constant 2 : i32
        %ge3A_408 = arith.cmpi sge, %add3A_337, %ge3A : i32
        %convert_element_type3A_409 = arith.extui %ge3A_408 : i1 to i32
        %cond3A_410 = arith.constant 0 : i32
        %cond3A_411 = arith.cmpi ne, %convert_element_type3A_409, %cond3A_410 : i32
        scf.if %cond3A_411 {
          %dma_wait3A_423 = arith.constant 0 : i32
          %dma_wait3A_424 = arith.constant 0 : i32
          %dma_wait3A_425 = tpu.memref_slice %arg5[%dma_wait3A_423, %dma_wait3A_424] : memref<10240x128xf32, #tpu.memory_space<hbm>> -> memref<128x128xf32, #tpu.memory_space<hbm>>
          %dma_wait3A_426 = arith.constant 0 : i32
          %dma_wait3A_427 = arith.constant 0 : i32
          %dma_wait3A_428 = tpu.memref_slice %arg5[%dma_wait3A_426, %dma_wait3A_427] : memref<10240x128xf32, #tpu.memory_space<hbm>> -> memref<128x128xf32, #tpu.memory_space<hbm>>
          tpu.wait_dma2 semaphore(%arg15 : memref<!tpu.dma_semaphore, #tpu.memory_space<semaphore_mem>>) src(%dma_wait3A_428 : memref<128x128xf32, #tpu.memory_space<hbm>>) dst(%arg13 : memref<128x128xf32, #tpu.memory_space<vmem>>)
        } else {
        }
        %dma_start3A_412 = arith.constant 5 : i32
        %dma_start3A_413 = arith.constant 0 : i32
        %dma_start3A_414 = tpu.memref_slice %arg9[%dma_start3A_412, %dma_start3A_413] : memref<8x128xi32, #tpu.memory_space<vmem>> -> memref<1x128xi32, #tpu.memory_space<vmem>>
        %dma_start3A_415 = tpu.memref_squeeze %dma_start3A_414 : memref<1x128xi32, #tpu.memory_space<vmem>> -> memref<128xi32, #tpu.memory_space<vmem>>
        %dma_start3A_416 = arith.constant 0 : i32
        %dma_start3A_417 = arith.constant 0 : i32
        %dma_start3A_418 = tpu.memref_slice %arg2[%arg0, %dma_start3A_416, %dma_start3A_417] : memref<2x10240x128xf32, #tpu.memory_space<hbm>> -> memref<1x10240x128xf32, #tpu.memory_space<hbm>>
        %dma_start3A_419 = tpu.memref_squeeze %dma_start3A_418 : memref<1x10240x128xf32, #tpu.memory_space<hbm>> -> memref<10240x128xf32, #tpu.memory_space<hbm>>
        %dma_start3A_420 = arith.constant 0 : i32
        %dma_start3A_421 = arith.constant 0 : i32
        %dma_start3A_422 = tpu.memref_slice %dma_start3A_419[%dma_start3A_420, %dma_start3A_421] : memref<10240x128xf32, #tpu.memory_space<hbm>> -> memref<10240x128xf32, #tpu.memory_space<hbm>>
        tpu.enqueue_indirect_dma source(%dma_start3A_422 : memref<10240x128xf32, #tpu.memory_space<hbm>>) target(%arg13 : memref<128x128xf32, #tpu.memory_space<vmem>>) offsets(%dma_start3A_415 : memref<128xi32, #tpu.memory_space<vmem>>) semaphore(%arg14 : memref<!tpu.dma_semaphore, #tpu.memory_space<semaphore_mem>>)
      } else {
      }
      %dma_wait3A_342 = arith.constant 0 : i32
      %dma_wait3A_343 = arith.constant 0 : i32
      %dma_wait3A_344 = tpu.memref_slice %arg5[%dma_wait3A_342, %dma_wait3A_343] : memref<10240x128xf32, #tpu.memory_space<hbm>> -> memref<128x128xf32, #tpu.memory_space<hbm>>
      %dma_wait3A_345 = arith.constant 0 : i32
      %dma_wait3A_346 = arith.constant 0 : i32
      %dma_wait3A_347 = tpu.memref_slice %arg5[%dma_wait3A_345, %dma_wait3A_346] : memref<10240x128xf32, #tpu.memory_space<hbm>> -> memref<128x128xf32, #tpu.memory_space<hbm>>
      tpu.wait_dma2 semaphore(%arg14 : memref<!tpu.dma_semaphore, #tpu.memory_space<semaphore_mem>>) src(%dma_wait3A_347 : memref<128x128xf32, #tpu.memory_space<hbm>>) dst(%arg13 : memref<128x128xf32, #tpu.memory_space<vmem>>)
      %dma_start3A_348 = arith.constant 5 : i32
      %dma_start3A_349 = arith.constant 0 : i32
      %dma_start3A_350 = tpu.memref_slice %arg11[%dma_start3A_348, %dma_start3A_349] : memref<8x128xi32, #tpu.memory_space<vmem>> -> memref<1x128xi32, #tpu.memory_space<vmem>>
      %dma_start3A_351 = tpu.memref_squeeze %dma_start3A_350 : memref<1x128xi32, #tpu.memory_space<vmem>> -> memref<128xi32, #tpu.memory_space<vmem>>
      %dma_start3A_352 = arith.constant 0 : i32
      %dma_start3A_353 = arith.constant 0 : i32
      %dma_start3A_354 = tpu.memref_slice %arg7[%dma_start3A_352, %dma_start3A_353] : memref<10240x128xf32, #tpu.memory_space<vmem_shared>> -> memref<10240x128xf32, #tpu.memory_space<vmem_shared>>
      tpu.enqueue_indirect_dma source(%arg13 : memref<128x128xf32, #tpu.memory_space<vmem>>) target(%dma_start3A_354 : memref<10240x128xf32, #tpu.memory_space<vmem_shared>>) offsets(%dma_start3A_351 : memref<128xi32, #tpu.memory_space<vmem>>) semaphore(%arg15 : memref<!tpu.dma_semaphore, #tpu.memory_space<semaphore_mem>>) {add = true}
      %add3A_355 = arith.constant 14 : i32
      %add3A_356 = arith.addi %mul3A_66, %add3A_355 : i32
      %lt3A_357 = arith.cmpi slt, %add3A_356, %select_n3A : i32
      %convert_element_type3A_358 = arith.extui %lt3A_357 : i1 to i32
      %cond3A_359 = arith.constant 0 : i32
      %cond3A_360 = arith.cmpi ne, %convert_element_type3A_358, %cond3A_359 : i32
      scf.if %cond3A_360 {
        %ge3A = arith.constant 2 : i32
        %ge3A_408 = arith.cmpi sge, %add3A_356, %ge3A : i32
        %convert_element_type3A_409 = arith.extui %ge3A_408 : i1 to i32
        %cond3A_410 = arith.constant 0 : i32
        %cond3A_411 = arith.cmpi ne, %convert_element_type3A_409, %cond3A_410 : i32
        scf.if %cond3A_411 {
          %dma_wait3A_423 = arith.constant 0 : i32
          %dma_wait3A_424 = arith.constant 0 : i32
          %dma_wait3A_425 = tpu.memref_slice %arg5[%dma_wait3A_423, %dma_wait3A_424] : memref<10240x128xf32, #tpu.memory_space<hbm>> -> memref<128x128xf32, #tpu.memory_space<hbm>>
          %dma_wait3A_426 = arith.constant 0 : i32
          %dma_wait3A_427 = arith.constant 0 : i32
          %dma_wait3A_428 = tpu.memref_slice %arg5[%dma_wait3A_426, %dma_wait3A_427] : memref<10240x128xf32, #tpu.memory_space<hbm>> -> memref<128x128xf32, #tpu.memory_space<hbm>>
          tpu.wait_dma2 semaphore(%arg15 : memref<!tpu.dma_semaphore, #tpu.memory_space<semaphore_mem>>) src(%dma_wait3A_428 : memref<128x128xf32, #tpu.memory_space<hbm>>) dst(%arg12 : memref<128x128xf32, #tpu.memory_space<vmem>>)
        } else {
        }
        %dma_start3A_412 = arith.constant 6 : i32
        %dma_start3A_413 = arith.constant 0 : i32
        %dma_start3A_414 = tpu.memref_slice %arg9[%dma_start3A_412, %dma_start3A_413] : memref<8x128xi32, #tpu.memory_space<vmem>> -> memref<1x128xi32, #tpu.memory_space<vmem>>
        %dma_start3A_415 = tpu.memref_squeeze %dma_start3A_414 : memref<1x128xi32, #tpu.memory_space<vmem>> -> memref<128xi32, #tpu.memory_space<vmem>>
        %dma_start3A_416 = arith.constant 0 : i32
        %dma_start3A_417 = arith.constant 0 : i32
        %dma_start3A_418 = tpu.memref_slice %arg2[%arg0, %dma_start3A_416, %dma_start3A_417] : memref<2x10240x128xf32, #tpu.memory_space<hbm>> -> memref<1x10240x128xf32, #tpu.memory_space<hbm>>
        %dma_start3A_419 = tpu.memref_squeeze %dma_start3A_418 : memref<1x10240x128xf32, #tpu.memory_space<hbm>> -> memref<10240x128xf32, #tpu.memory_space<hbm>>
        %dma_start3A_420 = arith.constant 0 : i32
        %dma_start3A_421 = arith.constant 0 : i32
        %dma_start3A_422 = tpu.memref_slice %dma_start3A_419[%dma_start3A_420, %dma_start3A_421] : memref<10240x128xf32, #tpu.memory_space<hbm>> -> memref<10240x128xf32, #tpu.memory_space<hbm>>
        tpu.enqueue_indirect_dma source(%dma_start3A_422 : memref<10240x128xf32, #tpu.memory_space<hbm>>) target(%arg12 : memref<128x128xf32, #tpu.memory_space<vmem>>) offsets(%dma_start3A_415 : memref<128xi32, #tpu.memory_space<vmem>>) semaphore(%arg14 : memref<!tpu.dma_semaphore, #tpu.memory_space<semaphore_mem>>)
      } else {
      }
      %dma_wait3A_361 = arith.constant 0 : i32
      %dma_wait3A_362 = arith.constant 0 : i32
      %dma_wait3A_363 = tpu.memref_slice %arg5[%dma_wait3A_361, %dma_wait3A_362] : memref<10240x128xf32, #tpu.memory_space<hbm>> -> memref<128x128xf32, #tpu.memory_space<hbm>>
      %dma_wait3A_364 = arith.constant 0 : i32
      %dma_wait3A_365 = arith.constant 0 : i32
      %dma_wait3A_366 = tpu.memref_slice %arg5[%dma_wait3A_364, %dma_wait3A_365] : memref<10240x128xf32, #tpu.memory_space<hbm>> -> memref<128x128xf32, #tpu.memory_space<hbm>>
      tpu.wait_dma2 semaphore(%arg14 : memref<!tpu.dma_semaphore, #tpu.memory_space<semaphore_mem>>) src(%dma_wait3A_366 : memref<128x128xf32, #tpu.memory_space<hbm>>) dst(%arg12 : memref<128x128xf32, #tpu.memory_space<vmem>>)
      %dma_start3A_367 = arith.constant 6 : i32
      %dma_start3A_368 = arith.constant 0 : i32
      %dma_start3A_369 = tpu.memref_slice %arg11[%dma_start3A_367, %dma_start3A_368] : memref<8x128xi32, #tpu.memory_space<vmem>> -> memref<1x128xi32, #tpu.memory_space<vmem>>
      %dma_start3A_370 = tpu.memref_squeeze %dma_start3A_369 : memref<1x128xi32, #tpu.memory_space<vmem>> -> memref<128xi32, #tpu.memory_space<vmem>>
      %dma_start3A_371 = arith.constant 0 : i32
      %dma_start3A_372 = arith.constant 0 : i32
      %dma_start3A_373 = tpu.memref_slice %arg7[%dma_start3A_371, %dma_start3A_372] : memref<10240x128xf32, #tpu.memory_space<vmem_shared>> -> memref<10240x128xf32, #tpu.memory_space<vmem_shared>>
      tpu.enqueue_indirect_dma source(%arg12 : memref<128x128xf32, #tpu.memory_space<vmem>>) target(%dma_start3A_373 : memref<10240x128xf32, #tpu.memory_space<vmem_shared>>) offsets(%dma_start3A_370 : memref<128xi32, #tpu.memory_space<vmem>>) semaphore(%arg15 : memref<!tpu.dma_semaphore, #tpu.memory_space<semaphore_mem>>) {add = true}
      %add3A_374 = arith.constant 15 : i32
      %add3A_375 = arith.addi %mul3A_66, %add3A_374 : i32
      %lt3A_376 = arith.cmpi slt, %add3A_375, %select_n3A : i32
      %convert_element_type3A_377 = arith.extui %lt3A_376 : i1 to i32
      %cond3A_378 = arith.constant 0 : i32
      %cond3A_379 = arith.cmpi ne, %convert_element_type3A_377, %cond3A_378 : i32
      scf.if %cond3A_379 {
        %ge3A = arith.constant 2 : i32
        %ge3A_408 = arith.cmpi sge, %add3A_375, %ge3A : i32
        %convert_element_type3A_409 = arith.extui %ge3A_408 : i1 to i32
        %cond3A_410 = arith.constant 0 : i32
        %cond3A_411 = arith.cmpi ne, %convert_element_type3A_409, %cond3A_410 : i32
        scf.if %cond3A_411 {
          %dma_wait3A_423 = arith.constant 0 : i32
          %dma_wait3A_424 = arith.constant 0 : i32
          %dma_wait3A_425 = tpu.memref_slice %arg5[%dma_wait3A_423, %dma_wait3A_424] : memref<10240x128xf32, #tpu.memory_space<hbm>> -> memref<128x128xf32, #tpu.memory_space<hbm>>
          %dma_wait3A_426 = arith.constant 0 : i32
          %dma_wait3A_427 = arith.constant 0 : i32
          %dma_wait3A_428 = tpu.memref_slice %arg5[%dma_wait3A_426, %dma_wait3A_427] : memref<10240x128xf32, #tpu.memory_space<hbm>> -> memref<128x128xf32, #tpu.memory_space<hbm>>
          tpu.wait_dma2 semaphore(%arg15 : memref<!tpu.dma_semaphore, #tpu.memory_space<semaphore_mem>>) src(%dma_wait3A_428 : memref<128x128xf32, #tpu.memory_space<hbm>>) dst(%arg13 : memref<128x128xf32, #tpu.memory_space<vmem>>)
        } else {
        }
        %dma_start3A_412 = arith.constant 7 : i32
        %dma_start3A_413 = arith.constant 0 : i32
        %dma_start3A_414 = tpu.memref_slice %arg9[%dma_start3A_412, %dma_start3A_413] : memref<8x128xi32, #tpu.memory_space<vmem>> -> memref<1x128xi32, #tpu.memory_space<vmem>>
        %dma_start3A_415 = tpu.memref_squeeze %dma_start3A_414 : memref<1x128xi32, #tpu.memory_space<vmem>> -> memref<128xi32, #tpu.memory_space<vmem>>
        %dma_start3A_416 = arith.constant 0 : i32
        %dma_start3A_417 = arith.constant 0 : i32
        %dma_start3A_418 = tpu.memref_slice %arg2[%arg0, %dma_start3A_416, %dma_start3A_417] : memref<2x10240x128xf32, #tpu.memory_space<hbm>> -> memref<1x10240x128xf32, #tpu.memory_space<hbm>>
        %dma_start3A_419 = tpu.memref_squeeze %dma_start3A_418 : memref<1x10240x128xf32, #tpu.memory_space<hbm>> -> memref<10240x128xf32, #tpu.memory_space<hbm>>
        %dma_start3A_420 = arith.constant 0 : i32
        %dma_start3A_421 = arith.constant 0 : i32
        %dma_start3A_422 = tpu.memref_slice %dma_start3A_419[%dma_start3A_420, %dma_start3A_421] : memref<10240x128xf32, #tpu.memory_space<hbm>> -> memref<10240x128xf32, #tpu.memory_space<hbm>>
        tpu.enqueue_indirect_dma source(%dma_start3A_422 : memref<10240x128xf32, #tpu.memory_space<hbm>>) target(%arg13 : memref<128x128xf32, #tpu.memory_space<vmem>>) offsets(%dma_start3A_415 : memref<128xi32, #tpu.memory_space<vmem>>) semaphore(%arg14 : memref<!tpu.dma_semaphore, #tpu.memory_space<semaphore_mem>>)
      } else {
      }
      %dma_wait3A_380 = arith.constant 0 : i32
      %dma_wait3A_381 = tpu.memref_slice %arg3[%min3A_257, %dma_wait3A_380] : memref<2560x128xi32, #tpu.memory_space<hbm>> -> memref<8x128xi32, #tpu.memory_space<hbm>>
      %dma_wait3A_382 = arith.constant 0 : i32
      %dma_wait3A_383 = tpu.memref_slice %arg3[%min3A_257, %dma_wait3A_382] : memref<2560x128xi32, #tpu.memory_space<hbm>> -> memref<8x128xi32, #tpu.memory_space<hbm>>
      tpu.wait_dma2 semaphore(%arg16 : memref<!tpu.dma_semaphore, #tpu.memory_space<semaphore_mem>>) src(%dma_wait3A_383 : memref<8x128xi32, #tpu.memory_space<hbm>>) dst(%arg8 : memref<8x128xi32, #tpu.memory_space<vmem>>)
      %dma_wait3A_384 = arith.constant 0 : i32
      %dma_wait3A_385 = tpu.memref_slice %arg4[%min3A_257, %dma_wait3A_384] : memref<2560x128xi32, #tpu.memory_space<hbm>> -> memref<8x128xi32, #tpu.memory_space<hbm>>
      %dma_wait3A_386 = arith.constant 0 : i32
      %dma_wait3A_387 = tpu.memref_slice %arg4[%min3A_257, %dma_wait3A_386] : memref<2560x128xi32, #tpu.memory_space<hbm>> -> memref<8x128xi32, #tpu.memory_space<hbm>>
      tpu.wait_dma2 semaphore(%arg16 : memref<!tpu.dma_semaphore, #tpu.memory_space<semaphore_mem>>) src(%dma_wait3A_387 : memref<8x128xi32, #tpu.memory_space<hbm>>) dst(%arg10 : memref<8x128xi32, #tpu.memory_space<vmem>>)
      %dma_wait3A_388 = arith.constant 0 : i32
      %dma_wait3A_389 = arith.constant 0 : i32
      %dma_wait3A_390 = tpu.memref_slice %arg5[%dma_wait3A_388, %dma_wait3A_389] : memref<10240x128xf32, #tpu.memory_space<hbm>> -> memref<128x128xf32, #tpu.memory_space<hbm>>
      %dma_wait3A_391 = arith.constant 0 : i32
      %dma_wait3A_392 = arith.constant 0 : i32
      %dma_wait3A_393 = tpu.memref_slice %arg5[%dma_wait3A_391, %dma_wait3A_392] : memref<10240x128xf32, #tpu.memory_space<hbm>> -> memref<128x128xf32, #tpu.memory_space<hbm>>
      tpu.wait_dma2 semaphore(%arg14 : memref<!tpu.dma_semaphore, #tpu.memory_space<semaphore_mem>>) src(%dma_wait3A_393 : memref<128x128xf32, #tpu.memory_space<hbm>>) dst(%arg13 : memref<128x128xf32, #tpu.memory_space<vmem>>)
      %dma_start3A_394 = arith.constant 7 : i32
      %dma_start3A_395 = arith.constant 0 : i32
      %dma_start3A_396 = tpu.memref_slice %arg11[%dma_start3A_394, %dma_start3A_395] : memref<8x128xi32, #tpu.memory_space<vmem>> -> memref<1x128xi32, #tpu.memory_space<vmem>>
      %dma_start3A_397 = tpu.memref_squeeze %dma_start3A_396 : memref<1x128xi32, #tpu.memory_space<vmem>> -> memref<128xi32, #tpu.memory_space<vmem>>
      %dma_start3A_398 = arith.constant 0 : i32
      %dma_start3A_399 = arith.constant 0 : i32
      %dma_start3A_400 = tpu.memref_slice %arg7[%dma_start3A_398, %dma_start3A_399] : memref<10240x128xf32, #tpu.memory_space<vmem_shared>> -> memref<10240x128xf32, #tpu.memory_space<vmem_shared>>
      tpu.enqueue_indirect_dma source(%arg13 : memref<128x128xf32, #tpu.memory_space<vmem>>) target(%dma_start3A_400 : memref<10240x128xf32, #tpu.memory_space<vmem_shared>>) offsets(%dma_start3A_397 : memref<128xi32, #tpu.memory_space<vmem>>) semaphore(%arg15 : memref<!tpu.dma_semaphore, #tpu.memory_space<semaphore_mem>>) {add = true}
      %add3A_401 = arith.constant 16 : i32
      %add3A_402 = arith.addi %mul3A_66, %add3A_401 : i32
      %lt3A_403 = arith.cmpi slt, %add3A_402, %select_n3A : i32
      %convert_element_type3A_404 = arith.extui %lt3A_403 : i1 to i32
      %cond3A_405 = arith.constant 0 : i32
      %cond3A_406 = arith.cmpi ne, %convert_element_type3A_404, %cond3A_405 : i32
      scf.if %cond3A_406 {
        %ge3A = arith.constant 2 : i32
        %ge3A_408 = arith.cmpi sge, %add3A_402, %ge3A : i32
        %convert_element_type3A_409 = arith.extui %ge3A_408 : i1 to i32
        %cond3A_410 = arith.constant 0 : i32
        %cond3A_411 = arith.cmpi ne, %convert_element_type3A_409, %cond3A_410 : i32
        scf.if %cond3A_411 {
          %dma_wait3A_423 = arith.constant 0 : i32
          %dma_wait3A_424 = arith.constant 0 : i32
          %dma_wait3A_425 = tpu.memref_slice %arg5[%dma_wait3A_423, %dma_wait3A_424] : memref<10240x128xf32, #tpu.memory_space<hbm>> -> memref<128x128xf32, #tpu.memory_space<hbm>>
          %dma_wait3A_426 = arith.constant 0 : i32
          %dma_wait3A_427 = arith.constant 0 : i32
          %dma_wait3A_428 = tpu.memref_slice %arg5[%dma_wait3A_426, %dma_wait3A_427] : memref<10240x128xf32, #tpu.memory_space<hbm>> -> memref<128x128xf32, #tpu.memory_space<hbm>>
          tpu.wait_dma2 semaphore(%arg15 : memref<!tpu.dma_semaphore, #tpu.memory_space<semaphore_mem>>) src(%dma_wait3A_428 : memref<128x128xf32, #tpu.memory_space<hbm>>) dst(%arg12 : memref<128x128xf32, #tpu.memory_space<vmem>>)
        } else {
        }
        %dma_start3A_412 = arith.constant 0 : i32
        %dma_start3A_413 = arith.constant 0 : i32
        %dma_start3A_414 = tpu.memref_slice %arg8[%dma_start3A_412, %dma_start3A_413] : memref<8x128xi32, #tpu.memory_space<vmem>> -> memref<1x128xi32, #tpu.memory_space<vmem>>
        %dma_start3A_415 = tpu.memref_squeeze %dma_start3A_414 : memref<1x128xi32, #tpu.memory_space<vmem>> -> memref<128xi32, #tpu.memory_space<vmem>>
        %dma_start3A_416 = arith.constant 0 : i32
        %dma_start3A_417 = arith.constant 0 : i32
        %dma_start3A_418 = tpu.memref_slice %arg2[%arg0, %dma_start3A_416, %dma_start3A_417] : memref<2x10240x128xf32, #tpu.memory_space<hbm>> -> memref<1x10240x128xf32, #tpu.memory_space<hbm>>
        %dma_start3A_419 = tpu.memref_squeeze %dma_start3A_418 : memref<1x10240x128xf32, #tpu.memory_space<hbm>> -> memref<10240x128xf32, #tpu.memory_space<hbm>>
        %dma_start3A_420 = arith.constant 0 : i32
        %dma_start3A_421 = arith.constant 0 : i32
        %dma_start3A_422 = tpu.memref_slice %dma_start3A_419[%dma_start3A_420, %dma_start3A_421] : memref<10240x128xf32, #tpu.memory_space<hbm>> -> memref<10240x128xf32, #tpu.memory_space<hbm>>
        tpu.enqueue_indirect_dma source(%dma_start3A_422 : memref<10240x128xf32, #tpu.memory_space<hbm>>) target(%arg12 : memref<128x128xf32, #tpu.memory_space<vmem>>) offsets(%dma_start3A_415 : memref<128xi32, #tpu.memory_space<vmem>>) semaphore(%arg14 : memref<!tpu.dma_semaphore, #tpu.memory_space<semaphore_mem>>)
      } else {
      }
      %while3A_407 = arith.constant 0 : i32
      scf.yield %while3A_407 : i32
    }
    %dma_wait3A = arith.constant 0 : i32
    %dma_wait3A_48 = arith.constant 0 : i32
    %dma_wait3A_49 = tpu.memref_slice %arg5[%dma_wait3A, %dma_wait3A_48] : memref<10240x128xf32, #tpu.memory_space<hbm>> -> memref<128x128xf32, #tpu.memory_space<hbm>>
    %dma_wait3A_50 = arith.constant 0 : i32
    %dma_wait3A_51 = arith.constant 0 : i32
    %dma_wait3A_52 = tpu.memref_slice %arg5[%dma_wait3A_50, %dma_wait3A_51] : memref<10240x128xf32, #tpu.memory_space<hbm>> -> memref<128x128xf32, #tpu.memory_space<hbm>>
    tpu.wait_dma2 semaphore(%arg15 : memref<!tpu.dma_semaphore, #tpu.memory_space<semaphore_mem>>) src(%dma_wait3A_52 : memref<128x128xf32, #tpu.memory_space<hbm>>) dst(%arg12 : memref<128x128xf32, #tpu.memory_space<vmem>>)
    %dma_wait3A_53 = arith.constant 0 : i32
    %dma_wait3A_54 = arith.constant 0 : i32
    %dma_wait3A_55 = tpu.memref_slice %arg5[%dma_wait3A_53, %dma_wait3A_54] : memref<10240x128xf32, #tpu.memory_space<hbm>> -> memref<128x128xf32, #tpu.memory_space<hbm>>
    %dma_wait3A_56 = arith.constant 0 : i32
    %dma_wait3A_57 = arith.constant 0 : i32
    %dma_wait3A_58 = tpu.memref_slice %arg5[%dma_wait3A_56, %dma_wait3A_57] : memref<10240x128xf32, #tpu.memory_space<hbm>> -> memref<128x128xf32, #tpu.memory_space<hbm>>
    tpu.wait_dma2 semaphore(%arg15 : memref<!tpu.dma_semaphore, #tpu.memory_space<semaphore_mem>>) src(%dma_wait3A_58 : memref<128x128xf32, #tpu.memory_space<hbm>>) dst(%arg13 : memref<128x128xf32, #tpu.memory_space<vmem>>)
    %barrier3A_59 = arith.constant 0 : index
    tpu.barrier barrier_id(%barrier3A_59)
    "tpu.region"() ({
      %run_scoped3A = tpu.sem_alloc : memref<!tpu.dma_semaphore, #tpu.memory_space<semaphore_mem>>
      %dma_start3A_60 = arith.constant 0 : i32
      %dma_start3A_61 = tpu.memref_slice %arg6[%arg0, %mul3A_0, %dma_start3A_60] : memref<2x10240x128xf32, #tpu.memory_space<hbm>> -> memref<1x640x128xf32, #tpu.memory_space<hbm>>
      %dma_start3A_62 = tpu.memref_squeeze %dma_start3A_61 : memref<1x640x128xf32, #tpu.memory_space<hbm>> -> memref<640x128xf32, #tpu.memory_space<hbm>>
      %dma_start3A_63 = arith.constant 0 : i32
      %dma_start3A_64 = tpu.memref_slice %arg7[%mul3A_0, %dma_start3A_63] : memref<10240x128xf32, #tpu.memory_space<vmem_shared>> -> memref<640x128xf32, #tpu.memory_space<vmem_shared>>
      tpu.enqueue_dma source(%dma_start3A_64 : memref<640x128xf32, #tpu.memory_space<vmem_shared>>) target(%dma_start3A_62 : memref<640x128xf32, #tpu.memory_space<hbm>>) target_semaphore(%run_scoped3A : memref<!tpu.dma_semaphore, #tpu.memory_space<semaphore_mem>>)
      %dma_wait3A_65 = arith.constant 0 : i32
      %dma_wait3A_66 = tpu.memref_slice %arg6[%arg0, %mul3A_0, %dma_wait3A_65] : memref<2x10240x128xf32, #tpu.memory_space<hbm>> -> memref<1x640x128xf32, #tpu.memory_space<hbm>>
      %dma_wait3A_67 = tpu.memref_squeeze %dma_wait3A_66 : memref<1x640x128xf32, #tpu.memory_space<hbm>> -> memref<640x128xf32, #tpu.memory_space<hbm>>
      %dma_wait3A_68 = arith.constant 0 : i32
      %dma_wait3A_69 = tpu.memref_slice %arg7[%mul3A_0, %dma_wait3A_68] : memref<10240x128xf32, #tpu.memory_space<vmem_shared>> -> memref<640x128xf32, #tpu.memory_space<vmem_shared>>
      tpu.wait_dma2 semaphore(%run_scoped3A : memref<!tpu.dma_semaphore, #tpu.memory_space<semaphore_mem>>) src(%dma_wait3A_69 : memref<640x128xf32, #tpu.memory_space<vmem_shared>>) dst(%dma_wait3A_67 : memref<640x128xf32, #tpu.memory_space<hbm>>)
      tpu.yield
    }) : () -> ()
    return
  }
}

#map = affine_map<(d0, d1) -> (0, 0, 0)>
#map1 = affine_map<(d0, d1) -> (0, 0)>
module attributes {stable_mosaic.version = 14 : i64} {
  func.func @_agg_body(%arg0: i32, %arg1: i32, %arg2: memref<2x10240x128xf32, #tpu.memory_space<hbm>>, %arg3: memref<2560x128xi32, #tpu.memory_space<hbm>>, %arg4: memref<2560x128xi32, #tpu.memory_space<hbm>>, %arg5: memref<10240x128xf32, #tpu.memory_space<hbm>>, %arg6: memref<2x10240x128xf32, #tpu.memory_space<hbm>>, %arg7: memref<10240x128xf32, #tpu.memory_space<vmem_shared>>, %arg8: memref<8x128xi32, #tpu.memory_space<vmem>>, %arg9: memref<8x128xi32, #tpu.memory_space<vmem>>, %arg10: memref<8x128xi32, #tpu.memory_space<vmem>>, %arg11: memref<8x128xi32, #tpu.memory_space<vmem>>, %arg12: memref<128x128xf32, #tpu.memory_space<vmem>>, %arg13: memref<128x128xf32, #tpu.memory_space<vmem>>, %arg14: memref<!tpu.dma_semaphore, #tpu.memory_space<semaphore_mem>>, %arg15: memref<!tpu.dma_semaphore, #tpu.memory_space<semaphore_mem>>, %arg16: memref<!tpu.dma_semaphore, #tpu.memory_space<semaphore_mem>>) attributes {dimension_semantics = [#tpu.dimension_semantics<core_parallel>, #tpu.dimension_semantics<subcore_parallel>], iteration_bounds = array<i64: 2, 16>, scalar_prefetch = 0 : i64, scratch_operands = 10 : i64, tpu.core_type = #tpu.core_type<sc_vector_subcore>, window_params = [{transform_indices = #map}, {transform_indices = #map1}, {transform_indices = #map1}, {transform_indices = #map1}, {transform_indices = #map}]} {
    %mul3A = arith.constant 640 : i32
    %mul3A_0 = arith.muli %arg1, %mul3A : i32
    "tpu.region"() ({
      %run_scoped3A = tpu.sem_alloc : memref<!tpu.dma_semaphore, #tpu.memory_space<semaphore_mem>>
      %dma_start3A_60 = arith.constant 0 : i32
      %dma_start3A_61 = tpu.memref_slice %arg7[%mul3A_0, %dma_start3A_60] : memref<10240x128xf32, #tpu.memory_space<vmem_shared>> -> memref<640x128xf32, #tpu.memory_space<vmem_shared>>
      %dma_start3A_62 = arith.constant 0 : i32
      %dma_start3A_63 = tpu.memref_slice %arg5[%mul3A_0, %dma_start3A_62] : memref<10240x128xf32, #tpu.memory_space<hbm>> -> memref<640x128xf32, #tpu.memory_space<hbm>>
      tpu.enqueue_dma source(%dma_start3A_63 : memref<640x128xf32, #tpu.memory_space<hbm>>) target(%dma_start3A_61 : memref<640x128xf32, #tpu.memory_space<vmem_shared>>) target_semaphore(%run_scoped3A : memref<!tpu.dma_semaphore, #tpu.memory_space<semaphore_mem>>)
      %dma_wait3A_64 = arith.constant 0 : i32
      %dma_wait3A_65 = tpu.memref_slice %arg7[%mul3A_0, %dma_wait3A_64] : memref<10240x128xf32, #tpu.memory_space<vmem_shared>> -> memref<640x128xf32, #tpu.memory_space<vmem_shared>>
      %dma_wait3A_66 = arith.constant 0 : i32
      %dma_wait3A_67 = tpu.memref_slice %arg5[%mul3A_0, %dma_wait3A_66] : memref<10240x128xf32, #tpu.memory_space<hbm>> -> memref<640x128xf32, #tpu.memory_space<hbm>>
      tpu.wait_dma2 semaphore(%run_scoped3A : memref<!tpu.dma_semaphore, #tpu.memory_space<semaphore_mem>>) src(%dma_wait3A_67 : memref<640x128xf32, #tpu.memory_space<hbm>>) dst(%dma_wait3A_65 : memref<640x128xf32, #tpu.memory_space<vmem_shared>>)
      tpu.yield
    }) : () -> ()
    %barrier3A = arith.constant 0 : index
    tpu.barrier barrier_id(%barrier3A)
    %eq3A = arith.constant 0 : i32
    %eq3A_1 = arith.cmpi eq, %arg0, %eq3A : i32
    %jit3A = arith.constant 112 : i32
    %jit3A_2 = arith.constant 48 : i32
    %select_n3A = arith.select %eq3A_1, %jit3A, %jit3A_2 : i32
    %mul3A_3 = arith.constant 112 : i32
    %mul3A_4 = arith.muli %arg1, %mul3A_3 : i32
    %mul3A_5 = arith.constant 48 : i32
    %mul3A_6 = arith.muli %arg1, %mul3A_5 : i32
    %add3A = arith.constant 1792 : i32
    %add3A_7 = arith.addi %add3A, %mul3A_6 : i32
    %select_n3A_8 = arith.select %eq3A_1, %mul3A_4, %add3A_7 : i32
    %jit3A_9 = arith.constant 16 : i32
    %div3A = arith.divsi %select_n3A, %jit3A_9 : i32
    %sign3A = arith.constant 0 : i32
    %sign3A_10 = arith.cmpi sgt, %select_n3A, %sign3A : i32
    %sign3A_11 = arith.extui %sign3A_10 : i1 to i32
    %sign3A_12 = arith.constant 0 : i32
    %sign3A_13 = arith.cmpi slt, %select_n3A, %sign3A_12 : i32
    %sign3A_14 = arith.extui %sign3A_13 : i1 to i32
    %sign3A_15 = arith.subi %sign3A_11, %sign3A_14 : i32
    %sign3A_16 = arith.constant 0 : i32
    %sign3A_17 = arith.cmpi sgt, %jit3A_9, %sign3A_16 : i32
    %sign3A_18 = arith.extui %sign3A_17 : i1 to i32
    %sign3A_19 = arith.constant 0 : i32
    %sign3A_20 = arith.cmpi slt, %jit3A_9, %sign3A_19 : i32
    %sign3A_21 = arith.extui %sign3A_20 : i1 to i32
    %sign3A_22 = arith.subi %sign3A_18, %sign3A_21 : i32
    %ne3A = arith.cmpi ne, %sign3A_15, %sign3A_22 : i32
    %rem3A = arith.remsi %select_n3A, %jit3A_9 : i32
    %ne3A_23 = arith.constant 0 : i32
    %ne3A_24 = arith.cmpi ne, %rem3A, %ne3A_23 : i32
    %and3A = arith.andi %ne3A, %ne3A_24 : i1
    %sub3A = arith.constant 1 : i32
    %sub3A_25 = arith.subi %div3A, %sub3A : i32
    %select_n3A_26 = arith.select %and3A, %sub3A_25, %div3A : i32
    "tpu.region"() ({
      %run_scoped3A = tpu.sem_alloc : memref<!tpu.dma_semaphore, #tpu.memory_space<semaphore_mem>>
      %dma_start3A_60 = arith.constant 0 : i32
      %dma_start3A_61 = tpu.memref_slice %arg3[%select_n3A_8, %dma_start3A_60] : memref<2560x128xi32, #tpu.memory_space<hbm>> -> memref<8x128xi32, #tpu.memory_space<hbm>>
      %dma_start3A_62 = arith.constant 0 : i32
      %dma_start3A_63 = tpu.memref_slice %arg3[%select_n3A_8, %dma_start3A_62] : memref<2560x128xi32, #tpu.memory_space<hbm>> -> memref<8x128xi32, #tpu.memory_space<hbm>>
      tpu.enqueue_dma source(%dma_start3A_63 : memref<8x128xi32, #tpu.memory_space<hbm>>) target(%arg8 : memref<8x128xi32, #tpu.memory_space<vmem>>) target_semaphore(%run_scoped3A : memref<!tpu.dma_semaphore, #tpu.memory_space<semaphore_mem>>)
      %dma_wait3A_64 = arith.constant 0 : i32
      %dma_wait3A_65 = tpu.memref_slice %arg3[%select_n3A_8, %dma_wait3A_64] : memref<2560x128xi32, #tpu.memory_space<hbm>> -> memref<8x128xi32, #tpu.memory_space<hbm>>
      %dma_wait3A_66 = arith.constant 0 : i32
      %dma_wait3A_67 = tpu.memref_slice %arg3[%select_n3A_8, %dma_wait3A_66] : memref<2560x128xi32, #tpu.memory_space<hbm>> -> memref<8x128xi32, #tpu.memory_space<hbm>>
      tpu.wait_dma2 semaphore(%run_scoped3A : memref<!tpu.dma_semaphore, #tpu.memory_space<semaphore_mem>>) src(%dma_wait3A_67 : memref<8x128xi32, #tpu.memory_space<hbm>>) dst(%arg8 : memref<8x128xi32, #tpu.memory_space<vmem>>)
      tpu.yield
    }) : () -> ()
    "tpu.region"() ({
      %run_scoped3A = tpu.sem_alloc : memref<!tpu.dma_semaphore, #tpu.memory_space<semaphore_mem>>
      %dma_start3A_60 = arith.constant 0 : i32
      %dma_start3A_61 = tpu.memref_slice %arg4[%select_n3A_8, %dma_start3A_60] : memref<2560x128xi32, #tpu.memory_space<hbm>> -> memref<8x128xi32, #tpu.memory_space<hbm>>
      %dma_start3A_62 = arith.constant 0 : i32
      %dma_start3A_63 = tpu.memref_slice %arg4[%select_n3A_8, %dma_start3A_62] : memref<2560x128xi32, #tpu.memory_space<hbm>> -> memref<8x128xi32, #tpu.memory_space<hbm>>
      tpu.enqueue_dma source(%dma_start3A_63 : memref<8x128xi32, #tpu.memory_space<hbm>>) target(%arg10 : memref<8x128xi32, #tpu.memory_space<vmem>>) target_semaphore(%run_scoped3A : memref<!tpu.dma_semaphore, #tpu.memory_space<semaphore_mem>>)
      %dma_wait3A_64 = arith.constant 0 : i32
      %dma_wait3A_65 = tpu.memref_slice %arg4[%select_n3A_8, %dma_wait3A_64] : memref<2560x128xi32, #tpu.memory_space<hbm>> -> memref<8x128xi32, #tpu.memory_space<hbm>>
      %dma_wait3A_66 = arith.constant 0 : i32
      %dma_wait3A_67 = tpu.memref_slice %arg4[%select_n3A_8, %dma_wait3A_66] : memref<2560x128xi32, #tpu.memory_space<hbm>> -> memref<8x128xi32, #tpu.memory_space<hbm>>
      tpu.wait_dma2 semaphore(%run_scoped3A : memref<!tpu.dma_semaphore, #tpu.memory_space<semaphore_mem>>) src(%dma_wait3A_67 : memref<8x128xi32, #tpu.memory_space<hbm>>) dst(%arg10 : memref<8x128xi32, #tpu.memory_space<vmem>>)
      tpu.yield
    }) : () -> ()
    %dma_start3A = arith.constant 0 : i32
    %dma_start3A_27 = arith.constant 0 : i32
    %dma_start3A_28 = tpu.memref_slice %arg8[%dma_start3A, %dma_start3A_27] : memref<8x128xi32, #tpu.memory_space<vmem>> -> memref<1x128xi32, #tpu.memory_space<vmem>>
    %dma_start3A_29 = tpu.memref_squeeze %dma_start3A_28 : memref<1x128xi32, #tpu.memory_space<vmem>> -> memref<128xi32, #tpu.memory_space<vmem>>
    %dma_start3A_30 = arith.constant 0 : i32
    %dma_start3A_31 = arith.constant 0 : i32
    %dma_start3A_32 = tpu.memref_slice %arg2[%arg0, %dma_start3A_30, %dma_start3A_31] : memref<2x10240x128xf32, #tpu.memory_space<hbm>> -> memref<1x10240x128xf32, #tpu.memory_space<hbm>>
    %dma_start3A_33 = tpu.memref_squeeze %dma_start3A_32 : memref<1x10240x128xf32, #tpu.memory_space<hbm>> -> memref<10240x128xf32, #tpu.memory_space<hbm>>
    %dma_start3A_34 = arith.constant 0 : i32
    %dma_start3A_35 = arith.constant 0 : i32
    %dma_start3A_36 = tpu.memref_slice %dma_start3A_33[%dma_start3A_34, %dma_start3A_35] : memref<10240x128xf32, #tpu.memory_space<hbm>> -> memref<10240x128xf32, #tpu.memory_space<hbm>>
    tpu.enqueue_indirect_dma source(%dma_start3A_36 : memref<10240x128xf32, #tpu.memory_space<hbm>>) target(%arg12 : memref<128x128xf32, #tpu.memory_space<vmem>>) offsets(%dma_start3A_29 : memref<128xi32, #tpu.memory_space<vmem>>) semaphore(%arg14 : memref<!tpu.dma_semaphore, #tpu.memory_space<semaphore_mem>>)
    %while3A = arith.constant 0 : i32
    %while3A_37 = arith.constant 0 : i32
    %while3A_38 = arith.subi %select_n3A_26, %while3A : i32
    %while3A_39 = arith.addi %while3A, %while3A_38 : i32
    %while3A_40 = arith.constant 1 : i32
    %while3A_41 = arith.divsi %while3A_38, %while3A_40 : i32
    %while3A_42 = arith.muli %while3A_41, %while3A_40 : i32
    %while3A_43 = arith.addi %while3A, %while3A_42 : i32
    %while3A_44 = arith.constant 1 : i32
    %while3A_45 = scf.for %while3A_60 = %while3A to %while3A_43 step %while3A_44 iter_args(%while3A_61 = %while3A_37) -> (i32)  : i32 {
      %mul3A_62 = arith.constant 16 : i32
      %mul3A_63 = arith.muli %while3A_60, %mul3A_62 : i32
      %add3A_64 = arith.addi %select_n3A_8, %mul3A_63 : i32
      %mul3A_65 = arith.constant 16 : i32
      %mul3A_66 = arith.muli %while3A_60, %mul3A_65 : i32
      %dma_wait3A_67 = arith.constant 0 : i32
      %dma_wait3A_68 = arith.constant 0 : i32
      %dma_wait3A_69 = tpu.memref_slice %arg5[%dma_wait3A_67, %dma_wait3A_68] : memref<10240x128xf32, #tpu.memory_space<hbm>> -> memref<128x128xf32, #tpu.memory_space<hbm>>
      %dma_wait3A_70 = arith.constant 0 : i32
      %dma_wait3A_71 = arith.constant 0 : i32
      %dma_wait3A_72 = tpu.memref_slice %arg5[%dma_wait3A_70, %dma_wait3A_71] : memref<10240x128xf32, #tpu.memory_space<hbm>> -> memref<128x128xf32, #tpu.memory_space<hbm>>
      tpu.wait_dma2 semaphore(%arg14 : memref<!tpu.dma_semaphore, #tpu.memory_space<semaphore_mem>>) src(%dma_wait3A_72 : memref<128x128xf32, #tpu.memory_space<hbm>>) dst(%arg12 : memref<128x128xf32, #tpu.memory_space<vmem>>)
      %dma_start3A_73 = arith.constant 0 : i32
      %dma_start3A_74 = arith.constant 0 : i32
      %dma_start3A_75 = tpu.memref_slice %arg10[%dma_start3A_73, %dma_start3A_74] : memref<8x128xi32, #tpu.memory_space<vmem>> -> memref<1x128xi32, #tpu.memory_space<vmem>>
      %dma_start3A_76 = tpu.memref_squeeze %dma_start3A_75 : memref<1x128xi32, #tpu.memory_space<vmem>> -> memref<128xi32, #tpu.memory_space<vmem>>
      %dma_start3A_77 = arith.constant 0 : i32
      %dma_start3A_78 = arith.constant 0 : i32
      %dma_start3A_79 = tpu.memref_slice %arg7[%dma_start3A_77, %dma_start3A_78] : memref<10240x128xf32, #tpu.memory_space<vmem_shared>> -> memref<10240x128xf32, #tpu.memory_space<vmem_shared>>
      tpu.enqueue_indirect_dma source(%arg12 : memref<128x128xf32, #tpu.memory_space<vmem>>) target(%dma_start3A_79 : memref<10240x128xf32, #tpu.memory_space<vmem_shared>>) offsets(%dma_start3A_76 : memref<128xi32, #tpu.memory_space<vmem>>) semaphore(%arg15 : memref<!tpu.dma_semaphore, #tpu.memory_space<semaphore_mem>>) {add = true}
      %add3A_80 = arith.constant 1 : i32
      %add3A_81 = arith.addi %mul3A_66, %add3A_80 : i32
      %lt3A = arith.cmpi slt, %add3A_81, %select_n3A : i32
      %convert_element_type3A = arith.extui %lt3A : i1 to i32
      %cond3A = arith.constant 0 : i32
      %cond3A_82 = arith.cmpi ne, %convert_element_type3A, %cond3A : i32
      scf.if %cond3A_82 {
        %ge3A = arith.constant 2 : i32
        %ge3A_408 = arith.cmpi sge, %add3A_81, %ge3A : i32
        %convert_element_type3A_409 = arith.extui %ge3A_408 : i1 to i32
        %cond3A_410 = arith.constant 0 : i32
        %cond3A_411 = arith.cmpi ne, %convert_element_type3A_409, %cond3A_410 : i32
        scf.if %cond3A_411 {
          %dma_wait3A_423 = arith.constant 0 : i32
          %dma_wait3A_424 = arith.constant 0 : i32
          %dma_wait3A_425 = tpu.memref_slice %arg5[%dma_wait3A_423, %dma_wait3A_424] : memref<10240x128xf32, #tpu.memory_space<hbm>> -> memref<128x128xf32, #tpu.memory_space<hbm>>
          %dma_wait3A_426 = arith.constant 0 : i32
          %dma_wait3A_427 = arith.constant 0 : i32
          %dma_wait3A_428 = tpu.memref_slice %arg5[%dma_wait3A_426, %dma_wait3A_427] : memref<10240x128xf32, #tpu.memory_space<hbm>> -> memref<128x128xf32, #tpu.memory_space<hbm>>
          tpu.wait_dma2 semaphore(%arg15 : memref<!tpu.dma_semaphore, #tpu.memory_space<semaphore_mem>>) src(%dma_wait3A_428 : memref<128x128xf32, #tpu.memory_space<hbm>>) dst(%arg13 : memref<128x128xf32, #tpu.memory_space<vmem>>)
        } else {
        }
        %dma_start3A_412 = arith.constant 1 : i32
        %dma_start3A_413 = arith.constant 0 : i32
        %dma_start3A_414 = tpu.memref_slice %arg8[%dma_start3A_412, %dma_start3A_413] : memref<8x128xi32, #tpu.memory_space<vmem>> -> memref<1x128xi32, #tpu.memory_space<vmem>>
        %dma_start3A_415 = tpu.memref_squeeze %dma_start3A_414 : memref<1x128xi32, #tpu.memory_space<vmem>> -> memref<128xi32, #tpu.memory_space<vmem>>
        %dma_start3A_416 = arith.constant 0 : i32
        %dma_start3A_417 = arith.constant 0 : i32
        %dma_start3A_418 = tpu.memref_slice %arg2[%arg0, %dma_start3A_416, %dma_start3A_417] : memref<2x10240x128xf32, #tpu.memory_space<hbm>> -> memref<1x10240x128xf32, #tpu.memory_space<hbm>>
        %dma_start3A_419 = tpu.memref_squeeze %dma_start3A_418 : memref<1x10240x128xf32, #tpu.memory_space<hbm>> -> memref<10240x128xf32, #tpu.memory_space<hbm>>
        %dma_start3A_420 = arith.constant 0 : i32
        %dma_start3A_421 = arith.constant 0 : i32
        %dma_start3A_422 = tpu.memref_slice %dma_start3A_419[%dma_start3A_420, %dma_start3A_421] : memref<10240x128xf32, #tpu.memory_space<hbm>> -> memref<10240x128xf32, #tpu.memory_space<hbm>>
        tpu.enqueue_indirect_dma source(%dma_start3A_422 : memref<10240x128xf32, #tpu.memory_space<hbm>>) target(%arg13 : memref<128x128xf32, #tpu.memory_space<vmem>>) offsets(%dma_start3A_415 : memref<128xi32, #tpu.memory_space<vmem>>) semaphore(%arg14 : memref<!tpu.dma_semaphore, #tpu.memory_space<semaphore_mem>>)
      } else {
      }
      %dma_wait3A_83 = arith.constant 0 : i32
      %dma_wait3A_84 = arith.constant 0 : i32
      %dma_wait3A_85 = tpu.memref_slice %arg5[%dma_wait3A_83, %dma_wait3A_84] : memref<10240x128xf32, #tpu.memory_space<hbm>> -> memref<128x128xf32, #tpu.memory_space<hbm>>
      %dma_wait3A_86 = arith.constant 0 : i32
      %dma_wait3A_87 = arith.constant 0 : i32
      %dma_wait3A_88 = tpu.memref_slice %arg5[%dma_wait3A_86, %dma_wait3A_87] : memref<10240x128xf32, #tpu.memory_space<hbm>> -> memref<128x128xf32, #tpu.memory_space<hbm>>
      tpu.wait_dma2 semaphore(%arg14 : memref<!tpu.dma_semaphore, #tpu.memory_space<semaphore_mem>>) src(%dma_wait3A_88 : memref<128x128xf32, #tpu.memory_space<hbm>>) dst(%arg13 : memref<128x128xf32, #tpu.memory_space<vmem>>)
      %dma_start3A_89 = arith.constant 1 : i32
      %dma_start3A_90 = arith.constant 0 : i32
      %dma_start3A_91 = tpu.memref_slice %arg10[%dma_start3A_89, %dma_start3A_90] : memref<8x128xi32, #tpu.memory_space<vmem>> -> memref<1x128xi32, #tpu.memory_space<vmem>>
      %dma_start3A_92 = tpu.memref_squeeze %dma_start3A_91 : memref<1x128xi32, #tpu.memory_space<vmem>> -> memref<128xi32, #tpu.memory_space<vmem>>
      %dma_start3A_93 = arith.constant 0 : i32
      %dma_start3A_94 = arith.constant 0 : i32
      %dma_start3A_95 = tpu.memref_slice %arg7[%dma_start3A_93, %dma_start3A_94] : memref<10240x128xf32, #tpu.memory_space<vmem_shared>> -> memref<10240x128xf32, #tpu.memory_space<vmem_shared>>
      tpu.enqueue_indirect_dma source(%arg13 : memref<128x128xf32, #tpu.memory_space<vmem>>) target(%dma_start3A_95 : memref<10240x128xf32, #tpu.memory_space<vmem_shared>>) offsets(%dma_start3A_92 : memref<128xi32, #tpu.memory_space<vmem>>) semaphore(%arg15 : memref<!tpu.dma_semaphore, #tpu.memory_space<semaphore_mem>>) {add = true}
      %add3A_96 = arith.constant 2 : i32
      %add3A_97 = arith.addi %mul3A_66, %add3A_96 : i32
      %lt3A_98 = arith.cmpi slt, %add3A_97, %select_n3A : i32
      %convert_element_type3A_99 = arith.extui %lt3A_98 : i1 to i32
      %cond3A_100 = arith.constant 0 : i32
      %cond3A_101 = arith.cmpi ne, %convert_element_type3A_99, %cond3A_100 : i32
      scf.if %cond3A_101 {
        %ge3A = arith.constant 2 : i32
        %ge3A_408 = arith.cmpi sge, %add3A_97, %ge3A : i32
        %convert_element_type3A_409 = arith.extui %ge3A_408 : i1 to i32
        %cond3A_410 = arith.constant 0 : i32
        %cond3A_411 = arith.cmpi ne, %convert_element_type3A_409, %cond3A_410 : i32
        scf.if %cond3A_411 {
          %dma_wait3A_423 = arith.constant 0 : i32
          %dma_wait3A_424 = arith.constant 0 : i32
          %dma_wait3A_425 = tpu.memref_slice %arg5[%dma_wait3A_423, %dma_wait3A_424] : memref<10240x128xf32, #tpu.memory_space<hbm>> -> memref<128x128xf32, #tpu.memory_space<hbm>>
          %dma_wait3A_426 = arith.constant 0 : i32
          %dma_wait3A_427 = arith.constant 0 : i32
          %dma_wait3A_428 = tpu.memref_slice %arg5[%dma_wait3A_426, %dma_wait3A_427] : memref<10240x128xf32, #tpu.memory_space<hbm>> -> memref<128x128xf32, #tpu.memory_space<hbm>>
          tpu.wait_dma2 semaphore(%arg15 : memref<!tpu.dma_semaphore, #tpu.memory_space<semaphore_mem>>) src(%dma_wait3A_428 : memref<128x128xf32, #tpu.memory_space<hbm>>) dst(%arg12 : memref<128x128xf32, #tpu.memory_space<vmem>>)
        } else {
        }
        %dma_start3A_412 = arith.constant 2 : i32
        %dma_start3A_413 = arith.constant 0 : i32
        %dma_start3A_414 = tpu.memref_slice %arg8[%dma_start3A_412, %dma_start3A_413] : memref<8x128xi32, #tpu.memory_space<vmem>> -> memref<1x128xi32, #tpu.memory_space<vmem>>
        %dma_start3A_415 = tpu.memref_squeeze %dma_start3A_414 : memref<1x128xi32, #tpu.memory_space<vmem>> -> memref<128xi32, #tpu.memory_space<vmem>>
        %dma_start3A_416 = arith.constant 0 : i32
        %dma_start3A_417 = arith.constant 0 : i32
        %dma_start3A_418 = tpu.memref_slice %arg2[%arg0, %dma_start3A_416, %dma_start3A_417] : memref<2x10240x128xf32, #tpu.memory_space<hbm>> -> memref<1x10240x128xf32, #tpu.memory_space<hbm>>
        %dma_start3A_419 = tpu.memref_squeeze %dma_start3A_418 : memref<1x10240x128xf32, #tpu.memory_space<hbm>> -> memref<10240x128xf32, #tpu.memory_space<hbm>>
        %dma_start3A_420 = arith.constant 0 : i32
        %dma_start3A_421 = arith.constant 0 : i32
        %dma_start3A_422 = tpu.memref_slice %dma_start3A_419[%dma_start3A_420, %dma_start3A_421] : memref<10240x128xf32, #tpu.memory_space<hbm>> -> memref<10240x128xf32, #tpu.memory_space<hbm>>
        tpu.enqueue_indirect_dma source(%dma_start3A_422 : memref<10240x128xf32, #tpu.memory_space<hbm>>) target(%arg12 : memref<128x128xf32, #tpu.memory_space<vmem>>) offsets(%dma_start3A_415 : memref<128xi32, #tpu.memory_space<vmem>>) semaphore(%arg14 : memref<!tpu.dma_semaphore, #tpu.memory_space<semaphore_mem>>)
      } else {
      }
      %add3A_102 = arith.constant 8 : i32
      %add3A_103 = arith.addi %add3A_64, %add3A_102 : i32
      %dma_start3A_104 = arith.constant 0 : i32
      %dma_start3A_105 = tpu.memref_slice %arg3[%add3A_103, %dma_start3A_104] : memref<2560x128xi32, #tpu.memory_space<hbm>> -> memref<8x128xi32, #tpu.memory_space<hbm>>
      %dma_start3A_106 = arith.constant 0 : i32
      %dma_start3A_107 = tpu.memref_slice %arg3[%add3A_103, %dma_start3A_106] : memref<2560x128xi32, #tpu.memory_space<hbm>> -> memref<8x128xi32, #tpu.memory_space<hbm>>
      tpu.enqueue_dma source(%dma_start3A_107 : memref<8x128xi32, #tpu.memory_space<hbm>>) target(%arg9 : memref<8x128xi32, #tpu.memory_space<vmem>>) target_semaphore(%arg16 : memref<!tpu.dma_semaphore, #tpu.memory_space<semaphore_mem>>)
      %add3A_108 = arith.constant 8 : i32
      %add3A_109 = arith.addi %add3A_64, %add3A_108 : i32
      %dma_start3A_110 = arith.constant 0 : i32
      %dma_start3A_111 = tpu.memref_slice %arg4[%add3A_109, %dma_start3A_110] : memref<2560x128xi32, #tpu.memory_space<hbm>> -> memref<8x128xi32, #tpu.memory_space<hbm>>
      %dma_start3A_112 = arith.constant 0 : i32
      %dma_start3A_113 = tpu.memref_slice %arg4[%add3A_109, %dma_start3A_112] : memref<2560x128xi32, #tpu.memory_space<hbm>> -> memref<8x128xi32, #tpu.memory_space<hbm>>
      tpu.enqueue_dma source(%dma_start3A_113 : memref<8x128xi32, #tpu.memory_space<hbm>>) target(%arg11 : memref<8x128xi32, #tpu.memory_space<vmem>>) target_semaphore(%arg16 : memref<!tpu.dma_semaphore, #tpu.memory_space<semaphore_mem>>)
      %dma_wait3A_114 = arith.constant 0 : i32
      %dma_wait3A_115 = arith.constant 0 : i32
      %dma_wait3A_116 = tpu.memref_slice %arg5[%dma_wait3A_114, %dma_wait3A_115] : memref<10240x128xf32, #tpu.memory_space<hbm>> -> memref<128x128xf32, #tpu.memory_space<hbm>>
      %dma_wait3A_117 = arith.constant 0 : i32
      %dma_wait3A_118 = arith.constant 0 : i32
      %dma_wait3A_119 = tpu.memref_slice %arg5[%dma_wait3A_117, %dma_wait3A_118] : memref<10240x128xf32, #tpu.memory_space<hbm>> -> memref<128x128xf32, #tpu.memory_space<hbm>>
      tpu.wait_dma2 semaphore(%arg14 : memref<!tpu.dma_semaphore, #tpu.memory_space<semaphore_mem>>) src(%dma_wait3A_119 : memref<128x128xf32, #tpu.memory_space<hbm>>) dst(%arg12 : memref<128x128xf32, #tpu.memory_space<vmem>>)
      %dma_start3A_120 = arith.constant 2 : i32
      %dma_start3A_121 = arith.constant 0 : i32
      %dma_start3A_122 = tpu.memref_slice %arg10[%dma_start3A_120, %dma_start3A_121] : memref<8x128xi32, #tpu.memory_space<vmem>> -> memref<1x128xi32, #tpu.memory_space<vmem>>
      %dma_start3A_123 = tpu.memref_squeeze %dma_start3A_122 : memref<1x128xi32, #tpu.memory_space<vmem>> -> memref<128xi32, #tpu.memory_space<vmem>>
      %dma_start3A_124 = arith.constant 0 : i32
      %dma_start3A_125 = arith.constant 0 : i32
      %dma_start3A_126 = tpu.memref_slice %arg7[%dma_start3A_124, %dma_start3A_125] : memref<10240x128xf32, #tpu.memory_space<vmem_shared>> -> memref<10240x128xf32, #tpu.memory_space<vmem_shared>>
      tpu.enqueue_indirect_dma source(%arg12 : memref<128x128xf32, #tpu.memory_space<vmem>>) target(%dma_start3A_126 : memref<10240x128xf32, #tpu.memory_space<vmem_shared>>) offsets(%dma_start3A_123 : memref<128xi32, #tpu.memory_space<vmem>>) semaphore(%arg15 : memref<!tpu.dma_semaphore, #tpu.memory_space<semaphore_mem>>) {add = true}
      %add3A_127 = arith.constant 3 : i32
      %add3A_128 = arith.addi %mul3A_66, %add3A_127 : i32
      %lt3A_129 = arith.cmpi slt, %add3A_128, %select_n3A : i32
      %convert_element_type3A_130 = arith.extui %lt3A_129 : i1 to i32
      %cond3A_131 = arith.constant 0 : i32
      %cond3A_132 = arith.cmpi ne, %convert_element_type3A_130, %cond3A_131 : i32
      scf.if %cond3A_132 {
        %ge3A = arith.constant 2 : i32
        %ge3A_408 = arith.cmpi sge, %add3A_128, %ge3A : i32
        %convert_element_type3A_409 = arith.extui %ge3A_408 : i1 to i32
        %cond3A_410 = arith.constant 0 : i32
        %cond3A_411 = arith.cmpi ne, %convert_element_type3A_409, %cond3A_410 : i32
        scf.if %cond3A_411 {
          %dma_wait3A_423 = arith.constant 0 : i32
          %dma_wait3A_424 = arith.constant 0 : i32
          %dma_wait3A_425 = tpu.memref_slice %arg5[%dma_wait3A_423, %dma_wait3A_424] : memref<10240x128xf32, #tpu.memory_space<hbm>> -> memref<128x128xf32, #tpu.memory_space<hbm>>
          %dma_wait3A_426 = arith.constant 0 : i32
          %dma_wait3A_427 = arith.constant 0 : i32
          %dma_wait3A_428 = tpu.memref_slice %arg5[%dma_wait3A_426, %dma_wait3A_427] : memref<10240x128xf32, #tpu.memory_space<hbm>> -> memref<128x128xf32, #tpu.memory_space<hbm>>
          tpu.wait_dma2 semaphore(%arg15 : memref<!tpu.dma_semaphore, #tpu.memory_space<semaphore_mem>>) src(%dma_wait3A_428 : memref<128x128xf32, #tpu.memory_space<hbm>>) dst(%arg13 : memref<128x128xf32, #tpu.memory_space<vmem>>)
        } else {
        }
        %dma_start3A_412 = arith.constant 3 : i32
        %dma_start3A_413 = arith.constant 0 : i32
        %dma_start3A_414 = tpu.memref_slice %arg8[%dma_start3A_412, %dma_start3A_413] : memref<8x128xi32, #tpu.memory_space<vmem>> -> memref<1x128xi32, #tpu.memory_space<vmem>>
        %dma_start3A_415 = tpu.memref_squeeze %dma_start3A_414 : memref<1x128xi32, #tpu.memory_space<vmem>> -> memref<128xi32, #tpu.memory_space<vmem>>
        %dma_start3A_416 = arith.constant 0 : i32
        %dma_start3A_417 = arith.constant 0 : i32
        %dma_start3A_418 = tpu.memref_slice %arg2[%arg0, %dma_start3A_416, %dma_start3A_417] : memref<2x10240x128xf32, #tpu.memory_space<hbm>> -> memref<1x10240x128xf32, #tpu.memory_space<hbm>>
        %dma_start3A_419 = tpu.memref_squeeze %dma_start3A_418 : memref<1x10240x128xf32, #tpu.memory_space<hbm>> -> memref<10240x128xf32, #tpu.memory_space<hbm>>
        %dma_start3A_420 = arith.constant 0 : i32
        %dma_start3A_421 = arith.constant 0 : i32
        %dma_start3A_422 = tpu.memref_slice %dma_start3A_419[%dma_start3A_420, %dma_start3A_421] : memref<10240x128xf32, #tpu.memory_space<hbm>> -> memref<10240x128xf32, #tpu.memory_space<hbm>>
        tpu.enqueue_indirect_dma source(%dma_start3A_422 : memref<10240x128xf32, #tpu.memory_space<hbm>>) target(%arg13 : memref<128x128xf32, #tpu.memory_space<vmem>>) offsets(%dma_start3A_415 : memref<128xi32, #tpu.memory_space<vmem>>) semaphore(%arg14 : memref<!tpu.dma_semaphore, #tpu.memory_space<semaphore_mem>>)
      } else {
      }
      %dma_wait3A_133 = arith.constant 0 : i32
      %dma_wait3A_134 = arith.constant 0 : i32
      %dma_wait3A_135 = tpu.memref_slice %arg5[%dma_wait3A_133, %dma_wait3A_134] : memref<10240x128xf32, #tpu.memory_space<hbm>> -> memref<128x128xf32, #tpu.memory_space<hbm>>
      %dma_wait3A_136 = arith.constant 0 : i32
      %dma_wait3A_137 = arith.constant 0 : i32
      %dma_wait3A_138 = tpu.memref_slice %arg5[%dma_wait3A_136, %dma_wait3A_137] : memref<10240x128xf32, #tpu.memory_space<hbm>> -> memref<128x128xf32, #tpu.memory_space<hbm>>
      tpu.wait_dma2 semaphore(%arg14 : memref<!tpu.dma_semaphore, #tpu.memory_space<semaphore_mem>>) src(%dma_wait3A_138 : memref<128x128xf32, #tpu.memory_space<hbm>>) dst(%arg13 : memref<128x128xf32, #tpu.memory_space<vmem>>)
      %dma_start3A_139 = arith.constant 3 : i32
      %dma_start3A_140 = arith.constant 0 : i32
      %dma_start3A_141 = tpu.memref_slice %arg10[%dma_start3A_139, %dma_start3A_140] : memref<8x128xi32, #tpu.memory_space<vmem>> -> memref<1x128xi32, #tpu.memory_space<vmem>>
      %dma_start3A_142 = tpu.memref_squeeze %dma_start3A_141 : memref<1x128xi32, #tpu.memory_space<vmem>> -> memref<128xi32, #tpu.memory_space<vmem>>
      %dma_start3A_143 = arith.constant 0 : i32
      %dma_start3A_144 = arith.constant 0 : i32
      %dma_start3A_145 = tpu.memref_slice %arg7[%dma_start3A_143, %dma_start3A_144] : memref<10240x128xf32, #tpu.memory_space<vmem_shared>> -> memref<10240x128xf32, #tpu.memory_space<vmem_shared>>
      tpu.enqueue_indirect_dma source(%arg13 : memref<128x128xf32, #tpu.memory_space<vmem>>) target(%dma_start3A_145 : memref<10240x128xf32, #tpu.memory_space<vmem_shared>>) offsets(%dma_start3A_142 : memref<128xi32, #tpu.memory_space<vmem>>) semaphore(%arg15 : memref<!tpu.dma_semaphore, #tpu.memory_space<semaphore_mem>>) {add = true}
      %add3A_146 = arith.constant 4 : i32
      %add3A_147 = arith.addi %mul3A_66, %add3A_146 : i32
      %lt3A_148 = arith.cmpi slt, %add3A_147, %select_n3A : i32
      %convert_element_type3A_149 = arith.extui %lt3A_148 : i1 to i32
      %cond3A_150 = arith.constant 0 : i32
      %cond3A_151 = arith.cmpi ne, %convert_element_type3A_149, %cond3A_150 : i32
      scf.if %cond3A_151 {
        %ge3A = arith.constant 2 : i32
        %ge3A_408 = arith.cmpi sge, %add3A_147, %ge3A : i32
        %convert_element_type3A_409 = arith.extui %ge3A_408 : i1 to i32
        %cond3A_410 = arith.constant 0 : i32
        %cond3A_411 = arith.cmpi ne, %convert_element_type3A_409, %cond3A_410 : i32
        scf.if %cond3A_411 {
          %dma_wait3A_423 = arith.constant 0 : i32
          %dma_wait3A_424 = arith.constant 0 : i32
          %dma_wait3A_425 = tpu.memref_slice %arg5[%dma_wait3A_423, %dma_wait3A_424] : memref<10240x128xf32, #tpu.memory_space<hbm>> -> memref<128x128xf32, #tpu.memory_space<hbm>>
          %dma_wait3A_426 = arith.constant 0 : i32
          %dma_wait3A_427 = arith.constant 0 : i32
          %dma_wait3A_428 = tpu.memref_slice %arg5[%dma_wait3A_426, %dma_wait3A_427] : memref<10240x128xf32, #tpu.memory_space<hbm>> -> memref<128x128xf32, #tpu.memory_space<hbm>>
          tpu.wait_dma2 semaphore(%arg15 : memref<!tpu.dma_semaphore, #tpu.memory_space<semaphore_mem>>) src(%dma_wait3A_428 : memref<128x128xf32, #tpu.memory_space<hbm>>) dst(%arg12 : memref<128x128xf32, #tpu.memory_space<vmem>>)
        } else {
        }
        %dma_start3A_412 = arith.constant 4 : i32
        %dma_start3A_413 = arith.constant 0 : i32
        %dma_start3A_414 = tpu.memref_slice %arg8[%dma_start3A_412, %dma_start3A_413] : memref<8x128xi32, #tpu.memory_space<vmem>> -> memref<1x128xi32, #tpu.memory_space<vmem>>
        %dma_start3A_415 = tpu.memref_squeeze %dma_start3A_414 : memref<1x128xi32, #tpu.memory_space<vmem>> -> memref<128xi32, #tpu.memory_space<vmem>>
        %dma_start3A_416 = arith.constant 0 : i32
        %dma_start3A_417 = arith.constant 0 : i32
        %dma_start3A_418 = tpu.memref_slice %arg2[%arg0, %dma_start3A_416, %dma_start3A_417] : memref<2x10240x128xf32, #tpu.memory_space<hbm>> -> memref<1x10240x128xf32, #tpu.memory_space<hbm>>
        %dma_start3A_419 = tpu.memref_squeeze %dma_start3A_418 : memref<1x10240x128xf32, #tpu.memory_space<hbm>> -> memref<10240x128xf32, #tpu.memory_space<hbm>>
        %dma_start3A_420 = arith.constant 0 : i32
        %dma_start3A_421 = arith.constant 0 : i32
        %dma_start3A_422 = tpu.memref_slice %dma_start3A_419[%dma_start3A_420, %dma_start3A_421] : memref<10240x128xf32, #tpu.memory_space<hbm>> -> memref<10240x128xf32, #tpu.memory_space<hbm>>
        tpu.enqueue_indirect_dma source(%dma_start3A_422 : memref<10240x128xf32, #tpu.memory_space<hbm>>) target(%arg12 : memref<128x128xf32, #tpu.memory_space<vmem>>) offsets(%dma_start3A_415 : memref<128xi32, #tpu.memory_space<vmem>>) semaphore(%arg14 : memref<!tpu.dma_semaphore, #tpu.memory_space<semaphore_mem>>)
      } else {
      }
      %dma_wait3A_152 = arith.constant 0 : i32
      %dma_wait3A_153 = arith.constant 0 : i32
      %dma_wait3A_154 = tpu.memref_slice %arg5[%dma_wait3A_152, %dma_wait3A_153] : memref<10240x128xf32, #tpu.memory_space<hbm>> -> memref<128x128xf32, #tpu.memory_space<hbm>>
      %dma_wait3A_155 = arith.constant 0 : i32
      %dma_wait3A_156 = arith.constant 0 : i32
      %dma_wait3A_157 = tpu.memref_slice %arg5[%dma_wait3A_155, %dma_wait3A_156] : memref<10240x128xf32, #tpu.memory_space<hbm>> -> memref<128x128xf32, #tpu.memory_space<hbm>>
      tpu.wait_dma2 semaphore(%arg14 : memref<!tpu.dma_semaphore, #tpu.memory_space<semaphore_mem>>) src(%dma_wait3A_157 : memref<128x128xf32, #tpu.memory_space<hbm>>) dst(%arg12 : memref<128x128xf32, #tpu.memory_space<vmem>>)
      %dma_start3A_158 = arith.constant 4 : i32
      %dma_start3A_159 = arith.constant 0 : i32
      %dma_start3A_160 = tpu.memref_slice %arg10[%dma_start3A_158, %dma_start3A_159] : memref<8x128xi32, #tpu.memory_space<vmem>> -> memref<1x128xi32, #tpu.memory_space<vmem>>
      %dma_start3A_161 = tpu.memref_squeeze %dma_start3A_160 : memref<1x128xi32, #tpu.memory_space<vmem>> -> memref<128xi32, #tpu.memory_space<vmem>>
      %dma_start3A_162 = arith.constant 0 : i32
      %dma_start3A_163 = arith.constant 0 : i32
      %dma_start3A_164 = tpu.memref_slice %arg7[%dma_start3A_162, %dma_start3A_163] : memref<10240x128xf32, #tpu.memory_space<vmem_shared>> -> memref<10240x128xf32, #tpu.memory_space<vmem_shared>>
      tpu.enqueue_indirect_dma source(%arg12 : memref<128x128xf32, #tpu.memory_space<vmem>>) target(%dma_start3A_164 : memref<10240x128xf32, #tpu.memory_space<vmem_shared>>) offsets(%dma_start3A_161 : memref<128xi32, #tpu.memory_space<vmem>>) semaphore(%arg15 : memref<!tpu.dma_semaphore, #tpu.memory_space<semaphore_mem>>) {add = true}
      %add3A_165 = arith.constant 5 : i32
      %add3A_166 = arith.addi %mul3A_66, %add3A_165 : i32
      %lt3A_167 = arith.cmpi slt, %add3A_166, %select_n3A : i32
      %convert_element_type3A_168 = arith.extui %lt3A_167 : i1 to i32
      %cond3A_169 = arith.constant 0 : i32
      %cond3A_170 = arith.cmpi ne, %convert_element_type3A_168, %cond3A_169 : i32
      scf.if %cond3A_170 {
        %ge3A = arith.constant 2 : i32
        %ge3A_408 = arith.cmpi sge, %add3A_166, %ge3A : i32
        %convert_element_type3A_409 = arith.extui %ge3A_408 : i1 to i32
        %cond3A_410 = arith.constant 0 : i32
        %cond3A_411 = arith.cmpi ne, %convert_element_type3A_409, %cond3A_410 : i32
        scf.if %cond3A_411 {
          %dma_wait3A_423 = arith.constant 0 : i32
          %dma_wait3A_424 = arith.constant 0 : i32
          %dma_wait3A_425 = tpu.memref_slice %arg5[%dma_wait3A_423, %dma_wait3A_424] : memref<10240x128xf32, #tpu.memory_space<hbm>> -> memref<128x128xf32, #tpu.memory_space<hbm>>
          %dma_wait3A_426 = arith.constant 0 : i32
          %dma_wait3A_427 = arith.constant 0 : i32
          %dma_wait3A_428 = tpu.memref_slice %arg5[%dma_wait3A_426, %dma_wait3A_427] : memref<10240x128xf32, #tpu.memory_space<hbm>> -> memref<128x128xf32, #tpu.memory_space<hbm>>
          tpu.wait_dma2 semaphore(%arg15 : memref<!tpu.dma_semaphore, #tpu.memory_space<semaphore_mem>>) src(%dma_wait3A_428 : memref<128x128xf32, #tpu.memory_space<hbm>>) dst(%arg13 : memref<128x128xf32, #tpu.memory_space<vmem>>)
        } else {
        }
        %dma_start3A_412 = arith.constant 5 : i32
        %dma_start3A_413 = arith.constant 0 : i32
        %dma_start3A_414 = tpu.memref_slice %arg8[%dma_start3A_412, %dma_start3A_413] : memref<8x128xi32, #tpu.memory_space<vmem>> -> memref<1x128xi32, #tpu.memory_space<vmem>>
        %dma_start3A_415 = tpu.memref_squeeze %dma_start3A_414 : memref<1x128xi32, #tpu.memory_space<vmem>> -> memref<128xi32, #tpu.memory_space<vmem>>
        %dma_start3A_416 = arith.constant 0 : i32
        %dma_start3A_417 = arith.constant 0 : i32
        %dma_start3A_418 = tpu.memref_slice %arg2[%arg0, %dma_start3A_416, %dma_start3A_417] : memref<2x10240x128xf32, #tpu.memory_space<hbm>> -> memref<1x10240x128xf32, #tpu.memory_space<hbm>>
        %dma_start3A_419 = tpu.memref_squeeze %dma_start3A_418 : memref<1x10240x128xf32, #tpu.memory_space<hbm>> -> memref<10240x128xf32, #tpu.memory_space<hbm>>
        %dma_start3A_420 = arith.constant 0 : i32
        %dma_start3A_421 = arith.constant 0 : i32
        %dma_start3A_422 = tpu.memref_slice %dma_start3A_419[%dma_start3A_420, %dma_start3A_421] : memref<10240x128xf32, #tpu.memory_space<hbm>> -> memref<10240x128xf32, #tpu.memory_space<hbm>>
        tpu.enqueue_indirect_dma source(%dma_start3A_422 : memref<10240x128xf32, #tpu.memory_space<hbm>>) target(%arg13 : memref<128x128xf32, #tpu.memory_space<vmem>>) offsets(%dma_start3A_415 : memref<128xi32, #tpu.memory_space<vmem>>) semaphore(%arg14 : memref<!tpu.dma_semaphore, #tpu.memory_space<semaphore_mem>>)
      } else {
      }
      %dma_wait3A_171 = arith.constant 0 : i32
      %dma_wait3A_172 = arith.constant 0 : i32
      %dma_wait3A_173 = tpu.memref_slice %arg5[%dma_wait3A_171, %dma_wait3A_172] : memref<10240x128xf32, #tpu.memory_space<hbm>> -> memref<128x128xf32, #tpu.memory_space<hbm>>
      %dma_wait3A_174 = arith.constant 0 : i32
      %dma_wait3A_175 = arith.constant 0 : i32
      %dma_wait3A_176 = tpu.memref_slice %arg5[%dma_wait3A_174, %dma_wait3A_175] : memref<10240x128xf32, #tpu.memory_space<hbm>> -> memref<128x128xf32, #tpu.memory_space<hbm>>
      tpu.wait_dma2 semaphore(%arg14 : memref<!tpu.dma_semaphore, #tpu.memory_space<semaphore_mem>>) src(%dma_wait3A_176 : memref<128x128xf32, #tpu.memory_space<hbm>>) dst(%arg13 : memref<128x128xf32, #tpu.memory_space<vmem>>)
      %dma_start3A_177 = arith.constant 5 : i32
      %dma_start3A_178 = arith.constant 0 : i32
      %dma_start3A_179 = tpu.memref_slice %arg10[%dma_start3A_177, %dma_start3A_178] : memref<8x128xi32, #tpu.memory_space<vmem>> -> memref<1x128xi32, #tpu.memory_space<vmem>>
      %dma_start3A_180 = tpu.memref_squeeze %dma_start3A_179 : memref<1x128xi32, #tpu.memory_space<vmem>> -> memref<128xi32, #tpu.memory_space<vmem>>
      %dma_start3A_181 = arith.constant 0 : i32
      %dma_start3A_182 = arith.constant 0 : i32
      %dma_start3A_183 = tpu.memref_slice %arg7[%dma_start3A_181, %dma_start3A_182] : memref<10240x128xf32, #tpu.memory_space<vmem_shared>> -> memref<10240x128xf32, #tpu.memory_space<vmem_shared>>
      tpu.enqueue_indirect_dma source(%arg13 : memref<128x128xf32, #tpu.memory_space<vmem>>) target(%dma_start3A_183 : memref<10240x128xf32, #tpu.memory_space<vmem_shared>>) offsets(%dma_start3A_180 : memref<128xi32, #tpu.memory_space<vmem>>) semaphore(%arg15 : memref<!tpu.dma_semaphore, #tpu.memory_space<semaphore_mem>>) {add = true}
      %add3A_184 = arith.constant 6 : i32
      %add3A_185 = arith.addi %mul3A_66, %add3A_184 : i32
      %lt3A_186 = arith.cmpi slt, %add3A_185, %select_n3A : i32
      %convert_element_type3A_187 = arith.extui %lt3A_186 : i1 to i32
      %cond3A_188 = arith.constant 0 : i32
      %cond3A_189 = arith.cmpi ne, %convert_element_type3A_187, %cond3A_188 : i32
      scf.if %cond3A_189 {
        %ge3A = arith.constant 2 : i32
        %ge3A_408 = arith.cmpi sge, %add3A_185, %ge3A : i32
        %convert_element_type3A_409 = arith.extui %ge3A_408 : i1 to i32
        %cond3A_410 = arith.constant 0 : i32
        %cond3A_411 = arith.cmpi ne, %convert_element_type3A_409, %cond3A_410 : i32
        scf.if %cond3A_411 {
          %dma_wait3A_423 = arith.constant 0 : i32
          %dma_wait3A_424 = arith.constant 0 : i32
          %dma_wait3A_425 = tpu.memref_slice %arg5[%dma_wait3A_423, %dma_wait3A_424] : memref<10240x128xf32, #tpu.memory_space<hbm>> -> memref<128x128xf32, #tpu.memory_space<hbm>>
          %dma_wait3A_426 = arith.constant 0 : i32
          %dma_wait3A_427 = arith.constant 0 : i32
          %dma_wait3A_428 = tpu.memref_slice %arg5[%dma_wait3A_426, %dma_wait3A_427] : memref<10240x128xf32, #tpu.memory_space<hbm>> -> memref<128x128xf32, #tpu.memory_space<hbm>>
          tpu.wait_dma2 semaphore(%arg15 : memref<!tpu.dma_semaphore, #tpu.memory_space<semaphore_mem>>) src(%dma_wait3A_428 : memref<128x128xf32, #tpu.memory_space<hbm>>) dst(%arg12 : memref<128x128xf32, #tpu.memory_space<vmem>>)
        } else {
        }
        %dma_start3A_412 = arith.constant 6 : i32
        %dma_start3A_413 = arith.constant 0 : i32
        %dma_start3A_414 = tpu.memref_slice %arg8[%dma_start3A_412, %dma_start3A_413] : memref<8x128xi32, #tpu.memory_space<vmem>> -> memref<1x128xi32, #tpu.memory_space<vmem>>
        %dma_start3A_415 = tpu.memref_squeeze %dma_start3A_414 : memref<1x128xi32, #tpu.memory_space<vmem>> -> memref<128xi32, #tpu.memory_space<vmem>>
        %dma_start3A_416 = arith.constant 0 : i32
        %dma_start3A_417 = arith.constant 0 : i32
        %dma_start3A_418 = tpu.memref_slice %arg2[%arg0, %dma_start3A_416, %dma_start3A_417] : memref<2x10240x128xf32, #tpu.memory_space<hbm>> -> memref<1x10240x128xf32, #tpu.memory_space<hbm>>
        %dma_start3A_419 = tpu.memref_squeeze %dma_start3A_418 : memref<1x10240x128xf32, #tpu.memory_space<hbm>> -> memref<10240x128xf32, #tpu.memory_space<hbm>>
        %dma_start3A_420 = arith.constant 0 : i32
        %dma_start3A_421 = arith.constant 0 : i32
        %dma_start3A_422 = tpu.memref_slice %dma_start3A_419[%dma_start3A_420, %dma_start3A_421] : memref<10240x128xf32, #tpu.memory_space<hbm>> -> memref<10240x128xf32, #tpu.memory_space<hbm>>
        tpu.enqueue_indirect_dma source(%dma_start3A_422 : memref<10240x128xf32, #tpu.memory_space<hbm>>) target(%arg12 : memref<128x128xf32, #tpu.memory_space<vmem>>) offsets(%dma_start3A_415 : memref<128xi32, #tpu.memory_space<vmem>>) semaphore(%arg14 : memref<!tpu.dma_semaphore, #tpu.memory_space<semaphore_mem>>)
      } else {
      }
      %dma_wait3A_190 = arith.constant 0 : i32
      %dma_wait3A_191 = arith.constant 0 : i32
      %dma_wait3A_192 = tpu.memref_slice %arg5[%dma_wait3A_190, %dma_wait3A_191] : memref<10240x128xf32, #tpu.memory_space<hbm>> -> memref<128x128xf32, #tpu.memory_space<hbm>>
      %dma_wait3A_193 = arith.constant 0 : i32
      %dma_wait3A_194 = arith.constant 0 : i32
      %dma_wait3A_195 = tpu.memref_slice %arg5[%dma_wait3A_193, %dma_wait3A_194] : memref<10240x128xf32, #tpu.memory_space<hbm>> -> memref<128x128xf32, #tpu.memory_space<hbm>>
      tpu.wait_dma2 semaphore(%arg14 : memref<!tpu.dma_semaphore, #tpu.memory_space<semaphore_mem>>) src(%dma_wait3A_195 : memref<128x128xf32, #tpu.memory_space<hbm>>) dst(%arg12 : memref<128x128xf32, #tpu.memory_space<vmem>>)
      %dma_start3A_196 = arith.constant 6 : i32
      %dma_start3A_197 = arith.constant 0 : i32
      %dma_start3A_198 = tpu.memref_slice %arg10[%dma_start3A_196, %dma_start3A_197] : memref<8x128xi32, #tpu.memory_space<vmem>> -> memref<1x128xi32, #tpu.memory_space<vmem>>
      %dma_start3A_199 = tpu.memref_squeeze %dma_start3A_198 : memref<1x128xi32, #tpu.memory_space<vmem>> -> memref<128xi32, #tpu.memory_space<vmem>>
      %dma_start3A_200 = arith.constant 0 : i32
      %dma_start3A_201 = arith.constant 0 : i32
      %dma_start3A_202 = tpu.memref_slice %arg7[%dma_start3A_200, %dma_start3A_201] : memref<10240x128xf32, #tpu.memory_space<vmem_shared>> -> memref<10240x128xf32, #tpu.memory_space<vmem_shared>>
      tpu.enqueue_indirect_dma source(%arg12 : memref<128x128xf32, #tpu.memory_space<vmem>>) target(%dma_start3A_202 : memref<10240x128xf32, #tpu.memory_space<vmem_shared>>) offsets(%dma_start3A_199 : memref<128xi32, #tpu.memory_space<vmem>>) semaphore(%arg15 : memref<!tpu.dma_semaphore, #tpu.memory_space<semaphore_mem>>) {add = true}
      %add3A_203 = arith.constant 7 : i32
      %add3A_204 = arith.addi %mul3A_66, %add3A_203 : i32
      %lt3A_205 = arith.cmpi slt, %add3A_204, %select_n3A : i32
      %convert_element_type3A_206 = arith.extui %lt3A_205 : i1 to i32
      %cond3A_207 = arith.constant 0 : i32
      %cond3A_208 = arith.cmpi ne, %convert_element_type3A_206, %cond3A_207 : i32
      scf.if %cond3A_208 {
        %ge3A = arith.constant 2 : i32
        %ge3A_408 = arith.cmpi sge, %add3A_204, %ge3A : i32
        %convert_element_type3A_409 = arith.extui %ge3A_408 : i1 to i32
        %cond3A_410 = arith.constant 0 : i32
        %cond3A_411 = arith.cmpi ne, %convert_element_type3A_409, %cond3A_410 : i32
        scf.if %cond3A_411 {
          %dma_wait3A_423 = arith.constant 0 : i32
          %dma_wait3A_424 = arith.constant 0 : i32
          %dma_wait3A_425 = tpu.memref_slice %arg5[%dma_wait3A_423, %dma_wait3A_424] : memref<10240x128xf32, #tpu.memory_space<hbm>> -> memref<128x128xf32, #tpu.memory_space<hbm>>
          %dma_wait3A_426 = arith.constant 0 : i32
          %dma_wait3A_427 = arith.constant 0 : i32
          %dma_wait3A_428 = tpu.memref_slice %arg5[%dma_wait3A_426, %dma_wait3A_427] : memref<10240x128xf32, #tpu.memory_space<hbm>> -> memref<128x128xf32, #tpu.memory_space<hbm>>
          tpu.wait_dma2 semaphore(%arg15 : memref<!tpu.dma_semaphore, #tpu.memory_space<semaphore_mem>>) src(%dma_wait3A_428 : memref<128x128xf32, #tpu.memory_space<hbm>>) dst(%arg13 : memref<128x128xf32, #tpu.memory_space<vmem>>)
        } else {
        }
        %dma_start3A_412 = arith.constant 7 : i32
        %dma_start3A_413 = arith.constant 0 : i32
        %dma_start3A_414 = tpu.memref_slice %arg8[%dma_start3A_412, %dma_start3A_413] : memref<8x128xi32, #tpu.memory_space<vmem>> -> memref<1x128xi32, #tpu.memory_space<vmem>>
        %dma_start3A_415 = tpu.memref_squeeze %dma_start3A_414 : memref<1x128xi32, #tpu.memory_space<vmem>> -> memref<128xi32, #tpu.memory_space<vmem>>
        %dma_start3A_416 = arith.constant 0 : i32
        %dma_start3A_417 = arith.constant 0 : i32
        %dma_start3A_418 = tpu.memref_slice %arg2[%arg0, %dma_start3A_416, %dma_start3A_417] : memref<2x10240x128xf32, #tpu.memory_space<hbm>> -> memref<1x10240x128xf32, #tpu.memory_space<hbm>>
        %dma_start3A_419 = tpu.memref_squeeze %dma_start3A_418 : memref<1x10240x128xf32, #tpu.memory_space<hbm>> -> memref<10240x128xf32, #tpu.memory_space<hbm>>
        %dma_start3A_420 = arith.constant 0 : i32
        %dma_start3A_421 = arith.constant 0 : i32
        %dma_start3A_422 = tpu.memref_slice %dma_start3A_419[%dma_start3A_420, %dma_start3A_421] : memref<10240x128xf32, #tpu.memory_space<hbm>> -> memref<10240x128xf32, #tpu.memory_space<hbm>>
        tpu.enqueue_indirect_dma source(%dma_start3A_422 : memref<10240x128xf32, #tpu.memory_space<hbm>>) target(%arg13 : memref<128x128xf32, #tpu.memory_space<vmem>>) offsets(%dma_start3A_415 : memref<128xi32, #tpu.memory_space<vmem>>) semaphore(%arg14 : memref<!tpu.dma_semaphore, #tpu.memory_space<semaphore_mem>>)
      } else {
      }
      %dma_wait3A_209 = arith.constant 0 : i32
      %dma_wait3A_210 = tpu.memref_slice %arg3[%add3A_103, %dma_wait3A_209] : memref<2560x128xi32, #tpu.memory_space<hbm>> -> memref<8x128xi32, #tpu.memory_space<hbm>>
      %dma_wait3A_211 = arith.constant 0 : i32
      %dma_wait3A_212 = tpu.memref_slice %arg3[%add3A_103, %dma_wait3A_211] : memref<2560x128xi32, #tpu.memory_space<hbm>> -> memref<8x128xi32, #tpu.memory_space<hbm>>
      tpu.wait_dma2 semaphore(%arg16 : memref<!tpu.dma_semaphore, #tpu.memory_space<semaphore_mem>>) src(%dma_wait3A_212 : memref<8x128xi32, #tpu.memory_space<hbm>>) dst(%arg9 : memref<8x128xi32, #tpu.memory_space<vmem>>)
      %dma_wait3A_213 = arith.constant 0 : i32
      %dma_wait3A_214 = tpu.memref_slice %arg4[%add3A_109, %dma_wait3A_213] : memref<2560x128xi32, #tpu.memory_space<hbm>> -> memref<8x128xi32, #tpu.memory_space<hbm>>
      %dma_wait3A_215 = arith.constant 0 : i32
      %dma_wait3A_216 = tpu.memref_slice %arg4[%add3A_109, %dma_wait3A_215] : memref<2560x128xi32, #tpu.memory_space<hbm>> -> memref<8x128xi32, #tpu.memory_space<hbm>>
      tpu.wait_dma2 semaphore(%arg16 : memref<!tpu.dma_semaphore, #tpu.memory_space<semaphore_mem>>) src(%dma_wait3A_216 : memref<8x128xi32, #tpu.memory_space<hbm>>) dst(%arg11 : memref<8x128xi32, #tpu.memory_space<vmem>>)
      %dma_wait3A_217 = arith.constant 0 : i32
      %dma_wait3A_218 = arith.constant 0 : i32
      %dma_wait3A_219 = tpu.memref_slice %arg5[%dma_wait3A_217, %dma_wait3A_218] : memref<10240x128xf32, #tpu.memory_space<hbm>> -> memref<128x128xf32, #tpu.memory_space<hbm>>
      %dma_wait3A_220 = arith.constant 0 : i32
      %dma_wait3A_221 = arith.constant 0 : i32
      %dma_wait3A_222 = tpu.memref_slice %arg5[%dma_wait3A_220, %dma_wait3A_221] : memref<10240x128xf32, #tpu.memory_space<hbm>> -> memref<128x128xf32, #tpu.memory_space<hbm>>
      tpu.wait_dma2 semaphore(%arg14 : memref<!tpu.dma_semaphore, #tpu.memory_space<semaphore_mem>>) src(%dma_wait3A_222 : memref<128x128xf32, #tpu.memory_space<hbm>>) dst(%arg13 : memref<128x128xf32, #tpu.memory_space<vmem>>)
      %dma_start3A_223 = arith.constant 7 : i32
      %dma_start3A_224 = arith.constant 0 : i32
      %dma_start3A_225 = tpu.memref_slice %arg10[%dma_start3A_223, %dma_start3A_224] : memref<8x128xi32, #tpu.memory_space<vmem>> -> memref<1x128xi32, #tpu.memory_space<vmem>>
      %dma_start3A_226 = tpu.memref_squeeze %dma_start3A_225 : memref<1x128xi32, #tpu.memory_space<vmem>> -> memref<128xi32, #tpu.memory_space<vmem>>
      %dma_start3A_227 = arith.constant 0 : i32
      %dma_start3A_228 = arith.constant 0 : i32
      %dma_start3A_229 = tpu.memref_slice %arg7[%dma_start3A_227, %dma_start3A_228] : memref<10240x128xf32, #tpu.memory_space<vmem_shared>> -> memref<10240x128xf32, #tpu.memory_space<vmem_shared>>
      tpu.enqueue_indirect_dma source(%arg13 : memref<128x128xf32, #tpu.memory_space<vmem>>) target(%dma_start3A_229 : memref<10240x128xf32, #tpu.memory_space<vmem_shared>>) offsets(%dma_start3A_226 : memref<128xi32, #tpu.memory_space<vmem>>) semaphore(%arg15 : memref<!tpu.dma_semaphore, #tpu.memory_space<semaphore_mem>>) {add = true}
      %add3A_230 = arith.constant 8 : i32
      %add3A_231 = arith.addi %mul3A_66, %add3A_230 : i32
      %lt3A_232 = arith.cmpi slt, %add3A_231, %select_n3A : i32
      %convert_element_type3A_233 = arith.extui %lt3A_232 : i1 to i32
      %cond3A_234 = arith.constant 0 : i32
      %cond3A_235 = arith.cmpi ne, %convert_element_type3A_233, %cond3A_234 : i32
      scf.if %cond3A_235 {
        %ge3A = arith.constant 2 : i32
        %ge3A_408 = arith.cmpi sge, %add3A_231, %ge3A : i32
        %convert_element_type3A_409 = arith.extui %ge3A_408 : i1 to i32
        %cond3A_410 = arith.constant 0 : i32
        %cond3A_411 = arith.cmpi ne, %convert_element_type3A_409, %cond3A_410 : i32
        scf.if %cond3A_411 {
          %dma_wait3A_423 = arith.constant 0 : i32
          %dma_wait3A_424 = arith.constant 0 : i32
          %dma_wait3A_425 = tpu.memref_slice %arg5[%dma_wait3A_423, %dma_wait3A_424] : memref<10240x128xf32, #tpu.memory_space<hbm>> -> memref<128x128xf32, #tpu.memory_space<hbm>>
          %dma_wait3A_426 = arith.constant 0 : i32
          %dma_wait3A_427 = arith.constant 0 : i32
          %dma_wait3A_428 = tpu.memref_slice %arg5[%dma_wait3A_426, %dma_wait3A_427] : memref<10240x128xf32, #tpu.memory_space<hbm>> -> memref<128x128xf32, #tpu.memory_space<hbm>>
          tpu.wait_dma2 semaphore(%arg15 : memref<!tpu.dma_semaphore, #tpu.memory_space<semaphore_mem>>) src(%dma_wait3A_428 : memref<128x128xf32, #tpu.memory_space<hbm>>) dst(%arg12 : memref<128x128xf32, #tpu.memory_space<vmem>>)
        } else {
        }
        %dma_start3A_412 = arith.constant 0 : i32
        %dma_start3A_413 = arith.constant 0 : i32
        %dma_start3A_414 = tpu.memref_slice %arg9[%dma_start3A_412, %dma_start3A_413] : memref<8x128xi32, #tpu.memory_space<vmem>> -> memref<1x128xi32, #tpu.memory_space<vmem>>
        %dma_start3A_415 = tpu.memref_squeeze %dma_start3A_414 : memref<1x128xi32, #tpu.memory_space<vmem>> -> memref<128xi32, #tpu.memory_space<vmem>>
        %dma_start3A_416 = arith.constant 0 : i32
        %dma_start3A_417 = arith.constant 0 : i32
        %dma_start3A_418 = tpu.memref_slice %arg2[%arg0, %dma_start3A_416, %dma_start3A_417] : memref<2x10240x128xf32, #tpu.memory_space<hbm>> -> memref<1x10240x128xf32, #tpu.memory_space<hbm>>
        %dma_start3A_419 = tpu.memref_squeeze %dma_start3A_418 : memref<1x10240x128xf32, #tpu.memory_space<hbm>> -> memref<10240x128xf32, #tpu.memory_space<hbm>>
        %dma_start3A_420 = arith.constant 0 : i32
        %dma_start3A_421 = arith.constant 0 : i32
        %dma_start3A_422 = tpu.memref_slice %dma_start3A_419[%dma_start3A_420, %dma_start3A_421] : memref<10240x128xf32, #tpu.memory_space<hbm>> -> memref<10240x128xf32, #tpu.memory_space<hbm>>
        tpu.enqueue_indirect_dma source(%dma_start3A_422 : memref<10240x128xf32, #tpu.memory_space<hbm>>) target(%arg12 : memref<128x128xf32, #tpu.memory_space<vmem>>) offsets(%dma_start3A_415 : memref<128xi32, #tpu.memory_space<vmem>>) semaphore(%arg14 : memref<!tpu.dma_semaphore, #tpu.memory_space<semaphore_mem>>)
      } else {
      }
      %dma_wait3A_236 = arith.constant 0 : i32
      %dma_wait3A_237 = arith.constant 0 : i32
      %dma_wait3A_238 = tpu.memref_slice %arg5[%dma_wait3A_236, %dma_wait3A_237] : memref<10240x128xf32, #tpu.memory_space<hbm>> -> memref<128x128xf32, #tpu.memory_space<hbm>>
      %dma_wait3A_239 = arith.constant 0 : i32
      %dma_wait3A_240 = arith.constant 0 : i32
      %dma_wait3A_241 = tpu.memref_slice %arg5[%dma_wait3A_239, %dma_wait3A_240] : memref<10240x128xf32, #tpu.memory_space<hbm>> -> memref<128x128xf32, #tpu.memory_space<hbm>>
      tpu.wait_dma2 semaphore(%arg14 : memref<!tpu.dma_semaphore, #tpu.memory_space<semaphore_mem>>) src(%dma_wait3A_241 : memref<128x128xf32, #tpu.memory_space<hbm>>) dst(%arg12 : memref<128x128xf32, #tpu.memory_space<vmem>>)
      %dma_start3A_242 = arith.constant 0 : i32
      %dma_start3A_243 = arith.constant 0 : i32
      %dma_start3A_244 = tpu.memref_slice %arg11[%dma_start3A_242, %dma_start3A_243] : memref<8x128xi32, #tpu.memory_space<vmem>> -> memref<1x128xi32, #tpu.memory_space<vmem>>
      %dma_start3A_245 = tpu.memref_squeeze %dma_start3A_244 : memref<1x128xi32, #tpu.memory_space<vmem>> -> memref<128xi32, #tpu.memory_space<vmem>>
      %dma_start3A_246 = arith.constant 0 : i32
      %dma_start3A_247 = arith.constant 0 : i32
      %dma_start3A_248 = tpu.memref_slice %arg7[%dma_start3A_246, %dma_start3A_247] : memref<10240x128xf32, #tpu.memory_space<vmem_shared>> -> memref<10240x128xf32, #tpu.memory_space<vmem_shared>>
      tpu.enqueue_indirect_dma source(%arg12 : memref<128x128xf32, #tpu.memory_space<vmem>>) target(%dma_start3A_248 : memref<10240x128xf32, #tpu.memory_space<vmem_shared>>) offsets(%dma_start3A_245 : memref<128xi32, #tpu.memory_space<vmem>>) semaphore(%arg15 : memref<!tpu.dma_semaphore, #tpu.memory_space<semaphore_mem>>) {add = true}
      %add3A_249 = arith.constant 9 : i32
      %add3A_250 = arith.addi %mul3A_66, %add3A_249 : i32
      %lt3A_251 = arith.cmpi slt, %add3A_250, %select_n3A : i32
      %convert_element_type3A_252 = arith.extui %lt3A_251 : i1 to i32
      %cond3A_253 = arith.constant 0 : i32
      %cond3A_254 = arith.cmpi ne, %convert_element_type3A_252, %cond3A_253 : i32
      scf.if %cond3A_254 {
        %ge3A = arith.constant 2 : i32
        %ge3A_408 = arith.cmpi sge, %add3A_250, %ge3A : i32
        %convert_element_type3A_409 = arith.extui %ge3A_408 : i1 to i32
        %cond3A_410 = arith.constant 0 : i32
        %cond3A_411 = arith.cmpi ne, %convert_element_type3A_409, %cond3A_410 : i32
        scf.if %cond3A_411 {
          %dma_wait3A_423 = arith.constant 0 : i32
          %dma_wait3A_424 = arith.constant 0 : i32
          %dma_wait3A_425 = tpu.memref_slice %arg5[%dma_wait3A_423, %dma_wait3A_424] : memref<10240x128xf32, #tpu.memory_space<hbm>> -> memref<128x128xf32, #tpu.memory_space<hbm>>
          %dma_wait3A_426 = arith.constant 0 : i32
          %dma_wait3A_427 = arith.constant 0 : i32
          %dma_wait3A_428 = tpu.memref_slice %arg5[%dma_wait3A_426, %dma_wait3A_427] : memref<10240x128xf32, #tpu.memory_space<hbm>> -> memref<128x128xf32, #tpu.memory_space<hbm>>
          tpu.wait_dma2 semaphore(%arg15 : memref<!tpu.dma_semaphore, #tpu.memory_space<semaphore_mem>>) src(%dma_wait3A_428 : memref<128x128xf32, #tpu.memory_space<hbm>>) dst(%arg13 : memref<128x128xf32, #tpu.memory_space<vmem>>)
        } else {
        }
        %dma_start3A_412 = arith.constant 1 : i32
        %dma_start3A_413 = arith.constant 0 : i32
        %dma_start3A_414 = tpu.memref_slice %arg9[%dma_start3A_412, %dma_start3A_413] : memref<8x128xi32, #tpu.memory_space<vmem>> -> memref<1x128xi32, #tpu.memory_space<vmem>>
        %dma_start3A_415 = tpu.memref_squeeze %dma_start3A_414 : memref<1x128xi32, #tpu.memory_space<vmem>> -> memref<128xi32, #tpu.memory_space<vmem>>
        %dma_start3A_416 = arith.constant 0 : i32
        %dma_start3A_417 = arith.constant 0 : i32
        %dma_start3A_418 = tpu.memref_slice %arg2[%arg0, %dma_start3A_416, %dma_start3A_417] : memref<2x10240x128xf32, #tpu.memory_space<hbm>> -> memref<1x10240x128xf32, #tpu.memory_space<hbm>>
        %dma_start3A_419 = tpu.memref_squeeze %dma_start3A_418 : memref<1x10240x128xf32, #tpu.memory_space<hbm>> -> memref<10240x128xf32, #tpu.memory_space<hbm>>
        %dma_start3A_420 = arith.constant 0 : i32
        %dma_start3A_421 = arith.constant 0 : i32
        %dma_start3A_422 = tpu.memref_slice %dma_start3A_419[%dma_start3A_420, %dma_start3A_421] : memref<10240x128xf32, #tpu.memory_space<hbm>> -> memref<10240x128xf32, #tpu.memory_space<hbm>>
        tpu.enqueue_indirect_dma source(%dma_start3A_422 : memref<10240x128xf32, #tpu.memory_space<hbm>>) target(%arg13 : memref<128x128xf32, #tpu.memory_space<vmem>>) offsets(%dma_start3A_415 : memref<128xi32, #tpu.memory_space<vmem>>) semaphore(%arg14 : memref<!tpu.dma_semaphore, #tpu.memory_space<semaphore_mem>>)
      } else {
      }
      %add3A_255 = arith.constant 16 : i32
      %add3A_256 = arith.addi %add3A_64, %add3A_255 : i32
      %min3A = arith.constant 2552 : i32
      %min3A_257 = arith.minsi %add3A_256, %min3A : i32
      %dma_start3A_258 = arith.constant 0 : i32
      %dma_start3A_259 = tpu.memref_slice %arg3[%min3A_257, %dma_start3A_258] : memref<2560x128xi32, #tpu.memory_space<hbm>> -> memref<8x128xi32, #tpu.memory_space<hbm>>
      %dma_start3A_260 = arith.constant 0 : i32
      %dma_start3A_261 = tpu.memref_slice %arg3[%min3A_257, %dma_start3A_260] : memref<2560x128xi32, #tpu.memory_space<hbm>> -> memref<8x128xi32, #tpu.memory_space<hbm>>
      tpu.enqueue_dma source(%dma_start3A_261 : memref<8x128xi32, #tpu.memory_space<hbm>>) target(%arg8 : memref<8x128xi32, #tpu.memory_space<vmem>>) target_semaphore(%arg16 : memref<!tpu.dma_semaphore, #tpu.memory_space<semaphore_mem>>)
      %dma_start3A_262 = arith.constant 0 : i32
      %dma_start3A_263 = tpu.memref_slice %arg4[%min3A_257, %dma_start3A_262] : memref<2560x128xi32, #tpu.memory_space<hbm>> -> memref<8x128xi32, #tpu.memory_space<hbm>>
      %dma_start3A_264 = arith.constant 0 : i32
      %dma_start3A_265 = tpu.memref_slice %arg4[%min3A_257, %dma_start3A_264] : memref<2560x128xi32, #tpu.memory_space<hbm>> -> memref<8x128xi32, #tpu.memory_space<hbm>>
      tpu.enqueue_dma source(%dma_start3A_265 : memref<8x128xi32, #tpu.memory_space<hbm>>) target(%arg10 : memref<8x128xi32, #tpu.memory_space<vmem>>) target_semaphore(%arg16 : memref<!tpu.dma_semaphore, #tpu.memory_space<semaphore_mem>>)
      %dma_wait3A_266 = arith.constant 0 : i32
      %dma_wait3A_267 = arith.constant 0 : i32
      %dma_wait3A_268 = tpu.memref_slice %arg5[%dma_wait3A_266, %dma_wait3A_267] : memref<10240x128xf32, #tpu.memory_space<hbm>> -> memref<128x128xf32, #tpu.memory_space<hbm>>
      %dma_wait3A_269 = arith.constant 0 : i32
      %dma_wait3A_270 = arith.constant 0 : i32
      %dma_wait3A_271 = tpu.memref_slice %arg5[%dma_wait3A_269, %dma_wait3A_270] : memref<10240x128xf32, #tpu.memory_space<hbm>> -> memref<128x128xf32, #tpu.memory_space<hbm>>
      tpu.wait_dma2 semaphore(%arg14 : memref<!tpu.dma_semaphore, #tpu.memory_space<semaphore_mem>>) src(%dma_wait3A_271 : memref<128x128xf32, #tpu.memory_space<hbm>>) dst(%arg13 : memref<128x128xf32, #tpu.memory_space<vmem>>)
      %dma_start3A_272 = arith.constant 1 : i32
      %dma_start3A_273 = arith.constant 0 : i32
      %dma_start3A_274 = tpu.memref_slice %arg11[%dma_start3A_272, %dma_start3A_273] : memref<8x128xi32, #tpu.memory_space<vmem>> -> memref<1x128xi32, #tpu.memory_space<vmem>>
      %dma_start3A_275 = tpu.memref_squeeze %dma_start3A_274 : memref<1x128xi32, #tpu.memory_space<vmem>> -> memref<128xi32, #tpu.memory_space<vmem>>
      %dma_start3A_276 = arith.constant 0 : i32
      %dma_start3A_277 = arith.constant 0 : i32
      %dma_start3A_278 = tpu.memref_slice %arg7[%dma_start3A_276, %dma_start3A_277] : memref<10240x128xf32, #tpu.memory_space<vmem_shared>> -> memref<10240x128xf32, #tpu.memory_space<vmem_shared>>
      tpu.enqueue_indirect_dma source(%arg13 : memref<128x128xf32, #tpu.memory_space<vmem>>) target(%dma_start3A_278 : memref<10240x128xf32, #tpu.memory_space<vmem_shared>>) offsets(%dma_start3A_275 : memref<128xi32, #tpu.memory_space<vmem>>) semaphore(%arg15 : memref<!tpu.dma_semaphore, #tpu.memory_space<semaphore_mem>>) {add = true}
      %add3A_279 = arith.constant 10 : i32
      %add3A_280 = arith.addi %mul3A_66, %add3A_279 : i32
      %lt3A_281 = arith.cmpi slt, %add3A_280, %select_n3A : i32
      %convert_element_type3A_282 = arith.extui %lt3A_281 : i1 to i32
      %cond3A_283 = arith.constant 0 : i32
      %cond3A_284 = arith.cmpi ne, %convert_element_type3A_282, %cond3A_283 : i32
      scf.if %cond3A_284 {
        %ge3A = arith.constant 2 : i32
        %ge3A_408 = arith.cmpi sge, %add3A_280, %ge3A : i32
        %convert_element_type3A_409 = arith.extui %ge3A_408 : i1 to i32
        %cond3A_410 = arith.constant 0 : i32
        %cond3A_411 = arith.cmpi ne, %convert_element_type3A_409, %cond3A_410 : i32
        scf.if %cond3A_411 {
          %dma_wait3A_423 = arith.constant 0 : i32
          %dma_wait3A_424 = arith.constant 0 : i32
          %dma_wait3A_425 = tpu.memref_slice %arg5[%dma_wait3A_423, %dma_wait3A_424] : memref<10240x128xf32, #tpu.memory_space<hbm>> -> memref<128x128xf32, #tpu.memory_space<hbm>>
          %dma_wait3A_426 = arith.constant 0 : i32
          %dma_wait3A_427 = arith.constant 0 : i32
          %dma_wait3A_428 = tpu.memref_slice %arg5[%dma_wait3A_426, %dma_wait3A_427] : memref<10240x128xf32, #tpu.memory_space<hbm>> -> memref<128x128xf32, #tpu.memory_space<hbm>>
          tpu.wait_dma2 semaphore(%arg15 : memref<!tpu.dma_semaphore, #tpu.memory_space<semaphore_mem>>) src(%dma_wait3A_428 : memref<128x128xf32, #tpu.memory_space<hbm>>) dst(%arg12 : memref<128x128xf32, #tpu.memory_space<vmem>>)
        } else {
        }
        %dma_start3A_412 = arith.constant 2 : i32
        %dma_start3A_413 = arith.constant 0 : i32
        %dma_start3A_414 = tpu.memref_slice %arg9[%dma_start3A_412, %dma_start3A_413] : memref<8x128xi32, #tpu.memory_space<vmem>> -> memref<1x128xi32, #tpu.memory_space<vmem>>
        %dma_start3A_415 = tpu.memref_squeeze %dma_start3A_414 : memref<1x128xi32, #tpu.memory_space<vmem>> -> memref<128xi32, #tpu.memory_space<vmem>>
        %dma_start3A_416 = arith.constant 0 : i32
        %dma_start3A_417 = arith.constant 0 : i32
        %dma_start3A_418 = tpu.memref_slice %arg2[%arg0, %dma_start3A_416, %dma_start3A_417] : memref<2x10240x128xf32, #tpu.memory_space<hbm>> -> memref<1x10240x128xf32, #tpu.memory_space<hbm>>
        %dma_start3A_419 = tpu.memref_squeeze %dma_start3A_418 : memref<1x10240x128xf32, #tpu.memory_space<hbm>> -> memref<10240x128xf32, #tpu.memory_space<hbm>>
        %dma_start3A_420 = arith.constant 0 : i32
        %dma_start3A_421 = arith.constant 0 : i32
        %dma_start3A_422 = tpu.memref_slice %dma_start3A_419[%dma_start3A_420, %dma_start3A_421] : memref<10240x128xf32, #tpu.memory_space<hbm>> -> memref<10240x128xf32, #tpu.memory_space<hbm>>
        tpu.enqueue_indirect_dma source(%dma_start3A_422 : memref<10240x128xf32, #tpu.memory_space<hbm>>) target(%arg12 : memref<128x128xf32, #tpu.memory_space<vmem>>) offsets(%dma_start3A_415 : memref<128xi32, #tpu.memory_space<vmem>>) semaphore(%arg14 : memref<!tpu.dma_semaphore, #tpu.memory_space<semaphore_mem>>)
      } else {
      }
      %dma_wait3A_285 = arith.constant 0 : i32
      %dma_wait3A_286 = arith.constant 0 : i32
      %dma_wait3A_287 = tpu.memref_slice %arg5[%dma_wait3A_285, %dma_wait3A_286] : memref<10240x128xf32, #tpu.memory_space<hbm>> -> memref<128x128xf32, #tpu.memory_space<hbm>>
      %dma_wait3A_288 = arith.constant 0 : i32
      %dma_wait3A_289 = arith.constant 0 : i32
      %dma_wait3A_290 = tpu.memref_slice %arg5[%dma_wait3A_288, %dma_wait3A_289] : memref<10240x128xf32, #tpu.memory_space<hbm>> -> memref<128x128xf32, #tpu.memory_space<hbm>>
      tpu.wait_dma2 semaphore(%arg14 : memref<!tpu.dma_semaphore, #tpu.memory_space<semaphore_mem>>) src(%dma_wait3A_290 : memref<128x128xf32, #tpu.memory_space<hbm>>) dst(%arg12 : memref<128x128xf32, #tpu.memory_space<vmem>>)
      %dma_start3A_291 = arith.constant 2 : i32
      %dma_start3A_292 = arith.constant 0 : i32
      %dma_start3A_293 = tpu.memref_slice %arg11[%dma_start3A_291, %dma_start3A_292] : memref<8x128xi32, #tpu.memory_space<vmem>> -> memref<1x128xi32, #tpu.memory_space<vmem>>
      %dma_start3A_294 = tpu.memref_squeeze %dma_start3A_293 : memref<1x128xi32, #tpu.memory_space<vmem>> -> memref<128xi32, #tpu.memory_space<vmem>>
      %dma_start3A_295 = arith.constant 0 : i32
      %dma_start3A_296 = arith.constant 0 : i32
      %dma_start3A_297 = tpu.memref_slice %arg7[%dma_start3A_295, %dma_start3A_296] : memref<10240x128xf32, #tpu.memory_space<vmem_shared>> -> memref<10240x128xf32, #tpu.memory_space<vmem_shared>>
      tpu.enqueue_indirect_dma source(%arg12 : memref<128x128xf32, #tpu.memory_space<vmem>>) target(%dma_start3A_297 : memref<10240x128xf32, #tpu.memory_space<vmem_shared>>) offsets(%dma_start3A_294 : memref<128xi32, #tpu.memory_space<vmem>>) semaphore(%arg15 : memref<!tpu.dma_semaphore, #tpu.memory_space<semaphore_mem>>) {add = true}
      %add3A_298 = arith.constant 11 : i32
      %add3A_299 = arith.addi %mul3A_66, %add3A_298 : i32
      %lt3A_300 = arith.cmpi slt, %add3A_299, %select_n3A : i32
      %convert_element_type3A_301 = arith.extui %lt3A_300 : i1 to i32
      %cond3A_302 = arith.constant 0 : i32
      %cond3A_303 = arith.cmpi ne, %convert_element_type3A_301, %cond3A_302 : i32
      scf.if %cond3A_303 {
        %ge3A = arith.constant 2 : i32
        %ge3A_408 = arith.cmpi sge, %add3A_299, %ge3A : i32
        %convert_element_type3A_409 = arith.extui %ge3A_408 : i1 to i32
        %cond3A_410 = arith.constant 0 : i32
        %cond3A_411 = arith.cmpi ne, %convert_element_type3A_409, %cond3A_410 : i32
        scf.if %cond3A_411 {
          %dma_wait3A_423 = arith.constant 0 : i32
          %dma_wait3A_424 = arith.constant 0 : i32
          %dma_wait3A_425 = tpu.memref_slice %arg5[%dma_wait3A_423, %dma_wait3A_424] : memref<10240x128xf32, #tpu.memory_space<hbm>> -> memref<128x128xf32, #tpu.memory_space<hbm>>
          %dma_wait3A_426 = arith.constant 0 : i32
          %dma_wait3A_427 = arith.constant 0 : i32
          %dma_wait3A_428 = tpu.memref_slice %arg5[%dma_wait3A_426, %dma_wait3A_427] : memref<10240x128xf32, #tpu.memory_space<hbm>> -> memref<128x128xf32, #tpu.memory_space<hbm>>
          tpu.wait_dma2 semaphore(%arg15 : memref<!tpu.dma_semaphore, #tpu.memory_space<semaphore_mem>>) src(%dma_wait3A_428 : memref<128x128xf32, #tpu.memory_space<hbm>>) dst(%arg13 : memref<128x128xf32, #tpu.memory_space<vmem>>)
        } else {
        }
        %dma_start3A_412 = arith.constant 3 : i32
        %dma_start3A_413 = arith.constant 0 : i32
        %dma_start3A_414 = tpu.memref_slice %arg9[%dma_start3A_412, %dma_start3A_413] : memref<8x128xi32, #tpu.memory_space<vmem>> -> memref<1x128xi32, #tpu.memory_space<vmem>>
        %dma_start3A_415 = tpu.memref_squeeze %dma_start3A_414 : memref<1x128xi32, #tpu.memory_space<vmem>> -> memref<128xi32, #tpu.memory_space<vmem>>
        %dma_start3A_416 = arith.constant 0 : i32
        %dma_start3A_417 = arith.constant 0 : i32
        %dma_start3A_418 = tpu.memref_slice %arg2[%arg0, %dma_start3A_416, %dma_start3A_417] : memref<2x10240x128xf32, #tpu.memory_space<hbm>> -> memref<1x10240x128xf32, #tpu.memory_space<hbm>>
        %dma_start3A_419 = tpu.memref_squeeze %dma_start3A_418 : memref<1x10240x128xf32, #tpu.memory_space<hbm>> -> memref<10240x128xf32, #tpu.memory_space<hbm>>
        %dma_start3A_420 = arith.constant 0 : i32
        %dma_start3A_421 = arith.constant 0 : i32
        %dma_start3A_422 = tpu.memref_slice %dma_start3A_419[%dma_start3A_420, %dma_start3A_421] : memref<10240x128xf32, #tpu.memory_space<hbm>> -> memref<10240x128xf32, #tpu.memory_space<hbm>>
        tpu.enqueue_indirect_dma source(%dma_start3A_422 : memref<10240x128xf32, #tpu.memory_space<hbm>>) target(%arg13 : memref<128x128xf32, #tpu.memory_space<vmem>>) offsets(%dma_start3A_415 : memref<128xi32, #tpu.memory_space<vmem>>) semaphore(%arg14 : memref<!tpu.dma_semaphore, #tpu.memory_space<semaphore_mem>>)
      } else {
      }
      %dma_wait3A_304 = arith.constant 0 : i32
      %dma_wait3A_305 = arith.constant 0 : i32
      %dma_wait3A_306 = tpu.memref_slice %arg5[%dma_wait3A_304, %dma_wait3A_305] : memref<10240x128xf32, #tpu.memory_space<hbm>> -> memref<128x128xf32, #tpu.memory_space<hbm>>
      %dma_wait3A_307 = arith.constant 0 : i32
      %dma_wait3A_308 = arith.constant 0 : i32
      %dma_wait3A_309 = tpu.memref_slice %arg5[%dma_wait3A_307, %dma_wait3A_308] : memref<10240x128xf32, #tpu.memory_space<hbm>> -> memref<128x128xf32, #tpu.memory_space<hbm>>
      tpu.wait_dma2 semaphore(%arg14 : memref<!tpu.dma_semaphore, #tpu.memory_space<semaphore_mem>>) src(%dma_wait3A_309 : memref<128x128xf32, #tpu.memory_space<hbm>>) dst(%arg13 : memref<128x128xf32, #tpu.memory_space<vmem>>)
      %dma_start3A_310 = arith.constant 3 : i32
      %dma_start3A_311 = arith.constant 0 : i32
      %dma_start3A_312 = tpu.memref_slice %arg11[%dma_start3A_310, %dma_start3A_311] : memref<8x128xi32, #tpu.memory_space<vmem>> -> memref<1x128xi32, #tpu.memory_space<vmem>>
      %dma_start3A_313 = tpu.memref_squeeze %dma_start3A_312 : memref<1x128xi32, #tpu.memory_space<vmem>> -> memref<128xi32, #tpu.memory_space<vmem>>
      %dma_start3A_314 = arith.constant 0 : i32
      %dma_start3A_315 = arith.constant 0 : i32
      %dma_start3A_316 = tpu.memref_slice %arg7[%dma_start3A_314, %dma_start3A_315] : memref<10240x128xf32, #tpu.memory_space<vmem_shared>> -> memref<10240x128xf32, #tpu.memory_space<vmem_shared>>
      tpu.enqueue_indirect_dma source(%arg13 : memref<128x128xf32, #tpu.memory_space<vmem>>) target(%dma_start3A_316 : memref<10240x128xf32, #tpu.memory_space<vmem_shared>>) offsets(%dma_start3A_313 : memref<128xi32, #tpu.memory_space<vmem>>) semaphore(%arg15 : memref<!tpu.dma_semaphore, #tpu.memory_space<semaphore_mem>>) {add = true}
      %add3A_317 = arith.constant 12 : i32
      %add3A_318 = arith.addi %mul3A_66, %add3A_317 : i32
      %lt3A_319 = arith.cmpi slt, %add3A_318, %select_n3A : i32
      %convert_element_type3A_320 = arith.extui %lt3A_319 : i1 to i32
      %cond3A_321 = arith.constant 0 : i32
      %cond3A_322 = arith.cmpi ne, %convert_element_type3A_320, %cond3A_321 : i32
      scf.if %cond3A_322 {
        %ge3A = arith.constant 2 : i32
        %ge3A_408 = arith.cmpi sge, %add3A_318, %ge3A : i32
        %convert_element_type3A_409 = arith.extui %ge3A_408 : i1 to i32
        %cond3A_410 = arith.constant 0 : i32
        %cond3A_411 = arith.cmpi ne, %convert_element_type3A_409, %cond3A_410 : i32
        scf.if %cond3A_411 {
          %dma_wait3A_423 = arith.constant 0 : i32
          %dma_wait3A_424 = arith.constant 0 : i32
          %dma_wait3A_425 = tpu.memref_slice %arg5[%dma_wait3A_423, %dma_wait3A_424] : memref<10240x128xf32, #tpu.memory_space<hbm>> -> memref<128x128xf32, #tpu.memory_space<hbm>>
          %dma_wait3A_426 = arith.constant 0 : i32
          %dma_wait3A_427 = arith.constant 0 : i32
          %dma_wait3A_428 = tpu.memref_slice %arg5[%dma_wait3A_426, %dma_wait3A_427] : memref<10240x128xf32, #tpu.memory_space<hbm>> -> memref<128x128xf32, #tpu.memory_space<hbm>>
          tpu.wait_dma2 semaphore(%arg15 : memref<!tpu.dma_semaphore, #tpu.memory_space<semaphore_mem>>) src(%dma_wait3A_428 : memref<128x128xf32, #tpu.memory_space<hbm>>) dst(%arg12 : memref<128x128xf32, #tpu.memory_space<vmem>>)
        } else {
        }
        %dma_start3A_412 = arith.constant 4 : i32
        %dma_start3A_413 = arith.constant 0 : i32
        %dma_start3A_414 = tpu.memref_slice %arg9[%dma_start3A_412, %dma_start3A_413] : memref<8x128xi32, #tpu.memory_space<vmem>> -> memref<1x128xi32, #tpu.memory_space<vmem>>
        %dma_start3A_415 = tpu.memref_squeeze %dma_start3A_414 : memref<1x128xi32, #tpu.memory_space<vmem>> -> memref<128xi32, #tpu.memory_space<vmem>>
        %dma_start3A_416 = arith.constant 0 : i32
        %dma_start3A_417 = arith.constant 0 : i32
        %dma_start3A_418 = tpu.memref_slice %arg2[%arg0, %dma_start3A_416, %dma_start3A_417] : memref<2x10240x128xf32, #tpu.memory_space<hbm>> -> memref<1x10240x128xf32, #tpu.memory_space<hbm>>
        %dma_start3A_419 = tpu.memref_squeeze %dma_start3A_418 : memref<1x10240x128xf32, #tpu.memory_space<hbm>> -> memref<10240x128xf32, #tpu.memory_space<hbm>>
        %dma_start3A_420 = arith.constant 0 : i32
        %dma_start3A_421 = arith.constant 0 : i32
        %dma_start3A_422 = tpu.memref_slice %dma_start3A_419[%dma_start3A_420, %dma_start3A_421] : memref<10240x128xf32, #tpu.memory_space<hbm>> -> memref<10240x128xf32, #tpu.memory_space<hbm>>
        tpu.enqueue_indirect_dma source(%dma_start3A_422 : memref<10240x128xf32, #tpu.memory_space<hbm>>) target(%arg12 : memref<128x128xf32, #tpu.memory_space<vmem>>) offsets(%dma_start3A_415 : memref<128xi32, #tpu.memory_space<vmem>>) semaphore(%arg14 : memref<!tpu.dma_semaphore, #tpu.memory_space<semaphore_mem>>)
      } else {
      }
      %dma_wait3A_323 = arith.constant 0 : i32
      %dma_wait3A_324 = arith.constant 0 : i32
      %dma_wait3A_325 = tpu.memref_slice %arg5[%dma_wait3A_323, %dma_wait3A_324] : memref<10240x128xf32, #tpu.memory_space<hbm>> -> memref<128x128xf32, #tpu.memory_space<hbm>>
      %dma_wait3A_326 = arith.constant 0 : i32
      %dma_wait3A_327 = arith.constant 0 : i32
      %dma_wait3A_328 = tpu.memref_slice %arg5[%dma_wait3A_326, %dma_wait3A_327] : memref<10240x128xf32, #tpu.memory_space<hbm>> -> memref<128x128xf32, #tpu.memory_space<hbm>>
      tpu.wait_dma2 semaphore(%arg14 : memref<!tpu.dma_semaphore, #tpu.memory_space<semaphore_mem>>) src(%dma_wait3A_328 : memref<128x128xf32, #tpu.memory_space<hbm>>) dst(%arg12 : memref<128x128xf32, #tpu.memory_space<vmem>>)
      %dma_start3A_329 = arith.constant 4 : i32
      %dma_start3A_330 = arith.constant 0 : i32
      %dma_start3A_331 = tpu.memref_slice %arg11[%dma_start3A_329, %dma_start3A_330] : memref<8x128xi32, #tpu.memory_space<vmem>> -> memref<1x128xi32, #tpu.memory_space<vmem>>
      %dma_start3A_332 = tpu.memref_squeeze %dma_start3A_331 : memref<1x128xi32, #tpu.memory_space<vmem>> -> memref<128xi32, #tpu.memory_space<vmem>>
      %dma_start3A_333 = arith.constant 0 : i32
      %dma_start3A_334 = arith.constant 0 : i32
      %dma_start3A_335 = tpu.memref_slice %arg7[%dma_start3A_333, %dma_start3A_334] : memref<10240x128xf32, #tpu.memory_space<vmem_shared>> -> memref<10240x128xf32, #tpu.memory_space<vmem_shared>>
      tpu.enqueue_indirect_dma source(%arg12 : memref<128x128xf32, #tpu.memory_space<vmem>>) target(%dma_start3A_335 : memref<10240x128xf32, #tpu.memory_space<vmem_shared>>) offsets(%dma_start3A_332 : memref<128xi32, #tpu.memory_space<vmem>>) semaphore(%arg15 : memref<!tpu.dma_semaphore, #tpu.memory_space<semaphore_mem>>) {add = true}
      %add3A_336 = arith.constant 13 : i32
      %add3A_337 = arith.addi %mul3A_66, %add3A_336 : i32
      %lt3A_338 = arith.cmpi slt, %add3A_337, %select_n3A : i32
      %convert_element_type3A_339 = arith.extui %lt3A_338 : i1 to i32
      %cond3A_340 = arith.constant 0 : i32
      %cond3A_341 = arith.cmpi ne, %convert_element_type3A_339, %cond3A_340 : i32
      scf.if %cond3A_341 {
        %ge3A = arith.constant 2 : i32
        %ge3A_408 = arith.cmpi sge, %add3A_337, %ge3A : i32
        %convert_element_type3A_409 = arith.extui %ge3A_408 : i1 to i32
        %cond3A_410 = arith.constant 0 : i32
        %cond3A_411 = arith.cmpi ne, %convert_element_type3A_409, %cond3A_410 : i32
        scf.if %cond3A_411 {
          %dma_wait3A_423 = arith.constant 0 : i32
          %dma_wait3A_424 = arith.constant 0 : i32
          %dma_wait3A_425 = tpu.memref_slice %arg5[%dma_wait3A_423, %dma_wait3A_424] : memref<10240x128xf32, #tpu.memory_space<hbm>> -> memref<128x128xf32, #tpu.memory_space<hbm>>
          %dma_wait3A_426 = arith.constant 0 : i32
          %dma_wait3A_427 = arith.constant 0 : i32
          %dma_wait3A_428 = tpu.memref_slice %arg5[%dma_wait3A_426, %dma_wait3A_427] : memref<10240x128xf32, #tpu.memory_space<hbm>> -> memref<128x128xf32, #tpu.memory_space<hbm>>
          tpu.wait_dma2 semaphore(%arg15 : memref<!tpu.dma_semaphore, #tpu.memory_space<semaphore_mem>>) src(%dma_wait3A_428 : memref<128x128xf32, #tpu.memory_space<hbm>>) dst(%arg13 : memref<128x128xf32, #tpu.memory_space<vmem>>)
        } else {
        }
        %dma_start3A_412 = arith.constant 5 : i32
        %dma_start3A_413 = arith.constant 0 : i32
        %dma_start3A_414 = tpu.memref_slice %arg9[%dma_start3A_412, %dma_start3A_413] : memref<8x128xi32, #tpu.memory_space<vmem>> -> memref<1x128xi32, #tpu.memory_space<vmem>>
        %dma_start3A_415 = tpu.memref_squeeze %dma_start3A_414 : memref<1x128xi32, #tpu.memory_space<vmem>> -> memref<128xi32, #tpu.memory_space<vmem>>
        %dma_start3A_416 = arith.constant 0 : i32
        %dma_start3A_417 = arith.constant 0 : i32
        %dma_start3A_418 = tpu.memref_slice %arg2[%arg0, %dma_start3A_416, %dma_start3A_417] : memref<2x10240x128xf32, #tpu.memory_space<hbm>> -> memref<1x10240x128xf32, #tpu.memory_space<hbm>>
        %dma_start3A_419 = tpu.memref_squeeze %dma_start3A_418 : memref<1x10240x128xf32, #tpu.memory_space<hbm>> -> memref<10240x128xf32, #tpu.memory_space<hbm>>
        %dma_start3A_420 = arith.constant 0 : i32
        %dma_start3A_421 = arith.constant 0 : i32
        %dma_start3A_422 = tpu.memref_slice %dma_start3A_419[%dma_start3A_420, %dma_start3A_421] : memref<10240x128xf32, #tpu.memory_space<hbm>> -> memref<10240x128xf32, #tpu.memory_space<hbm>>
        tpu.enqueue_indirect_dma source(%dma_start3A_422 : memref<10240x128xf32, #tpu.memory_space<hbm>>) target(%arg13 : memref<128x128xf32, #tpu.memory_space<vmem>>) offsets(%dma_start3A_415 : memref<128xi32, #tpu.memory_space<vmem>>) semaphore(%arg14 : memref<!tpu.dma_semaphore, #tpu.memory_space<semaphore_mem>>)
      } else {
      }
      %dma_wait3A_342 = arith.constant 0 : i32
      %dma_wait3A_343 = arith.constant 0 : i32
      %dma_wait3A_344 = tpu.memref_slice %arg5[%dma_wait3A_342, %dma_wait3A_343] : memref<10240x128xf32, #tpu.memory_space<hbm>> -> memref<128x128xf32, #tpu.memory_space<hbm>>
      %dma_wait3A_345 = arith.constant 0 : i32
      %dma_wait3A_346 = arith.constant 0 : i32
      %dma_wait3A_347 = tpu.memref_slice %arg5[%dma_wait3A_345, %dma_wait3A_346] : memref<10240x128xf32, #tpu.memory_space<hbm>> -> memref<128x128xf32, #tpu.memory_space<hbm>>
      tpu.wait_dma2 semaphore(%arg14 : memref<!tpu.dma_semaphore, #tpu.memory_space<semaphore_mem>>) src(%dma_wait3A_347 : memref<128x128xf32, #tpu.memory_space<hbm>>) dst(%arg13 : memref<128x128xf32, #tpu.memory_space<vmem>>)
      %dma_start3A_348 = arith.constant 5 : i32
      %dma_start3A_349 = arith.constant 0 : i32
      %dma_start3A_350 = tpu.memref_slice %arg11[%dma_start3A_348, %dma_start3A_349] : memref<8x128xi32, #tpu.memory_space<vmem>> -> memref<1x128xi32, #tpu.memory_space<vmem>>
      %dma_start3A_351 = tpu.memref_squeeze %dma_start3A_350 : memref<1x128xi32, #tpu.memory_space<vmem>> -> memref<128xi32, #tpu.memory_space<vmem>>
      %dma_start3A_352 = arith.constant 0 : i32
      %dma_start3A_353 = arith.constant 0 : i32
      %dma_start3A_354 = tpu.memref_slice %arg7[%dma_start3A_352, %dma_start3A_353] : memref<10240x128xf32, #tpu.memory_space<vmem_shared>> -> memref<10240x128xf32, #tpu.memory_space<vmem_shared>>
      tpu.enqueue_indirect_dma source(%arg13 : memref<128x128xf32, #tpu.memory_space<vmem>>) target(%dma_start3A_354 : memref<10240x128xf32, #tpu.memory_space<vmem_shared>>) offsets(%dma_start3A_351 : memref<128xi32, #tpu.memory_space<vmem>>) semaphore(%arg15 : memref<!tpu.dma_semaphore, #tpu.memory_space<semaphore_mem>>) {add = true}
      %add3A_355 = arith.constant 14 : i32
      %add3A_356 = arith.addi %mul3A_66, %add3A_355 : i32
      %lt3A_357 = arith.cmpi slt, %add3A_356, %select_n3A : i32
      %convert_element_type3A_358 = arith.extui %lt3A_357 : i1 to i32
      %cond3A_359 = arith.constant 0 : i32
      %cond3A_360 = arith.cmpi ne, %convert_element_type3A_358, %cond3A_359 : i32
      scf.if %cond3A_360 {
        %ge3A = arith.constant 2 : i32
        %ge3A_408 = arith.cmpi sge, %add3A_356, %ge3A : i32
        %convert_element_type3A_409 = arith.extui %ge3A_408 : i1 to i32
        %cond3A_410 = arith.constant 0 : i32
        %cond3A_411 = arith.cmpi ne, %convert_element_type3A_409, %cond3A_410 : i32
        scf.if %cond3A_411 {
          %dma_wait3A_423 = arith.constant 0 : i32
          %dma_wait3A_424 = arith.constant 0 : i32
          %dma_wait3A_425 = tpu.memref_slice %arg5[%dma_wait3A_423, %dma_wait3A_424] : memref<10240x128xf32, #tpu.memory_space<hbm>> -> memref<128x128xf32, #tpu.memory_space<hbm>>
          %dma_wait3A_426 = arith.constant 0 : i32
          %dma_wait3A_427 = arith.constant 0 : i32
          %dma_wait3A_428 = tpu.memref_slice %arg5[%dma_wait3A_426, %dma_wait3A_427] : memref<10240x128xf32, #tpu.memory_space<hbm>> -> memref<128x128xf32, #tpu.memory_space<hbm>>
          tpu.wait_dma2 semaphore(%arg15 : memref<!tpu.dma_semaphore, #tpu.memory_space<semaphore_mem>>) src(%dma_wait3A_428 : memref<128x128xf32, #tpu.memory_space<hbm>>) dst(%arg12 : memref<128x128xf32, #tpu.memory_space<vmem>>)
        } else {
        }
        %dma_start3A_412 = arith.constant 6 : i32
        %dma_start3A_413 = arith.constant 0 : i32
        %dma_start3A_414 = tpu.memref_slice %arg9[%dma_start3A_412, %dma_start3A_413] : memref<8x128xi32, #tpu.memory_space<vmem>> -> memref<1x128xi32, #tpu.memory_space<vmem>>
        %dma_start3A_415 = tpu.memref_squeeze %dma_start3A_414 : memref<1x128xi32, #tpu.memory_space<vmem>> -> memref<128xi32, #tpu.memory_space<vmem>>
        %dma_start3A_416 = arith.constant 0 : i32
        %dma_start3A_417 = arith.constant 0 : i32
        %dma_start3A_418 = tpu.memref_slice %arg2[%arg0, %dma_start3A_416, %dma_start3A_417] : memref<2x10240x128xf32, #tpu.memory_space<hbm>> -> memref<1x10240x128xf32, #tpu.memory_space<hbm>>
        %dma_start3A_419 = tpu.memref_squeeze %dma_start3A_418 : memref<1x10240x128xf32, #tpu.memory_space<hbm>> -> memref<10240x128xf32, #tpu.memory_space<hbm>>
        %dma_start3A_420 = arith.constant 0 : i32
        %dma_start3A_421 = arith.constant 0 : i32
        %dma_start3A_422 = tpu.memref_slice %dma_start3A_419[%dma_start3A_420, %dma_start3A_421] : memref<10240x128xf32, #tpu.memory_space<hbm>> -> memref<10240x128xf32, #tpu.memory_space<hbm>>
        tpu.enqueue_indirect_dma source(%dma_start3A_422 : memref<10240x128xf32, #tpu.memory_space<hbm>>) target(%arg12 : memref<128x128xf32, #tpu.memory_space<vmem>>) offsets(%dma_start3A_415 : memref<128xi32, #tpu.memory_space<vmem>>) semaphore(%arg14 : memref<!tpu.dma_semaphore, #tpu.memory_space<semaphore_mem>>)
      } else {
      }
      %dma_wait3A_361 = arith.constant 0 : i32
      %dma_wait3A_362 = arith.constant 0 : i32
      %dma_wait3A_363 = tpu.memref_slice %arg5[%dma_wait3A_361, %dma_wait3A_362] : memref<10240x128xf32, #tpu.memory_space<hbm>> -> memref<128x128xf32, #tpu.memory_space<hbm>>
      %dma_wait3A_364 = arith.constant 0 : i32
      %dma_wait3A_365 = arith.constant 0 : i32
      %dma_wait3A_366 = tpu.memref_slice %arg5[%dma_wait3A_364, %dma_wait3A_365] : memref<10240x128xf32, #tpu.memory_space<hbm>> -> memref<128x128xf32, #tpu.memory_space<hbm>>
      tpu.wait_dma2 semaphore(%arg14 : memref<!tpu.dma_semaphore, #tpu.memory_space<semaphore_mem>>) src(%dma_wait3A_366 : memref<128x128xf32, #tpu.memory_space<hbm>>) dst(%arg12 : memref<128x128xf32, #tpu.memory_space<vmem>>)
      %dma_start3A_367 = arith.constant 6 : i32
      %dma_start3A_368 = arith.constant 0 : i32
      %dma_start3A_369 = tpu.memref_slice %arg11[%dma_start3A_367, %dma_start3A_368] : memref<8x128xi32, #tpu.memory_space<vmem>> -> memref<1x128xi32, #tpu.memory_space<vmem>>
      %dma_start3A_370 = tpu.memref_squeeze %dma_start3A_369 : memref<1x128xi32, #tpu.memory_space<vmem>> -> memref<128xi32, #tpu.memory_space<vmem>>
      %dma_start3A_371 = arith.constant 0 : i32
      %dma_start3A_372 = arith.constant 0 : i32
      %dma_start3A_373 = tpu.memref_slice %arg7[%dma_start3A_371, %dma_start3A_372] : memref<10240x128xf32, #tpu.memory_space<vmem_shared>> -> memref<10240x128xf32, #tpu.memory_space<vmem_shared>>
      tpu.enqueue_indirect_dma source(%arg12 : memref<128x128xf32, #tpu.memory_space<vmem>>) target(%dma_start3A_373 : memref<10240x128xf32, #tpu.memory_space<vmem_shared>>) offsets(%dma_start3A_370 : memref<128xi32, #tpu.memory_space<vmem>>) semaphore(%arg15 : memref<!tpu.dma_semaphore, #tpu.memory_space<semaphore_mem>>) {add = true}
      %add3A_374 = arith.constant 15 : i32
      %add3A_375 = arith.addi %mul3A_66, %add3A_374 : i32
      %lt3A_376 = arith.cmpi slt, %add3A_375, %select_n3A : i32
      %convert_element_type3A_377 = arith.extui %lt3A_376 : i1 to i32
      %cond3A_378 = arith.constant 0 : i32
      %cond3A_379 = arith.cmpi ne, %convert_element_type3A_377, %cond3A_378 : i32
      scf.if %cond3A_379 {
        %ge3A = arith.constant 2 : i32
        %ge3A_408 = arith.cmpi sge, %add3A_375, %ge3A : i32
        %convert_element_type3A_409 = arith.extui %ge3A_408 : i1 to i32
        %cond3A_410 = arith.constant 0 : i32
        %cond3A_411 = arith.cmpi ne, %convert_element_type3A_409, %cond3A_410 : i32
        scf.if %cond3A_411 {
          %dma_wait3A_423 = arith.constant 0 : i32
          %dma_wait3A_424 = arith.constant 0 : i32
          %dma_wait3A_425 = tpu.memref_slice %arg5[%dma_wait3A_423, %dma_wait3A_424] : memref<10240x128xf32, #tpu.memory_space<hbm>> -> memref<128x128xf32, #tpu.memory_space<hbm>>
          %dma_wait3A_426 = arith.constant 0 : i32
          %dma_wait3A_427 = arith.constant 0 : i32
          %dma_wait3A_428 = tpu.memref_slice %arg5[%dma_wait3A_426, %dma_wait3A_427] : memref<10240x128xf32, #tpu.memory_space<hbm>> -> memref<128x128xf32, #tpu.memory_space<hbm>>
          tpu.wait_dma2 semaphore(%arg15 : memref<!tpu.dma_semaphore, #tpu.memory_space<semaphore_mem>>) src(%dma_wait3A_428 : memref<128x128xf32, #tpu.memory_space<hbm>>) dst(%arg13 : memref<128x128xf32, #tpu.memory_space<vmem>>)
        } else {
        }
        %dma_start3A_412 = arith.constant 7 : i32
        %dma_start3A_413 = arith.constant 0 : i32
        %dma_start3A_414 = tpu.memref_slice %arg9[%dma_start3A_412, %dma_start3A_413] : memref<8x128xi32, #tpu.memory_space<vmem>> -> memref<1x128xi32, #tpu.memory_space<vmem>>
        %dma_start3A_415 = tpu.memref_squeeze %dma_start3A_414 : memref<1x128xi32, #tpu.memory_space<vmem>> -> memref<128xi32, #tpu.memory_space<vmem>>
        %dma_start3A_416 = arith.constant 0 : i32
        %dma_start3A_417 = arith.constant 0 : i32
        %dma_start3A_418 = tpu.memref_slice %arg2[%arg0, %dma_start3A_416, %dma_start3A_417] : memref<2x10240x128xf32, #tpu.memory_space<hbm>> -> memref<1x10240x128xf32, #tpu.memory_space<hbm>>
        %dma_start3A_419 = tpu.memref_squeeze %dma_start3A_418 : memref<1x10240x128xf32, #tpu.memory_space<hbm>> -> memref<10240x128xf32, #tpu.memory_space<hbm>>
        %dma_start3A_420 = arith.constant 0 : i32
        %dma_start3A_421 = arith.constant 0 : i32
        %dma_start3A_422 = tpu.memref_slice %dma_start3A_419[%dma_start3A_420, %dma_start3A_421] : memref<10240x128xf32, #tpu.memory_space<hbm>> -> memref<10240x128xf32, #tpu.memory_space<hbm>>
        tpu.enqueue_indirect_dma source(%dma_start3A_422 : memref<10240x128xf32, #tpu.memory_space<hbm>>) target(%arg13 : memref<128x128xf32, #tpu.memory_space<vmem>>) offsets(%dma_start3A_415 : memref<128xi32, #tpu.memory_space<vmem>>) semaphore(%arg14 : memref<!tpu.dma_semaphore, #tpu.memory_space<semaphore_mem>>)
      } else {
      }
      %dma_wait3A_380 = arith.constant 0 : i32
      %dma_wait3A_381 = tpu.memref_slice %arg3[%min3A_257, %dma_wait3A_380] : memref<2560x128xi32, #tpu.memory_space<hbm>> -> memref<8x128xi32, #tpu.memory_space<hbm>>
      %dma_wait3A_382 = arith.constant 0 : i32
      %dma_wait3A_383 = tpu.memref_slice %arg3[%min3A_257, %dma_wait3A_382] : memref<2560x128xi32, #tpu.memory_space<hbm>> -> memref<8x128xi32, #tpu.memory_space<hbm>>
      tpu.wait_dma2 semaphore(%arg16 : memref<!tpu.dma_semaphore, #tpu.memory_space<semaphore_mem>>) src(%dma_wait3A_383 : memref<8x128xi32, #tpu.memory_space<hbm>>) dst(%arg8 : memref<8x128xi32, #tpu.memory_space<vmem>>)
      %dma_wait3A_384 = arith.constant 0 : i32
      %dma_wait3A_385 = tpu.memref_slice %arg4[%min3A_257, %dma_wait3A_384] : memref<2560x128xi32, #tpu.memory_space<hbm>> -> memref<8x128xi32, #tpu.memory_space<hbm>>
      %dma_wait3A_386 = arith.constant 0 : i32
      %dma_wait3A_387 = tpu.memref_slice %arg4[%min3A_257, %dma_wait3A_386] : memref<2560x128xi32, #tpu.memory_space<hbm>> -> memref<8x128xi32, #tpu.memory_space<hbm>>
      tpu.wait_dma2 semaphore(%arg16 : memref<!tpu.dma_semaphore, #tpu.memory_space<semaphore_mem>>) src(%dma_wait3A_387 : memref<8x128xi32, #tpu.memory_space<hbm>>) dst(%arg10 : memref<8x128xi32, #tpu.memory_space<vmem>>)
      %dma_wait3A_388 = arith.constant 0 : i32
      %dma_wait3A_389 = arith.constant 0 : i32
      %dma_wait3A_390 = tpu.memref_slice %arg5[%dma_wait3A_388, %dma_wait3A_389] : memref<10240x128xf32, #tpu.memory_space<hbm>> -> memref<128x128xf32, #tpu.memory_space<hbm>>
      %dma_wait3A_391 = arith.constant 0 : i32
      %dma_wait3A_392 = arith.constant 0 : i32
      %dma_wait3A_393 = tpu.memref_slice %arg5[%dma_wait3A_391, %dma_wait3A_392] : memref<10240x128xf32, #tpu.memory_space<hbm>> -> memref<128x128xf32, #tpu.memory_space<hbm>>
      tpu.wait_dma2 semaphore(%arg14 : memref<!tpu.dma_semaphore, #tpu.memory_space<semaphore_mem>>) src(%dma_wait3A_393 : memref<128x128xf32, #tpu.memory_space<hbm>>) dst(%arg13 : memref<128x128xf32, #tpu.memory_space<vmem>>)
      %dma_start3A_394 = arith.constant 7 : i32
      %dma_start3A_395 = arith.constant 0 : i32
      %dma_start3A_396 = tpu.memref_slice %arg11[%dma_start3A_394, %dma_start3A_395] : memref<8x128xi32, #tpu.memory_space<vmem>> -> memref<1x128xi32, #tpu.memory_space<vmem>>
      %dma_start3A_397 = tpu.memref_squeeze %dma_start3A_396 : memref<1x128xi32, #tpu.memory_space<vmem>> -> memref<128xi32, #tpu.memory_space<vmem>>
      %dma_start3A_398 = arith.constant 0 : i32
      %dma_start3A_399 = arith.constant 0 : i32
      %dma_start3A_400 = tpu.memref_slice %arg7[%dma_start3A_398, %dma_start3A_399] : memref<10240x128xf32, #tpu.memory_space<vmem_shared>> -> memref<10240x128xf32, #tpu.memory_space<vmem_shared>>
      tpu.enqueue_indirect_dma source(%arg13 : memref<128x128xf32, #tpu.memory_space<vmem>>) target(%dma_start3A_400 : memref<10240x128xf32, #tpu.memory_space<vmem_shared>>) offsets(%dma_start3A_397 : memref<128xi32, #tpu.memory_space<vmem>>) semaphore(%arg15 : memref<!tpu.dma_semaphore, #tpu.memory_space<semaphore_mem>>) {add = true}
      %add3A_401 = arith.constant 16 : i32
      %add3A_402 = arith.addi %mul3A_66, %add3A_401 : i32
      %lt3A_403 = arith.cmpi slt, %add3A_402, %select_n3A : i32
      %convert_element_type3A_404 = arith.extui %lt3A_403 : i1 to i32
      %cond3A_405 = arith.constant 0 : i32
      %cond3A_406 = arith.cmpi ne, %convert_element_type3A_404, %cond3A_405 : i32
      scf.if %cond3A_406 {
        %ge3A = arith.constant 2 : i32
        %ge3A_408 = arith.cmpi sge, %add3A_402, %ge3A : i32
        %convert_element_type3A_409 = arith.extui %ge3A_408 : i1 to i32
        %cond3A_410 = arith.constant 0 : i32
        %cond3A_411 = arith.cmpi ne, %convert_element_type3A_409, %cond3A_410 : i32
        scf.if %cond3A_411 {
          %dma_wait3A_423 = arith.constant 0 : i32
          %dma_wait3A_424 = arith.constant 0 : i32
          %dma_wait3A_425 = tpu.memref_slice %arg5[%dma_wait3A_423, %dma_wait3A_424] : memref<10240x128xf32, #tpu.memory_space<hbm>> -> memref<128x128xf32, #tpu.memory_space<hbm>>
          %dma_wait3A_426 = arith.constant 0 : i32
          %dma_wait3A_427 = arith.constant 0 : i32
          %dma_wait3A_428 = tpu.memref_slice %arg5[%dma_wait3A_426, %dma_wait3A_427] : memref<10240x128xf32, #tpu.memory_space<hbm>> -> memref<128x128xf32, #tpu.memory_space<hbm>>
          tpu.wait_dma2 semaphore(%arg15 : memref<!tpu.dma_semaphore, #tpu.memory_space<semaphore_mem>>) src(%dma_wait3A_428 : memref<128x128xf32, #tpu.memory_space<hbm>>) dst(%arg12 : memref<128x128xf32, #tpu.memory_space<vmem>>)
        } else {
        }
        %dma_start3A_412 = arith.constant 0 : i32
        %dma_start3A_413 = arith.constant 0 : i32
        %dma_start3A_414 = tpu.memref_slice %arg8[%dma_start3A_412, %dma_start3A_413] : memref<8x128xi32, #tpu.memory_space<vmem>> -> memref<1x128xi32, #tpu.memory_space<vmem>>
        %dma_start3A_415 = tpu.memref_squeeze %dma_start3A_414 : memref<1x128xi32, #tpu.memory_space<vmem>> -> memref<128xi32, #tpu.memory_space<vmem>>
        %dma_start3A_416 = arith.constant 0 : i32
        %dma_start3A_417 = arith.constant 0 : i32
        %dma_start3A_418 = tpu.memref_slice %arg2[%arg0, %dma_start3A_416, %dma_start3A_417] : memref<2x10240x128xf32, #tpu.memory_space<hbm>> -> memref<1x10240x128xf32, #tpu.memory_space<hbm>>
        %dma_start3A_419 = tpu.memref_squeeze %dma_start3A_418 : memref<1x10240x128xf32, #tpu.memory_space<hbm>> -> memref<10240x128xf32, #tpu.memory_space<hbm>>
        %dma_start3A_420 = arith.constant 0 : i32
        %dma_start3A_421 = arith.constant 0 : i32
        %dma_start3A_422 = tpu.memref_slice %dma_start3A_419[%dma_start3A_420, %dma_start3A_421] : memref<10240x128xf32, #tpu.memory_space<hbm>> -> memref<10240x128xf32, #tpu.memory_space<hbm>>
        tpu.enqueue_indirect_dma source(%dma_start3A_422 : memref<10240x128xf32, #tpu.memory_space<hbm>>) target(%arg12 : memref<128x128xf32, #tpu.memory_space<vmem>>) offsets(%dma_start3A_415 : memref<128xi32, #tpu.memory_space<vmem>>) semaphore(%arg14 : memref<!tpu.dma_semaphore, #tpu.memory_space<semaphore_mem>>)
      } else {
      }
      %while3A_407 = arith.constant 0 : i32
      scf.yield %while3A_407 : i32
    }
    %while3A_46 = arith.constant 1 : i32
    %while3A_47 = scf.for %while3A_60 = %while3A_43 to %while3A_39 step %while3A_46 iter_args(%while3A_61 = %while3A_45) -> (i32)  : i32 {
      %mul3A_62 = arith.constant 16 : i32
      %mul3A_63 = arith.muli %while3A_60, %mul3A_62 : i32
      %add3A_64 = arith.addi %select_n3A_8, %mul3A_63 : i32
      %mul3A_65 = arith.constant 16 : i32
      %mul3A_66 = arith.muli %while3A_60, %mul3A_65 : i32
      %dma_wait3A_67 = arith.constant 0 : i32
      %dma_wait3A_68 = arith.constant 0 : i32
      %dma_wait3A_69 = tpu.memref_slice %arg5[%dma_wait3A_67, %dma_wait3A_68] : memref<10240x128xf32, #tpu.memory_space<hbm>> -> memref<128x128xf32, #tpu.memory_space<hbm>>
      %dma_wait3A_70 = arith.constant 0 : i32
      %dma_wait3A_71 = arith.constant 0 : i32
      %dma_wait3A_72 = tpu.memref_slice %arg5[%dma_wait3A_70, %dma_wait3A_71] : memref<10240x128xf32, #tpu.memory_space<hbm>> -> memref<128x128xf32, #tpu.memory_space<hbm>>
      tpu.wait_dma2 semaphore(%arg14 : memref<!tpu.dma_semaphore, #tpu.memory_space<semaphore_mem>>) src(%dma_wait3A_72 : memref<128x128xf32, #tpu.memory_space<hbm>>) dst(%arg12 : memref<128x128xf32, #tpu.memory_space<vmem>>)
      %dma_start3A_73 = arith.constant 0 : i32
      %dma_start3A_74 = arith.constant 0 : i32
      %dma_start3A_75 = tpu.memref_slice %arg10[%dma_start3A_73, %dma_start3A_74] : memref<8x128xi32, #tpu.memory_space<vmem>> -> memref<1x128xi32, #tpu.memory_space<vmem>>
      %dma_start3A_76 = tpu.memref_squeeze %dma_start3A_75 : memref<1x128xi32, #tpu.memory_space<vmem>> -> memref<128xi32, #tpu.memory_space<vmem>>
      %dma_start3A_77 = arith.constant 0 : i32
      %dma_start3A_78 = arith.constant 0 : i32
      %dma_start3A_79 = tpu.memref_slice %arg7[%dma_start3A_77, %dma_start3A_78] : memref<10240x128xf32, #tpu.memory_space<vmem_shared>> -> memref<10240x128xf32, #tpu.memory_space<vmem_shared>>
      tpu.enqueue_indirect_dma source(%arg12 : memref<128x128xf32, #tpu.memory_space<vmem>>) target(%dma_start3A_79 : memref<10240x128xf32, #tpu.memory_space<vmem_shared>>) offsets(%dma_start3A_76 : memref<128xi32, #tpu.memory_space<vmem>>) semaphore(%arg15 : memref<!tpu.dma_semaphore, #tpu.memory_space<semaphore_mem>>) {add = true}
      %add3A_80 = arith.constant 1 : i32
      %add3A_81 = arith.addi %mul3A_66, %add3A_80 : i32
      %lt3A = arith.cmpi slt, %add3A_81, %select_n3A : i32
      %convert_element_type3A = arith.extui %lt3A : i1 to i32
      %cond3A = arith.constant 0 : i32
      %cond3A_82 = arith.cmpi ne, %convert_element_type3A, %cond3A : i32
      scf.if %cond3A_82 {
        %ge3A = arith.constant 2 : i32
        %ge3A_408 = arith.cmpi sge, %add3A_81, %ge3A : i32
        %convert_element_type3A_409 = arith.extui %ge3A_408 : i1 to i32
        %cond3A_410 = arith.constant 0 : i32
        %cond3A_411 = arith.cmpi ne, %convert_element_type3A_409, %cond3A_410 : i32
        scf.if %cond3A_411 {
          %dma_wait3A_423 = arith.constant 0 : i32
          %dma_wait3A_424 = arith.constant 0 : i32
          %dma_wait3A_425 = tpu.memref_slice %arg5[%dma_wait3A_423, %dma_wait3A_424] : memref<10240x128xf32, #tpu.memory_space<hbm>> -> memref<128x128xf32, #tpu.memory_space<hbm>>
          %dma_wait3A_426 = arith.constant 0 : i32
          %dma_wait3A_427 = arith.constant 0 : i32
          %dma_wait3A_428 = tpu.memref_slice %arg5[%dma_wait3A_426, %dma_wait3A_427] : memref<10240x128xf32, #tpu.memory_space<hbm>> -> memref<128x128xf32, #tpu.memory_space<hbm>>
          tpu.wait_dma2 semaphore(%arg15 : memref<!tpu.dma_semaphore, #tpu.memory_space<semaphore_mem>>) src(%dma_wait3A_428 : memref<128x128xf32, #tpu.memory_space<hbm>>) dst(%arg13 : memref<128x128xf32, #tpu.memory_space<vmem>>)
        } else {
        }
        %dma_start3A_412 = arith.constant 1 : i32
        %dma_start3A_413 = arith.constant 0 : i32
        %dma_start3A_414 = tpu.memref_slice %arg8[%dma_start3A_412, %dma_start3A_413] : memref<8x128xi32, #tpu.memory_space<vmem>> -> memref<1x128xi32, #tpu.memory_space<vmem>>
        %dma_start3A_415 = tpu.memref_squeeze %dma_start3A_414 : memref<1x128xi32, #tpu.memory_space<vmem>> -> memref<128xi32, #tpu.memory_space<vmem>>
        %dma_start3A_416 = arith.constant 0 : i32
        %dma_start3A_417 = arith.constant 0 : i32
        %dma_start3A_418 = tpu.memref_slice %arg2[%arg0, %dma_start3A_416, %dma_start3A_417] : memref<2x10240x128xf32, #tpu.memory_space<hbm>> -> memref<1x10240x128xf32, #tpu.memory_space<hbm>>
        %dma_start3A_419 = tpu.memref_squeeze %dma_start3A_418 : memref<1x10240x128xf32, #tpu.memory_space<hbm>> -> memref<10240x128xf32, #tpu.memory_space<hbm>>
        %dma_start3A_420 = arith.constant 0 : i32
        %dma_start3A_421 = arith.constant 0 : i32
        %dma_start3A_422 = tpu.memref_slice %dma_start3A_419[%dma_start3A_420, %dma_start3A_421] : memref<10240x128xf32, #tpu.memory_space<hbm>> -> memref<10240x128xf32, #tpu.memory_space<hbm>>
        tpu.enqueue_indirect_dma source(%dma_start3A_422 : memref<10240x128xf32, #tpu.memory_space<hbm>>) target(%arg13 : memref<128x128xf32, #tpu.memory_space<vmem>>) offsets(%dma_start3A_415 : memref<128xi32, #tpu.memory_space<vmem>>) semaphore(%arg14 : memref<!tpu.dma_semaphore, #tpu.memory_space<semaphore_mem>>)
      } else {
      }
      %dma_wait3A_83 = arith.constant 0 : i32
      %dma_wait3A_84 = arith.constant 0 : i32
      %dma_wait3A_85 = tpu.memref_slice %arg5[%dma_wait3A_83, %dma_wait3A_84] : memref<10240x128xf32, #tpu.memory_space<hbm>> -> memref<128x128xf32, #tpu.memory_space<hbm>>
      %dma_wait3A_86 = arith.constant 0 : i32
      %dma_wait3A_87 = arith.constant 0 : i32
      %dma_wait3A_88 = tpu.memref_slice %arg5[%dma_wait3A_86, %dma_wait3A_87] : memref<10240x128xf32, #tpu.memory_space<hbm>> -> memref<128x128xf32, #tpu.memory_space<hbm>>
      tpu.wait_dma2 semaphore(%arg14 : memref<!tpu.dma_semaphore, #tpu.memory_space<semaphore_mem>>) src(%dma_wait3A_88 : memref<128x128xf32, #tpu.memory_space<hbm>>) dst(%arg13 : memref<128x128xf32, #tpu.memory_space<vmem>>)
      %dma_start3A_89 = arith.constant 1 : i32
      %dma_start3A_90 = arith.constant 0 : i32
      %dma_start3A_91 = tpu.memref_slice %arg10[%dma_start3A_89, %dma_start3A_90] : memref<8x128xi32, #tpu.memory_space<vmem>> -> memref<1x128xi32, #tpu.memory_space<vmem>>
      %dma_start3A_92 = tpu.memref_squeeze %dma_start3A_91 : memref<1x128xi32, #tpu.memory_space<vmem>> -> memref<128xi32, #tpu.memory_space<vmem>>
      %dma_start3A_93 = arith.constant 0 : i32
      %dma_start3A_94 = arith.constant 0 : i32
      %dma_start3A_95 = tpu.memref_slice %arg7[%dma_start3A_93, %dma_start3A_94] : memref<10240x128xf32, #tpu.memory_space<vmem_shared>> -> memref<10240x128xf32, #tpu.memory_space<vmem_shared>>
      tpu.enqueue_indirect_dma source(%arg13 : memref<128x128xf32, #tpu.memory_space<vmem>>) target(%dma_start3A_95 : memref<10240x128xf32, #tpu.memory_space<vmem_shared>>) offsets(%dma_start3A_92 : memref<128xi32, #tpu.memory_space<vmem>>) semaphore(%arg15 : memref<!tpu.dma_semaphore, #tpu.memory_space<semaphore_mem>>) {add = true}
      %add3A_96 = arith.constant 2 : i32
      %add3A_97 = arith.addi %mul3A_66, %add3A_96 : i32
      %lt3A_98 = arith.cmpi slt, %add3A_97, %select_n3A : i32
      %convert_element_type3A_99 = arith.extui %lt3A_98 : i1 to i32
      %cond3A_100 = arith.constant 0 : i32
      %cond3A_101 = arith.cmpi ne, %convert_element_type3A_99, %cond3A_100 : i32
      scf.if %cond3A_101 {
        %ge3A = arith.constant 2 : i32
        %ge3A_408 = arith.cmpi sge, %add3A_97, %ge3A : i32
        %convert_element_type3A_409 = arith.extui %ge3A_408 : i1 to i32
        %cond3A_410 = arith.constant 0 : i32
        %cond3A_411 = arith.cmpi ne, %convert_element_type3A_409, %cond3A_410 : i32
        scf.if %cond3A_411 {
          %dma_wait3A_423 = arith.constant 0 : i32
          %dma_wait3A_424 = arith.constant 0 : i32
          %dma_wait3A_425 = tpu.memref_slice %arg5[%dma_wait3A_423, %dma_wait3A_424] : memref<10240x128xf32, #tpu.memory_space<hbm>> -> memref<128x128xf32, #tpu.memory_space<hbm>>
          %dma_wait3A_426 = arith.constant 0 : i32
          %dma_wait3A_427 = arith.constant 0 : i32
          %dma_wait3A_428 = tpu.memref_slice %arg5[%dma_wait3A_426, %dma_wait3A_427] : memref<10240x128xf32, #tpu.memory_space<hbm>> -> memref<128x128xf32, #tpu.memory_space<hbm>>
          tpu.wait_dma2 semaphore(%arg15 : memref<!tpu.dma_semaphore, #tpu.memory_space<semaphore_mem>>) src(%dma_wait3A_428 : memref<128x128xf32, #tpu.memory_space<hbm>>) dst(%arg12 : memref<128x128xf32, #tpu.memory_space<vmem>>)
        } else {
        }
        %dma_start3A_412 = arith.constant 2 : i32
        %dma_start3A_413 = arith.constant 0 : i32
        %dma_start3A_414 = tpu.memref_slice %arg8[%dma_start3A_412, %dma_start3A_413] : memref<8x128xi32, #tpu.memory_space<vmem>> -> memref<1x128xi32, #tpu.memory_space<vmem>>
        %dma_start3A_415 = tpu.memref_squeeze %dma_start3A_414 : memref<1x128xi32, #tpu.memory_space<vmem>> -> memref<128xi32, #tpu.memory_space<vmem>>
        %dma_start3A_416 = arith.constant 0 : i32
        %dma_start3A_417 = arith.constant 0 : i32
        %dma_start3A_418 = tpu.memref_slice %arg2[%arg0, %dma_start3A_416, %dma_start3A_417] : memref<2x10240x128xf32, #tpu.memory_space<hbm>> -> memref<1x10240x128xf32, #tpu.memory_space<hbm>>
        %dma_start3A_419 = tpu.memref_squeeze %dma_start3A_418 : memref<1x10240x128xf32, #tpu.memory_space<hbm>> -> memref<10240x128xf32, #tpu.memory_space<hbm>>
        %dma_start3A_420 = arith.constant 0 : i32
        %dma_start3A_421 = arith.constant 0 : i32
        %dma_start3A_422 = tpu.memref_slice %dma_start3A_419[%dma_start3A_420, %dma_start3A_421] : memref<10240x128xf32, #tpu.memory_space<hbm>> -> memref<10240x128xf32, #tpu.memory_space<hbm>>
        tpu.enqueue_indirect_dma source(%dma_start3A_422 : memref<10240x128xf32, #tpu.memory_space<hbm>>) target(%arg12 : memref<128x128xf32, #tpu.memory_space<vmem>>) offsets(%dma_start3A_415 : memref<128xi32, #tpu.memory_space<vmem>>) semaphore(%arg14 : memref<!tpu.dma_semaphore, #tpu.memory_space<semaphore_mem>>)
      } else {
      }
      %add3A_102 = arith.constant 8 : i32
      %add3A_103 = arith.addi %add3A_64, %add3A_102 : i32
      %dma_start3A_104 = arith.constant 0 : i32
      %dma_start3A_105 = tpu.memref_slice %arg3[%add3A_103, %dma_start3A_104] : memref<2560x128xi32, #tpu.memory_space<hbm>> -> memref<8x128xi32, #tpu.memory_space<hbm>>
      %dma_start3A_106 = arith.constant 0 : i32
      %dma_start3A_107 = tpu.memref_slice %arg3[%add3A_103, %dma_start3A_106] : memref<2560x128xi32, #tpu.memory_space<hbm>> -> memref<8x128xi32, #tpu.memory_space<hbm>>
      tpu.enqueue_dma source(%dma_start3A_107 : memref<8x128xi32, #tpu.memory_space<hbm>>) target(%arg9 : memref<8x128xi32, #tpu.memory_space<vmem>>) target_semaphore(%arg16 : memref<!tpu.dma_semaphore, #tpu.memory_space<semaphore_mem>>)
      %add3A_108 = arith.constant 8 : i32
      %add3A_109 = arith.addi %add3A_64, %add3A_108 : i32
      %dma_start3A_110 = arith.constant 0 : i32
      %dma_start3A_111 = tpu.memref_slice %arg4[%add3A_109, %dma_start3A_110] : memref<2560x128xi32, #tpu.memory_space<hbm>> -> memref<8x128xi32, #tpu.memory_space<hbm>>
      %dma_start3A_112 = arith.constant 0 : i32
      %dma_start3A_113 = tpu.memref_slice %arg4[%add3A_109, %dma_start3A_112] : memref<2560x128xi32, #tpu.memory_space<hbm>> -> memref<8x128xi32, #tpu.memory_space<hbm>>
      tpu.enqueue_dma source(%dma_start3A_113 : memref<8x128xi32, #tpu.memory_space<hbm>>) target(%arg11 : memref<8x128xi32, #tpu.memory_space<vmem>>) target_semaphore(%arg16 : memref<!tpu.dma_semaphore, #tpu.memory_space<semaphore_mem>>)
      %dma_wait3A_114 = arith.constant 0 : i32
      %dma_wait3A_115 = arith.constant 0 : i32
      %dma_wait3A_116 = tpu.memref_slice %arg5[%dma_wait3A_114, %dma_wait3A_115] : memref<10240x128xf32, #tpu.memory_space<hbm>> -> memref<128x128xf32, #tpu.memory_space<hbm>>
      %dma_wait3A_117 = arith.constant 0 : i32
      %dma_wait3A_118 = arith.constant 0 : i32
      %dma_wait3A_119 = tpu.memref_slice %arg5[%dma_wait3A_117, %dma_wait3A_118] : memref<10240x128xf32, #tpu.memory_space<hbm>> -> memref<128x128xf32, #tpu.memory_space<hbm>>
      tpu.wait_dma2 semaphore(%arg14 : memref<!tpu.dma_semaphore, #tpu.memory_space<semaphore_mem>>) src(%dma_wait3A_119 : memref<128x128xf32, #tpu.memory_space<hbm>>) dst(%arg12 : memref<128x128xf32, #tpu.memory_space<vmem>>)
      %dma_start3A_120 = arith.constant 2 : i32
      %dma_start3A_121 = arith.constant 0 : i32
      %dma_start3A_122 = tpu.memref_slice %arg10[%dma_start3A_120, %dma_start3A_121] : memref<8x128xi32, #tpu.memory_space<vmem>> -> memref<1x128xi32, #tpu.memory_space<vmem>>
      %dma_start3A_123 = tpu.memref_squeeze %dma_start3A_122 : memref<1x128xi32, #tpu.memory_space<vmem>> -> memref<128xi32, #tpu.memory_space<vmem>>
      %dma_start3A_124 = arith.constant 0 : i32
      %dma_start3A_125 = arith.constant 0 : i32
      %dma_start3A_126 = tpu.memref_slice %arg7[%dma_start3A_124, %dma_start3A_125] : memref<10240x128xf32, #tpu.memory_space<vmem_shared>> -> memref<10240x128xf32, #tpu.memory_space<vmem_shared>>
      tpu.enqueue_indirect_dma source(%arg12 : memref<128x128xf32, #tpu.memory_space<vmem>>) target(%dma_start3A_126 : memref<10240x128xf32, #tpu.memory_space<vmem_shared>>) offsets(%dma_start3A_123 : memref<128xi32, #tpu.memory_space<vmem>>) semaphore(%arg15 : memref<!tpu.dma_semaphore, #tpu.memory_space<semaphore_mem>>) {add = true}
      %add3A_127 = arith.constant 3 : i32
      %add3A_128 = arith.addi %mul3A_66, %add3A_127 : i32
      %lt3A_129 = arith.cmpi slt, %add3A_128, %select_n3A : i32
      %convert_element_type3A_130 = arith.extui %lt3A_129 : i1 to i32
      %cond3A_131 = arith.constant 0 : i32
      %cond3A_132 = arith.cmpi ne, %convert_element_type3A_130, %cond3A_131 : i32
      scf.if %cond3A_132 {
        %ge3A = arith.constant 2 : i32
        %ge3A_408 = arith.cmpi sge, %add3A_128, %ge3A : i32
        %convert_element_type3A_409 = arith.extui %ge3A_408 : i1 to i32
        %cond3A_410 = arith.constant 0 : i32
        %cond3A_411 = arith.cmpi ne, %convert_element_type3A_409, %cond3A_410 : i32
        scf.if %cond3A_411 {
          %dma_wait3A_423 = arith.constant 0 : i32
          %dma_wait3A_424 = arith.constant 0 : i32
          %dma_wait3A_425 = tpu.memref_slice %arg5[%dma_wait3A_423, %dma_wait3A_424] : memref<10240x128xf32, #tpu.memory_space<hbm>> -> memref<128x128xf32, #tpu.memory_space<hbm>>
          %dma_wait3A_426 = arith.constant 0 : i32
          %dma_wait3A_427 = arith.constant 0 : i32
          %dma_wait3A_428 = tpu.memref_slice %arg5[%dma_wait3A_426, %dma_wait3A_427] : memref<10240x128xf32, #tpu.memory_space<hbm>> -> memref<128x128xf32, #tpu.memory_space<hbm>>
          tpu.wait_dma2 semaphore(%arg15 : memref<!tpu.dma_semaphore, #tpu.memory_space<semaphore_mem>>) src(%dma_wait3A_428 : memref<128x128xf32, #tpu.memory_space<hbm>>) dst(%arg13 : memref<128x128xf32, #tpu.memory_space<vmem>>)
        } else {
        }
        %dma_start3A_412 = arith.constant 3 : i32
        %dma_start3A_413 = arith.constant 0 : i32
        %dma_start3A_414 = tpu.memref_slice %arg8[%dma_start3A_412, %dma_start3A_413] : memref<8x128xi32, #tpu.memory_space<vmem>> -> memref<1x128xi32, #tpu.memory_space<vmem>>
        %dma_start3A_415 = tpu.memref_squeeze %dma_start3A_414 : memref<1x128xi32, #tpu.memory_space<vmem>> -> memref<128xi32, #tpu.memory_space<vmem>>
        %dma_start3A_416 = arith.constant 0 : i32
        %dma_start3A_417 = arith.constant 0 : i32
        %dma_start3A_418 = tpu.memref_slice %arg2[%arg0, %dma_start3A_416, %dma_start3A_417] : memref<2x10240x128xf32, #tpu.memory_space<hbm>> -> memref<1x10240x128xf32, #tpu.memory_space<hbm>>
        %dma_start3A_419 = tpu.memref_squeeze %dma_start3A_418 : memref<1x10240x128xf32, #tpu.memory_space<hbm>> -> memref<10240x128xf32, #tpu.memory_space<hbm>>
        %dma_start3A_420 = arith.constant 0 : i32
        %dma_start3A_421 = arith.constant 0 : i32
        %dma_start3A_422 = tpu.memref_slice %dma_start3A_419[%dma_start3A_420, %dma_start3A_421] : memref<10240x128xf32, #tpu.memory_space<hbm>> -> memref<10240x128xf32, #tpu.memory_space<hbm>>
        tpu.enqueue_indirect_dma source(%dma_start3A_422 : memref<10240x128xf32, #tpu.memory_space<hbm>>) target(%arg13 : memref<128x128xf32, #tpu.memory_space<vmem>>) offsets(%dma_start3A_415 : memref<128xi32, #tpu.memory_space<vmem>>) semaphore(%arg14 : memref<!tpu.dma_semaphore, #tpu.memory_space<semaphore_mem>>)
      } else {
      }
      %dma_wait3A_133 = arith.constant 0 : i32
      %dma_wait3A_134 = arith.constant 0 : i32
      %dma_wait3A_135 = tpu.memref_slice %arg5[%dma_wait3A_133, %dma_wait3A_134] : memref<10240x128xf32, #tpu.memory_space<hbm>> -> memref<128x128xf32, #tpu.memory_space<hbm>>
      %dma_wait3A_136 = arith.constant 0 : i32
      %dma_wait3A_137 = arith.constant 0 : i32
      %dma_wait3A_138 = tpu.memref_slice %arg5[%dma_wait3A_136, %dma_wait3A_137] : memref<10240x128xf32, #tpu.memory_space<hbm>> -> memref<128x128xf32, #tpu.memory_space<hbm>>
      tpu.wait_dma2 semaphore(%arg14 : memref<!tpu.dma_semaphore, #tpu.memory_space<semaphore_mem>>) src(%dma_wait3A_138 : memref<128x128xf32, #tpu.memory_space<hbm>>) dst(%arg13 : memref<128x128xf32, #tpu.memory_space<vmem>>)
      %dma_start3A_139 = arith.constant 3 : i32
      %dma_start3A_140 = arith.constant 0 : i32
      %dma_start3A_141 = tpu.memref_slice %arg10[%dma_start3A_139, %dma_start3A_140] : memref<8x128xi32, #tpu.memory_space<vmem>> -> memref<1x128xi32, #tpu.memory_space<vmem>>
      %dma_start3A_142 = tpu.memref_squeeze %dma_start3A_141 : memref<1x128xi32, #tpu.memory_space<vmem>> -> memref<128xi32, #tpu.memory_space<vmem>>
      %dma_start3A_143 = arith.constant 0 : i32
      %dma_start3A_144 = arith.constant 0 : i32
      %dma_start3A_145 = tpu.memref_slice %arg7[%dma_start3A_143, %dma_start3A_144] : memref<10240x128xf32, #tpu.memory_space<vmem_shared>> -> memref<10240x128xf32, #tpu.memory_space<vmem_shared>>
      tpu.enqueue_indirect_dma source(%arg13 : memref<128x128xf32, #tpu.memory_space<vmem>>) target(%dma_start3A_145 : memref<10240x128xf32, #tpu.memory_space<vmem_shared>>) offsets(%dma_start3A_142 : memref<128xi32, #tpu.memory_space<vmem>>) semaphore(%arg15 : memref<!tpu.dma_semaphore, #tpu.memory_space<semaphore_mem>>) {add = true}
      %add3A_146 = arith.constant 4 : i32
      %add3A_147 = arith.addi %mul3A_66, %add3A_146 : i32
      %lt3A_148 = arith.cmpi slt, %add3A_147, %select_n3A : i32
      %convert_element_type3A_149 = arith.extui %lt3A_148 : i1 to i32
      %cond3A_150 = arith.constant 0 : i32
      %cond3A_151 = arith.cmpi ne, %convert_element_type3A_149, %cond3A_150 : i32
      scf.if %cond3A_151 {
        %ge3A = arith.constant 2 : i32
        %ge3A_408 = arith.cmpi sge, %add3A_147, %ge3A : i32
        %convert_element_type3A_409 = arith.extui %ge3A_408 : i1 to i32
        %cond3A_410 = arith.constant 0 : i32
        %cond3A_411 = arith.cmpi ne, %convert_element_type3A_409, %cond3A_410 : i32
        scf.if %cond3A_411 {
          %dma_wait3A_423 = arith.constant 0 : i32
          %dma_wait3A_424 = arith.constant 0 : i32
          %dma_wait3A_425 = tpu.memref_slice %arg5[%dma_wait3A_423, %dma_wait3A_424] : memref<10240x128xf32, #tpu.memory_space<hbm>> -> memref<128x128xf32, #tpu.memory_space<hbm>>
          %dma_wait3A_426 = arith.constant 0 : i32
          %dma_wait3A_427 = arith.constant 0 : i32
          %dma_wait3A_428 = tpu.memref_slice %arg5[%dma_wait3A_426, %dma_wait3A_427] : memref<10240x128xf32, #tpu.memory_space<hbm>> -> memref<128x128xf32, #tpu.memory_space<hbm>>
          tpu.wait_dma2 semaphore(%arg15 : memref<!tpu.dma_semaphore, #tpu.memory_space<semaphore_mem>>) src(%dma_wait3A_428 : memref<128x128xf32, #tpu.memory_space<hbm>>) dst(%arg12 : memref<128x128xf32, #tpu.memory_space<vmem>>)
        } else {
        }
        %dma_start3A_412 = arith.constant 4 : i32
        %dma_start3A_413 = arith.constant 0 : i32
        %dma_start3A_414 = tpu.memref_slice %arg8[%dma_start3A_412, %dma_start3A_413] : memref<8x128xi32, #tpu.memory_space<vmem>> -> memref<1x128xi32, #tpu.memory_space<vmem>>
        %dma_start3A_415 = tpu.memref_squeeze %dma_start3A_414 : memref<1x128xi32, #tpu.memory_space<vmem>> -> memref<128xi32, #tpu.memory_space<vmem>>
        %dma_start3A_416 = arith.constant 0 : i32
        %dma_start3A_417 = arith.constant 0 : i32
        %dma_start3A_418 = tpu.memref_slice %arg2[%arg0, %dma_start3A_416, %dma_start3A_417] : memref<2x10240x128xf32, #tpu.memory_space<hbm>> -> memref<1x10240x128xf32, #tpu.memory_space<hbm>>
        %dma_start3A_419 = tpu.memref_squeeze %dma_start3A_418 : memref<1x10240x128xf32, #tpu.memory_space<hbm>> -> memref<10240x128xf32, #tpu.memory_space<hbm>>
        %dma_start3A_420 = arith.constant 0 : i32
        %dma_start3A_421 = arith.constant 0 : i32
        %dma_start3A_422 = tpu.memref_slice %dma_start3A_419[%dma_start3A_420, %dma_start3A_421] : memref<10240x128xf32, #tpu.memory_space<hbm>> -> memref<10240x128xf32, #tpu.memory_space<hbm>>
        tpu.enqueue_indirect_dma source(%dma_start3A_422 : memref<10240x128xf32, #tpu.memory_space<hbm>>) target(%arg12 : memref<128x128xf32, #tpu.memory_space<vmem>>) offsets(%dma_start3A_415 : memref<128xi32, #tpu.memory_space<vmem>>) semaphore(%arg14 : memref<!tpu.dma_semaphore, #tpu.memory_space<semaphore_mem>>)
      } else {
      }
      %dma_wait3A_152 = arith.constant 0 : i32
      %dma_wait3A_153 = arith.constant 0 : i32
      %dma_wait3A_154 = tpu.memref_slice %arg5[%dma_wait3A_152, %dma_wait3A_153] : memref<10240x128xf32, #tpu.memory_space<hbm>> -> memref<128x128xf32, #tpu.memory_space<hbm>>
      %dma_wait3A_155 = arith.constant 0 : i32
      %dma_wait3A_156 = arith.constant 0 : i32
      %dma_wait3A_157 = tpu.memref_slice %arg5[%dma_wait3A_155, %dma_wait3A_156] : memref<10240x128xf32, #tpu.memory_space<hbm>> -> memref<128x128xf32, #tpu.memory_space<hbm>>
      tpu.wait_dma2 semaphore(%arg14 : memref<!tpu.dma_semaphore, #tpu.memory_space<semaphore_mem>>) src(%dma_wait3A_157 : memref<128x128xf32, #tpu.memory_space<hbm>>) dst(%arg12 : memref<128x128xf32, #tpu.memory_space<vmem>>)
      %dma_start3A_158 = arith.constant 4 : i32
      %dma_start3A_159 = arith.constant 0 : i32
      %dma_start3A_160 = tpu.memref_slice %arg10[%dma_start3A_158, %dma_start3A_159] : memref<8x128xi32, #tpu.memory_space<vmem>> -> memref<1x128xi32, #tpu.memory_space<vmem>>
      %dma_start3A_161 = tpu.memref_squeeze %dma_start3A_160 : memref<1x128xi32, #tpu.memory_space<vmem>> -> memref<128xi32, #tpu.memory_space<vmem>>
      %dma_start3A_162 = arith.constant 0 : i32
      %dma_start3A_163 = arith.constant 0 : i32
      %dma_start3A_164 = tpu.memref_slice %arg7[%dma_start3A_162, %dma_start3A_163] : memref<10240x128xf32, #tpu.memory_space<vmem_shared>> -> memref<10240x128xf32, #tpu.memory_space<vmem_shared>>
      tpu.enqueue_indirect_dma source(%arg12 : memref<128x128xf32, #tpu.memory_space<vmem>>) target(%dma_start3A_164 : memref<10240x128xf32, #tpu.memory_space<vmem_shared>>) offsets(%dma_start3A_161 : memref<128xi32, #tpu.memory_space<vmem>>) semaphore(%arg15 : memref<!tpu.dma_semaphore, #tpu.memory_space<semaphore_mem>>) {add = true}
      %add3A_165 = arith.constant 5 : i32
      %add3A_166 = arith.addi %mul3A_66, %add3A_165 : i32
      %lt3A_167 = arith.cmpi slt, %add3A_166, %select_n3A : i32
      %convert_element_type3A_168 = arith.extui %lt3A_167 : i1 to i32
      %cond3A_169 = arith.constant 0 : i32
      %cond3A_170 = arith.cmpi ne, %convert_element_type3A_168, %cond3A_169 : i32
      scf.if %cond3A_170 {
        %ge3A = arith.constant 2 : i32
        %ge3A_408 = arith.cmpi sge, %add3A_166, %ge3A : i32
        %convert_element_type3A_409 = arith.extui %ge3A_408 : i1 to i32
        %cond3A_410 = arith.constant 0 : i32
        %cond3A_411 = arith.cmpi ne, %convert_element_type3A_409, %cond3A_410 : i32
        scf.if %cond3A_411 {
          %dma_wait3A_423 = arith.constant 0 : i32
          %dma_wait3A_424 = arith.constant 0 : i32
          %dma_wait3A_425 = tpu.memref_slice %arg5[%dma_wait3A_423, %dma_wait3A_424] : memref<10240x128xf32, #tpu.memory_space<hbm>> -> memref<128x128xf32, #tpu.memory_space<hbm>>
          %dma_wait3A_426 = arith.constant 0 : i32
          %dma_wait3A_427 = arith.constant 0 : i32
          %dma_wait3A_428 = tpu.memref_slice %arg5[%dma_wait3A_426, %dma_wait3A_427] : memref<10240x128xf32, #tpu.memory_space<hbm>> -> memref<128x128xf32, #tpu.memory_space<hbm>>
          tpu.wait_dma2 semaphore(%arg15 : memref<!tpu.dma_semaphore, #tpu.memory_space<semaphore_mem>>) src(%dma_wait3A_428 : memref<128x128xf32, #tpu.memory_space<hbm>>) dst(%arg13 : memref<128x128xf32, #tpu.memory_space<vmem>>)
        } else {
        }
        %dma_start3A_412 = arith.constant 5 : i32
        %dma_start3A_413 = arith.constant 0 : i32
        %dma_start3A_414 = tpu.memref_slice %arg8[%dma_start3A_412, %dma_start3A_413] : memref<8x128xi32, #tpu.memory_space<vmem>> -> memref<1x128xi32, #tpu.memory_space<vmem>>
        %dma_start3A_415 = tpu.memref_squeeze %dma_start3A_414 : memref<1x128xi32, #tpu.memory_space<vmem>> -> memref<128xi32, #tpu.memory_space<vmem>>
        %dma_start3A_416 = arith.constant 0 : i32
        %dma_start3A_417 = arith.constant 0 : i32
        %dma_start3A_418 = tpu.memref_slice %arg2[%arg0, %dma_start3A_416, %dma_start3A_417] : memref<2x10240x128xf32, #tpu.memory_space<hbm>> -> memref<1x10240x128xf32, #tpu.memory_space<hbm>>
        %dma_start3A_419 = tpu.memref_squeeze %dma_start3A_418 : memref<1x10240x128xf32, #tpu.memory_space<hbm>> -> memref<10240x128xf32, #tpu.memory_space<hbm>>
        %dma_start3A_420 = arith.constant 0 : i32
        %dma_start3A_421 = arith.constant 0 : i32
        %dma_start3A_422 = tpu.memref_slice %dma_start3A_419[%dma_start3A_420, %dma_start3A_421] : memref<10240x128xf32, #tpu.memory_space<hbm>> -> memref<10240x128xf32, #tpu.memory_space<hbm>>
        tpu.enqueue_indirect_dma source(%dma_start3A_422 : memref<10240x128xf32, #tpu.memory_space<hbm>>) target(%arg13 : memref<128x128xf32, #tpu.memory_space<vmem>>) offsets(%dma_start3A_415 : memref<128xi32, #tpu.memory_space<vmem>>) semaphore(%arg14 : memref<!tpu.dma_semaphore, #tpu.memory_space<semaphore_mem>>)
      } else {
      }
      %dma_wait3A_171 = arith.constant 0 : i32
      %dma_wait3A_172 = arith.constant 0 : i32
      %dma_wait3A_173 = tpu.memref_slice %arg5[%dma_wait3A_171, %dma_wait3A_172] : memref<10240x128xf32, #tpu.memory_space<hbm>> -> memref<128x128xf32, #tpu.memory_space<hbm>>
      %dma_wait3A_174 = arith.constant 0 : i32
      %dma_wait3A_175 = arith.constant 0 : i32
      %dma_wait3A_176 = tpu.memref_slice %arg5[%dma_wait3A_174, %dma_wait3A_175] : memref<10240x128xf32, #tpu.memory_space<hbm>> -> memref<128x128xf32, #tpu.memory_space<hbm>>
      tpu.wait_dma2 semaphore(%arg14 : memref<!tpu.dma_semaphore, #tpu.memory_space<semaphore_mem>>) src(%dma_wait3A_176 : memref<128x128xf32, #tpu.memory_space<hbm>>) dst(%arg13 : memref<128x128xf32, #tpu.memory_space<vmem>>)
      %dma_start3A_177 = arith.constant 5 : i32
      %dma_start3A_178 = arith.constant 0 : i32
      %dma_start3A_179 = tpu.memref_slice %arg10[%dma_start3A_177, %dma_start3A_178] : memref<8x128xi32, #tpu.memory_space<vmem>> -> memref<1x128xi32, #tpu.memory_space<vmem>>
      %dma_start3A_180 = tpu.memref_squeeze %dma_start3A_179 : memref<1x128xi32, #tpu.memory_space<vmem>> -> memref<128xi32, #tpu.memory_space<vmem>>
      %dma_start3A_181 = arith.constant 0 : i32
      %dma_start3A_182 = arith.constant 0 : i32
      %dma_start3A_183 = tpu.memref_slice %arg7[%dma_start3A_181, %dma_start3A_182] : memref<10240x128xf32, #tpu.memory_space<vmem_shared>> -> memref<10240x128xf32, #tpu.memory_space<vmem_shared>>
      tpu.enqueue_indirect_dma source(%arg13 : memref<128x128xf32, #tpu.memory_space<vmem>>) target(%dma_start3A_183 : memref<10240x128xf32, #tpu.memory_space<vmem_shared>>) offsets(%dma_start3A_180 : memref<128xi32, #tpu.memory_space<vmem>>) semaphore(%arg15 : memref<!tpu.dma_semaphore, #tpu.memory_space<semaphore_mem>>) {add = true}
      %add3A_184 = arith.constant 6 : i32
      %add3A_185 = arith.addi %mul3A_66, %add3A_184 : i32
      %lt3A_186 = arith.cmpi slt, %add3A_185, %select_n3A : i32
      %convert_element_type3A_187 = arith.extui %lt3A_186 : i1 to i32
      %cond3A_188 = arith.constant 0 : i32
      %cond3A_189 = arith.cmpi ne, %convert_element_type3A_187, %cond3A_188 : i32
      scf.if %cond3A_189 {
        %ge3A = arith.constant 2 : i32
        %ge3A_408 = arith.cmpi sge, %add3A_185, %ge3A : i32
        %convert_element_type3A_409 = arith.extui %ge3A_408 : i1 to i32
        %cond3A_410 = arith.constant 0 : i32
        %cond3A_411 = arith.cmpi ne, %convert_element_type3A_409, %cond3A_410 : i32
        scf.if %cond3A_411 {
          %dma_wait3A_423 = arith.constant 0 : i32
          %dma_wait3A_424 = arith.constant 0 : i32
          %dma_wait3A_425 = tpu.memref_slice %arg5[%dma_wait3A_423, %dma_wait3A_424] : memref<10240x128xf32, #tpu.memory_space<hbm>> -> memref<128x128xf32, #tpu.memory_space<hbm>>
          %dma_wait3A_426 = arith.constant 0 : i32
          %dma_wait3A_427 = arith.constant 0 : i32
          %dma_wait3A_428 = tpu.memref_slice %arg5[%dma_wait3A_426, %dma_wait3A_427] : memref<10240x128xf32, #tpu.memory_space<hbm>> -> memref<128x128xf32, #tpu.memory_space<hbm>>
          tpu.wait_dma2 semaphore(%arg15 : memref<!tpu.dma_semaphore, #tpu.memory_space<semaphore_mem>>) src(%dma_wait3A_428 : memref<128x128xf32, #tpu.memory_space<hbm>>) dst(%arg12 : memref<128x128xf32, #tpu.memory_space<vmem>>)
        } else {
        }
        %dma_start3A_412 = arith.constant 6 : i32
        %dma_start3A_413 = arith.constant 0 : i32
        %dma_start3A_414 = tpu.memref_slice %arg8[%dma_start3A_412, %dma_start3A_413] : memref<8x128xi32, #tpu.memory_space<vmem>> -> memref<1x128xi32, #tpu.memory_space<vmem>>
        %dma_start3A_415 = tpu.memref_squeeze %dma_start3A_414 : memref<1x128xi32, #tpu.memory_space<vmem>> -> memref<128xi32, #tpu.memory_space<vmem>>
        %dma_start3A_416 = arith.constant 0 : i32
        %dma_start3A_417 = arith.constant 0 : i32
        %dma_start3A_418 = tpu.memref_slice %arg2[%arg0, %dma_start3A_416, %dma_start3A_417] : memref<2x10240x128xf32, #tpu.memory_space<hbm>> -> memref<1x10240x128xf32, #tpu.memory_space<hbm>>
        %dma_start3A_419 = tpu.memref_squeeze %dma_start3A_418 : memref<1x10240x128xf32, #tpu.memory_space<hbm>> -> memref<10240x128xf32, #tpu.memory_space<hbm>>
        %dma_start3A_420 = arith.constant 0 : i32
        %dma_start3A_421 = arith.constant 0 : i32
        %dma_start3A_422 = tpu.memref_slice %dma_start3A_419[%dma_start3A_420, %dma_start3A_421] : memref<10240x128xf32, #tpu.memory_space<hbm>> -> memref<10240x128xf32, #tpu.memory_space<hbm>>
        tpu.enqueue_indirect_dma source(%dma_start3A_422 : memref<10240x128xf32, #tpu.memory_space<hbm>>) target(%arg12 : memref<128x128xf32, #tpu.memory_space<vmem>>) offsets(%dma_start3A_415 : memref<128xi32, #tpu.memory_space<vmem>>) semaphore(%arg14 : memref<!tpu.dma_semaphore, #tpu.memory_space<semaphore_mem>>)
      } else {
      }
      %dma_wait3A_190 = arith.constant 0 : i32
      %dma_wait3A_191 = arith.constant 0 : i32
      %dma_wait3A_192 = tpu.memref_slice %arg5[%dma_wait3A_190, %dma_wait3A_191] : memref<10240x128xf32, #tpu.memory_space<hbm>> -> memref<128x128xf32, #tpu.memory_space<hbm>>
      %dma_wait3A_193 = arith.constant 0 : i32
      %dma_wait3A_194 = arith.constant 0 : i32
      %dma_wait3A_195 = tpu.memref_slice %arg5[%dma_wait3A_193, %dma_wait3A_194] : memref<10240x128xf32, #tpu.memory_space<hbm>> -> memref<128x128xf32, #tpu.memory_space<hbm>>
      tpu.wait_dma2 semaphore(%arg14 : memref<!tpu.dma_semaphore, #tpu.memory_space<semaphore_mem>>) src(%dma_wait3A_195 : memref<128x128xf32, #tpu.memory_space<hbm>>) dst(%arg12 : memref<128x128xf32, #tpu.memory_space<vmem>>)
      %dma_start3A_196 = arith.constant 6 : i32
      %dma_start3A_197 = arith.constant 0 : i32
      %dma_start3A_198 = tpu.memref_slice %arg10[%dma_start3A_196, %dma_start3A_197] : memref<8x128xi32, #tpu.memory_space<vmem>> -> memref<1x128xi32, #tpu.memory_space<vmem>>
      %dma_start3A_199 = tpu.memref_squeeze %dma_start3A_198 : memref<1x128xi32, #tpu.memory_space<vmem>> -> memref<128xi32, #tpu.memory_space<vmem>>
      %dma_start3A_200 = arith.constant 0 : i32
      %dma_start3A_201 = arith.constant 0 : i32
      %dma_start3A_202 = tpu.memref_slice %arg7[%dma_start3A_200, %dma_start3A_201] : memref<10240x128xf32, #tpu.memory_space<vmem_shared>> -> memref<10240x128xf32, #tpu.memory_space<vmem_shared>>
      tpu.enqueue_indirect_dma source(%arg12 : memref<128x128xf32, #tpu.memory_space<vmem>>) target(%dma_start3A_202 : memref<10240x128xf32, #tpu.memory_space<vmem_shared>>) offsets(%dma_start3A_199 : memref<128xi32, #tpu.memory_space<vmem>>) semaphore(%arg15 : memref<!tpu.dma_semaphore, #tpu.memory_space<semaphore_mem>>) {add = true}
      %add3A_203 = arith.constant 7 : i32
      %add3A_204 = arith.addi %mul3A_66, %add3A_203 : i32
      %lt3A_205 = arith.cmpi slt, %add3A_204, %select_n3A : i32
      %convert_element_type3A_206 = arith.extui %lt3A_205 : i1 to i32
      %cond3A_207 = arith.constant 0 : i32
      %cond3A_208 = arith.cmpi ne, %convert_element_type3A_206, %cond3A_207 : i32
      scf.if %cond3A_208 {
        %ge3A = arith.constant 2 : i32
        %ge3A_408 = arith.cmpi sge, %add3A_204, %ge3A : i32
        %convert_element_type3A_409 = arith.extui %ge3A_408 : i1 to i32
        %cond3A_410 = arith.constant 0 : i32
        %cond3A_411 = arith.cmpi ne, %convert_element_type3A_409, %cond3A_410 : i32
        scf.if %cond3A_411 {
          %dma_wait3A_423 = arith.constant 0 : i32
          %dma_wait3A_424 = arith.constant 0 : i32
          %dma_wait3A_425 = tpu.memref_slice %arg5[%dma_wait3A_423, %dma_wait3A_424] : memref<10240x128xf32, #tpu.memory_space<hbm>> -> memref<128x128xf32, #tpu.memory_space<hbm>>
          %dma_wait3A_426 = arith.constant 0 : i32
          %dma_wait3A_427 = arith.constant 0 : i32
          %dma_wait3A_428 = tpu.memref_slice %arg5[%dma_wait3A_426, %dma_wait3A_427] : memref<10240x128xf32, #tpu.memory_space<hbm>> -> memref<128x128xf32, #tpu.memory_space<hbm>>
          tpu.wait_dma2 semaphore(%arg15 : memref<!tpu.dma_semaphore, #tpu.memory_space<semaphore_mem>>) src(%dma_wait3A_428 : memref<128x128xf32, #tpu.memory_space<hbm>>) dst(%arg13 : memref<128x128xf32, #tpu.memory_space<vmem>>)
        } else {
        }
        %dma_start3A_412 = arith.constant 7 : i32
        %dma_start3A_413 = arith.constant 0 : i32
        %dma_start3A_414 = tpu.memref_slice %arg8[%dma_start3A_412, %dma_start3A_413] : memref<8x128xi32, #tpu.memory_space<vmem>> -> memref<1x128xi32, #tpu.memory_space<vmem>>
        %dma_start3A_415 = tpu.memref_squeeze %dma_start3A_414 : memref<1x128xi32, #tpu.memory_space<vmem>> -> memref<128xi32, #tpu.memory_space<vmem>>
        %dma_start3A_416 = arith.constant 0 : i32
        %dma_start3A_417 = arith.constant 0 : i32
        %dma_start3A_418 = tpu.memref_slice %arg2[%arg0, %dma_start3A_416, %dma_start3A_417] : memref<2x10240x128xf32, #tpu.memory_space<hbm>> -> memref<1x10240x128xf32, #tpu.memory_space<hbm>>
        %dma_start3A_419 = tpu.memref_squeeze %dma_start3A_418 : memref<1x10240x128xf32, #tpu.memory_space<hbm>> -> memref<10240x128xf32, #tpu.memory_space<hbm>>
        %dma_start3A_420 = arith.constant 0 : i32
        %dma_start3A_421 = arith.constant 0 : i32
        %dma_start3A_422 = tpu.memref_slice %dma_start3A_419[%dma_start3A_420, %dma_start3A_421] : memref<10240x128xf32, #tpu.memory_space<hbm>> -> memref<10240x128xf32, #tpu.memory_space<hbm>>
        tpu.enqueue_indirect_dma source(%dma_start3A_422 : memref<10240x128xf32, #tpu.memory_space<hbm>>) target(%arg13 : memref<128x128xf32, #tpu.memory_space<vmem>>) offsets(%dma_start3A_415 : memref<128xi32, #tpu.memory_space<vmem>>) semaphore(%arg14 : memref<!tpu.dma_semaphore, #tpu.memory_space<semaphore_mem>>)
      } else {
      }
      %dma_wait3A_209 = arith.constant 0 : i32
      %dma_wait3A_210 = tpu.memref_slice %arg3[%add3A_103, %dma_wait3A_209] : memref<2560x128xi32, #tpu.memory_space<hbm>> -> memref<8x128xi32, #tpu.memory_space<hbm>>
      %dma_wait3A_211 = arith.constant 0 : i32
      %dma_wait3A_212 = tpu.memref_slice %arg3[%add3A_103, %dma_wait3A_211] : memref<2560x128xi32, #tpu.memory_space<hbm>> -> memref<8x128xi32, #tpu.memory_space<hbm>>
      tpu.wait_dma2 semaphore(%arg16 : memref<!tpu.dma_semaphore, #tpu.memory_space<semaphore_mem>>) src(%dma_wait3A_212 : memref<8x128xi32, #tpu.memory_space<hbm>>) dst(%arg9 : memref<8x128xi32, #tpu.memory_space<vmem>>)
      %dma_wait3A_213 = arith.constant 0 : i32
      %dma_wait3A_214 = tpu.memref_slice %arg4[%add3A_109, %dma_wait3A_213] : memref<2560x128xi32, #tpu.memory_space<hbm>> -> memref<8x128xi32, #tpu.memory_space<hbm>>
      %dma_wait3A_215 = arith.constant 0 : i32
      %dma_wait3A_216 = tpu.memref_slice %arg4[%add3A_109, %dma_wait3A_215] : memref<2560x128xi32, #tpu.memory_space<hbm>> -> memref<8x128xi32, #tpu.memory_space<hbm>>
      tpu.wait_dma2 semaphore(%arg16 : memref<!tpu.dma_semaphore, #tpu.memory_space<semaphore_mem>>) src(%dma_wait3A_216 : memref<8x128xi32, #tpu.memory_space<hbm>>) dst(%arg11 : memref<8x128xi32, #tpu.memory_space<vmem>>)
      %dma_wait3A_217 = arith.constant 0 : i32
      %dma_wait3A_218 = arith.constant 0 : i32
      %dma_wait3A_219 = tpu.memref_slice %arg5[%dma_wait3A_217, %dma_wait3A_218] : memref<10240x128xf32, #tpu.memory_space<hbm>> -> memref<128x128xf32, #tpu.memory_space<hbm>>
      %dma_wait3A_220 = arith.constant 0 : i32
      %dma_wait3A_221 = arith.constant 0 : i32
      %dma_wait3A_222 = tpu.memref_slice %arg5[%dma_wait3A_220, %dma_wait3A_221] : memref<10240x128xf32, #tpu.memory_space<hbm>> -> memref<128x128xf32, #tpu.memory_space<hbm>>
      tpu.wait_dma2 semaphore(%arg14 : memref<!tpu.dma_semaphore, #tpu.memory_space<semaphore_mem>>) src(%dma_wait3A_222 : memref<128x128xf32, #tpu.memory_space<hbm>>) dst(%arg13 : memref<128x128xf32, #tpu.memory_space<vmem>>)
      %dma_start3A_223 = arith.constant 7 : i32
      %dma_start3A_224 = arith.constant 0 : i32
      %dma_start3A_225 = tpu.memref_slice %arg10[%dma_start3A_223, %dma_start3A_224] : memref<8x128xi32, #tpu.memory_space<vmem>> -> memref<1x128xi32, #tpu.memory_space<vmem>>
      %dma_start3A_226 = tpu.memref_squeeze %dma_start3A_225 : memref<1x128xi32, #tpu.memory_space<vmem>> -> memref<128xi32, #tpu.memory_space<vmem>>
      %dma_start3A_227 = arith.constant 0 : i32
      %dma_start3A_228 = arith.constant 0 : i32
      %dma_start3A_229 = tpu.memref_slice %arg7[%dma_start3A_227, %dma_start3A_228] : memref<10240x128xf32, #tpu.memory_space<vmem_shared>> -> memref<10240x128xf32, #tpu.memory_space<vmem_shared>>
      tpu.enqueue_indirect_dma source(%arg13 : memref<128x128xf32, #tpu.memory_space<vmem>>) target(%dma_start3A_229 : memref<10240x128xf32, #tpu.memory_space<vmem_shared>>) offsets(%dma_start3A_226 : memref<128xi32, #tpu.memory_space<vmem>>) semaphore(%arg15 : memref<!tpu.dma_semaphore, #tpu.memory_space<semaphore_mem>>) {add = true}
      %add3A_230 = arith.constant 8 : i32
      %add3A_231 = arith.addi %mul3A_66, %add3A_230 : i32
      %lt3A_232 = arith.cmpi slt, %add3A_231, %select_n3A : i32
      %convert_element_type3A_233 = arith.extui %lt3A_232 : i1 to i32
      %cond3A_234 = arith.constant 0 : i32
      %cond3A_235 = arith.cmpi ne, %convert_element_type3A_233, %cond3A_234 : i32
      scf.if %cond3A_235 {
        %ge3A = arith.constant 2 : i32
        %ge3A_408 = arith.cmpi sge, %add3A_231, %ge3A : i32
        %convert_element_type3A_409 = arith.extui %ge3A_408 : i1 to i32
        %cond3A_410 = arith.constant 0 : i32
        %cond3A_411 = arith.cmpi ne, %convert_element_type3A_409, %cond3A_410 : i32
        scf.if %cond3A_411 {
          %dma_wait3A_423 = arith.constant 0 : i32
          %dma_wait3A_424 = arith.constant 0 : i32
          %dma_wait3A_425 = tpu.memref_slice %arg5[%dma_wait3A_423, %dma_wait3A_424] : memref<10240x128xf32, #tpu.memory_space<hbm>> -> memref<128x128xf32, #tpu.memory_space<hbm>>
          %dma_wait3A_426 = arith.constant 0 : i32
          %dma_wait3A_427 = arith.constant 0 : i32
          %dma_wait3A_428 = tpu.memref_slice %arg5[%dma_wait3A_426, %dma_wait3A_427] : memref<10240x128xf32, #tpu.memory_space<hbm>> -> memref<128x128xf32, #tpu.memory_space<hbm>>
          tpu.wait_dma2 semaphore(%arg15 : memref<!tpu.dma_semaphore, #tpu.memory_space<semaphore_mem>>) src(%dma_wait3A_428 : memref<128x128xf32, #tpu.memory_space<hbm>>) dst(%arg12 : memref<128x128xf32, #tpu.memory_space<vmem>>)
        } else {
        }
        %dma_start3A_412 = arith.constant 0 : i32
        %dma_start3A_413 = arith.constant 0 : i32
        %dma_start3A_414 = tpu.memref_slice %arg9[%dma_start3A_412, %dma_start3A_413] : memref<8x128xi32, #tpu.memory_space<vmem>> -> memref<1x128xi32, #tpu.memory_space<vmem>>
        %dma_start3A_415 = tpu.memref_squeeze %dma_start3A_414 : memref<1x128xi32, #tpu.memory_space<vmem>> -> memref<128xi32, #tpu.memory_space<vmem>>
        %dma_start3A_416 = arith.constant 0 : i32
        %dma_start3A_417 = arith.constant 0 : i32
        %dma_start3A_418 = tpu.memref_slice %arg2[%arg0, %dma_start3A_416, %dma_start3A_417] : memref<2x10240x128xf32, #tpu.memory_space<hbm>> -> memref<1x10240x128xf32, #tpu.memory_space<hbm>>
        %dma_start3A_419 = tpu.memref_squeeze %dma_start3A_418 : memref<1x10240x128xf32, #tpu.memory_space<hbm>> -> memref<10240x128xf32, #tpu.memory_space<hbm>>
        %dma_start3A_420 = arith.constant 0 : i32
        %dma_start3A_421 = arith.constant 0 : i32
        %dma_start3A_422 = tpu.memref_slice %dma_start3A_419[%dma_start3A_420, %dma_start3A_421] : memref<10240x128xf32, #tpu.memory_space<hbm>> -> memref<10240x128xf32, #tpu.memory_space<hbm>>
        tpu.enqueue_indirect_dma source(%dma_start3A_422 : memref<10240x128xf32, #tpu.memory_space<hbm>>) target(%arg12 : memref<128x128xf32, #tpu.memory_space<vmem>>) offsets(%dma_start3A_415 : memref<128xi32, #tpu.memory_space<vmem>>) semaphore(%arg14 : memref<!tpu.dma_semaphore, #tpu.memory_space<semaphore_mem>>)
      } else {
      }
      %dma_wait3A_236 = arith.constant 0 : i32
      %dma_wait3A_237 = arith.constant 0 : i32
      %dma_wait3A_238 = tpu.memref_slice %arg5[%dma_wait3A_236, %dma_wait3A_237] : memref<10240x128xf32, #tpu.memory_space<hbm>> -> memref<128x128xf32, #tpu.memory_space<hbm>>
      %dma_wait3A_239 = arith.constant 0 : i32
      %dma_wait3A_240 = arith.constant 0 : i32
      %dma_wait3A_241 = tpu.memref_slice %arg5[%dma_wait3A_239, %dma_wait3A_240] : memref<10240x128xf32, #tpu.memory_space<hbm>> -> memref<128x128xf32, #tpu.memory_space<hbm>>
      tpu.wait_dma2 semaphore(%arg14 : memref<!tpu.dma_semaphore, #tpu.memory_space<semaphore_mem>>) src(%dma_wait3A_241 : memref<128x128xf32, #tpu.memory_space<hbm>>) dst(%arg12 : memref<128x128xf32, #tpu.memory_space<vmem>>)
      %dma_start3A_242 = arith.constant 0 : i32
      %dma_start3A_243 = arith.constant 0 : i32
      %dma_start3A_244 = tpu.memref_slice %arg11[%dma_start3A_242, %dma_start3A_243] : memref<8x128xi32, #tpu.memory_space<vmem>> -> memref<1x128xi32, #tpu.memory_space<vmem>>
      %dma_start3A_245 = tpu.memref_squeeze %dma_start3A_244 : memref<1x128xi32, #tpu.memory_space<vmem>> -> memref<128xi32, #tpu.memory_space<vmem>>
      %dma_start3A_246 = arith.constant 0 : i32
      %dma_start3A_247 = arith.constant 0 : i32
      %dma_start3A_248 = tpu.memref_slice %arg7[%dma_start3A_246, %dma_start3A_247] : memref<10240x128xf32, #tpu.memory_space<vmem_shared>> -> memref<10240x128xf32, #tpu.memory_space<vmem_shared>>
      tpu.enqueue_indirect_dma source(%arg12 : memref<128x128xf32, #tpu.memory_space<vmem>>) target(%dma_start3A_248 : memref<10240x128xf32, #tpu.memory_space<vmem_shared>>) offsets(%dma_start3A_245 : memref<128xi32, #tpu.memory_space<vmem>>) semaphore(%arg15 : memref<!tpu.dma_semaphore, #tpu.memory_space<semaphore_mem>>) {add = true}
      %add3A_249 = arith.constant 9 : i32
      %add3A_250 = arith.addi %mul3A_66, %add3A_249 : i32
      %lt3A_251 = arith.cmpi slt, %add3A_250, %select_n3A : i32
      %convert_element_type3A_252 = arith.extui %lt3A_251 : i1 to i32
      %cond3A_253 = arith.constant 0 : i32
      %cond3A_254 = arith.cmpi ne, %convert_element_type3A_252, %cond3A_253 : i32
      scf.if %cond3A_254 {
        %ge3A = arith.constant 2 : i32
        %ge3A_408 = arith.cmpi sge, %add3A_250, %ge3A : i32
        %convert_element_type3A_409 = arith.extui %ge3A_408 : i1 to i32
        %cond3A_410 = arith.constant 0 : i32
        %cond3A_411 = arith.cmpi ne, %convert_element_type3A_409, %cond3A_410 : i32
        scf.if %cond3A_411 {
          %dma_wait3A_423 = arith.constant 0 : i32
          %dma_wait3A_424 = arith.constant 0 : i32
          %dma_wait3A_425 = tpu.memref_slice %arg5[%dma_wait3A_423, %dma_wait3A_424] : memref<10240x128xf32, #tpu.memory_space<hbm>> -> memref<128x128xf32, #tpu.memory_space<hbm>>
          %dma_wait3A_426 = arith.constant 0 : i32
          %dma_wait3A_427 = arith.constant 0 : i32
          %dma_wait3A_428 = tpu.memref_slice %arg5[%dma_wait3A_426, %dma_wait3A_427] : memref<10240x128xf32, #tpu.memory_space<hbm>> -> memref<128x128xf32, #tpu.memory_space<hbm>>
          tpu.wait_dma2 semaphore(%arg15 : memref<!tpu.dma_semaphore, #tpu.memory_space<semaphore_mem>>) src(%dma_wait3A_428 : memref<128x128xf32, #tpu.memory_space<hbm>>) dst(%arg13 : memref<128x128xf32, #tpu.memory_space<vmem>>)
        } else {
        }
        %dma_start3A_412 = arith.constant 1 : i32
        %dma_start3A_413 = arith.constant 0 : i32
        %dma_start3A_414 = tpu.memref_slice %arg9[%dma_start3A_412, %dma_start3A_413] : memref<8x128xi32, #tpu.memory_space<vmem>> -> memref<1x128xi32, #tpu.memory_space<vmem>>
        %dma_start3A_415 = tpu.memref_squeeze %dma_start3A_414 : memref<1x128xi32, #tpu.memory_space<vmem>> -> memref<128xi32, #tpu.memory_space<vmem>>
        %dma_start3A_416 = arith.constant 0 : i32
        %dma_start3A_417 = arith.constant 0 : i32
        %dma_start3A_418 = tpu.memref_slice %arg2[%arg0, %dma_start3A_416, %dma_start3A_417] : memref<2x10240x128xf32, #tpu.memory_space<hbm>> -> memref<1x10240x128xf32, #tpu.memory_space<hbm>>
        %dma_start3A_419 = tpu.memref_squeeze %dma_start3A_418 : memref<1x10240x128xf32, #tpu.memory_space<hbm>> -> memref<10240x128xf32, #tpu.memory_space<hbm>>
        %dma_start3A_420 = arith.constant 0 : i32
        %dma_start3A_421 = arith.constant 0 : i32
        %dma_start3A_422 = tpu.memref_slice %dma_start3A_419[%dma_start3A_420, %dma_start3A_421] : memref<10240x128xf32, #tpu.memory_space<hbm>> -> memref<10240x128xf32, #tpu.memory_space<hbm>>
        tpu.enqueue_indirect_dma source(%dma_start3A_422 : memref<10240x128xf32, #tpu.memory_space<hbm>>) target(%arg13 : memref<128x128xf32, #tpu.memory_space<vmem>>) offsets(%dma_start3A_415 : memref<128xi32, #tpu.memory_space<vmem>>) semaphore(%arg14 : memref<!tpu.dma_semaphore, #tpu.memory_space<semaphore_mem>>)
      } else {
      }
      %add3A_255 = arith.constant 16 : i32
      %add3A_256 = arith.addi %add3A_64, %add3A_255 : i32
      %min3A = arith.constant 2552 : i32
      %min3A_257 = arith.minsi %add3A_256, %min3A : i32
      %dma_start3A_258 = arith.constant 0 : i32
      %dma_start3A_259 = tpu.memref_slice %arg3[%min3A_257, %dma_start3A_258] : memref<2560x128xi32, #tpu.memory_space<hbm>> -> memref<8x128xi32, #tpu.memory_space<hbm>>
      %dma_start3A_260 = arith.constant 0 : i32
      %dma_start3A_261 = tpu.memref_slice %arg3[%min3A_257, %dma_start3A_260] : memref<2560x128xi32, #tpu.memory_space<hbm>> -> memref<8x128xi32, #tpu.memory_space<hbm>>
      tpu.enqueue_dma source(%dma_start3A_261 : memref<8x128xi32, #tpu.memory_space<hbm>>) target(%arg8 : memref<8x128xi32, #tpu.memory_space<vmem>>) target_semaphore(%arg16 : memref<!tpu.dma_semaphore, #tpu.memory_space<semaphore_mem>>)
      %dma_start3A_262 = arith.constant 0 : i32
      %dma_start3A_263 = tpu.memref_slice %arg4[%min3A_257, %dma_start3A_262] : memref<2560x128xi32, #tpu.memory_space<hbm>> -> memref<8x128xi32, #tpu.memory_space<hbm>>
      %dma_start3A_264 = arith.constant 0 : i32
      %dma_start3A_265 = tpu.memref_slice %arg4[%min3A_257, %dma_start3A_264] : memref<2560x128xi32, #tpu.memory_space<hbm>> -> memref<8x128xi32, #tpu.memory_space<hbm>>
      tpu.enqueue_dma source(%dma_start3A_265 : memref<8x128xi32, #tpu.memory_space<hbm>>) target(%arg10 : memref<8x128xi32, #tpu.memory_space<vmem>>) target_semaphore(%arg16 : memref<!tpu.dma_semaphore, #tpu.memory_space<semaphore_mem>>)
      %dma_wait3A_266 = arith.constant 0 : i32
      %dma_wait3A_267 = arith.constant 0 : i32
      %dma_wait3A_268 = tpu.memref_slice %arg5[%dma_wait3A_266, %dma_wait3A_267] : memref<10240x128xf32, #tpu.memory_space<hbm>> -> memref<128x128xf32, #tpu.memory_space<hbm>>
      %dma_wait3A_269 = arith.constant 0 : i32
      %dma_wait3A_270 = arith.constant 0 : i32
      %dma_wait3A_271 = tpu.memref_slice %arg5[%dma_wait3A_269, %dma_wait3A_270] : memref<10240x128xf32, #tpu.memory_space<hbm>> -> memref<128x128xf32, #tpu.memory_space<hbm>>
      tpu.wait_dma2 semaphore(%arg14 : memref<!tpu.dma_semaphore, #tpu.memory_space<semaphore_mem>>) src(%dma_wait3A_271 : memref<128x128xf32, #tpu.memory_space<hbm>>) dst(%arg13 : memref<128x128xf32, #tpu.memory_space<vmem>>)
      %dma_start3A_272 = arith.constant 1 : i32
      %dma_start3A_273 = arith.constant 0 : i32
      %dma_start3A_274 = tpu.memref_slice %arg11[%dma_start3A_272, %dma_start3A_273] : memref<8x128xi32, #tpu.memory_space<vmem>> -> memref<1x128xi32, #tpu.memory_space<vmem>>
      %dma_start3A_275 = tpu.memref_squeeze %dma_start3A_274 : memref<1x128xi32, #tpu.memory_space<vmem>> -> memref<128xi32, #tpu.memory_space<vmem>>
      %dma_start3A_276 = arith.constant 0 : i32
      %dma_start3A_277 = arith.constant 0 : i32
      %dma_start3A_278 = tpu.memref_slice %arg7[%dma_start3A_276, %dma_start3A_277] : memref<10240x128xf32, #tpu.memory_space<vmem_shared>> -> memref<10240x128xf32, #tpu.memory_space<vmem_shared>>
      tpu.enqueue_indirect_dma source(%arg13 : memref<128x128xf32, #tpu.memory_space<vmem>>) target(%dma_start3A_278 : memref<10240x128xf32, #tpu.memory_space<vmem_shared>>) offsets(%dma_start3A_275 : memref<128xi32, #tpu.memory_space<vmem>>) semaphore(%arg15 : memref<!tpu.dma_semaphore, #tpu.memory_space<semaphore_mem>>) {add = true}
      %add3A_279 = arith.constant 10 : i32
      %add3A_280 = arith.addi %mul3A_66, %add3A_279 : i32
      %lt3A_281 = arith.cmpi slt, %add3A_280, %select_n3A : i32
      %convert_element_type3A_282 = arith.extui %lt3A_281 : i1 to i32
      %cond3A_283 = arith.constant 0 : i32
      %cond3A_284 = arith.cmpi ne, %convert_element_type3A_282, %cond3A_283 : i32
      scf.if %cond3A_284 {
        %ge3A = arith.constant 2 : i32
        %ge3A_408 = arith.cmpi sge, %add3A_280, %ge3A : i32
        %convert_element_type3A_409 = arith.extui %ge3A_408 : i1 to i32
        %cond3A_410 = arith.constant 0 : i32
        %cond3A_411 = arith.cmpi ne, %convert_element_type3A_409, %cond3A_410 : i32
        scf.if %cond3A_411 {
          %dma_wait3A_423 = arith.constant 0 : i32
          %dma_wait3A_424 = arith.constant 0 : i32
          %dma_wait3A_425 = tpu.memref_slice %arg5[%dma_wait3A_423, %dma_wait3A_424] : memref<10240x128xf32, #tpu.memory_space<hbm>> -> memref<128x128xf32, #tpu.memory_space<hbm>>
          %dma_wait3A_426 = arith.constant 0 : i32
          %dma_wait3A_427 = arith.constant 0 : i32
          %dma_wait3A_428 = tpu.memref_slice %arg5[%dma_wait3A_426, %dma_wait3A_427] : memref<10240x128xf32, #tpu.memory_space<hbm>> -> memref<128x128xf32, #tpu.memory_space<hbm>>
          tpu.wait_dma2 semaphore(%arg15 : memref<!tpu.dma_semaphore, #tpu.memory_space<semaphore_mem>>) src(%dma_wait3A_428 : memref<128x128xf32, #tpu.memory_space<hbm>>) dst(%arg12 : memref<128x128xf32, #tpu.memory_space<vmem>>)
        } else {
        }
        %dma_start3A_412 = arith.constant 2 : i32
        %dma_start3A_413 = arith.constant 0 : i32
        %dma_start3A_414 = tpu.memref_slice %arg9[%dma_start3A_412, %dma_start3A_413] : memref<8x128xi32, #tpu.memory_space<vmem>> -> memref<1x128xi32, #tpu.memory_space<vmem>>
        %dma_start3A_415 = tpu.memref_squeeze %dma_start3A_414 : memref<1x128xi32, #tpu.memory_space<vmem>> -> memref<128xi32, #tpu.memory_space<vmem>>
        %dma_start3A_416 = arith.constant 0 : i32
        %dma_start3A_417 = arith.constant 0 : i32
        %dma_start3A_418 = tpu.memref_slice %arg2[%arg0, %dma_start3A_416, %dma_start3A_417] : memref<2x10240x128xf32, #tpu.memory_space<hbm>> -> memref<1x10240x128xf32, #tpu.memory_space<hbm>>
        %dma_start3A_419 = tpu.memref_squeeze %dma_start3A_418 : memref<1x10240x128xf32, #tpu.memory_space<hbm>> -> memref<10240x128xf32, #tpu.memory_space<hbm>>
        %dma_start3A_420 = arith.constant 0 : i32
        %dma_start3A_421 = arith.constant 0 : i32
        %dma_start3A_422 = tpu.memref_slice %dma_start3A_419[%dma_start3A_420, %dma_start3A_421] : memref<10240x128xf32, #tpu.memory_space<hbm>> -> memref<10240x128xf32, #tpu.memory_space<hbm>>
        tpu.enqueue_indirect_dma source(%dma_start3A_422 : memref<10240x128xf32, #tpu.memory_space<hbm>>) target(%arg12 : memref<128x128xf32, #tpu.memory_space<vmem>>) offsets(%dma_start3A_415 : memref<128xi32, #tpu.memory_space<vmem>>) semaphore(%arg14 : memref<!tpu.dma_semaphore, #tpu.memory_space<semaphore_mem>>)
      } else {
      }
      %dma_wait3A_285 = arith.constant 0 : i32
      %dma_wait3A_286 = arith.constant 0 : i32
      %dma_wait3A_287 = tpu.memref_slice %arg5[%dma_wait3A_285, %dma_wait3A_286] : memref<10240x128xf32, #tpu.memory_space<hbm>> -> memref<128x128xf32, #tpu.memory_space<hbm>>
      %dma_wait3A_288 = arith.constant 0 : i32
      %dma_wait3A_289 = arith.constant 0 : i32
      %dma_wait3A_290 = tpu.memref_slice %arg5[%dma_wait3A_288, %dma_wait3A_289] : memref<10240x128xf32, #tpu.memory_space<hbm>> -> memref<128x128xf32, #tpu.memory_space<hbm>>
      tpu.wait_dma2 semaphore(%arg14 : memref<!tpu.dma_semaphore, #tpu.memory_space<semaphore_mem>>) src(%dma_wait3A_290 : memref<128x128xf32, #tpu.memory_space<hbm>>) dst(%arg12 : memref<128x128xf32, #tpu.memory_space<vmem>>)
      %dma_start3A_291 = arith.constant 2 : i32
      %dma_start3A_292 = arith.constant 0 : i32
      %dma_start3A_293 = tpu.memref_slice %arg11[%dma_start3A_291, %dma_start3A_292] : memref<8x128xi32, #tpu.memory_space<vmem>> -> memref<1x128xi32, #tpu.memory_space<vmem>>
      %dma_start3A_294 = tpu.memref_squeeze %dma_start3A_293 : memref<1x128xi32, #tpu.memory_space<vmem>> -> memref<128xi32, #tpu.memory_space<vmem>>
      %dma_start3A_295 = arith.constant 0 : i32
      %dma_start3A_296 = arith.constant 0 : i32
      %dma_start3A_297 = tpu.memref_slice %arg7[%dma_start3A_295, %dma_start3A_296] : memref<10240x128xf32, #tpu.memory_space<vmem_shared>> -> memref<10240x128xf32, #tpu.memory_space<vmem_shared>>
      tpu.enqueue_indirect_dma source(%arg12 : memref<128x128xf32, #tpu.memory_space<vmem>>) target(%dma_start3A_297 : memref<10240x128xf32, #tpu.memory_space<vmem_shared>>) offsets(%dma_start3A_294 : memref<128xi32, #tpu.memory_space<vmem>>) semaphore(%arg15 : memref<!tpu.dma_semaphore, #tpu.memory_space<semaphore_mem>>) {add = true}
      %add3A_298 = arith.constant 11 : i32
      %add3A_299 = arith.addi %mul3A_66, %add3A_298 : i32
      %lt3A_300 = arith.cmpi slt, %add3A_299, %select_n3A : i32
      %convert_element_type3A_301 = arith.extui %lt3A_300 : i1 to i32
      %cond3A_302 = arith.constant 0 : i32
      %cond3A_303 = arith.cmpi ne, %convert_element_type3A_301, %cond3A_302 : i32
      scf.if %cond3A_303 {
        %ge3A = arith.constant 2 : i32
        %ge3A_408 = arith.cmpi sge, %add3A_299, %ge3A : i32
        %convert_element_type3A_409 = arith.extui %ge3A_408 : i1 to i32
        %cond3A_410 = arith.constant 0 : i32
        %cond3A_411 = arith.cmpi ne, %convert_element_type3A_409, %cond3A_410 : i32
        scf.if %cond3A_411 {
          %dma_wait3A_423 = arith.constant 0 : i32
          %dma_wait3A_424 = arith.constant 0 : i32
          %dma_wait3A_425 = tpu.memref_slice %arg5[%dma_wait3A_423, %dma_wait3A_424] : memref<10240x128xf32, #tpu.memory_space<hbm>> -> memref<128x128xf32, #tpu.memory_space<hbm>>
          %dma_wait3A_426 = arith.constant 0 : i32
          %dma_wait3A_427 = arith.constant 0 : i32
          %dma_wait3A_428 = tpu.memref_slice %arg5[%dma_wait3A_426, %dma_wait3A_427] : memref<10240x128xf32, #tpu.memory_space<hbm>> -> memref<128x128xf32, #tpu.memory_space<hbm>>
          tpu.wait_dma2 semaphore(%arg15 : memref<!tpu.dma_semaphore, #tpu.memory_space<semaphore_mem>>) src(%dma_wait3A_428 : memref<128x128xf32, #tpu.memory_space<hbm>>) dst(%arg13 : memref<128x128xf32, #tpu.memory_space<vmem>>)
        } else {
        }
        %dma_start3A_412 = arith.constant 3 : i32
        %dma_start3A_413 = arith.constant 0 : i32
        %dma_start3A_414 = tpu.memref_slice %arg9[%dma_start3A_412, %dma_start3A_413] : memref<8x128xi32, #tpu.memory_space<vmem>> -> memref<1x128xi32, #tpu.memory_space<vmem>>
        %dma_start3A_415 = tpu.memref_squeeze %dma_start3A_414 : memref<1x128xi32, #tpu.memory_space<vmem>> -> memref<128xi32, #tpu.memory_space<vmem>>
        %dma_start3A_416 = arith.constant 0 : i32
        %dma_start3A_417 = arith.constant 0 : i32
        %dma_start3A_418 = tpu.memref_slice %arg2[%arg0, %dma_start3A_416, %dma_start3A_417] : memref<2x10240x128xf32, #tpu.memory_space<hbm>> -> memref<1x10240x128xf32, #tpu.memory_space<hbm>>
        %dma_start3A_419 = tpu.memref_squeeze %dma_start3A_418 : memref<1x10240x128xf32, #tpu.memory_space<hbm>> -> memref<10240x128xf32, #tpu.memory_space<hbm>>
        %dma_start3A_420 = arith.constant 0 : i32
        %dma_start3A_421 = arith.constant 0 : i32
        %dma_start3A_422 = tpu.memref_slice %dma_start3A_419[%dma_start3A_420, %dma_start3A_421] : memref<10240x128xf32, #tpu.memory_space<hbm>> -> memref<10240x128xf32, #tpu.memory_space<hbm>>
        tpu.enqueue_indirect_dma source(%dma_start3A_422 : memref<10240x128xf32, #tpu.memory_space<hbm>>) target(%arg13 : memref<128x128xf32, #tpu.memory_space<vmem>>) offsets(%dma_start3A_415 : memref<128xi32, #tpu.memory_space<vmem>>) semaphore(%arg14 : memref<!tpu.dma_semaphore, #tpu.memory_space<semaphore_mem>>)
      } else {
      }
      %dma_wait3A_304 = arith.constant 0 : i32
      %dma_wait3A_305 = arith.constant 0 : i32
      %dma_wait3A_306 = tpu.memref_slice %arg5[%dma_wait3A_304, %dma_wait3A_305] : memref<10240x128xf32, #tpu.memory_space<hbm>> -> memref<128x128xf32, #tpu.memory_space<hbm>>
      %dma_wait3A_307 = arith.constant 0 : i32
      %dma_wait3A_308 = arith.constant 0 : i32
      %dma_wait3A_309 = tpu.memref_slice %arg5[%dma_wait3A_307, %dma_wait3A_308] : memref<10240x128xf32, #tpu.memory_space<hbm>> -> memref<128x128xf32, #tpu.memory_space<hbm>>
      tpu.wait_dma2 semaphore(%arg14 : memref<!tpu.dma_semaphore, #tpu.memory_space<semaphore_mem>>) src(%dma_wait3A_309 : memref<128x128xf32, #tpu.memory_space<hbm>>) dst(%arg13 : memref<128x128xf32, #tpu.memory_space<vmem>>)
      %dma_start3A_310 = arith.constant 3 : i32
      %dma_start3A_311 = arith.constant 0 : i32
      %dma_start3A_312 = tpu.memref_slice %arg11[%dma_start3A_310, %dma_start3A_311] : memref<8x128xi32, #tpu.memory_space<vmem>> -> memref<1x128xi32, #tpu.memory_space<vmem>>
      %dma_start3A_313 = tpu.memref_squeeze %dma_start3A_312 : memref<1x128xi32, #tpu.memory_space<vmem>> -> memref<128xi32, #tpu.memory_space<vmem>>
      %dma_start3A_314 = arith.constant 0 : i32
      %dma_start3A_315 = arith.constant 0 : i32
      %dma_start3A_316 = tpu.memref_slice %arg7[%dma_start3A_314, %dma_start3A_315] : memref<10240x128xf32, #tpu.memory_space<vmem_shared>> -> memref<10240x128xf32, #tpu.memory_space<vmem_shared>>
      tpu.enqueue_indirect_dma source(%arg13 : memref<128x128xf32, #tpu.memory_space<vmem>>) target(%dma_start3A_316 : memref<10240x128xf32, #tpu.memory_space<vmem_shared>>) offsets(%dma_start3A_313 : memref<128xi32, #tpu.memory_space<vmem>>) semaphore(%arg15 : memref<!tpu.dma_semaphore, #tpu.memory_space<semaphore_mem>>) {add = true}
      %add3A_317 = arith.constant 12 : i32
      %add3A_318 = arith.addi %mul3A_66, %add3A_317 : i32
      %lt3A_319 = arith.cmpi slt, %add3A_318, %select_n3A : i32
      %convert_element_type3A_320 = arith.extui %lt3A_319 : i1 to i32
      %cond3A_321 = arith.constant 0 : i32
      %cond3A_322 = arith.cmpi ne, %convert_element_type3A_320, %cond3A_321 : i32
      scf.if %cond3A_322 {
        %ge3A = arith.constant 2 : i32
        %ge3A_408 = arith.cmpi sge, %add3A_318, %ge3A : i32
        %convert_element_type3A_409 = arith.extui %ge3A_408 : i1 to i32
        %cond3A_410 = arith.constant 0 : i32
        %cond3A_411 = arith.cmpi ne, %convert_element_type3A_409, %cond3A_410 : i32
        scf.if %cond3A_411 {
          %dma_wait3A_423 = arith.constant 0 : i32
          %dma_wait3A_424 = arith.constant 0 : i32
          %dma_wait3A_425 = tpu.memref_slice %arg5[%dma_wait3A_423, %dma_wait3A_424] : memref<10240x128xf32, #tpu.memory_space<hbm>> -> memref<128x128xf32, #tpu.memory_space<hbm>>
          %dma_wait3A_426 = arith.constant 0 : i32
          %dma_wait3A_427 = arith.constant 0 : i32
          %dma_wait3A_428 = tpu.memref_slice %arg5[%dma_wait3A_426, %dma_wait3A_427] : memref<10240x128xf32, #tpu.memory_space<hbm>> -> memref<128x128xf32, #tpu.memory_space<hbm>>
          tpu.wait_dma2 semaphore(%arg15 : memref<!tpu.dma_semaphore, #tpu.memory_space<semaphore_mem>>) src(%dma_wait3A_428 : memref<128x128xf32, #tpu.memory_space<hbm>>) dst(%arg12 : memref<128x128xf32, #tpu.memory_space<vmem>>)
        } else {
        }
        %dma_start3A_412 = arith.constant 4 : i32
        %dma_start3A_413 = arith.constant 0 : i32
        %dma_start3A_414 = tpu.memref_slice %arg9[%dma_start3A_412, %dma_start3A_413] : memref<8x128xi32, #tpu.memory_space<vmem>> -> memref<1x128xi32, #tpu.memory_space<vmem>>
        %dma_start3A_415 = tpu.memref_squeeze %dma_start3A_414 : memref<1x128xi32, #tpu.memory_space<vmem>> -> memref<128xi32, #tpu.memory_space<vmem>>
        %dma_start3A_416 = arith.constant 0 : i32
        %dma_start3A_417 = arith.constant 0 : i32
        %dma_start3A_418 = tpu.memref_slice %arg2[%arg0, %dma_start3A_416, %dma_start3A_417] : memref<2x10240x128xf32, #tpu.memory_space<hbm>> -> memref<1x10240x128xf32, #tpu.memory_space<hbm>>
        %dma_start3A_419 = tpu.memref_squeeze %dma_start3A_418 : memref<1x10240x128xf32, #tpu.memory_space<hbm>> -> memref<10240x128xf32, #tpu.memory_space<hbm>>
        %dma_start3A_420 = arith.constant 0 : i32
        %dma_start3A_421 = arith.constant 0 : i32
        %dma_start3A_422 = tpu.memref_slice %dma_start3A_419[%dma_start3A_420, %dma_start3A_421] : memref<10240x128xf32, #tpu.memory_space<hbm>> -> memref<10240x128xf32, #tpu.memory_space<hbm>>
        tpu.enqueue_indirect_dma source(%dma_start3A_422 : memref<10240x128xf32, #tpu.memory_space<hbm>>) target(%arg12 : memref<128x128xf32, #tpu.memory_space<vmem>>) offsets(%dma_start3A_415 : memref<128xi32, #tpu.memory_space<vmem>>) semaphore(%arg14 : memref<!tpu.dma_semaphore, #tpu.memory_space<semaphore_mem>>)
      } else {
      }
      %dma_wait3A_323 = arith.constant 0 : i32
      %dma_wait3A_324 = arith.constant 0 : i32
      %dma_wait3A_325 = tpu.memref_slice %arg5[%dma_wait3A_323, %dma_wait3A_324] : memref<10240x128xf32, #tpu.memory_space<hbm>> -> memref<128x128xf32, #tpu.memory_space<hbm>>
      %dma_wait3A_326 = arith.constant 0 : i32
      %dma_wait3A_327 = arith.constant 0 : i32
      %dma_wait3A_328 = tpu.memref_slice %arg5[%dma_wait3A_326, %dma_wait3A_327] : memref<10240x128xf32, #tpu.memory_space<hbm>> -> memref<128x128xf32, #tpu.memory_space<hbm>>
      tpu.wait_dma2 semaphore(%arg14 : memref<!tpu.dma_semaphore, #tpu.memory_space<semaphore_mem>>) src(%dma_wait3A_328 : memref<128x128xf32, #tpu.memory_space<hbm>>) dst(%arg12 : memref<128x128xf32, #tpu.memory_space<vmem>>)
      %dma_start3A_329 = arith.constant 4 : i32
      %dma_start3A_330 = arith.constant 0 : i32
      %dma_start3A_331 = tpu.memref_slice %arg11[%dma_start3A_329, %dma_start3A_330] : memref<8x128xi32, #tpu.memory_space<vmem>> -> memref<1x128xi32, #tpu.memory_space<vmem>>
      %dma_start3A_332 = tpu.memref_squeeze %dma_start3A_331 : memref<1x128xi32, #tpu.memory_space<vmem>> -> memref<128xi32, #tpu.memory_space<vmem>>
      %dma_start3A_333 = arith.constant 0 : i32
      %dma_start3A_334 = arith.constant 0 : i32
      %dma_start3A_335 = tpu.memref_slice %arg7[%dma_start3A_333, %dma_start3A_334] : memref<10240x128xf32, #tpu.memory_space<vmem_shared>> -> memref<10240x128xf32, #tpu.memory_space<vmem_shared>>
      tpu.enqueue_indirect_dma source(%arg12 : memref<128x128xf32, #tpu.memory_space<vmem>>) target(%dma_start3A_335 : memref<10240x128xf32, #tpu.memory_space<vmem_shared>>) offsets(%dma_start3A_332 : memref<128xi32, #tpu.memory_space<vmem>>) semaphore(%arg15 : memref<!tpu.dma_semaphore, #tpu.memory_space<semaphore_mem>>) {add = true}
      %add3A_336 = arith.constant 13 : i32
      %add3A_337 = arith.addi %mul3A_66, %add3A_336 : i32
      %lt3A_338 = arith.cmpi slt, %add3A_337, %select_n3A : i32
      %convert_element_type3A_339 = arith.extui %lt3A_338 : i1 to i32
      %cond3A_340 = arith.constant 0 : i32
      %cond3A_341 = arith.cmpi ne, %convert_element_type3A_339, %cond3A_340 : i32
      scf.if %cond3A_341 {
        %ge3A = arith.constant 2 : i32
        %ge3A_408 = arith.cmpi sge, %add3A_337, %ge3A : i32
        %convert_element_type3A_409 = arith.extui %ge3A_408 : i1 to i32
        %cond3A_410 = arith.constant 0 : i32
        %cond3A_411 = arith.cmpi ne, %convert_element_type3A_409, %cond3A_410 : i32
        scf.if %cond3A_411 {
          %dma_wait3A_423 = arith.constant 0 : i32
          %dma_wait3A_424 = arith.constant 0 : i32
          %dma_wait3A_425 = tpu.memref_slice %arg5[%dma_wait3A_423, %dma_wait3A_424] : memref<10240x128xf32, #tpu.memory_space<hbm>> -> memref<128x128xf32, #tpu.memory_space<hbm>>
          %dma_wait3A_426 = arith.constant 0 : i32
          %dma_wait3A_427 = arith.constant 0 : i32
          %dma_wait3A_428 = tpu.memref_slice %arg5[%dma_wait3A_426, %dma_wait3A_427] : memref<10240x128xf32, #tpu.memory_space<hbm>> -> memref<128x128xf32, #tpu.memory_space<hbm>>
          tpu.wait_dma2 semaphore(%arg15 : memref<!tpu.dma_semaphore, #tpu.memory_space<semaphore_mem>>) src(%dma_wait3A_428 : memref<128x128xf32, #tpu.memory_space<hbm>>) dst(%arg13 : memref<128x128xf32, #tpu.memory_space<vmem>>)
        } else {
        }
        %dma_start3A_412 = arith.constant 5 : i32
        %dma_start3A_413 = arith.constant 0 : i32
        %dma_start3A_414 = tpu.memref_slice %arg9[%dma_start3A_412, %dma_start3A_413] : memref<8x128xi32, #tpu.memory_space<vmem>> -> memref<1x128xi32, #tpu.memory_space<vmem>>
        %dma_start3A_415 = tpu.memref_squeeze %dma_start3A_414 : memref<1x128xi32, #tpu.memory_space<vmem>> -> memref<128xi32, #tpu.memory_space<vmem>>
        %dma_start3A_416 = arith.constant 0 : i32
        %dma_start3A_417 = arith.constant 0 : i32
        %dma_start3A_418 = tpu.memref_slice %arg2[%arg0, %dma_start3A_416, %dma_start3A_417] : memref<2x10240x128xf32, #tpu.memory_space<hbm>> -> memref<1x10240x128xf32, #tpu.memory_space<hbm>>
        %dma_start3A_419 = tpu.memref_squeeze %dma_start3A_418 : memref<1x10240x128xf32, #tpu.memory_space<hbm>> -> memref<10240x128xf32, #tpu.memory_space<hbm>>
        %dma_start3A_420 = arith.constant 0 : i32
        %dma_start3A_421 = arith.constant 0 : i32
        %dma_start3A_422 = tpu.memref_slice %dma_start3A_419[%dma_start3A_420, %dma_start3A_421] : memref<10240x128xf32, #tpu.memory_space<hbm>> -> memref<10240x128xf32, #tpu.memory_space<hbm>>
        tpu.enqueue_indirect_dma source(%dma_start3A_422 : memref<10240x128xf32, #tpu.memory_space<hbm>>) target(%arg13 : memref<128x128xf32, #tpu.memory_space<vmem>>) offsets(%dma_start3A_415 : memref<128xi32, #tpu.memory_space<vmem>>) semaphore(%arg14 : memref<!tpu.dma_semaphore, #tpu.memory_space<semaphore_mem>>)
      } else {
      }
      %dma_wait3A_342 = arith.constant 0 : i32
      %dma_wait3A_343 = arith.constant 0 : i32
      %dma_wait3A_344 = tpu.memref_slice %arg5[%dma_wait3A_342, %dma_wait3A_343] : memref<10240x128xf32, #tpu.memory_space<hbm>> -> memref<128x128xf32, #tpu.memory_space<hbm>>
      %dma_wait3A_345 = arith.constant 0 : i32
      %dma_wait3A_346 = arith.constant 0 : i32
      %dma_wait3A_347 = tpu.memref_slice %arg5[%dma_wait3A_345, %dma_wait3A_346] : memref<10240x128xf32, #tpu.memory_space<hbm>> -> memref<128x128xf32, #tpu.memory_space<hbm>>
      tpu.wait_dma2 semaphore(%arg14 : memref<!tpu.dma_semaphore, #tpu.memory_space<semaphore_mem>>) src(%dma_wait3A_347 : memref<128x128xf32, #tpu.memory_space<hbm>>) dst(%arg13 : memref<128x128xf32, #tpu.memory_space<vmem>>)
      %dma_start3A_348 = arith.constant 5 : i32
      %dma_start3A_349 = arith.constant 0 : i32
      %dma_start3A_350 = tpu.memref_slice %arg11[%dma_start3A_348, %dma_start3A_349] : memref<8x128xi32, #tpu.memory_space<vmem>> -> memref<1x128xi32, #tpu.memory_space<vmem>>
      %dma_start3A_351 = tpu.memref_squeeze %dma_start3A_350 : memref<1x128xi32, #tpu.memory_space<vmem>> -> memref<128xi32, #tpu.memory_space<vmem>>
      %dma_start3A_352 = arith.constant 0 : i32
      %dma_start3A_353 = arith.constant 0 : i32
      %dma_start3A_354 = tpu.memref_slice %arg7[%dma_start3A_352, %dma_start3A_353] : memref<10240x128xf32, #tpu.memory_space<vmem_shared>> -> memref<10240x128xf32, #tpu.memory_space<vmem_shared>>
      tpu.enqueue_indirect_dma source(%arg13 : memref<128x128xf32, #tpu.memory_space<vmem>>) target(%dma_start3A_354 : memref<10240x128xf32, #tpu.memory_space<vmem_shared>>) offsets(%dma_start3A_351 : memref<128xi32, #tpu.memory_space<vmem>>) semaphore(%arg15 : memref<!tpu.dma_semaphore, #tpu.memory_space<semaphore_mem>>) {add = true}
      %add3A_355 = arith.constant 14 : i32
      %add3A_356 = arith.addi %mul3A_66, %add3A_355 : i32
      %lt3A_357 = arith.cmpi slt, %add3A_356, %select_n3A : i32
      %convert_element_type3A_358 = arith.extui %lt3A_357 : i1 to i32
      %cond3A_359 = arith.constant 0 : i32
      %cond3A_360 = arith.cmpi ne, %convert_element_type3A_358, %cond3A_359 : i32
      scf.if %cond3A_360 {
        %ge3A = arith.constant 2 : i32
        %ge3A_408 = arith.cmpi sge, %add3A_356, %ge3A : i32
        %convert_element_type3A_409 = arith.extui %ge3A_408 : i1 to i32
        %cond3A_410 = arith.constant 0 : i32
        %cond3A_411 = arith.cmpi ne, %convert_element_type3A_409, %cond3A_410 : i32
        scf.if %cond3A_411 {
          %dma_wait3A_423 = arith.constant 0 : i32
          %dma_wait3A_424 = arith.constant 0 : i32
          %dma_wait3A_425 = tpu.memref_slice %arg5[%dma_wait3A_423, %dma_wait3A_424] : memref<10240x128xf32, #tpu.memory_space<hbm>> -> memref<128x128xf32, #tpu.memory_space<hbm>>
          %dma_wait3A_426 = arith.constant 0 : i32
          %dma_wait3A_427 = arith.constant 0 : i32
          %dma_wait3A_428 = tpu.memref_slice %arg5[%dma_wait3A_426, %dma_wait3A_427] : memref<10240x128xf32, #tpu.memory_space<hbm>> -> memref<128x128xf32, #tpu.memory_space<hbm>>
          tpu.wait_dma2 semaphore(%arg15 : memref<!tpu.dma_semaphore, #tpu.memory_space<semaphore_mem>>) src(%dma_wait3A_428 : memref<128x128xf32, #tpu.memory_space<hbm>>) dst(%arg12 : memref<128x128xf32, #tpu.memory_space<vmem>>)
        } else {
        }
        %dma_start3A_412 = arith.constant 6 : i32
        %dma_start3A_413 = arith.constant 0 : i32
        %dma_start3A_414 = tpu.memref_slice %arg9[%dma_start3A_412, %dma_start3A_413] : memref<8x128xi32, #tpu.memory_space<vmem>> -> memref<1x128xi32, #tpu.memory_space<vmem>>
        %dma_start3A_415 = tpu.memref_squeeze %dma_start3A_414 : memref<1x128xi32, #tpu.memory_space<vmem>> -> memref<128xi32, #tpu.memory_space<vmem>>
        %dma_start3A_416 = arith.constant 0 : i32
        %dma_start3A_417 = arith.constant 0 : i32
        %dma_start3A_418 = tpu.memref_slice %arg2[%arg0, %dma_start3A_416, %dma_start3A_417] : memref<2x10240x128xf32, #tpu.memory_space<hbm>> -> memref<1x10240x128xf32, #tpu.memory_space<hbm>>
        %dma_start3A_419 = tpu.memref_squeeze %dma_start3A_418 : memref<1x10240x128xf32, #tpu.memory_space<hbm>> -> memref<10240x128xf32, #tpu.memory_space<hbm>>
        %dma_start3A_420 = arith.constant 0 : i32
        %dma_start3A_421 = arith.constant 0 : i32
        %dma_start3A_422 = tpu.memref_slice %dma_start3A_419[%dma_start3A_420, %dma_start3A_421] : memref<10240x128xf32, #tpu.memory_space<hbm>> -> memref<10240x128xf32, #tpu.memory_space<hbm>>
        tpu.enqueue_indirect_dma source(%dma_start3A_422 : memref<10240x128xf32, #tpu.memory_space<hbm>>) target(%arg12 : memref<128x128xf32, #tpu.memory_space<vmem>>) offsets(%dma_start3A_415 : memref<128xi32, #tpu.memory_space<vmem>>) semaphore(%arg14 : memref<!tpu.dma_semaphore, #tpu.memory_space<semaphore_mem>>)
      } else {
      }
      %dma_wait3A_361 = arith.constant 0 : i32
      %dma_wait3A_362 = arith.constant 0 : i32
      %dma_wait3A_363 = tpu.memref_slice %arg5[%dma_wait3A_361, %dma_wait3A_362] : memref<10240x128xf32, #tpu.memory_space<hbm>> -> memref<128x128xf32, #tpu.memory_space<hbm>>
      %dma_wait3A_364 = arith.constant 0 : i32
      %dma_wait3A_365 = arith.constant 0 : i32
      %dma_wait3A_366 = tpu.memref_slice %arg5[%dma_wait3A_364, %dma_wait3A_365] : memref<10240x128xf32, #tpu.memory_space<hbm>> -> memref<128x128xf32, #tpu.memory_space<hbm>>
      tpu.wait_dma2 semaphore(%arg14 : memref<!tpu.dma_semaphore, #tpu.memory_space<semaphore_mem>>) src(%dma_wait3A_366 : memref<128x128xf32, #tpu.memory_space<hbm>>) dst(%arg12 : memref<128x128xf32, #tpu.memory_space<vmem>>)
      %dma_start3A_367 = arith.constant 6 : i32
      %dma_start3A_368 = arith.constant 0 : i32
      %dma_start3A_369 = tpu.memref_slice %arg11[%dma_start3A_367, %dma_start3A_368] : memref<8x128xi32, #tpu.memory_space<vmem>> -> memref<1x128xi32, #tpu.memory_space<vmem>>
      %dma_start3A_370 = tpu.memref_squeeze %dma_start3A_369 : memref<1x128xi32, #tpu.memory_space<vmem>> -> memref<128xi32, #tpu.memory_space<vmem>>
      %dma_start3A_371 = arith.constant 0 : i32
      %dma_start3A_372 = arith.constant 0 : i32
      %dma_start3A_373 = tpu.memref_slice %arg7[%dma_start3A_371, %dma_start3A_372] : memref<10240x128xf32, #tpu.memory_space<vmem_shared>> -> memref<10240x128xf32, #tpu.memory_space<vmem_shared>>
      tpu.enqueue_indirect_dma source(%arg12 : memref<128x128xf32, #tpu.memory_space<vmem>>) target(%dma_start3A_373 : memref<10240x128xf32, #tpu.memory_space<vmem_shared>>) offsets(%dma_start3A_370 : memref<128xi32, #tpu.memory_space<vmem>>) semaphore(%arg15 : memref<!tpu.dma_semaphore, #tpu.memory_space<semaphore_mem>>) {add = true}
      %add3A_374 = arith.constant 15 : i32
      %add3A_375 = arith.addi %mul3A_66, %add3A_374 : i32
      %lt3A_376 = arith.cmpi slt, %add3A_375, %select_n3A : i32
      %convert_element_type3A_377 = arith.extui %lt3A_376 : i1 to i32
      %cond3A_378 = arith.constant 0 : i32
      %cond3A_379 = arith.cmpi ne, %convert_element_type3A_377, %cond3A_378 : i32
      scf.if %cond3A_379 {
        %ge3A = arith.constant 2 : i32
        %ge3A_408 = arith.cmpi sge, %add3A_375, %ge3A : i32
        %convert_element_type3A_409 = arith.extui %ge3A_408 : i1 to i32
        %cond3A_410 = arith.constant 0 : i32
        %cond3A_411 = arith.cmpi ne, %convert_element_type3A_409, %cond3A_410 : i32
        scf.if %cond3A_411 {
          %dma_wait3A_423 = arith.constant 0 : i32
          %dma_wait3A_424 = arith.constant 0 : i32
          %dma_wait3A_425 = tpu.memref_slice %arg5[%dma_wait3A_423, %dma_wait3A_424] : memref<10240x128xf32, #tpu.memory_space<hbm>> -> memref<128x128xf32, #tpu.memory_space<hbm>>
          %dma_wait3A_426 = arith.constant 0 : i32
          %dma_wait3A_427 = arith.constant 0 : i32
          %dma_wait3A_428 = tpu.memref_slice %arg5[%dma_wait3A_426, %dma_wait3A_427] : memref<10240x128xf32, #tpu.memory_space<hbm>> -> memref<128x128xf32, #tpu.memory_space<hbm>>
          tpu.wait_dma2 semaphore(%arg15 : memref<!tpu.dma_semaphore, #tpu.memory_space<semaphore_mem>>) src(%dma_wait3A_428 : memref<128x128xf32, #tpu.memory_space<hbm>>) dst(%arg13 : memref<128x128xf32, #tpu.memory_space<vmem>>)
        } else {
        }
        %dma_start3A_412 = arith.constant 7 : i32
        %dma_start3A_413 = arith.constant 0 : i32
        %dma_start3A_414 = tpu.memref_slice %arg9[%dma_start3A_412, %dma_start3A_413] : memref<8x128xi32, #tpu.memory_space<vmem>> -> memref<1x128xi32, #tpu.memory_space<vmem>>
        %dma_start3A_415 = tpu.memref_squeeze %dma_start3A_414 : memref<1x128xi32, #tpu.memory_space<vmem>> -> memref<128xi32, #tpu.memory_space<vmem>>
        %dma_start3A_416 = arith.constant 0 : i32
        %dma_start3A_417 = arith.constant 0 : i32
        %dma_start3A_418 = tpu.memref_slice %arg2[%arg0, %dma_start3A_416, %dma_start3A_417] : memref<2x10240x128xf32, #tpu.memory_space<hbm>> -> memref<1x10240x128xf32, #tpu.memory_space<hbm>>
        %dma_start3A_419 = tpu.memref_squeeze %dma_start3A_418 : memref<1x10240x128xf32, #tpu.memory_space<hbm>> -> memref<10240x128xf32, #tpu.memory_space<hbm>>
        %dma_start3A_420 = arith.constant 0 : i32
        %dma_start3A_421 = arith.constant 0 : i32
        %dma_start3A_422 = tpu.memref_slice %dma_start3A_419[%dma_start3A_420, %dma_start3A_421] : memref<10240x128xf32, #tpu.memory_space<hbm>> -> memref<10240x128xf32, #tpu.memory_space<hbm>>
        tpu.enqueue_indirect_dma source(%dma_start3A_422 : memref<10240x128xf32, #tpu.memory_space<hbm>>) target(%arg13 : memref<128x128xf32, #tpu.memory_space<vmem>>) offsets(%dma_start3A_415 : memref<128xi32, #tpu.memory_space<vmem>>) semaphore(%arg14 : memref<!tpu.dma_semaphore, #tpu.memory_space<semaphore_mem>>)
      } else {
      }
      %dma_wait3A_380 = arith.constant 0 : i32
      %dma_wait3A_381 = tpu.memref_slice %arg3[%min3A_257, %dma_wait3A_380] : memref<2560x128xi32, #tpu.memory_space<hbm>> -> memref<8x128xi32, #tpu.memory_space<hbm>>
      %dma_wait3A_382 = arith.constant 0 : i32
      %dma_wait3A_383 = tpu.memref_slice %arg3[%min3A_257, %dma_wait3A_382] : memref<2560x128xi32, #tpu.memory_space<hbm>> -> memref<8x128xi32, #tpu.memory_space<hbm>>
      tpu.wait_dma2 semaphore(%arg16 : memref<!tpu.dma_semaphore, #tpu.memory_space<semaphore_mem>>) src(%dma_wait3A_383 : memref<8x128xi32, #tpu.memory_space<hbm>>) dst(%arg8 : memref<8x128xi32, #tpu.memory_space<vmem>>)
      %dma_wait3A_384 = arith.constant 0 : i32
      %dma_wait3A_385 = tpu.memref_slice %arg4[%min3A_257, %dma_wait3A_384] : memref<2560x128xi32, #tpu.memory_space<hbm>> -> memref<8x128xi32, #tpu.memory_space<hbm>>
      %dma_wait3A_386 = arith.constant 0 : i32
      %dma_wait3A_387 = tpu.memref_slice %arg4[%min3A_257, %dma_wait3A_386] : memref<2560x128xi32, #tpu.memory_space<hbm>> -> memref<8x128xi32, #tpu.memory_space<hbm>>
      tpu.wait_dma2 semaphore(%arg16 : memref<!tpu.dma_semaphore, #tpu.memory_space<semaphore_mem>>) src(%dma_wait3A_387 : memref<8x128xi32, #tpu.memory_space<hbm>>) dst(%arg10 : memref<8x128xi32, #tpu.memory_space<vmem>>)
      %dma_wait3A_388 = arith.constant 0 : i32
      %dma_wait3A_389 = arith.constant 0 : i32
      %dma_wait3A_390 = tpu.memref_slice %arg5[%dma_wait3A_388, %dma_wait3A_389] : memref<10240x128xf32, #tpu.memory_space<hbm>> -> memref<128x128xf32, #tpu.memory_space<hbm>>
      %dma_wait3A_391 = arith.constant 0 : i32
      %dma_wait3A_392 = arith.constant 0 : i32
      %dma_wait3A_393 = tpu.memref_slice %arg5[%dma_wait3A_391, %dma_wait3A_392] : memref<10240x128xf32, #tpu.memory_space<hbm>> -> memref<128x128xf32, #tpu.memory_space<hbm>>
      tpu.wait_dma2 semaphore(%arg14 : memref<!tpu.dma_semaphore, #tpu.memory_space<semaphore_mem>>) src(%dma_wait3A_393 : memref<128x128xf32, #tpu.memory_space<hbm>>) dst(%arg13 : memref<128x128xf32, #tpu.memory_space<vmem>>)
      %dma_start3A_394 = arith.constant 7 : i32
      %dma_start3A_395 = arith.constant 0 : i32
      %dma_start3A_396 = tpu.memref_slice %arg11[%dma_start3A_394, %dma_start3A_395] : memref<8x128xi32, #tpu.memory_space<vmem>> -> memref<1x128xi32, #tpu.memory_space<vmem>>
      %dma_start3A_397 = tpu.memref_squeeze %dma_start3A_396 : memref<1x128xi32, #tpu.memory_space<vmem>> -> memref<128xi32, #tpu.memory_space<vmem>>
      %dma_start3A_398 = arith.constant 0 : i32
      %dma_start3A_399 = arith.constant 0 : i32
      %dma_start3A_400 = tpu.memref_slice %arg7[%dma_start3A_398, %dma_start3A_399] : memref<10240x128xf32, #tpu.memory_space<vmem_shared>> -> memref<10240x128xf32, #tpu.memory_space<vmem_shared>>
      tpu.enqueue_indirect_dma source(%arg13 : memref<128x128xf32, #tpu.memory_space<vmem>>) target(%dma_start3A_400 : memref<10240x128xf32, #tpu.memory_space<vmem_shared>>) offsets(%dma_start3A_397 : memref<128xi32, #tpu.memory_space<vmem>>) semaphore(%arg15 : memref<!tpu.dma_semaphore, #tpu.memory_space<semaphore_mem>>) {add = true}
      %add3A_401 = arith.constant 16 : i32
      %add3A_402 = arith.addi %mul3A_66, %add3A_401 : i32
      %lt3A_403 = arith.cmpi slt, %add3A_402, %select_n3A : i32
      %convert_element_type3A_404 = arith.extui %lt3A_403 : i1 to i32
      %cond3A_405 = arith.constant 0 : i32
      %cond3A_406 = arith.cmpi ne, %convert_element_type3A_404, %cond3A_405 : i32
      scf.if %cond3A_406 {
        %ge3A = arith.constant 2 : i32
        %ge3A_408 = arith.cmpi sge, %add3A_402, %ge3A : i32
        %convert_element_type3A_409 = arith.extui %ge3A_408 : i1 to i32
        %cond3A_410 = arith.constant 0 : i32
        %cond3A_411 = arith.cmpi ne, %convert_element_type3A_409, %cond3A_410 : i32
        scf.if %cond3A_411 {
          %dma_wait3A_423 = arith.constant 0 : i32
          %dma_wait3A_424 = arith.constant 0 : i32
          %dma_wait3A_425 = tpu.memref_slice %arg5[%dma_wait3A_423, %dma_wait3A_424] : memref<10240x128xf32, #tpu.memory_space<hbm>> -> memref<128x128xf32, #tpu.memory_space<hbm>>
          %dma_wait3A_426 = arith.constant 0 : i32
          %dma_wait3A_427 = arith.constant 0 : i32
          %dma_wait3A_428 = tpu.memref_slice %arg5[%dma_wait3A_426, %dma_wait3A_427] : memref<10240x128xf32, #tpu.memory_space<hbm>> -> memref<128x128xf32, #tpu.memory_space<hbm>>
          tpu.wait_dma2 semaphore(%arg15 : memref<!tpu.dma_semaphore, #tpu.memory_space<semaphore_mem>>) src(%dma_wait3A_428 : memref<128x128xf32, #tpu.memory_space<hbm>>) dst(%arg12 : memref<128x128xf32, #tpu.memory_space<vmem>>)
        } else {
        }
        %dma_start3A_412 = arith.constant 0 : i32
        %dma_start3A_413 = arith.constant 0 : i32
        %dma_start3A_414 = tpu.memref_slice %arg8[%dma_start3A_412, %dma_start3A_413] : memref<8x128xi32, #tpu.memory_space<vmem>> -> memref<1x128xi32, #tpu.memory_space<vmem>>
        %dma_start3A_415 = tpu.memref_squeeze %dma_start3A_414 : memref<1x128xi32, #tpu.memory_space<vmem>> -> memref<128xi32, #tpu.memory_space<vmem>>
        %dma_start3A_416 = arith.constant 0 : i32
        %dma_start3A_417 = arith.constant 0 : i32
        %dma_start3A_418 = tpu.memref_slice %arg2[%arg0, %dma_start3A_416, %dma_start3A_417] : memref<2x10240x128xf32, #tpu.memory_space<hbm>> -> memref<1x10240x128xf32, #tpu.memory_space<hbm>>
        %dma_start3A_419 = tpu.memref_squeeze %dma_start3A_418 : memref<1x10240x128xf32, #tpu.memory_space<hbm>> -> memref<10240x128xf32, #tpu.memory_space<hbm>>
        %dma_start3A_420 = arith.constant 0 : i32
        %dma_start3A_421 = arith.constant 0 : i32
        %dma_start3A_422 = tpu.memref_slice %dma_start3A_419[%dma_start3A_420, %dma_start3A_421] : memref<10240x128xf32, #tpu.memory_space<hbm>> -> memref<10240x128xf32, #tpu.memory_space<hbm>>
        tpu.enqueue_indirect_dma source(%dma_start3A_422 : memref<10240x128xf32, #tpu.memory_space<hbm>>) target(%arg12 : memref<128x128xf32, #tpu.memory_space<vmem>>) offsets(%dma_start3A_415 : memref<128xi32, #tpu.memory_space<vmem>>) semaphore(%arg14 : memref<!tpu.dma_semaphore, #tpu.memory_space<semaphore_mem>>)
      } else {
      }
      %while3A_407 = arith.constant 0 : i32
      scf.yield %while3A_407 : i32
    }
    %dma_wait3A = arith.constant 0 : i32
    %dma_wait3A_48 = arith.constant 0 : i32
    %dma_wait3A_49 = tpu.memref_slice %arg5[%dma_wait3A, %dma_wait3A_48] : memref<10240x128xf32, #tpu.memory_space<hbm>> -> memref<128x128xf32, #tpu.memory_space<hbm>>
    %dma_wait3A_50 = arith.constant 0 : i32
    %dma_wait3A_51 = arith.constant 0 : i32
    %dma_wait3A_52 = tpu.memref_slice %arg5[%dma_wait3A_50, %dma_wait3A_51] : memref<10240x128xf32, #tpu.memory_space<hbm>> -> memref<128x128xf32, #tpu.memory_space<hbm>>
    tpu.wait_dma2 semaphore(%arg15 : memref<!tpu.dma_semaphore, #tpu.memory_space<semaphore_mem>>) src(%dma_wait3A_52 : memref<128x128xf32, #tpu.memory_space<hbm>>) dst(%arg12 : memref<128x128xf32, #tpu.memory_space<vmem>>)
    %dma_wait3A_53 = arith.constant 0 : i32
    %dma_wait3A_54 = arith.constant 0 : i32
    %dma_wait3A_55 = tpu.memref_slice %arg5[%dma_wait3A_53, %dma_wait3A_54] : memref<10240x128xf32, #tpu.memory_space<hbm>> -> memref<128x128xf32, #tpu.memory_space<hbm>>
    %dma_wait3A_56 = arith.constant 0 : i32
    %dma_wait3A_57 = arith.constant 0 : i32
    %dma_wait3A_58 = tpu.memref_slice %arg5[%dma_wait3A_56, %dma_wait3A_57] : memref<10240x128xf32, #tpu.memory_space<hbm>> -> memref<128x128xf32, #tpu.memory_space<hbm>>
    tpu.wait_dma2 semaphore(%arg15 : memref<!tpu.dma_semaphore, #tpu.memory_space<semaphore_mem>>) src(%dma_wait3A_58 : memref<128x128xf32, #tpu.memory_space<hbm>>) dst(%arg13 : memref<128x128xf32, #tpu.memory_space<vmem>>)
    %barrier3A_59 = arith.constant 0 : index
    tpu.barrier barrier_id(%barrier3A_59)
    "tpu.region"() ({
      %run_scoped3A = tpu.sem_alloc : memref<!tpu.dma_semaphore, #tpu.memory_space<semaphore_mem>>
      %dma_start3A_60 = arith.constant 0 : i32
      %dma_start3A_61 = tpu.memref_slice %arg6[%arg0, %mul3A_0, %dma_start3A_60] : memref<2x10240x128xf32, #tpu.memory_space<hbm>> -> memref<1x640x128xf32, #tpu.memory_space<hbm>>
      %dma_start3A_62 = tpu.memref_squeeze %dma_start3A_61 : memref<1x640x128xf32, #tpu.memory_space<hbm>> -> memref<640x128xf32, #tpu.memory_space<hbm>>
      %dma_start3A_63 = arith.constant 0 : i32
      %dma_start3A_64 = tpu.memref_slice %arg7[%mul3A_0, %dma_start3A_63] : memref<10240x128xf32, #tpu.memory_space<vmem_shared>> -> memref<640x128xf32, #tpu.memory_space<vmem_shared>>
      tpu.enqueue_dma source(%dma_start3A_64 : memref<640x128xf32, #tpu.memory_space<vmem_shared>>) target(%dma_start3A_62 : memref<640x128xf32, #tpu.memory_space<hbm>>) target_semaphore(%run_scoped3A : memref<!tpu.dma_semaphore, #tpu.memory_space<semaphore_mem>>)
      %dma_wait3A_65 = arith.constant 0 : i32
      %dma_wait3A_66 = tpu.memref_slice %arg6[%arg0, %mul3A_0, %dma_wait3A_65] : memref<2x10240x128xf32, #tpu.memory_space<hbm>> -> memref<1x640x128xf32, #tpu.memory_space<hbm>>
      %dma_wait3A_67 = tpu.memref_squeeze %dma_wait3A_66 : memref<1x640x128xf32, #tpu.memory_space<hbm>> -> memref<640x128xf32, #tpu.memory_space<hbm>>
      %dma_wait3A_68 = arith.constant 0 : i32
      %dma_wait3A_69 = tpu.memref_slice %arg7[%mul3A_0, %dma_wait3A_68] : memref<10240x128xf32, #tpu.memory_space<vmem_shared>> -> memref<640x128xf32, #tpu.memory_space<vmem_shared>>
      tpu.wait_dma2 semaphore(%run_scoped3A : memref<!tpu.dma_semaphore, #tpu.memory_space<semaphore_mem>>) src(%dma_wait3A_69 : memref<640x128xf32, #tpu.memory_space<vmem_shared>>) dst(%dma_wait3A_67 : memref<640x128xf32, #tpu.memory_space<hbm>>)
      tpu.yield
    }) : () -> ()
    return
  }
}

module attributes {stable_mosaic.version = 14 : i64} {
  func.func @body(%arg0: i32, %arg1: memref<1024x128xf32, #tpu.memory_space<vmem>>, %arg2: memref<1024x16xf32, #tpu.memory_space<vmem>>, %arg3: memref<2x1024x128xf32, #tpu.memory_space<vmem>>, %arg4: memref<1024x1xf32, #tpu.memory_space<vmem>>) attributes {dimension_semantics = [#tpu.dimension_semantics<arbitrary>], iteration_bounds = array<i64: 10>, scalar_prefetch = 0 : i64, scratch_operands = 0 : i64, tpu.core_type = #tpu.core_type<tc>, window_params = [{transform_indices = @transform_0, window_bounds = array<i64: 1024, 128>}, {transform_indices = @transform_1, window_bounds = array<i64: 1024, 16>}, {transform_indices = @transform_2, window_bounds = array<i64: 2, 1024, 128>}, {transform_indices = @transform_3, window_bounds = array<i64: 1024, 1>}]} {
    %get3A = arith.constant 0 : index
    %get3A_0 = arith.constant 0 : index
    %get3A_1 = vector.load %arg2[%get3A, %get3A_0] : memref<1024x16xf32, #tpu.memory_space<vmem>>, vector<1024x16xf32>
    %slice3A = vector.extract_strided_slice %get3A_1 {offsets = [0, 0], sizes = [1024, 1], strides = [1, 1]} : vector<1024x16xf32> to vector<1024x1xf32>
    %add3A = arith.constant 1.000000e+00 : f32
    %add3A_2 = vector.broadcast %add3A : f32 to vector<1024x1xf32>
    %add3A_3 = arith.addf %slice3A, %add3A_2 : vector<1024x1xf32>
    %rsqrt3A = math.rsqrt %add3A_3 : vector<1024x1xf32>
    %get3A_4 = arith.constant 0 : index
    %get3A_5 = arith.constant 0 : index
    %get3A_6 = vector.load %arg1[%get3A_4, %get3A_5] : memref<1024x128xf32, #tpu.memory_space<vmem>>, vector<1024x128xf32>
    %mul3A = vector.broadcast %rsqrt3A : vector<1024x1xf32> to vector<1024x128xf32>
    %mul3A_7 = arith.mulf %get3A_6, %mul3A : vector<1024x128xf32>
    %swap3A = arith.constant 0 : index
    %swap3A_8 = arith.constant 0 : index
    %swap3A_9 = arith.constant 0 : index
    %swap3A_10 = vector.load %arg3[%swap3A, %swap3A_8, %swap3A_9] : memref<2x1024x128xf32, #tpu.memory_space<vmem>>, vector<1x1024x128xf32>
    %swap3A_11 = vector.shape_cast %swap3A_10 : vector<1x1024x128xf32> to vector<1024x128xf32>
    %swap3A_12 = vector.shape_cast %mul3A_7 : vector<1024x128xf32> to vector<1x1024x128xf32>
    tpu.vector_store %arg3[%swap3A, %swap3A_8, %swap3A_9], %swap3A_12 {strides = array<i32>} : memref<2x1024x128xf32, #tpu.memory_space<vmem>>, vector<1x1024x128xf32>,
    %swap3A_13 = arith.constant 1 : index
    %swap3A_14 = arith.constant 0 : index
    %swap3A_15 = arith.constant 0 : index
    %swap3A_16 = vector.load %arg3[%swap3A_13, %swap3A_14, %swap3A_15] : memref<2x1024x128xf32, #tpu.memory_space<vmem>>, vector<1x1024x128xf32>
    %swap3A_17 = vector.shape_cast %swap3A_16 : vector<1x1024x128xf32> to vector<1024x128xf32>
    %swap3A_18 = vector.shape_cast %mul3A_7 : vector<1024x128xf32> to vector<1x1024x128xf32>
    tpu.vector_store %arg3[%swap3A_13, %swap3A_14, %swap3A_15], %swap3A_18 {strides = array<i32>} : memref<2x1024x128xf32, #tpu.memory_space<vmem>>, vector<1x1024x128xf32>,
    %swap3A_19 = arith.constant 0 : index
    %swap3A_20 = arith.constant 0 : index
    %swap3A_21 = vector.load %arg4[%swap3A_19, %swap3A_20] : memref<1024x1xf32, #tpu.memory_space<vmem>>, vector<1024x1xf32>
    tpu.vector_store %arg4[%swap3A_19, %swap3A_20], %rsqrt3A {strides = array<i32>} : memref<1024x1xf32, #tpu.memory_space<vmem>>, vector<1024x1xf32>,
    return
  }
  func.func @transform_0(%arg0: i32) -> (i32, i32) {
    %c0_i32 = arith.constant 0 : i32
    %c0_i32_0 = arith.constant 0 : i32
    return %arg0, %c0_i32 : i32, i32
  }
  func.func @transform_1(%arg0: i32) -> (i32, i32) {
    %c0_i32 = arith.constant 0 : i32
    %c0_i32_0 = arith.constant 0 : i32
    return %arg0, %c0_i32 : i32, i32
  }
  func.func @transform_2(%arg0: i32) -> (i32, i32, i32) {
    %c0_i32 = arith.constant 0 : i32
    %c0_i32_0 = arith.constant 0 : i32
    %c0_i32_1 = arith.constant 0 : i32
    return %c0_i32, %arg0, %c0_i32_0 : i32, i32, i32
  }
  func.func @transform_3(%arg0: i32) -> (i32, i32) {
    %c0_i32 = arith.constant 0 : i32
    %c0_i32_0 = arith.constant 0 : i32
    return %arg0, %c0_i32 : i32, i32
  }
}

module attributes {stable_mosaic.version = 14 : i64} {
  func.func @body(%arg0: i32, %arg1: memref<2x1024x128xf32, #tpu.memory_space<vmem>>, %arg2: memref<2x1024x128xf32, #tpu.memory_space<vmem>>, %arg3: memref<1024x1xf32, #tpu.memory_space<vmem>>, %arg4: memref<128x256xf32, #tpu.memory_space<vmem>>, %arg5: memref<1x256xf32, #tpu.memory_space<vmem>>, %arg6: memref<1x256xf32, #tpu.memory_space<vmem>>, %arg7: memref<1x256xf32, #tpu.memory_space<vmem>>, %arg8: memref<1x256xf32, #tpu.memory_space<vmem>>, %arg9: memref<1x256xf32, #tpu.memory_space<vmem>>, %arg10: memref<256x128xf32, #tpu.memory_space<vmem>>, %arg11: memref<2x1024x128xf32, #tpu.memory_space<vmem>>) attributes {dimension_semantics = [#tpu.dimension_semantics<arbitrary>], iteration_bounds = array<i64: 10>, scalar_prefetch = 0 : i64, scratch_operands = 0 : i64, tpu.core_type = #tpu.core_type<tc>, window_params = [{transform_indices = @transform_0, window_bounds = array<i64: 2, 1024, 128>}, {transform_indices = @transform_1, window_bounds = array<i64: 2, 1024, 128>}, {transform_indices = @transform_2, window_bounds = array<i64: 1024, 1>}, {pipeline_mode = #tpu.pipeline_mode<synchronous>, transform_indices = @transform_3, window_bounds = array<i64: 128, 256>}, {pipeline_mode = #tpu.pipeline_mode<synchronous>, transform_indices = @transform_4, window_bounds = array<i64: 1, 256>}, {pipeline_mode = #tpu.pipeline_mode<synchronous>, transform_indices = @transform_5, window_bounds = array<i64: 1, 256>}, {pipeline_mode = #tpu.pipeline_mode<synchronous>, transform_indices = @transform_6, window_bounds = array<i64: 1, 256>}, {pipeline_mode = #tpu.pipeline_mode<synchronous>, transform_indices = @transform_7, window_bounds = array<i64: 1, 256>}, {pipeline_mode = #tpu.pipeline_mode<synchronous>, transform_indices = @transform_8, window_bounds = array<i64: 1, 256>}, {pipeline_mode = #tpu.pipeline_mode<synchronous>, transform_indices = @transform_9, window_bounds = array<i64: 256, 128>}, {transform_indices = @transform_10, window_bounds = array<i64: 2, 1024, 128>}]} {
    %get3A = arith.constant 0 : index
    %get3A_0 = arith.constant 0 : index
    %get3A_1 = arith.constant 0 : index
    %get3A_2 = vector.load %arg1[%get3A, %get3A_0, %get3A_1] : memref<2x1024x128xf32, #tpu.memory_space<vmem>>, vector<1x1024x128xf32>
    %get3A_3 = vector.shape_cast %get3A_2 : vector<1x1024x128xf32> to vector<1024x128xf32>
    %get3A_4 = arith.constant 1 : index
    %get3A_5 = arith.constant 0 : index
    %get3A_6 = arith.constant 0 : index
    %get3A_7 = vector.load %arg1[%get3A_4, %get3A_5, %get3A_6] : memref<2x1024x128xf32, #tpu.memory_space<vmem>>, vector<1x1024x128xf32>
    %get3A_8 = vector.shape_cast %get3A_7 : vector<1x1024x128xf32> to vector<1024x128xf32>
    %add3A = arith.addf %get3A_3, %get3A_8 : vector<1024x128xf32>
    %get3A_9 = arith.constant 0 : index
    %get3A_10 = arith.constant 0 : index
    %get3A_11 = arith.constant 0 : index
    %get3A_12 = vector.load %arg2[%get3A_9, %get3A_10, %get3A_11] : memref<2x1024x128xf32, #tpu.memory_space<vmem>>, vector<1x1024x128xf32>
    %get3A_13 = vector.shape_cast %get3A_12 : vector<1x1024x128xf32> to vector<1024x128xf32>
    %add3A_14 = arith.addf %add3A, %get3A_13 : vector<1024x128xf32>
    %get3A_15 = arith.constant 0 : index
    %get3A_16 = arith.constant 0 : index
    %get3A_17 = vector.load %arg4[%get3A_15, %get3A_16] : memref<128x256xf32, #tpu.memory_space<vmem>>, vector<128x256xf32>
    %dot_general3A = arith.constant dense<0.000000e+00> : vector<1024x256xf32>
    %dot_general3A_18 = tpu.matmul %add3A_14, %get3A_17, %dot_general3A {dimension_numbers = #tpu.dot_dimension_numbers<[1], [0], [0], [1], [0, 0, 1, 1], [], []>, transpose_lhs_hint = false} : vector<1024x128xf32>, vector<128x256xf32>, vector<1024x256xf32> -> vector<1024x256xf32>
    %get3A_19 = arith.constant 0 : index
    %get3A_20 = arith.constant 0 : index
    %get3A_21 = vector.load %arg3[%get3A_19, %get3A_20] : memref<1024x1xf32, #tpu.memory_space<vmem>>, vector<1024x1xf32>
    %mul3A = vector.broadcast %get3A_21 : vector<1024x1xf32> to vector<1024x256xf32>
    %mul3A_22 = arith.mulf %mul3A, %dot_general3A_18 : vector<1024x256xf32>
    %get3A_23 = arith.constant 0 : index
    %get3A_24 = arith.constant 0 : index
    %get3A_25 = vector.load %arg5[%get3A_23, %get3A_24] : memref<1x256xf32, #tpu.memory_space<vmem>>, vector<1x256xf32>
    %add3A_26 = vector.broadcast %get3A_25 : vector<1x256xf32> to vector<1024x256xf32>
    %add3A_27 = arith.addf %mul3A_22, %add3A_26 : vector<1024x256xf32>
    %get3A_28 = arith.constant 0 : index
    %get3A_29 = arith.constant 0 : index
    %get3A_30 = vector.load %arg6[%get3A_28, %get3A_29] : memref<1x256xf32, #tpu.memory_space<vmem>>, vector<1x256xf32>
    %get3A_31 = arith.constant 0 : index
    %get3A_32 = arith.constant 0 : index
    %get3A_33 = vector.load %arg9[%get3A_31, %get3A_32] : memref<1x256xf32, #tpu.memory_space<vmem>>, vector<1x256xf32>
    %add3A_34 = arith.constant 9.99999974E-6 : f32
    %add3A_35 = vector.broadcast %add3A_34 : f32 to vector<1x256xf32>
    %add3A_36 = arith.addf %get3A_33, %add3A_35 : vector<1x256xf32>
    %rsqrt3A = math.rsqrt %add3A_36 : vector<1x256xf32>
    %mul3A_37 = arith.mulf %get3A_30, %rsqrt3A : vector<1x256xf32>
    %mul3A_38 = vector.broadcast %mul3A_37 : vector<1x256xf32> to vector<1024x256xf32>
    %mul3A_39 = arith.mulf %add3A_27, %mul3A_38 : vector<1024x256xf32>
    %get3A_40 = arith.constant 0 : index
    %get3A_41 = arith.constant 0 : index
    %get3A_42 = vector.load %arg7[%get3A_40, %get3A_41] : memref<1x256xf32, #tpu.memory_space<vmem>>, vector<1x256xf32>
    %get3A_43 = arith.constant 0 : index
    %get3A_44 = arith.constant 0 : index
    %get3A_45 = vector.load %arg8[%get3A_43, %get3A_44] : memref<1x256xf32, #tpu.memory_space<vmem>>, vector<1x256xf32>
    %mul3A_46 = arith.mulf %get3A_45, %mul3A_37 : vector<1x256xf32>
    %sub3A = arith.subf %get3A_42, %mul3A_46 : vector<1x256xf32>
    %add3A_47 = vector.broadcast %sub3A : vector<1x256xf32> to vector<1024x256xf32>
    %add3A_48 = arith.addf %mul3A_39, %add3A_47 : vector<1024x256xf32>
    %max3A = arith.constant 0.000000e+00 : f32
    %max3A_49 = vector.broadcast %max3A : f32 to vector<1024x256xf32>
    %max3A_50 = arith.maximumf %add3A_48, %max3A_49 : vector<1024x256xf32>
    %get3A_51 = arith.constant 0 : index
    %get3A_52 = arith.constant 0 : index
    %get3A_53 = vector.load %arg10[%get3A_51, %get3A_52] : memref<256x128xf32, #tpu.memory_space<vmem>>, vector<256x128xf32>
    %dot_general3A_54 = arith.constant dense<0.000000e+00> : vector<1024x128xf32>
    %dot_general3A_55 = tpu.matmul %max3A_50, %get3A_53, %dot_general3A_54 {dimension_numbers = #tpu.dot_dimension_numbers<[1], [0], [0], [1], [0, 0, 1, 1], [], []>, transpose_lhs_hint = false} : vector<1024x256xf32>, vector<256x128xf32>, vector<1024x128xf32> -> vector<1024x128xf32>
    %mul3A_56 = vector.broadcast %get3A_21 : vector<1024x1xf32> to vector<1024x128xf32>
    %mul3A_57 = arith.mulf %dot_general3A_55, %mul3A_56 : vector<1024x128xf32>
    %swap3A = arith.constant 0 : index
    %swap3A_58 = arith.constant 0 : index
    %swap3A_59 = arith.constant 0 : index
    %swap3A_60 = vector.load %arg11[%swap3A, %swap3A_58, %swap3A_59] : memref<2x1024x128xf32, #tpu.memory_space<vmem>>, vector<1x1024x128xf32>
    %swap3A_61 = vector.shape_cast %swap3A_60 : vector<1x1024x128xf32> to vector<1024x128xf32>
    %swap3A_62 = vector.shape_cast %mul3A_57 : vector<1024x128xf32> to vector<1x1024x128xf32>
    tpu.vector_store %arg11[%swap3A, %swap3A_58, %swap3A_59], %swap3A_62 {strides = array<i32>} : memref<2x1024x128xf32, #tpu.memory_space<vmem>>, vector<1x1024x128xf32>,
    %swap3A_63 = arith.constant 1 : index
    %swap3A_64 = arith.constant 0 : index
    %swap3A_65 = arith.constant 0 : index
    %swap3A_66 = vector.load %arg11[%swap3A_63, %swap3A_64, %swap3A_65] : memref<2x1024x128xf32, #tpu.memory_space<vmem>>, vector<1x1024x128xf32>
    %swap3A_67 = vector.shape_cast %swap3A_66 : vector<1x1024x128xf32> to vector<1024x128xf32>
    %swap3A_68 = vector.shape_cast %mul3A_57 : vector<1024x128xf32> to vector<1x1024x128xf32>
    tpu.vector_store %arg11[%swap3A_63, %swap3A_64, %swap3A_65], %swap3A_68 {strides = array<i32>} : memref<2x1024x128xf32, #tpu.memory_space<vmem>>, vector<1x1024x128xf32>,
    return
  }
  func.func @transform_0(%arg0: i32) -> (i32, i32, i32) {
    %c0_i32 = arith.constant 0 : i32
    %c0_i32_0 = arith.constant 0 : i32
    %c0_i32_1 = arith.constant 0 : i32
    return %c0_i32, %arg0, %c0_i32_0 : i32, i32, i32
  }
  func.func @transform_1(%arg0: i32) -> (i32, i32, i32) {
    %c0_i32 = arith.constant 0 : i32
    %c0_i32_0 = arith.constant 0 : i32
    %c0_i32_1 = arith.constant 0 : i32
    return %c0_i32, %arg0, %c0_i32_0 : i32, i32, i32
  }
  func.func @transform_2(%arg0: i32) -> (i32, i32) {
    %c0_i32 = arith.constant 0 : i32
    %c0_i32_0 = arith.constant 0 : i32
    return %arg0, %c0_i32 : i32, i32
  }
  func.func @transform_3(%arg0: i32) -> (i32, i32) {
    %c0_i32 = arith.constant 0 : i32
    %c0_i32_0 = arith.constant 0 : i32
    %c0_i32_1 = arith.constant 0 : i32
    return %c0_i32, %c0_i32_0 : i32, i32
  }
  func.func @transform_4(%arg0: i32) -> (i32, i32) {
    %c0_i32 = arith.constant 0 : i32
    %c0_i32_0 = arith.constant 0 : i32
    %c0_i32_1 = arith.constant 0 : i32
    return %c0_i32, %c0_i32_0 : i32, i32
  }
  func.func @transform_5(%arg0: i32) -> (i32, i32) {
    %c0_i32 = arith.constant 0 : i32
    %c0_i32_0 = arith.constant 0 : i32
    %c0_i32_1 = arith.constant 0 : i32
    return %c0_i32, %c0_i32_0 : i32, i32
  }
  func.func @transform_6(%arg0: i32) -> (i32, i32) {
    %c0_i32 = arith.constant 0 : i32
    %c0_i32_0 = arith.constant 0 : i32
    %c0_i32_1 = arith.constant 0 : i32
    return %c0_i32, %c0_i32_0 : i32, i32
  }
  func.func @transform_7(%arg0: i32) -> (i32, i32) {
    %c0_i32 = arith.constant 0 : i32
    %c0_i32_0 = arith.constant 0 : i32
    %c0_i32_1 = arith.constant 0 : i32
    return %c0_i32, %c0_i32_0 : i32, i32
  }
  func.func @transform_8(%arg0: i32) -> (i32, i32) {
    %c0_i32 = arith.constant 0 : i32
    %c0_i32_0 = arith.constant 0 : i32
    %c0_i32_1 = arith.constant 0 : i32
    return %c0_i32, %c0_i32_0 : i32, i32
  }
  func.func @transform_9(%arg0: i32) -> (i32, i32) {
    %c0_i32 = arith.constant 0 : i32
    %c0_i32_0 = arith.constant 0 : i32
    %c0_i32_1 = arith.constant 0 : i32
    return %c0_i32, %c0_i32_0 : i32, i32
  }
  func.func @transform_10(%arg0: i32) -> (i32, i32, i32) {
    %c0_i32 = arith.constant 0 : i32
    %c0_i32_0 = arith.constant 0 : i32
    %c0_i32_1 = arith.constant 0 : i32
    return %c0_i32, %arg0, %c0_i32_0 : i32, i32, i32
  }
}

module attributes {stable_mosaic.version = 14 : i64} {
  func.func @body(%arg0: i32, %arg1: memref<2x1024x128xf32, #tpu.memory_space<vmem>>, %arg2: memref<2x1024x128xf32, #tpu.memory_space<vmem>>, %arg3: memref<1024x1xf32, #tpu.memory_space<vmem>>, %arg4: memref<1x128xf32, #tpu.memory_space<vmem>>, %arg5: memref<1024x128xf32, #tpu.memory_space<vmem>>) attributes {dimension_semantics = [#tpu.dimension_semantics<arbitrary>], iteration_bounds = array<i64: 10>, scalar_prefetch = 0 : i64, scratch_operands = 0 : i64, tpu.core_type = #tpu.core_type<tc>, window_params = [{transform_indices = @transform_0, window_bounds = array<i64: 2, 1024, 128>}, {transform_indices = @transform_1, window_bounds = array<i64: 2, 1024, 128>}, {transform_indices = @transform_2, window_bounds = array<i64: 1024, 1>}, {pipeline_mode = #tpu.pipeline_mode<synchronous>, transform_indices = @transform_3, window_bounds = array<i64: 1, 128>}, {transform_indices = @transform_4, window_bounds = array<i64: 1024, 128>}]} {
    %get3A = arith.constant 0 : index
    %get3A_0 = arith.constant 0 : index
    %get3A_1 = vector.load %arg3[%get3A, %get3A_0] : memref<1024x1xf32, #tpu.memory_space<vmem>>, vector<1024x1xf32>
    %get3A_2 = arith.constant 0 : index
    %get3A_3 = arith.constant 0 : index
    %get3A_4 = arith.constant 0 : index
    %get3A_5 = vector.load %arg1[%get3A_2, %get3A_3, %get3A_4] : memref<2x1024x128xf32, #tpu.memory_space<vmem>>, vector<1x1024x128xf32>
    %get3A_6 = vector.shape_cast %get3A_5 : vector<1x1024x128xf32> to vector<1024x128xf32>
    %get3A_7 = arith.constant 1 : index
    %get3A_8 = arith.constant 0 : index
    %get3A_9 = arith.constant 0 : index
    %get3A_10 = vector.load %arg1[%get3A_7, %get3A_8, %get3A_9] : memref<2x1024x128xf32, #tpu.memory_space<vmem>>, vector<1x1024x128xf32>
    %get3A_11 = vector.shape_cast %get3A_10 : vector<1x1024x128xf32> to vector<1024x128xf32>
    %add3A = arith.addf %get3A_6, %get3A_11 : vector<1024x128xf32>
    %get3A_12 = arith.constant 0 : index
    %get3A_13 = arith.constant 0 : index
    %get3A_14 = arith.constant 0 : index
    %get3A_15 = vector.load %arg2[%get3A_12, %get3A_13, %get3A_14] : memref<2x1024x128xf32, #tpu.memory_space<vmem>>, vector<1x1024x128xf32>
    %get3A_16 = vector.shape_cast %get3A_15 : vector<1x1024x128xf32> to vector<1024x128xf32>
    %add3A_17 = arith.addf %add3A, %get3A_16 : vector<1024x128xf32>
    %mul3A = vector.broadcast %get3A_1 : vector<1024x1xf32> to vector<1024x128xf32>
    %mul3A_18 = arith.mulf %mul3A, %add3A_17 : vector<1024x128xf32>
    %get3A_19 = arith.constant 0 : index
    %get3A_20 = arith.constant 0 : index
    %get3A_21 = vector.load %arg4[%get3A_19, %get3A_20] : memref<1x128xf32, #tpu.memory_space<vmem>>, vector<1x128xf32>
    %add3A_22 = vector.broadcast %get3A_21 : vector<1x128xf32> to vector<1024x128xf32>
    %add3A_23 = arith.addf %mul3A_18, %add3A_22 : vector<1024x128xf32>
    %swap3A = arith.constant 0 : index
    %swap3A_24 = arith.constant 0 : index
    %swap3A_25 = vector.load %arg5[%swap3A, %swap3A_24] : memref<1024x128xf32, #tpu.memory_space<vmem>>, vector<1024x128xf32>
    tpu.vector_store %arg5[%swap3A, %swap3A_24], %add3A_23 {strides = array<i32>} : memref<1024x128xf32, #tpu.memory_space<vmem>>, vector<1024x128xf32>,
    return
  }
  func.func @transform_0(%arg0: i32) -> (i32, i32, i32) {
    %c0_i32 = arith.constant 0 : i32
    %c0_i32_0 = arith.constant 0 : i32
    %c0_i32_1 = arith.constant 0 : i32
    return %c0_i32, %arg0, %c0_i32_0 : i32, i32, i32
  }
  func.func @transform_1(%arg0: i32) -> (i32, i32, i32) {
    %c0_i32 = arith.constant 0 : i32
    %c0_i32_0 = arith.constant 0 : i32
    %c0_i32_1 = arith.constant 0 : i32
    return %c0_i32, %arg0, %c0_i32_0 : i32, i32, i32
  }
  func.func @transform_2(%arg0: i32) -> (i32, i32) {
    %c0_i32 = arith.constant 0 : i32
    %c0_i32_0 = arith.constant 0 : i32
    return %arg0, %c0_i32 : i32, i32
  }
  func.func @transform_3(%arg0: i32) -> (i32, i32) {
    %c0_i32 = arith.constant 0 : i32
    %c0_i32_0 = arith.constant 0 : i32
    %c0_i32_1 = arith.constant 0 : i32
    return %c0_i32, %c0_i32_0 : i32, i32
  }
  func.func @transform_4(%arg0: i32) -> (i32, i32) {
    %c0_i32 = arith.constant 0 : i32
    %c0_i32_0 = arith.constant 0 : i32
    return %arg0, %c0_i32 : i32, i32
  }
}

</mosaic_0001>

<sc_bundles>
// kernel: kernel.11.cloned.1.call-start
scs
__scs_entry_jumppad:
0x0: {  	(pc) =	sbr.rel $0x88, $3  }
0x1: {  	(tag) =	ssettag $0x0;
	lr =	simm.s32 $0x1  }
0x2: {  	[smem:$0x3F97] =	sst lr;
	_ =	strace $0xD0000000  }
0x3: {  	_ = 	snop  }
0x4: {  	_ = 	snop  }
0x5: {  	_ = 	snop  }
0x6: {  	_ = 	snop  }
0x7: {  	_ = 	snop  }
__scs_overlays_trampoline_lowered:
0x8: {  	[smem:$0x3FA6] =	sst s0  }
0x9: {  	[smem:$0x3FA7] =	sst s1  }
0xa: {  	[smem:$0x3FA8] =	sst s2  }
0xb: {  	[smem:$0x3FA9] =	sst s3  }
0xc: {  	[smem:$0x3FAA] =	sst s4  }
0xd: {  	[smem:$0x3FAB] =	sst s5  }
0xe: {  	[smem:$0x3FAC] =	sst s6  }
0xf: {  	[smem:$0x3FAD] =	sst s7  }
0x10: {  	[smem:$0x3FAE] =	sst s8  }
0x11: {  	[smem:$0x3FAF] =	sst s9;
	s0 =	simm.s32 @!p0 $0x0  }
0x12: {  	s1 =	sld [smem:$0x3F95];
	s0 =	simm.s32 @p0 $0x1  }
0x13: {  	[smem:$0x3FB0] =	sst s0;
	s0 =	simm.s32 @!p1 $0x0  }
0x14: {  	s2 =	sld [smem:$0x3F94];
	s0 =	simm.s32 @p1 $0x1  }
0x15: {  	[smem:$0x3FB1] =	sst s0;
	s0 =	simm.s32 @!p2 $0x0  }
0x16: {  	s3 =	sld [smem:$0x3FDB];
	s0 =	simm.s32 @p2 $0x1  }
0x17: {  	s4 =	simm.s32 $0x1BF5;
	[smem:$0x3FB3] =	sst s0  }
0x18: {  	s0 =	sld [smem:$0x3F96];
	_ =	swait.ge [sflag:s4], $0x0  }
0x19: {  	s7 =	sld [smem:$0x3F97]  }
0x1a: {  	s8 =	sadd.s32 $0xFFFFE003, lr  }
0x1b: {  	s9 =	sadd.s32 $0xFFFFFEF7, lr;
	s5 =	simm.s32 $0xFFFFFFFF;
	p2 =	slt.u32 s8, $0xFFFFF086  }
0x1c: {  	p1 =	slt.u32 s9, $0xF7A;
	s5 =	simm.s32 @!p2 $0x0  }
0x1d: {  	s5 =	simm.s32 @p1 $0x1;
	p0 =	seq.s32 s7, s2  }
0x1e: {  	s7 =	smul.u32 @!p0 $0xF7A, s2;
	p2 =	seq.s32 @!p0 s5, $0x0  }
0x1f: {  	s9 =	smul.u32 $0xF7A, s1;
	s8 =	simm.s32 @!p0 $0x1BF5;
	p2 =	por !p2, p0  }
0x20: {  	[sflag:s8] =	ssyncset.s32 @!p0 $0xFFFFF086;
	s6 =	sadd.s32 @!p0 s3, s7;
	s7 =	simm.s32 @!p0 $0x108  }
0x21: {  	s3 =	sadd.s32 s3, s9;
	s6 =	sadd.s32 @!p0 $0x88, s6;
	s7 =	simm.s32 @p2 $0x1082  }
0x22: {  	[simem:s7], [sflag:s8] =	dma.local @!p0 [hbm:s6], $0xF7A  }
0x23: {  	s9 =	sor.u32 $0xD0000000, s2;
	s6 =	simm.s32 $0x108;
	_ =	swait.ge @!p0 [sflag:s8], $0x0  }
0x24: {  	s3 =	sadd.s32 $0x88, s3;
	s6 =	simm.s32 @!p1 $0x1082;
	[sflag:s4] =	ssyncset.s32 $0xFFFFF086  }
0x25: {  	[simem:s6], [sflag:s4] =	dma.local [hbm:s3], $0xF7A  }
0x26: {  	[smem:$0x3F97] =	sst s1;
	(tag) =	ssettag s2;
	_ =	strace s9  }
0x27: {  	s1 =	sld [smem:$0x3FA7]  }
0x28: {  	s2 =	sld [smem:$0x3FA8]  }
0x29: {  	s4 =	sld [smem:$0x3FAA]  }
0x2a: {  	p0 =	seq.s32 s5, $0x0;
	s5 =	sld [smem:$0x3FAB]  }
0x2b: {  	s6 =	sld [smem:$0x3FAC]  }
0x2c: {  	s7 =	sld [smem:$0x3FAD]  }
0x2d: {  	s3 =	simm.s32 $0x108;
	s8 =	sld [smem:$0x3FAE]  }
0x2e: {  	s3 =	simm.s32 @!p0 $0x1082;
	s9 =	sld [smem:$0x3FAF]  }
0x2f: {  	lr =	sadd.s32 s0, s3;
	s0 =	sld [smem:$0x3FA6]  }
0x30: {  	s3 =	sld [smem:$0x3FA9]  }
0x31: {  	[smem:$0x3FB2] =	sst s10  }
0x32: {  	s10 =	sld [smem:$0x3FB0];
	_ =	sdelay $0x3  }
0x33: {  	p0 =	seq.s32 s10, $0x1;
	s10 =	sld [smem:$0x3FB2];
	_ =	sdelay $0x3  }
0x34: {  	[smem:$0x3FB2] =	sst s10  }
0x35: {  	s10 =	sld [smem:$0x3FB1];
	_ =	sdelay $0x3  }
0x36: {  	p1 =	seq.s32 s10, $0x1;
	s10 =	sld [smem:$0x3FB2];
	_ =	sdelay $0x3  }
0x37: {  	[smem:$0x3FB2] =	sst s10  }
0x38: {  	s10 =	sld [smem:$0x3FB3]  }
0x39: {  	_ = 	snop;
	(pc) =	sbr.ind lr, $3  }
0x3a: {  	_ = 	snop  }
0x3b: {  	_ = 	snop  }
0x3c: {  	p2 =	seq.s32 s10, $0x1;
	s10 =	sld [smem:$0x3FB2]  }
0x3d: {  	_ =	shalt  }
0x3e: {  	_ =	shalt  }
0x3f: {  	_ =	shalt  }
0x40: {  	_ =	shalt  }
0x41: {  	_ =	shalt  }
0x42: {  	_ =	shalt  }
0x43: {  	_ =	shalt  }
0x44: {  	_ =	shalt  }
0x45: {  	_ =	shalt  }
0x46: {  	_ =	shalt  }
0x47: {  	_ =	shalt  }
0x48: {  	_ =	shalt  }
0x49: {  	_ =	shalt  }
0x4a: {  	_ =	shalt  }
0x4b: {  	_ =	shalt  }
0x4c: {  	_ =	shalt  }
0x4d: {  	_ =	shalt  }
0x4e: {  	_ =	shalt  }
0x4f: {  	_ =	shalt  }
0x50: {  	_ =	shalt  }
0x51: {  	_ =	shalt  }
0x52: {  	_ =	shalt  }
0x53: {  	_ =	shalt  }
0x54: {  	_ =	shalt  }
0x55: {  	_ =	shalt  }
0x56: {  	_ =	shalt  }
0x57: {  	_ =	shalt  }
0x58: {  	_ =	shalt  }
0x59: {  	_ =	shalt  }
0x5a: {  	_ =	shalt  }
0x5b: {  	_ =	shalt  }
0x5c: {  	_ =	shalt  }
0x5d: {  	_ =	shalt  }
0x5e: {  	_ =	shalt  }
0x5f: {  	_ =	shalt  }
0x60: {  	_ =	shalt  }
0x61: {  	_ =	shalt  }
0x62: {  	_ =	shalt  }
0x63: {  	_ =	shalt  }
0x64: {  	_ =	shalt  }
0x65: {  	_ =	shalt  }
0x66: {  	_ =	shalt  }
0x67: {  	_ =	shalt  }
0x68: {  	_ =	shalt  }
0x69: {  	_ =	shalt  }
0x6a: {  	_ =	shalt  }
0x6b: {  	_ =	shalt  }
0x6c: {  	_ =	shalt  }
0x6d: {  	_ =	shalt  }
0x6e: {  	_ =	shalt  }
0x6f: {  	_ =	shalt  }
0x70: {  	_ =	shalt  }
0x71: {  	_ =	shalt  }
0x72: {  	_ =	shalt  }
0x73: {  	_ =	shalt  }
0x74: {  	_ =	shalt  }
0x75: {  	_ =	shalt  }
0x76: {  	_ =	shalt  }
0x77: {  	_ =	shalt  }
0x78: {  	_ =	shalt  }
0x79: {  	_ =	shalt  }
0x7a: {  	_ =	shalt  }
0x7b: {  	_ =	shalt  }
0x7c: {  	_ =	shalt  }
0x7d: {  	_ =	shalt  }
0x7e: {  	_ =	shalt  }
0x7f: {  	_ =	shalt  }
0x80: {  	_ =	shalt  }
0x81: {  	_ =	shalt  }
0x82: {  	_ =	shalt  }
0x83: {  	_ =	shalt  }
0x84: {  	_ =	shalt  }
0x85: {  	_ =	shalt  }
0x86: {  	_ =	shalt  }
0x87: {  	_ =	shalt  }
.Lfunc_end0:
.L_simem_size_0:
called_computation.1_lowered:
.L_overlay_start_0:
0x88: {  	s2 =	sld [smem:$0x3FD9]  }
0x89: {  	s3 =	sld [smem:$0x3FFE];
	_ =	sdelay $0x1  }
0x8a: {  	s1 =	srdreg.scid  }
0x8b: {  	s0 =	sand.u32 $0x1, s1  }
0x8c: {  	s17 =	sshll.u32 s0, $0xA;
	s2 =	sadd.s32 s3, s2  }
0x8d: {  	s2 =	sadd.s32 s2, s17  }
0x8e: {  	[smem:$0x3FBE] =	sst s2  }
0x8f: {  	_ = 	snop  }
0x90: {  	s2 =	sld [smem:$0x3FD0];
	(tm) =	ssettm $0x1  }
0x91: {  	s18 =	sld [smem:$0x3FFB];
	_ =	sdelay $0x3  }
0x92: {  	_ =	strace s18  }
0x93: {  	s3 =	sld [smem:$0x3FFC];
	_ =	sdelay $0x3  }
0x94: {  	_ =	strace s3  }
0x95: {  	s3 =	sld [smem:$0x3FFD];
	_ =	sdelay $0x3  }
0x96: {  	_ =	strace s3  }
0x97: {  	_ =	strace $0x8FFFFFFF  }
0x98: {  	s19 =	sld [smem:$0x3FDB];
	_ =	sdelay $0x1  }
0x99: {  	s4 =	simm.s32 $_scs_section_size  }
0x9a: {  	s5 =	simm.s32 $_size__tile_overlayer_lowered;
	s6 =	simm.s32 $_tile_overlayer_lowered  }
0x9b: {  	s22 =	simm.s32 $0x1BFF;
	s21 =	sshll.u32 s6, $0x1;
	s3 =	sadd.s32 s4, s19  }
0x9c: {  	s7 =	simm.s32 $0x0;
	s20 =	sshll.u32 s5, $0x1;
	s5 =	sadd.s32 s21, s3  }
0x9d: {  	[timem:s7], [sflag:s22] =	dma.local [hbm:s5], s20  }
0x9e: {  	_ =	swait.ge [sflag:s22], s20  }
0x9f: {  	s4 =	ssub.s32 $0x0, s20;
	[sflag:s22] =	ssyncset.done $0x0  }
0xa0: {  	[sflag:s22] =	ssyncadd.s32 s4;
	_ =	sdelay $0x1  }
0xa1: {  	s23 =	simm.s32 $0x1B8B  }
0xa2: {  	_ =	swait.ge [sflag:s23], $0x1  }
0xa3: {  	[sflag:s23] =	ssyncset.done $0x0  }
0xa4: {  	s25 =	simm.s32 $0x1B8E;
	s24 =	sld [smem:$0x3FFE];
	[sflag:s23] =	ssyncadd.s32 $0xFFFFFFFF  }
0xa5: {  	s26 =	simm.s32 $execute0_lowered;
	[smem:$0x3FD2] =	sst s25  }
0xa6: {  	s5 =	sshll.u32 s26, $0x1;
	_ =	strace $0x80000049;
	[dreg:$0x1] =	wrdreg $0xFFFFFFFF  }
0xa7: {  	s28 =	simm.s32 $_size_execute0_lowered;
	s3 =	sadd.s32 s3, s5;
	[dreg:$0x0] =	wrdreg $0x0  }
0xa8: {  	s5 =	sshll.u32 s28, $0x1;
	[dreg:$0x2] =	wrdreg s3  }
0xa9: {  	[dreg:$0x3] =	wrdreg s5  }
0xaa: {  	[dreg:$0x4] =	wrdreg $0xC0  }
0xab: {  	_ =	task [dreg:s7], $0x5FFFF  }
0xac: {  	[dreg:$0x1] =	wrdreg $0xFFFFFFFF  }
0xad: {  	[dreg:$0x0] =	wrdreg $0x60  }
0xae: {  	[dreg:$0x2] =	wrdreg s24  }
0xaf: {  	[dreg:$0x3] =	wrdreg s2  }
0xb0: {  	[dreg:$0x4] =	wrdreg $0x0  }
0xb1: {  	[dreg:$0x5] =	wrdreg $0x9  }
0xb2: {  	_ =	task.clear_ibuf [dreg:s7], $0x6FFFF;
	_ =	strace $0x90000049  }
0xb3: {  	s29 =	simm.s32 $0x9;
	_ =	strace $0x8000004B  }
0xb4: {  	_ =	swait.ge [sflag:s29], $0x1  }
0xb5: {  	[sflag:s29] =	ssyncadd.s32 $0xFFFFFFFF  }
0xb6: {  	_ =	strace $0x9000004B  }
0xb7: {  	_ =	sfence  }
0xb8: {  	s30 =	sld [smem:$0x0];
	_ =	sdelay $0x2  }
0xb9: {  	s31 =	sshll.u32 s1, $0xD;
	s1 =	sshrl.u32 s1, $0x2  }
0xba: {  	s3 =	sand.u32 $0x4000, s31;
	s1 =	sadd.s32 s1, s30  }
0xbb: {  	s0 =	sor.u32 s3, s0;
	s1 =	sshll.u32 s1, $0x11  }
0xbc: {  	s0 =	sor.u32 s1, s0  }
0xbd: {  	s0 =	sadd.s32 $0x8F2B, s0  }
0xbe: {  	[sflag:s0] =	ssyncadd.remote.s32 $0x1  }
0xbf: {  	_ =	sfence.sel $0xFFFF  }
0xc0: {  	[dreg:$0x0] =	wrdreg $0xFFFFFFFF;
	(pc) =	sbr.abs _section_cstart, $3  }
0xc1: {  	[dreg:$0x1] =	wrdreg $0xFFFFFFFF  }
0xc2: {  	_ =	task.clear_ibuf [dreg:s7], $0x2FFFF;
	_ =	strace $0x9FFFFFFF  }
0xc3: {  	(tm) =	ssettm $0x7FFFFFFF  }
tec
execute0_lowered:
.L_overlay_start_1:
0x0: {  	(tag) =	ssettag $0x1  }
0x1: {  	s3 =	rddreg [dreg:$0x0];
	s0 =	srdreg.scid  }
0x2: {  	s1 =	rddreg [dreg:$0x1];
	s6 =	sand.u32 $0x1, s0  }
0x3: {  	s2 =	rddreg [dreg:$0x2];
	s10 =	simm.s32 $0x70;
	p0 =	seq.s32 s6, $0x0  }
0x4: {  	s4 =	simm.s32 $0x0;
	s12 =	stileid.u32;
	s10 =	simm.s32 @!p0 $0x30  }
0x5: {  	[smem:$0x7FF] =	sst s4;
	s8 =	smul.u32 $0x14000, s12;
	s22 =	sadd.s32 $0xFFFFFFFF, s10  }
0x6: {  	_ =	strace $0x8000004A;
	s23 =	sadd.s32 $0xFFFFFFFE, s10;
	[dreg:$0x4] =	wrdreg s22  }
0x7: {  	s11 =	smul.u32 $0x50000, s12;
	s24 =	sadd.s32 $0xFFFFFFFD, s10;
	[dreg:$0x5] =	wrdreg s23  }
0x8: {  	s7 =	smul.u32 $0x140000, s6;
	s25 =	sadd.s32 $0xFFFFFFFC, s10;
	[dreg:$0x6] =	wrdreg s24  }
0x9: {  	s9 =	sshrl.u32 s8, $0x3;
	s30 =	sadd.s32 $0xFFFFFFFB, s10;
	[dreg:$0x7] =	wrdreg s25  }
0xa: {  	s14 =	sshrl.u32 s11, $0x2;
	s31 =	sadd.s32 $0xFFFFFFFA, s10;
	[dreg:$0x8] =	wrdreg s30  }
0xb: {  	s21 =	sshrl.u32 s7, $0x3;
	s13 =	sadd.s32 $0xFFFFFFF9, s10;
	[dreg:$0x9] =	wrdreg s31  }
0xc: {  	s7 =	sadd.s32 s8, s7;
	s8 =	sadd.s32 s14, s2;
	[dreg:$0xa] =	wrdreg s13  }
0xd: {  	s15 =	sadd.s32 $0xFFFFFFF8, s10;
	[smem:$0x7F4] =	sst s8  }
0xe: {  	s16 =	sadd.s32 $0xFFFFFFF7, s10;
	[dreg:$0xb] =	wrdreg s15  }
0xf: {  	s6 =	ssub.s32 $0x2, s6;
	s18 =	sadd.s32 $0xFFFFFFF6, s10;
	[dreg:$0xc] =	wrdreg s16  }
0x10: {  	s26 =	sshrl.u32 s6, $0x1;
	s20 =	sadd.s32 $0xFFFFFFF5, s10;
	[dreg:$0xd] =	wrdreg s18  }
0x11: {  	s6 =	ssub.s32 s6, s26;
	s26 =	sadd.s32 $0xFFFFFFF0, s10;
	[dreg:$0xe] =	wrdreg s20  }
0x12: {  	s9 =	sadd.s32 s9, s3;
	s14 =	simm.s32 $0x14900;
	[dreg:$0x13] =	wrdreg s26  }
0x13: {  	s17 =	sadd.s32 $0x70600, s9;
	[dreg:$0x16] =	wrdreg s14  }
0x14: {  	s0 =	sadd.s32 s21, s3;
	s21 =	sadd.s32 $0xFFFFFFF4, s10;
	[smem:$0x7F5] =	sst s17  }
0x15: {  	s28 =	simm.s32 $0x2;
	s23 =	sadd.s32 $0xFFFFFFF3, s10;
	[dreg:$0xf] =	wrdreg s21  }
0x16: {  	s29 =	simm.s32 $0x0;
	s24 =	sadd.s32 $0xFFFFFFF2, s10;
	[dreg:$0x10] =	wrdreg s23  }
0x17: {  	s5 =	sadd.s32 $0x16600, s3;
	s25 =	sadd.s32 $0xFFFFFFF1, s10;
	[dreg:$0x11] =	wrdreg s24  }
0x18: {  	s19 =	sshll.u32 s12, $0x6;
	s10 =	sshrl.u32 s10, $0x4;
	[dreg:$0x12] =	wrdreg s25  }
0x19: {  	s11 =	smul.u32 $0x70, s12;
	s30 =	simm.s32 $0x14880;
	[smem:$0x7F6] =	sst s10  }
0x1a: {  	s7 =	sshrl.u32 s7, $0x3;
	s16 =	simm.s32 $0x14980;
	[dreg:$0x14] =	wrdreg s30  }
0x1b: {  	s8 =	sor.u32 $0x1C04, s19;
	s19 =	smax.u32 s6, $0x1;
	[dreg:$0x17] =	wrdreg s16  }
0x1c: {  	s22 =	smul.u32 $0x30, s12;
	s18 =	simm.s32 $0x14A80;
	[smem:$0x7F8] =	sst s19  }
0x1d: {  	s20 =	simm.s32 $0x14B00;
	s26 =	simm.s32 $0x14E80;
	[dreg:$0x19] =	wrdreg s18  }
0x1e: {  	s3 =	sadd.s32 s7, s3;
	s10 =	simm.s32 $0x14400;
	[dreg:$0x1a] =	wrdreg s20  }
0x1f: {  	s13 =	sadd.s32 $0x20600, s0;
	s17 =	simm.s32 $0x14A00;
	[smem:$0x7FB] =	sst s26  }
0x20: {  	s21 =	simm.s32 $0x14B80;
	s18 =	simm.s32 $0x4;
	[dreg:$0x15] =	wrdreg s10  }
0x21: {  	s23 =	simm.s32 $0x14D00;
	s19 =	simm.s32 $0x14000;
	[dreg:$0x18] =	wrdreg s17  }
0x22: {  	s24 =	simm.s32 $0x14D80;
	s20 =	simm.s32 $0x14800;
	[dreg:$0x1b] =	wrdreg s21  }
0x23: {  	s25 =	simm.s32 $0x14E00;
	s30 =	simm.s32 $0x14F00;
	[dreg:$0x1d] =	wrdreg s23  }
0x24: {  	s26 =	simm.s32 $0x3;
	s9 =	sadd.s32 $0x700, s22;
	[dreg:$0x1e] =	wrdreg s24  }
0x25: {  	s3 =	sadd.s32 $0x98600, s3;
	s22 =	simm.s32 $0x14C80;
	[dreg:$0x1f] =	wrdreg s25  }
0x26: {  	s21 =	simm.s32 $0x80;
	[smem:$0x7FC] =	sst s30;
	s9 =	smov.u32 @p0 s11  }
0x27: {  	s23 =	simm.s32 $0x1;
	[smem:$0x7F7] =	sst s3;
	s31 =	sshll.u32 s9, $0x4  }
0x28: {  	s24 =	simm.s32 $0x19000;
	[dreg:$0x1c] =	wrdreg s22;
	s11 =	sadd.s32 s5, s31  }
0x29: {  	s25 =	simm.s32 $0x14C00;
	s15 =	sadd.s32 s1, s31;
	[smem:$0x7F9] =	sst s11  }
0x2a: {  	s22 =	simm.s32 $0x15000;
	s31 =	simm.s32 $0x14F80;
	[smem:$0x7FA] =	sst s15  }
0x2b: {  	s16 =	sadd.s32 $0x80, s11;
	s17 =	sadd.s32 $0x80, s15;
	[smem:$0x7FD] =	sst s31  }
.LBB2_1:
0x2c: {  	s0 =	sld [smem:$0x7F4]  }
0x2d: {  	s11 =	sld [smem:$0x7F5];
	_ =	sdelay $0x1  }
0x2e: {  	s30 =	sshrl.u32 s0, $0x3  }
0x2f: {  	[spmem:s30], [sflag:s8] =	dma.local [hbm:s11], $0x2800  }
0x30: {  	_ =	swait.ge [sflag:s18], $0x2800  }
0x31: {  	[sflag:s18] =	ssyncset.done $0x0  }
0x32: {  	[sflag:s18] =	ssyncadd.s32 $0xFFFFD800  }
0x33: {  	[bflag:$0x0] =	sbarrier.arrive $0xFFFF  }
0x34: {  	s12 =	sld [smem:$0x7F9];
	_ =	sdelay $0x2  }
0x35: {  	[tilespmem:s19], [sflag:$0x4] =	stream.linear.gather [hbm4b:s12+s4], $0x400, $0x38;
	[tilespmem:$0x1D000] =	vst v63  }
0x36: {  	_ =	swait.ge [sflag:s18], $0x400  }
0x37: {  	s14 =	sld [smem:$0x7FA]  }
0x38: {  	[sflag:s18] =	ssyncset.done $0x0  }
0x39: {  	[sflag:s18] =	ssyncadd.s32 $0xFFFFFC00  }
0x3a: {  	[tilespmem:s20], [sflag:$0x4] =	stream.linear.gather [hbm4b:s14+s4], $0x400, $0x38;
	[tilespmem:$0x1D000] =	vst v63  }
0x3b: {  	_ =	swait.ge [sflag:s18], $0x400  }
0x3c: {  	[sflag:s18] =	ssyncset.done $0x0  }
0x3d: {  	[sflag:s18] =	ssyncadd.s32 $0xFFFFFC00  }
0x3e: {  	[tilespmem:s22], [sflag:$0x1] =	stream.indirect.gather [hbm4b:s13+s21], $0x80, s19, s21, $0xb8;
	[tilespmem:$0x1D000] =	vst v63  }
0x3f: {  	_ =	swait.ge [sflag:s23], $0x4000  }
0x40: {  	[sflag:s23] =	ssyncset.done $0x0;
	s15 =	rddreg [dreg:$0x4]  }
0x41: {  	[sflag:s23] =	ssyncadd.s32 $0xFFFFC000;
	p0 =	sle.u32 s15, $0x0  }
0x42: {  	[spmem:s2] =	stream.indirect.scatter.add.f32 [tilespmem:s22], [sflag:$0x2], $0x80, s20, s21, $0xb8;
	[tilespmem:$0x1D000] =	vst v63  }
0x43: {  	p1 =	por @!p0 $0x1, $0x1  }
0x44: {  	p1 =	por p1, p0  }
0x45: {  	s0 =	simm.s32 @!p1 $0x2  }
0x46: {  	_ =	swait.ge @!p1 [sflag:s0], $0x4000  }
0x47: {  	s3 =	simm.s32 @!p0 $0x19000;
	[sflag:s0] =	ssyncset.done @!p1 $0x0  }
0x48: {  	s6 =	simm.s32 @!p0 $0x14080;
	[sflag:s0] =	ssyncadd.s32 @!p1 $0xFFFFC000;
	s0 =	simm.s32 @!p0 $0x80  }
0x49: {  	[tilespmem:s3], [sflag:$0x1] =	stream.indirect.gather @!p0 [hbm4b:s13+s0], $0x80, s6, s0, $0xb8;
	[tilespmem:$0x1D000] =	vst v63  }
0x4a: {  	_ =	swait.ge [sflag:s23], $0x4000  }
0x4b: {  	s3 =	rddreg [dreg:$0x5]  }
0x4c: {  	[sflag:s23] =	ssyncset.done $0x0;
	p0 =	sle.u32 s3, $0x0  }
0x4d: {  	s6 =	rddreg [dreg:$0x14];
	[sflag:s23] =	ssyncadd.s32 $0xFFFFC000;
	s0 =	simm.s32 @!p0 $0x2  }
0x4e: {  	[spmem:s2] =	stream.indirect.scatter.add.f32 [tilespmem:s24], [sflag:$0x2], $0x80, s6, s21, $0xb8;
	[tilespmem:$0x1D000] =	vst v63  }
0x4f: {  	_ =	swait.ge @!p0 [sflag:s0], $0x4000  }
0x50: {  	s3 =	simm.s32 @!p0 $0x14100;
	[sflag:s0] =	ssyncset.done @!p0 $0x0  }
0x51: {  	s6 =	simm.s32 @!p0 $0x15000;
	s7 =	simm.s32 @!p0 $0x80;
	[sflag:s0] =	ssyncadd.s32 @!p0 $0xFFFFC000  }
0x52: {  	[tilespmem:s6], [sflag:$0x1] =	stream.indirect.gather @!p0 [hbm4b:s13+s7], $0x80, s3, s7, $0xb8;
	[tilespmem:$0x1D000] =	vst v63  }
0x53: {  	s31 =	rddreg [dreg:$0x15]  }
0x54: {  	[tilespmem:s31], [sflag:$0x3] =	stream.linear.gather [hbm4b:s16+s4], $0x400, $0x38;
	[tilespmem:$0x1D000] =	vst v63  }
0x55: {  	_ = 	snop  }
0x56: {  	[tilespmem:s25], [sflag:$0x3] =	stream.linear.gather [hbm4b:s17+s4], $0x400, $0x38;
	[tilespmem:$0x1D000] =	vst v63  }
0x57: {  	_ =	swait.ge [sflag:s23], $0x4000  }
0x58: {  	s7 =	rddreg [dreg:$0x6]  }
0x59: {  	[sflag:s23] =	ssyncset.done $0x0;
	p0 =	sle.u32 s7, $0x0  }
0x5a: {  	s10 =	rddreg [dreg:$0x16];
	[sflag:s23] =	ssyncadd.s32 $0xFFFFC000;
	s0 =	simm.s32 @!p0 $0x2  }
0x5b: {  	[spmem:s2] =	stream.indirect.scatter.add.f32 [tilespmem:s22], [sflag:$0x2], $0x80, s10, s21, $0xb8;
	[tilespmem:$0x1D000] =	vst v63  }
0x5c: {  	_ =	swait.ge @!p0 [sflag:s0], $0x4000  }
0x5d: {  	s3 =	simm.s32 @!p0 $0x19000;
	[sflag:s0] =	ssyncset.done @!p0 $0x0  }
0x5e: {  	s6 =	simm.s32 @!p0 $0x80;
	s7 =	simm.s32 @!p0 $0x14180;
	[sflag:s0] =	ssyncadd.s32 @!p0 $0xFFFFC000  }
0x5f: {  	[tilespmem:s3], [sflag:$0x1] =	stream.indirect.gather @!p0 [hbm4b:s13+s6], $0x80, s7, s6, $0xb8;
	[tilespmem:$0x1D000] =	vst v63  }
0x60: {  	_ =	swait.ge [sflag:s23], $0x4000  }
0x61: {  	s11 =	rddreg [dreg:$0x7]  }
0x62: {  	[sflag:s23] =	ssyncset.done $0x0;
	p0 =	sle.u32 s11, $0x0  }
0x63: {  	s12 =	rddreg [dreg:$0x17];
	[sflag:s23] =	ssyncadd.s32 $0xFFFFC000;
	s0 =	simm.s32 @!p0 $0x2  }
0x64: {  	[spmem:s2] =	stream.indirect.scatter.add.f32 [tilespmem:s24], [sflag:$0x2], $0x80, s12, s21, $0xb8;
	[tilespmem:$0x1D000] =	vst v63  }
0x65: {  	_ =	swait.ge @!p0 [sflag:s0], $0x4000  }
0x66: {  	s3 =	simm.s32 @!p0 $0x15000;
	[sflag:s0] =	ssyncset.done @!p0 $0x0  }
0x67: {  	s6 =	simm.s32 @!p0 $0x80;
	s7 =	simm.s32 @!p0 $0x14200;
	[sflag:s0] =	ssyncadd.s32 @!p0 $0xFFFFC000  }
0x68: {  	[tilespmem:s3], [sflag:$0x1] =	stream.indirect.gather @!p0 [hbm4b:s13+s6], $0x80, s7, s6, $0xb8;
	[tilespmem:$0x1D000] =	vst v63  }
0x69: {  	_ =	swait.ge [sflag:s23], $0x4000  }
0x6a: {  	s14 =	rddreg [dreg:$0x8]  }
0x6b: {  	[sflag:s23] =	ssyncset.done $0x0;
	p0 =	sle.u32 s14, $0x0  }
0x6c: {  	s15 =	rddreg [dreg:$0x18];
	[sflag:s23] =	ssyncadd.s32 $0xFFFFC000;
	s0 =	simm.s32 @!p0 $0x2  }
0x6d: {  	[spmem:s2] =	stream.indirect.scatter.add.f32 [tilespmem:s22], [sflag:$0x2], $0x80, s15, s21, $0xb8;
	[tilespmem:$0x1D000] =	vst v63  }
0x6e: {  	_ =	swait.ge @!p0 [sflag:s0], $0x4000  }
0x6f: {  	s3 =	simm.s32 @!p0 $0x19000;
	[sflag:s0] =	ssyncset.done @!p0 $0x0  }
0x70: {  	s6 =	simm.s32 @!p0 $0x80;
	s7 =	simm.s32 @!p0 $0x14280;
	[sflag:s0] =	ssyncadd.s32 @!p0 $0xFFFFC000  }
0x71: {  	[tilespmem:s3], [sflag:$0x1] =	stream.indirect.gather @!p0 [hbm4b:s13+s6], $0x80, s7, s6, $0xb8;
	[tilespmem:$0x1D000] =	vst v63  }
0x72: {  	_ =	swait.ge [sflag:s23], $0x4000  }
0x73: {  	s3 =	rddreg [dreg:$0x9]  }
0x74: {  	[sflag:s23] =	ssyncset.done $0x0;
	p0 =	sle.u32 s3, $0x0  }
0x75: {  	s6 =	rddreg [dreg:$0x19];
	[sflag:s23] =	ssyncadd.s32 $0xFFFFC000;
	s0 =	simm.s32 @!p0 $0x2  }
0x76: {  	[spmem:s2] =	stream.indirect.scatter.add.f32 [tilespmem:s24], [sflag:$0x2], $0x80, s6, s21, $0xb8;
	[tilespmem:$0x1D000] =	vst v63  }
0x77: {  	_ =	swait.ge @!p0 [sflag:s0], $0x4000  }
0x78: {  	s3 =	simm.s32 @!p0 $0x15000;
	[sflag:s0] =	ssyncset.done @!p0 $0x0  }
0x79: {  	s6 =	simm.s32 @!p0 $0x80;
	s7 =	simm.s32 @!p0 $0x14300;
	[sflag:s0] =	ssyncadd.s32 @!p0 $0xFFFFC000  }
0x7a: {  	[tilespmem:s3], [sflag:$0x1] =	stream.indirect.gather @!p0 [hbm4b:s13+s6], $0x80, s7, s6, $0xb8;
	[tilespmem:$0x1D000] =	vst v63  }
0x7b: {  	_ =	swait.ge [sflag:s23], $0x4000  }
0x7c: {  	s7 =	rddreg [dreg:$0xa]  }
0x7d: {  	[sflag:s23] =	ssyncset.done $0x0;
	p0 =	sle.u32 s7, $0x0  }
0x7e: {  	s10 =	rddreg [dreg:$0x1a];
	[sflag:s23] =	ssyncadd.s32 $0xFFFFC000;
	s0 =	simm.s32 @!p0 $0x2  }
0x7f: {  	[spmem:s2] =	stream.indirect.scatter.add.f32 [tilespmem:s22], [sflag:$0x2], $0x80, s10, s21, $0xb8;
	[tilespmem:$0x1D000] =	vst v63  }
0x80: {  	_ =	swait.ge @!p0 [sflag:s0], $0x4000  }
0x81: {  	s3 =	simm.s32 @!p0 $0x19000;
	[sflag:s0] =	ssyncset.done @!p0 $0x0  }
0x82: {  	s6 =	simm.s32 @!p0 $0x80;
	s7 =	simm.s32 @!p0 $0x14380;
	[sflag:s0] =	ssyncadd.s32 @!p0 $0xFFFFC000  }
0x83: {  	[tilespmem:s3], [sflag:$0x1] =	stream.indirect.gather @!p0 [hbm4b:s13+s6], $0x80, s7, s6, $0xb8;
	[tilespmem:$0x1D000] =	vst v63  }
0x84: {  	_ =	swait.ge [sflag:s26], $0x400  }
0x85: {  	[sflag:s26] =	ssyncset.done $0x0  }
0x86: {  	[sflag:s26] =	ssyncadd.s32 $0xFFFFFC00  }
0x87: {  	_ =	swait.ge [sflag:s26], $0x400  }
0x88: {  	[sflag:s26] =	ssyncset.done $0x0  }
0x89: {  	[sflag:s26] =	ssyncadd.s32 $0xFFFFFC00  }
0x8a: {  	_ =	swait.ge [sflag:s23], $0x4000  }
0x8b: {  	s11 =	rddreg [dreg:$0xb]  }
0x8c: {  	[sflag:s23] =	ssyncset.done $0x0;
	p0 =	sle.u32 s11, $0x0  }
0x8d: {  	s12 =	rddreg [dreg:$0x1b];
	[sflag:s23] =	ssyncadd.s32 $0xFFFFC000;
	s0 =	simm.s32 @!p0 $0x2  }
0x8e: {  	[spmem:s2] =	stream.indirect.scatter.add.f32 [tilespmem:s24], [sflag:$0x2], $0x80, s12, s21, $0xb8;
	[tilespmem:$0x1D000] =	vst v63  }
0x8f: {  	_ =	swait.ge @!p0 [sflag:s0], $0x4000  }
0x90: {  	s3 =	simm.s32 @!p0 $0x15000;
	[sflag:s0] =	ssyncset.done @!p0 $0x0  }
0x91: {  	s6 =	simm.s32 @!p0 $0x80;
	s7 =	simm.s32 @!p0 $0x14400;
	[sflag:s0] =	ssyncadd.s32 @!p0 $0xFFFFC000  }
0x92: {  	[tilespmem:s3], [sflag:$0x1] =	stream.indirect.gather @!p0 [hbm4b:s13+s6], $0x80, s7, s6, $0xb8;
	[tilespmem:$0x1D000] =	vst v63  }
0x93: {  	_ =	swait.ge [sflag:s23], $0x4000  }
0x94: {  	s3 =	sadd.s32 $0x0, s9;
	[sflag:s23] =	ssyncset.done $0x0;
	s14 =	rddreg [dreg:$0xc]  }
0x95: {  	p1 =	slt.s32 s3, $0x9E8;
	[sflag:s23] =	ssyncadd.s32 $0xFFFFC000;
	p0 =	sle.u32 s14, $0x0  }
0x96: {  	[spmem:s2] =	stream.indirect.scatter.add.f32 [tilespmem:s22], [sflag:$0x2], $0x80, s25, s21, $0xb8;
	[tilespmem:$0x1D000] =	vst v63  }
0x97: {  	s3 =	simm.s32 @!p1 $0x9E8;
	s0 =	simm.s32 @!p0 $0x2  }
0x98: {  	s3 =	sshll.u32 s3, $0x4;
	s6 =	simm.s32 @!p0 $0x19000;
	_ =	swait.ge @!p0 [sflag:s0], $0x4000  }
0x99: {  	s7 =	simm.s32 @!p0 $0x80;
	s3 =	sadd.s32 $0x100, s3;
	[sflag:s0] =	ssyncset.done @!p0 $0x0  }
0x9a: {  	s3 =	sand.u32 $0x1FFFFFF0, s3;
	[sflag:s0] =	ssyncadd.s32 @!p0 $0xFFFFC000;
	s0 =	simm.s32 @!p0 $0x14480  }
0x9b: {  	[tilespmem:s6], [sflag:$0x1] =	stream.indirect.gather @!p0 [hbm4b:s13+s7], $0x80, s0, s7, $0xb8;
	[tilespmem:$0x1D000] =	vst v63  }
0x9c: {  	s15 =	sadd.s32 s5, s3  }
0x9d: {  	[tilespmem:s19], [sflag:$0x3] =	stream.linear.gather [hbm4b:s15+s4], $0x400, $0x38;
	[tilespmem:$0x1D000] =	vst v63  }
0x9e: {  	s6 =	sadd.s32 s1, s3  }
0x9f: {  	[tilespmem:s20], [sflag:$0x3] =	stream.linear.gather [hbm4b:s6+s4], $0x400, $0x38;
	[tilespmem:$0x1D000] =	vst v63  }
0xa0: {  	_ =	swait.ge [sflag:s23], $0x4000  }
0xa1: {  	s7 =	rddreg [dreg:$0xd]  }
0xa2: {  	[sflag:s23] =	ssyncset.done $0x0;
	p0 =	sle.u32 s7, $0x0  }
0xa3: {  	s10 =	rddreg [dreg:$0x1c];
	[sflag:s23] =	ssyncadd.s32 $0xFFFFC000;
	s0 =	simm.s32 @!p0 $0x2  }
0xa4: {  	[spmem:s2] =	stream.indirect.scatter.add.f32 [tilespmem:s24], [sflag:$0x2], $0x80, s10, s21, $0xb8;
	[tilespmem:$0x1D000] =	vst v63  }
0xa5: {  	_ =	swait.ge @!p0 [sflag:s0], $0x4000  }
0xa6: {  	s3 =	simm.s32 @!p0 $0x15000;
	[sflag:s0] =	ssyncset.done @!p0 $0x0  }
0xa7: {  	s6 =	simm.s32 @!p0 $0x80;
	s7 =	simm.s32 @!p0 $0x14500;
	[sflag:s0] =	ssyncadd.s32 @!p0 $0xFFFFC000  }
0xa8: {  	[tilespmem:s3], [sflag:$0x1] =	stream.indirect.gather @!p0 [hbm4b:s13+s6], $0x80, s7, s6, $0xb8;
	[tilespmem:$0x1D000] =	vst v63  }
0xa9: {  	_ =	swait.ge [sflag:s23], $0x4000  }
0xaa: {  	s11 =	rddreg [dreg:$0xe]  }
0xab: {  	[sflag:s23] =	ssyncset.done $0x0;
	p0 =	sle.u32 s11, $0x0  }
0xac: {  	s12 =	rddreg [dreg:$0x1d];
	[sflag:s23] =	ssyncadd.s32 $0xFFFFC000;
	s0 =	simm.s32 @!p0 $0x2  }
0xad: {  	[spmem:s2] =	stream.indirect.scatter.add.f32 [tilespmem:s22], [sflag:$0x2], $0x80, s12, s21, $0xb8;
	[tilespmem:$0x1D000] =	vst v63  }
0xae: {  	_ =	swait.ge @!p0 [sflag:s0], $0x4000  }
0xaf: {  	s3 =	simm.s32 @!p0 $0x19000;
	[sflag:s0] =	ssyncset.done @!p0 $0x0  }
0xb0: {  	s6 =	simm.s32 @!p0 $0x80;
	s7 =	simm.s32 @!p0 $0x14580;
	[sflag:s0] =	ssyncadd.s32 @!p0 $0xFFFFC000  }
0xb1: {  	[tilespmem:s3], [sflag:$0x1] =	stream.indirect.gather @!p0 [hbm4b:s13+s6], $0x80, s7, s6, $0xb8;
	[tilespmem:$0x1D000] =	vst v63  }
0xb2: {  	_ =	swait.ge [sflag:s23], $0x4000  }
0xb3: {  	s14 =	rddreg [dreg:$0xf]  }
0xb4: {  	[sflag:s23] =	ssyncset.done $0x0;
	p0 =	sle.u32 s14, $0x0  }
0xb5: {  	s15 =	rddreg [dreg:$0x1e];
	[sflag:s23] =	ssyncadd.s32 $0xFFFFC000;
	s0 =	simm.s32 @!p0 $0x2  }
0xb6: {  	[spmem:s2] =	stream.indirect.scatter.add.f32 [tilespmem:s24], [sflag:$0x2], $0x80, s15, s21, $0xb8;
	[tilespmem:$0x1D000] =	vst v63  }
0xb7: {  	_ =	swait.ge @!p0 [sflag:s0], $0x4000  }
0xb8: {  	s3 =	simm.s32 @!p0 $0x15000;
	[sflag:s0] =	ssyncset.done @!p0 $0x0  }
0xb9: {  	s6 =	simm.s32 @!p0 $0x80;
	s7 =	simm.s32 @!p0 $0x14600;
	[sflag:s0] =	ssyncadd.s32 @!p0 $0xFFFFC000  }
0xba: {  	[tilespmem:s3], [sflag:$0x1] =	stream.indirect.gather @!p0 [hbm4b:s13+s6], $0x80, s7, s6, $0xb8;
	[tilespmem:$0x1D000] =	vst v63  }
0xbb: {  	_ =	swait.ge [sflag:s23], $0x4000  }
0xbc: {  	s6 =	rddreg [dreg:$0x10]  }
0xbd: {  	[sflag:s23] =	ssyncset.done $0x0;
	p0 =	sle.u32 s6, $0x0  }
0xbe: {  	s7 =	rddreg [dreg:$0x1f];
	[sflag:s23] =	ssyncadd.s32 $0xFFFFC000;
	s0 =	simm.s32 @!p0 $0x2  }
0xbf: {  	[spmem:s2] =	stream.indirect.scatter.add.f32 [tilespmem:s22], [sflag:$0x2], $0x80, s7, s21, $0xb8;
	[tilespmem:$0x1D000] =	vst v63  }
0xc0: {  	_ =	swait.ge @!p0 [sflag:s0], $0x4000  }
0xc1: {  	s3 =	simm.s32 @!p0 $0x19000;
	[sflag:s0] =	ssyncset.done @!p0 $0x0  }
0xc2: {  	s6 =	simm.s32 @!p0 $0x80;
	s7 =	simm.s32 @!p0 $0x14680;
	[sflag:s0] =	ssyncadd.s32 @!p0 $0xFFFFC000  }
0xc3: {  	[tilespmem:s3], [sflag:$0x1] =	stream.indirect.gather @!p0 [hbm4b:s13+s6], $0x80, s7, s6, $0xb8;
	[tilespmem:$0x1D000] =	vst v63  }
0xc4: {  	_ =	swait.ge [sflag:s23], $0x4000  }
0xc5: {  	s10 =	rddreg [dreg:$0x11]  }
0xc6: {  	s11 =	sld [smem:$0x7FB]  }
0xc7: {  	[sflag:s23] =	ssyncset.done $0x0;
	p0 =	sle.u32 s10, $0x0  }
0xc8: {  	[sflag:s23] =	ssyncadd.s32 $0xFFFFC000;
	s0 =	simm.s32 @!p0 $0x2  }
0xc9: {  	[spmem:s2] =	stream.indirect.scatter.add.f32 [tilespmem:s24], [sflag:$0x2], $0x80, s11, s21, $0xb8;
	[tilespmem:$0x1D000] =	vst v63  }
0xca: {  	_ =	swait.ge @!p0 [sflag:s0], $0x4000  }
0xcb: {  	s3 =	simm.s32 @!p0 $0x15000;
	[sflag:s0] =	ssyncset.done @!p0 $0x0  }
0xcc: {  	s6 =	simm.s32 @!p0 $0x80;
	s7 =	simm.s32 @!p0 $0x14700;
	[sflag:s0] =	ssyncadd.s32 @!p0 $0xFFFFC000  }
0xcd: {  	[tilespmem:s3], [sflag:$0x1] =	stream.indirect.gather @!p0 [hbm4b:s13+s6], $0x80, s7, s6, $0xb8;
	[tilespmem:$0x1D000] =	vst v63  }
0xce: {  	_ =	swait.ge [sflag:s23], $0x4000  }
0xcf: {  	s12 =	rddreg [dreg:$0x12]  }
0xd0: {  	s14 =	sld [smem:$0x7FC]  }
0xd1: {  	[sflag:s23] =	ssyncset.done $0x0;
	p0 =	sle.u32 s12, $0x0  }
0xd2: {  	[sflag:s23] =	ssyncadd.s32 $0xFFFFC000;
	s0 =	simm.s32 @!p0 $0x2  }
0xd3: {  	[spmem:s2] =	stream.indirect.scatter.add.f32 [tilespmem:s22], [sflag:$0x2], $0x80, s14, s21, $0xb8;
	[tilespmem:$0x1D000] =	vst v63  }
0xd4: {  	_ =	swait.ge @!p0 [sflag:s0], $0x4000  }
0xd5: {  	s3 =	simm.s32 @!p0 $0x19000;
	[sflag:s0] =	ssyncset.done @!p0 $0x0;
	s15 =	sld [smem:$0x7F6]  }
0xd6: {  	s6 =	simm.s32 @!p0 $0x80;
	s7 =	simm.s32 @!p0 $0x14780;
	[sflag:s0] =	ssyncadd.s32 @!p0 $0xFFFFC000  }
0xd7: {  	[tilespmem:s3], [sflag:$0x1] =	stream.indirect.gather @!p0 [hbm4b:s13+s6], $0x80, s7, s6, $0xb8;
	[tilespmem:$0x1D000] =	vst v63  }
0xd8: {  	s0 =	sadd.s32 $0xFFFFFFFF, s15  }
0xd9: {  	p0 =	sne.s32 s0, $0x0  }
.Ltmp0:
0xda: {  	_ = 	snop;
	(pc) =	sbr.rel @!p0 .LBB2_3-.Ltmp0, $3  }
0xdb: {  	_ =	sdelay $0x1  }
0xdc: {  	s31 =	simm.s32 $0x0;
	s3 =	sadd.s32 $0x100, s16;
	_ =	swait.ge [sflag:s26], $0x400  }
0xdd: {  	s6 =	sadd.s32 $0x100, s17;
	s7 =	simm.s32 $0x0;
	[sflag:s26] =	ssyncset.done $0x0  }
.LBB2_2:
0xde: {  	[sflag:s26] =	ssyncadd.s32 $0xFFFFFC00  }
0xdf: {  	_ =	swait.ge [sflag:s26], $0x400  }
0xe0: {  	[sflag:s26] =	ssyncset.done $0x0  }
0xe1: {  	[sflag:s26] =	ssyncadd.s32 $0xFFFFFC00  }
0xe2: {  	_ =	swait.ge [sflag:s23], $0x4000  }
0xe3: {  	s10 =	rddreg [dreg:$0x13]  }
0xe4: {  	s14 =	sld [smem:$0x7FD]  }
0xe5: {  	[sflag:s23] =	ssyncset.done $0x0;
	p1 =	sge.u32 s31, s10  }
0xe6: {  	[sflag:s23] =	ssyncadd.s32 $0xFFFFC000;
	s10 =	simm.s32 @!p1 $0x2  }
0xe7: {  	[spmem:s2] =	stream.indirect.scatter.add.f32 [tilespmem:s24], [sflag:$0x2], $0x80, s14, s21, $0xb8;
	[tilespmem:$0x1D000] =	vst v63  }
0xe8: {  	_ =	swait.ge @!p1 [sflag:s10], $0x4000  }
0xe9: {  	s15 =	simm.s32 @!p1 $0x80;
	[sflag:s10] =	ssyncset.done @!p1 $0x0  }
0xea: {  	s11 =	simm.s32 @!p1 $0x14000;
	s14 =	simm.s32 @!p1 $0x15000;
	[sflag:s10] =	ssyncadd.s32 @!p1 $0xFFFFC000  }
0xeb: {  	[tilespmem:s14], [sflag:$0x1] =	stream.indirect.gather @!p1 [hbm4b:s13+s15], $0x80, s11, s15, $0xb8;
	[tilespmem:$0x1D000] =	vst v63  }
0xec: {  	_ =	swait.ge [sflag:s23], $0x4000  }
0xed: {  	s7 =	sadd.s32 $0x10, s7;
	[sflag:s23] =	ssyncset.done $0x0;
	s15 =	rddreg [dreg:$0x4]  }
0xee: {  	[sflag:s23] =	ssyncadd.s32 $0xFFFFC000;
	p1 =	sge.u32 s7, s15  }
0xef: {  	[spmem:s2] =	stream.indirect.scatter.add.f32 [tilespmem:s22], [sflag:$0x2], $0x80, s20, s21, $0xb8;
	[tilespmem:$0x1D000] =	vst v63  }
0xf0: {  	p2 =	seq.s32 @!p1 s7, $0x0  }
0xf1: {  	p2 =	por p2, p1  }
0xf2: {  	s10 =	simm.s32 @!p2 $0x2  }
0xf3: {  	_ =	swait.ge @!p2 [sflag:s10], $0x4000  }
0xf4: {  	s11 =	simm.s32 @!p1 $0x19000;
	[sflag:s10] =	ssyncset.done @!p2 $0x0  }
0xf5: {  	s14 =	simm.s32 @!p1 $0x14080;
	[sflag:s10] =	ssyncadd.s32 @!p2 $0xFFFFC000;
	s10 =	simm.s32 @!p1 $0x80  }
0xf6: {  	[tilespmem:s11], [sflag:$0x1] =	stream.indirect.gather @!p1 [hbm4b:s13+s10], $0x80, s14, s10, $0xb8;
	[tilespmem:$0x1D000] =	vst v63  }
0xf7: {  	_ =	swait.ge [sflag:s23], $0x4000  }
0xf8: {  	s11 =	rddreg [dreg:$0x5]  }
0xf9: {  	[sflag:s23] =	ssyncset.done $0x0;
	p1 =	sge.u32 s7, s11  }
0xfa: {  	s12 =	rddreg [dreg:$0x14];
	[sflag:s23] =	ssyncadd.s32 $0xFFFFC000;
	s10 =	simm.s32 @!p1 $0x2  }
0xfb: {  	[spmem:s2] =	stream.indirect.scatter.add.f32 [tilespmem:s24], [sflag:$0x2], $0x80, s12, s21, $0xb8;
	[tilespmem:$0x1D000] =	vst v63  }
0xfc: {  	_ =	swait.ge @!p1 [sflag:s10], $0x4000  }
0xfd: {  	s11 =	simm.s32 @!p1 $0x14100;
	[sflag:s10] =	ssyncset.done @!p1 $0x0  }
0xfe: {  	s14 =	simm.s32 @!p1 $0x15000;
	s15 =	simm.s32 @!p1 $0x80;
	[sflag:s10] =	ssyncadd.s32 @!p1 $0xFFFFC000  }
0xff: {  	[tilespmem:s14], [sflag:$0x1] =	stream.indirect.gather @!p1 [hbm4b:s13+s15], $0x80, s11, s15, $0xb8;
	[tilespmem:$0x1D000] =	vst v63  }
0x100: {  	s12 =	rddreg [dreg:$0x15]  }
0x101: {  	[tilespmem:s12], [sflag:$0x3] =	stream.linear.gather [hbm4b:s3+s4], $0x400, $0x38;
	[tilespmem:$0x1D000] =	vst v63  }
0x102: {  	_ = 	snop  }
0x103: {  	[tilespmem:s25], [sflag:$0x3] =	stream.linear.gather [hbm4b:s6+s4], $0x400, $0x38;
	[tilespmem:$0x1D000] =	vst v63  }
0x104: {  	_ =	swait.ge [sflag:s23], $0x4000  }
0x105: {  	s14 =	rddreg [dreg:$0x6]  }
0x106: {  	[sflag:s23] =	ssyncset.done $0x0;
	p1 =	sge.u32 s7, s14  }
0x107: {  	s15 =	rddreg [dreg:$0x16];
	[sflag:s23] =	ssyncadd.s32 $0xFFFFC000;
	s10 =	simm.s32 @!p1 $0x2  }
0x108: {  	[spmem:s2] =	stream.indirect.scatter.add.f32 [tilespmem:s22], [sflag:$0x2], $0x80, s15, s21, $0xb8;
	[tilespmem:$0x1D000] =	vst v63  }
0x109: {  	_ =	swait.ge @!p1 [sflag:s10], $0x4000  }
0x10a: {  	s11 =	simm.s32 @!p1 $0x19000;
	[sflag:s10] =	ssyncset.done @!p1 $0x0  }
0x10b: {  	s12 =	simm.s32 @!p1 $0x80;
	s14 =	simm.s32 @!p1 $0x14180;
	[sflag:s10] =	ssyncadd.s32 @!p1 $0xFFFFC000  }
0x10c: {  	[tilespmem:s11], [sflag:$0x1] =	stream.indirect.gather @!p1 [hbm4b:s13+s12], $0x80, s14, s12, $0xb8;
	[tilespmem:$0x1D000] =	vst v63  }
0x10d: {  	_ =	swait.ge [sflag:s23], $0x4000  }
0x10e: {  	s11 =	rddreg [dreg:$0x7]  }
0x10f: {  	[sflag:s23] =	ssyncset.done $0x0;
	p1 =	sge.u32 s7, s11  }
0x110: {  	s12 =	rddreg [dreg:$0x17];
	[sflag:s23] =	ssyncadd.s32 $0xFFFFC000;
	s10 =	simm.s32 @!p1 $0x2  }
0x111: {  	[spmem:s2] =	stream.indirect.scatter.add.f32 [tilespmem:s24], [sflag:$0x2], $0x80, s12, s21, $0xb8;
	[tilespmem:$0x1D000] =	vst v63  }
0x112: {  	_ =	swait.ge @!p1 [sflag:s10], $0x4000  }
0x113: {  	s11 =	simm.s32 @!p1 $0x15000;
	[sflag:s10] =	ssyncset.done @!p1 $0x0  }
0x114: {  	s12 =	simm.s32 @!p1 $0x80;
	s14 =	simm.s32 @!p1 $0x14200;
	[sflag:s10] =	ssyncadd.s32 @!p1 $0xFFFFC000  }
0x115: {  	[tilespmem:s11], [sflag:$0x1] =	stream.indirect.gather @!p1 [hbm4b:s13+s12], $0x80, s14, s12, $0xb8;
	[tilespmem:$0x1D000] =	vst v63  }
0x116: {  	_ =	swait.ge [sflag:s23], $0x4000  }
0x117: {  	s14 =	rddreg [dreg:$0x8]  }
0x118: {  	[sflag:s23] =	ssyncset.done $0x0;
	p1 =	sge.u32 s7, s14  }
0x119: {  	s15 =	rddreg [dreg:$0x18];
	[sflag:s23] =	ssyncadd.s32 $0xFFFFC000;
	s10 =	simm.s32 @!p1 $0x2  }
0x11a: {  	[spmem:s2] =	stream.indirect.scatter.add.f32 [tilespmem:s22], [sflag:$0x2], $0x80, s15, s21, $0xb8;
	[tilespmem:$0x1D000] =	vst v63  }
0x11b: {  	_ =	swait.ge @!p1 [sflag:s10], $0x4000  }
0x11c: {  	s11 =	simm.s32 @!p1 $0x19000;
	[sflag:s10] =	ssyncset.done @!p1 $0x0  }
0x11d: {  	s12 =	simm.s32 @!p1 $0x80;
	s14 =	simm.s32 @!p1 $0x14280;
	[sflag:s10] =	ssyncadd.s32 @!p1 $0xFFFFC000  }
0x11e: {  	[tilespmem:s11], [sflag:$0x1] =	stream.indirect.gather @!p1 [hbm4b:s13+s12], $0x80, s14, s12, $0xb8;
	[tilespmem:$0x1D000] =	vst v63  }
0x11f: {  	_ =	swait.ge [sflag:s23], $0x4000  }
0x120: {  	s11 =	rddreg [dreg:$0x9]  }
0x121: {  	[sflag:s23] =	ssyncset.done $0x0;
	p1 =	sge.u32 s7, s11  }
0x122: {  	s12 =	rddreg [dreg:$0x19];
	[sflag:s23] =	ssyncadd.s32 $0xFFFFC000;
	s10 =	simm.s32 @!p1 $0x2  }
0x123: {  	[spmem:s2] =	stream.indirect.scatter.add.f32 [tilespmem:s24], [sflag:$0x2], $0x80, s12, s21, $0xb8;
	[tilespmem:$0x1D000] =	vst v63  }
0x124: {  	_ =	swait.ge @!p1 [sflag:s10], $0x4000  }
0x125: {  	s11 =	simm.s32 @!p1 $0x15000;
	[sflag:s10] =	ssyncset.done @!p1 $0x0  }
0x126: {  	s12 =	simm.s32 @!p1 $0x80;
	s14 =	simm.s32 @!p1 $0x14300;
	[sflag:s10] =	ssyncadd.s32 @!p1 $0xFFFFC000  }
0x127: {  	[tilespmem:s11], [sflag:$0x1] =	stream.indirect.gather @!p1 [hbm4b:s13+s12], $0x80, s14, s12, $0xb8;
	[tilespmem:$0x1D000] =	vst v63  }
0x128: {  	_ =	swait.ge [sflag:s23], $0x4000  }
0x129: {  	s14 =	rddreg [dreg:$0xa]  }
0x12a: {  	[sflag:s23] =	ssyncset.done $0x0;
	p1 =	sge.u32 s7, s14  }
0x12b: {  	s15 =	rddreg [dreg:$0x1a];
	[sflag:s23] =	ssyncadd.s32 $0xFFFFC000;
	s10 =	simm.s32 @!p1 $0x2  }
0x12c: {  	[spmem:s2] =	stream.indirect.scatter.add.f32 [tilespmem:s22], [sflag:$0x2], $0x80, s15, s21, $0xb8;
	[tilespmem:$0x1D000] =	vst v63  }
0x12d: {  	_ =	swait.ge @!p1 [sflag:s10], $0x4000  }
0x12e: {  	s11 =	simm.s32 @!p1 $0x19000;
	[sflag:s10] =	ssyncset.done @!p1 $0x0  }
0x12f: {  	s12 =	simm.s32 @!p1 $0x80;
	s14 =	simm.s32 @!p1 $0x14380;
	[sflag:s10] =	ssyncadd.s32 @!p1 $0xFFFFC000  }
0x130: {  	[tilespmem:s11], [sflag:$0x1] =	stream.indirect.gather @!p1 [hbm4b:s13+s12], $0x80, s14, s12, $0xb8;
	[tilespmem:$0x1D000] =	vst v63  }
0x131: {  	_ =	swait.ge [sflag:s26], $0x400  }
0x132: {  	[sflag:s26] =	ssyncset.done $0x0  }
0x133: {  	[sflag:s26] =	ssyncadd.s32 $0xFFFFFC00  }
0x134: {  	_ =	swait.ge [sflag:s26], $0x400  }
0x135: {  	[sflag:s26] =	ssyncset.done $0x0  }
0x136: {  	[sflag:s26] =	ssyncadd.s32 $0xFFFFFC00  }
0x137: {  	_ =	swait.ge [sflag:s23], $0x4000  }
0x138: {  	s11 =	rddreg [dreg:$0xb]  }
0x139: {  	[sflag:s23] =	ssyncset.done $0x0;
	p1 =	sge.u32 s7, s11  }
0x13a: {  	s12 =	rddreg [dreg:$0x1b];
	[sflag:s23] =	ssyncadd.s32 $0xFFFFC000;
	s10 =	simm.s32 @!p1 $0x2  }
0x13b: {  	[spmem:s2] =	stream.indirect.scatter.add.f32 [tilespmem:s24], [sflag:$0x2], $0x80, s12, s21, $0xb8;
	[tilespmem:$0x1D000] =	vst v63  }
0x13c: {  	_ =	swait.ge @!p1 [sflag:s10], $0x4000  }
0x13d: {  	s11 =	simm.s32 @!p1 $0x15000;
	[sflag:s10] =	ssyncset.done @!p1 $0x0  }
0x13e: {  	s12 =	simm.s32 @!p1 $0x80;
	s14 =	simm.s32 @!p1 $0x14400;
	[sflag:s10] =	ssyncadd.s32 @!p1 $0xFFFFC000  }
0x13f: {  	[tilespmem:s11], [sflag:$0x1] =	stream.indirect.gather @!p1 [hbm4b:s13+s12], $0x80, s14, s12, $0xb8;
	[tilespmem:$0x1D000] =	vst v63  }
0x140: {  	_ =	swait.ge [sflag:s23], $0x4000  }
0x141: {  	s11 =	sadd.s32 s7, s9;
	[sflag:s23] =	ssyncset.done $0x0;
	s14 =	rddreg [dreg:$0xc]  }
0x142: {  	p2 =	slt.s32 s11, $0x9E8;
	[sflag:s23] =	ssyncadd.s32 $0xFFFFC000;
	p1 =	sge.u32 s7, s14  }
0x143: {  	[spmem:s2] =	stream.indirect.scatter.add.f32 [tilespmem:s22], [sflag:$0x2], $0x80, s25, s21, $0xb8;
	[tilespmem:$0x1D000] =	vst v63  }
0x144: {  	s11 =	simm.s32 @!p2 $0x9E8;
	s10 =	simm.s32 @!p1 $0x2  }
0x145: {  	s11 =	sshll.u32 s11, $0x4;
	s12 =	simm.s32 @!p1 $0x19000;
	_ =	swait.ge @!p1 [sflag:s10], $0x4000  }
0x146: {  	s14 =	simm.s32 @!p1 $0x80;
	s11 =	sadd.s32 $0x100, s11;
	[sflag:s10] =	ssyncset.done @!p1 $0x0  }
0x147: {  	s11 =	sand.u32 $0x1FFFFFF0, s11;
	[sflag:s10] =	ssyncadd.s32 @!p1 $0xFFFFC000;
	s10 =	simm.s32 @!p1 $0x14480  }
0x148: {  	[tilespmem:s12], [sflag:$0x1] =	stream.indirect.gather @!p1 [hbm4b:s13+s14], $0x80, s10, s14, $0xb8;
	[tilespmem:$0x1D000] =	vst v63  }
0x149: {  	s15 =	sadd.s32 s5, s11  }
0x14a: {  	[tilespmem:s19], [sflag:$0x3] =	stream.linear.gather [hbm4b:s15+s4], $0x400, $0x38;
	[tilespmem:$0x1D000] =	vst v63  }
0x14b: {  	s11 =	sadd.s32 s1, s11  }
0x14c: {  	[tilespmem:s20], [sflag:$0x3] =	stream.linear.gather [hbm4b:s11+s4], $0x400, $0x38;
	[tilespmem:$0x1D000] =	vst v63  }
0x14d: {  	_ =	swait.ge [sflag:s23], $0x4000  }
0x14e: {  	s11 =	rddreg [dreg:$0xd]  }
0x14f: {  	[sflag:s23] =	ssyncset.done $0x0;
	p1 =	sge.u32 s7, s11  }
0x150: {  	s12 =	rddreg [dreg:$0x1c];
	[sflag:s23] =	ssyncadd.s32 $0xFFFFC000;
	s10 =	simm.s32 @!p1 $0x2  }
0x151: {  	[spmem:s2] =	stream.indirect.scatter.add.f32 [tilespmem:s24], [sflag:$0x2], $0x80, s12, s21, $0xb8;
	[tilespmem:$0x1D000] =	vst v63  }
0x152: {  	_ =	swait.ge @!p1 [sflag:s10], $0x4000  }
0x153: {  	s11 =	simm.s32 @!p1 $0x15000;
	[sflag:s10] =	ssyncset.done @!p1 $0x0  }
0x154: {  	s12 =	simm.s32 @!p1 $0x80;
	s14 =	simm.s32 @!p1 $0x14500;
	[sflag:s10] =	ssyncadd.s32 @!p1 $0xFFFFC000  }
0x155: {  	[tilespmem:s11], [sflag:$0x1] =	stream.indirect.gather @!p1 [hbm4b:s13+s12], $0x80, s14, s12, $0xb8;
	[tilespmem:$0x1D000] =	vst v63  }
0x156: {  	_ =	swait.ge [sflag:s23], $0x4000  }
0x157: {  	s14 =	rddreg [dreg:$0xe]  }
0x158: {  	[sflag:s23] =	ssyncset.done $0x0;
	p1 =	sge.u32 s7, s14  }
0x159: {  	s15 =	rddreg [dreg:$0x1d];
	[sflag:s23] =	ssyncadd.s32 $0xFFFFC000;
	s10 =	simm.s32 @!p1 $0x2  }
0x15a: {  	[spmem:s2] =	stream.indirect.scatter.add.f32 [tilespmem:s22], [sflag:$0x2], $0x80, s15, s21, $0xb8;
	[tilespmem:$0x1D000] =	vst v63  }
0x15b: {  	_ =	swait.ge @!p1 [sflag:s10], $0x4000  }
0x15c: {  	s11 =	simm.s32 @!p1 $0x19000;
	[sflag:s10] =	ssyncset.done @!p1 $0x0  }
0x15d: {  	s12 =	simm.s32 @!p1 $0x80;
	s14 =	simm.s32 @!p1 $0x14580;
	[sflag:s10] =	ssyncadd.s32 @!p1 $0xFFFFC000  }
0x15e: {  	[tilespmem:s11], [sflag:$0x1] =	stream.indirect.gather @!p1 [hbm4b:s13+s12], $0x80, s14, s12, $0xb8;
	[tilespmem:$0x1D000] =	vst v63  }
0x15f: {  	_ =	swait.ge [sflag:s23], $0x4000  }
0x160: {  	s11 =	rddreg [dreg:$0xf]  }
0x161: {  	[sflag:s23] =	ssyncset.done $0x0;
	p1 =	sge.u32 s7, s11  }
0x162: {  	s12 =	rddreg [dreg:$0x1e];
	[sflag:s23] =	ssyncadd.s32 $0xFFFFC000;
	s10 =	simm.s32 @!p1 $0x2  }
0x163: {  	[spmem:s2] =	stream.indirect.scatter.add.f32 [tilespmem:s24], [sflag:$0x2], $0x80, s12, s21, $0xb8;
	[tilespmem:$0x1D000] =	vst v63  }
0x164: {  	_ =	swait.ge @!p1 [sflag:s10], $0x4000  }
0x165: {  	s11 =	simm.s32 @!p1 $0x15000;
	[sflag:s10] =	ssyncset.done @!p1 $0x0  }
0x166: {  	s12 =	simm.s32 @!p1 $0x80;
	s14 =	simm.s32 @!p1 $0x14600;
	[sflag:s10] =	ssyncadd.s32 @!p1 $0xFFFFC000  }
0x167: {  	[tilespmem:s11], [sflag:$0x1] =	stream.indirect.gather @!p1 [hbm4b:s13+s12], $0x80, s14, s12, $0xb8;
	[tilespmem:$0x1D000] =	vst v63  }
0x168: {  	_ =	swait.ge [sflag:s23], $0x4000  }
0x169: {  	s14 =	rddreg [dreg:$0x10]  }
0x16a: {  	[sflag:s23] =	ssyncset.done $0x0;
	p1 =	sge.u32 s7, s14  }
0x16b: {  	s15 =	rddreg [dreg:$0x1f];
	[sflag:s23] =	ssyncadd.s32 $0xFFFFC000;
	s10 =	simm.s32 @!p1 $0x2  }
0x16c: {  	[spmem:s2] =	stream.indirect.scatter.add.f32 [tilespmem:s22], [sflag:$0x2], $0x80, s15, s21, $0xb8;
	[tilespmem:$0x1D000] =	vst v63  }
0x16d: {  	_ =	swait.ge @!p1 [sflag:s10], $0x4000  }
0x16e: {  	s11 =	simm.s32 @!p1 $0x19000;
	[sflag:s10] =	ssyncset.done @!p1 $0x0  }
0x16f: {  	s12 =	simm.s32 @!p1 $0x80;
	s14 =	simm.s32 @!p1 $0x14680;
	[sflag:s10] =	ssyncadd.s32 @!p1 $0xFFFFC000  }
0x170: {  	[tilespmem:s11], [sflag:$0x1] =	stream.indirect.gather @!p1 [hbm4b:s13+s12], $0x80, s14, s12, $0xb8;
	[tilespmem:$0x1D000] =	vst v63  }
0x171: {  	_ =	swait.ge [sflag:s23], $0x4000  }
0x172: {  	s11 =	rddreg [dreg:$0x11]  }
0x173: {  	s12 =	sld [smem:$0x7FB]  }
0x174: {  	[sflag:s23] =	ssyncset.done $0x0;
	p1 =	sge.u32 s7, s11  }
0x175: {  	[sflag:s23] =	ssyncadd.s32 $0xFFFFC000;
	s10 =	simm.s32 @!p1 $0x2  }
0x176: {  	[spmem:s2] =	stream.indirect.scatter.add.f32 [tilespmem:s24], [sflag:$0x2], $0x80, s12, s21, $0xb8;
	[tilespmem:$0x1D000] =	vst v63  }
0x177: {  	_ =	swait.ge @!p1 [sflag:s10], $0x4000  }
0x178: {  	s11 =	simm.s32 @!p1 $0x15000;
	[sflag:s10] =	ssyncset.done @!p1 $0x0  }
0x179: {  	s14 =	simm.s32 @!p1 $0x14700;
	s12 =	simm.s32 @!p1 $0x80;
	[sflag:s10] =	ssyncadd.s32 @!p1 $0xFFFFC000  }
0x17a: {  	[tilespmem:s11], [sflag:$0x1] =	stream.indirect.gather @!p1 [hbm4b:s13+s12], $0x80, s14, s12, $0xb8;
	[tilespmem:$0x1D000] =	vst v63  }
0x17b: {  	_ =	swait.ge [sflag:s23], $0x4000  }
0x17c: {  	s14 =	rddreg [dreg:$0x12]  }
0x17d: {  	s15 =	sld [smem:$0x7FC]  }
0x17e: {  	[sflag:s23] =	ssyncset.done $0x0;
	p1 =	sge.u32 s7, s14  }
0x17f: {  	s0 =	sadd.s32 $0xFFFFFFFF, s0;
	[sflag:s23] =	ssyncadd.s32 $0xFFFFC000;
	s10 =	simm.s32 @!p1 $0x2  }
0x180: {  	[spmem:s2] =	stream.indirect.scatter.add.f32 [tilespmem:s22], [sflag:$0x2], $0x80, s15, s21, $0xb8;
	[tilespmem:$0x1D000] =	vst v63  }
0x181: {  	p0 =	sne.s32 s0, $0x0;
	_ =	swait.ge @!p1 [sflag:s10], $0x4000  }
.Ltmp1:
0x182: {  	s11 =	simm.s32 @!p1 $0x19000;
	[sflag:s10] =	ssyncset.done @!p1 $0x0;
	(pc) =	sbr.rel @p0 .LBB2_2-.Ltmp1, $4  }
0x183: {  	s12 =	simm.s32 @!p1 $0x80;
	s14 =	simm.s32 @!p1 $0x14780;
	[sflag:s10] =	ssyncadd.s32 @!p1 $0xFFFFC000  }
0x184: {  	[tilespmem:s11], [sflag:$0x1] =	stream.indirect.gather @!p1 [hbm4b:s13+s12], $0x80, s14, s12, $0xb8;
	[tilespmem:$0x1D000] =	vst v63  }
0x185: {  	s31 =	smov.u32 s7;
	_ =	swait.ge [sflag:s26], $0x400  }
0x186: {  	s3 =	sadd.s32 $0x100, s3;
	s6 =	sadd.s32 $0x100, s6;
	[sflag:s26] =	ssyncset.done $0x0  }
.LBB2_3:
0x187: {  	[sflag:s26] =	ssyncadd.s32 $0xFFFFFC00  }
0x188: {  	_ =	swait.ge [sflag:s26], $0x400  }
0x189: {  	[sflag:s26] =	ssyncset.done $0x0  }
0x18a: {  	[sflag:s26] =	ssyncadd.s32 $0xFFFFFC00  }
0x18b: {  	_ =	swait.ge [sflag:s23], $0x4000  }
0x18c: {  	s0 =	rddreg [dreg:$0x13]  }
0x18d: {  	s3 =	sld [smem:$0x7FD]  }
0x18e: {  	[sflag:s23] =	ssyncset.done $0x0;
	p0 =	sge.u32 s31, s0  }
0x18f: {  	[sflag:s23] =	ssyncadd.s32 $0xFFFFC000;
	s0 =	simm.s32 @!p0 $0x2  }
0x190: {  	[spmem:s2] =	stream.indirect.scatter.add.f32 [tilespmem:s24], [sflag:$0x2], $0x80, s3, s21, $0xb8;
	[tilespmem:$0x1D000] =	vst v63  }
0x191: {  	_ =	swait.ge @!p0 [sflag:s0], $0x4000  }
0x192: {  	s6 =	simm.s32 @!p0 $0x80;
	[sflag:s0] =	ssyncset.done @!p0 $0x0  }
0x193: {  	s7 =	simm.s32 @!p0 $0x14000;
	s3 =	simm.s32 @!p0 $0x15000;
	[sflag:s0] =	ssyncadd.s32 @!p0 $0xFFFFC000  }
0x194: {  	[tilespmem:s3], [sflag:$0x1] =	stream.indirect.gather @!p0 [hbm4b:s13+s6], $0x80, s7, s6, $0xb8;
	[tilespmem:$0x1D000] =	vst v63  }
0x195: {  	_ =	swait.ge [sflag:s28], $0x4000  }
0x196: {  	[sflag:s28] =	ssyncset.done $0x0  }
0x197: {  	[sflag:s28] =	ssyncadd.s32 $0xFFFFC000  }
0x198: {  	_ =	swait.ge [sflag:s28], $0x4000  }
0x199: {  	[sflag:s28] =	ssyncset.done $0x0  }
0x19a: {  	[sflag:s28] =	ssyncadd.s32 $0xFFFFC000  }
0x19b: {  	[bflag:$0x0] =	sbarrier.arrive $0xFFFF  }
0x19c: {  	s15 =	sld [smem:$0x7F7];
	_ =	sdelay $0x2  }
0x19d: {  	[hbm:s15], [sflag:s8] =	dma.local [spmem:s30], $0x2800  }
0x19e: {  	_ =	swait.ge [sflag:s18], $0x2800  }
0x19f: {  	s31 =	sld [smem:$0x7F8];
	_ =	sdelay $0x1  }
0x1a0: {  	s29 =	sadd.s32 $0x1, s29  }
0x1a1: {  	p0 =	sne.s32 s29, s31  }
.Ltmp2:
0x1a2: {  	_ = 	snop;
	(pc) =	sbr.rel @p0 .LBB2_1-.Ltmp2, $3  }
0x1a3: {  	_ =	sdelay $0x1  }
0x1a4: {  	[sflag:s18] =	ssyncset.done $0x0  }
0x1a5: {  	[sflag:s18] =	ssyncadd.s32 $0xFFFFD800  }
0x1a6: {  	_ =	sfence.sel $0x180000  }
0x1a7: {  	[bflag:$0x0] =	sbarrier.arrive $0xFFFF  }
0x1a8: {  	_ =	strace $0x9000004A  }
0x1a9: {  	s0 =	stileid.u32;
	[bflag:$0x2] =	sbarrier.arrive $0xFFFF  }
0x1aa: {  	p0 =	sne.s32 s0, $0x0;
	s0 =	rddreg [dreg:$0x3]  }
0x1ab: {  	s0 =	sadd.s32 @!p0 $0x100000, s0  }
0x1ac: {  	[sflag:s0] =	ssyncadd.tile.s32 @!p0 $0x1;
	_ =	shalt  }
.Lfunc_end2:
_tile_overlayer_lowered:
.L_overlay_start_2:
0x1ad: {  	(tag) =	ssettag $0x2  }
0x1ae: {  	s0 =	rddreg [dreg:$0x0];
	s2 =	stileid.u32  }
0x1af: {  	s1 =	rddreg [dreg:$0x1];
	p0 =	sne.s32 s2, $0x0  }
0x1b0: {  	s3 =	rddreg [dreg:$0x2];
	[bflag:$0x3] =	sbarrier.arrive $0xFFFF;
	s2 =	simm.s32 @!p0 $0x1C04  }
0x1b1: {  	[timem:s3], [sflag:s2] =	dma.local @!p0 [hbm:s0], s1  }
0x1b2: {  	s0 =	simm.s32 @!p0 $0x4  }
0x1b3: {  	_ =	swait.ge @!p0 [sflag:s0], s1  }
0x1b4: {  	s1 =	ssub.s32 @!p0 $0x0, s1;
	[sflag:s0] =	ssyncset.done @!p0 $0x0  }
0x1b5: {  	[sflag:s0] =	ssyncadd.s32 @!p0 s1  }
0x1b6: {  	[bflag:$0x3] =	sbarrier.arrive $0xFFFF  }
0x1b7: {  	_ =	shalt  }

// kernel: kernel.14.cloned.1.call-start
scs
__scs_entry_jumppad:
0x0: {  	(pc) =	sbr.rel $0x88, $3  }
0x1: {  	(tag) =	ssettag $0x0;
	lr =	simm.s32 $0x1  }
0x2: {  	[smem:$0x3F97] =	sst lr;
	_ =	strace $0xD0000000  }
0x3: {  	_ = 	snop  }
0x4: {  	_ = 	snop  }
0x5: {  	_ = 	snop  }
0x6: {  	_ = 	snop  }
0x7: {  	_ = 	snop  }
__scs_overlays_trampoline_lowered:
0x8: {  	[smem:$0x3FA6] =	sst s0  }
0x9: {  	[smem:$0x3FA7] =	sst s1  }
0xa: {  	[smem:$0x3FA8] =	sst s2  }
0xb: {  	[smem:$0x3FA9] =	sst s3  }
0xc: {  	[smem:$0x3FAA] =	sst s4  }
0xd: {  	[smem:$0x3FAB] =	sst s5  }
0xe: {  	[smem:$0x3FAC] =	sst s6  }
0xf: {  	[smem:$0x3FAD] =	sst s7  }
0x10: {  	[smem:$0x3FAE] =	sst s8  }
0x11: {  	[smem:$0x3FAF] =	sst s9;
	s0 =	simm.s32 @!p0 $0x0  }
0x12: {  	s1 =	sld [smem:$0x3F95];
	s0 =	simm.s32 @p0 $0x1  }
0x13: {  	[smem:$0x3FB0] =	sst s0;
	s0 =	simm.s32 @!p1 $0x0  }
0x14: {  	s2 =	sld [smem:$0x3F94];
	s0 =	simm.s32 @p1 $0x1  }
0x15: {  	[smem:$0x3FB1] =	sst s0;
	s0 =	simm.s32 @!p2 $0x0  }
0x16: {  	s3 =	sld [smem:$0x3FDB];
	s0 =	simm.s32 @p2 $0x1  }
0x17: {  	s4 =	simm.s32 $0x1BF5;
	[smem:$0x3FB3] =	sst s0  }
0x18: {  	s0 =	sld [smem:$0x3F96];
	_ =	swait.ge [sflag:s4], $0x0  }
0x19: {  	s7 =	sld [smem:$0x3F97]  }
0x1a: {  	s8 =	sadd.s32 $0xFFFFE003, lr  }
0x1b: {  	s9 =	sadd.s32 $0xFFFFFEF7, lr;
	s5 =	simm.s32 $0xFFFFFFFF;
	p2 =	slt.u32 s8, $0xFFFFF086  }
0x1c: {  	p1 =	slt.u32 s9, $0xF7A;
	s5 =	simm.s32 @!p2 $0x0  }
0x1d: {  	s5 =	simm.s32 @p1 $0x1;
	p0 =	seq.s32 s7, s2  }
0x1e: {  	s7 =	smul.u32 @!p0 $0xF7A, s2;
	p2 =	seq.s32 @!p0 s5, $0x0  }
0x1f: {  	s9 =	smul.u32 $0xF7A, s1;
	s8 =	simm.s32 @!p0 $0x1BF5;
	p2 =	por !p2, p0  }
0x20: {  	[sflag:s8] =	ssyncset.s32 @!p0 $0xFFFFF086;
	s6 =	sadd.s32 @!p0 s3, s7;
	s7 =	simm.s32 @!p0 $0x108  }
0x21: {  	s3 =	sadd.s32 s3, s9;
	s6 =	sadd.s32 @!p0 $0x88, s6;
	s7 =	simm.s32 @p2 $0x1082  }
0x22: {  	[simem:s7], [sflag:s8] =	dma.local @!p0 [hbm:s6], $0xF7A  }
0x23: {  	s9 =	sor.u32 $0xD0000000, s2;
	s6 =	simm.s32 $0x108;
	_ =	swait.ge @!p0 [sflag:s8], $0x0  }
0x24: {  	s3 =	sadd.s32 $0x88, s3;
	s6 =	simm.s32 @!p1 $0x1082;
	[sflag:s4] =	ssyncset.s32 $0xFFFFF086  }
0x25: {  	[simem:s6], [sflag:s4] =	dma.local [hbm:s3], $0xF7A  }
0x26: {  	[smem:$0x3F97] =	sst s1;
	(tag) =	ssettag s2;
	_ =	strace s9  }
0x27: {  	s1 =	sld [smem:$0x3FA7]  }
0x28: {  	s2 =	sld [smem:$0x3FA8]  }
0x29: {  	s4 =	sld [smem:$0x3FAA]  }
0x2a: {  	p0 =	seq.s32 s5, $0x0;
	s5 =	sld [smem:$0x3FAB]  }
0x2b: {  	s6 =	sld [smem:$0x3FAC]  }
0x2c: {  	s7 =	sld [smem:$0x3FAD]  }
0x2d: {  	s3 =	simm.s32 $0x108;
	s8 =	sld [smem:$0x3FAE]  }
0x2e: {  	s3 =	simm.s32 @!p0 $0x1082;
	s9 =	sld [smem:$0x3FAF]  }
0x2f: {  	lr =	sadd.s32 s0, s3;
	s0 =	sld [smem:$0x3FA6]  }
0x30: {  	s3 =	sld [smem:$0x3FA9]  }
0x31: {  	[smem:$0x3FB2] =	sst s10  }
0x32: {  	s10 =	sld [smem:$0x3FB0];
	_ =	sdelay $0x3  }
0x33: {  	p0 =	seq.s32 s10, $0x1;
	s10 =	sld [smem:$0x3FB2];
	_ =	sdelay $0x3  }
0x34: {  	[smem:$0x3FB2] =	sst s10  }
0x35: {  	s10 =	sld [smem:$0x3FB1];
	_ =	sdelay $0x3  }
0x36: {  	p1 =	seq.s32 s10, $0x1;
	s10 =	sld [smem:$0x3FB2];
	_ =	sdelay $0x3  }
0x37: {  	[smem:$0x3FB2] =	sst s10  }
0x38: {  	s10 =	sld [smem:$0x3FB3]  }
0x39: {  	_ = 	snop;
	(pc) =	sbr.ind lr, $3  }
0x3a: {  	_ = 	snop  }
0x3b: {  	_ = 	snop  }
0x3c: {  	p2 =	seq.s32 s10, $0x1;
	s10 =	sld [smem:$0x3FB2]  }
0x3d: {  	_ =	shalt  }
0x3e: {  	_ =	shalt  }
0x3f: {  	_ =	shalt  }
0x40: {  	_ =	shalt  }
0x41: {  	_ =	shalt  }
0x42: {  	_ =	shalt  }
0x43: {  	_ =	shalt  }
0x44: {  	_ =	shalt  }
0x45: {  	_ =	shalt  }
0x46: {  	_ =	shalt  }
0x47: {  	_ =	shalt  }
0x48: {  	_ =	shalt  }
0x49: {  	_ =	shalt  }
0x4a: {  	_ =	shalt  }
0x4b: {  	_ =	shalt  }
0x4c: {  	_ =	shalt  }
0x4d: {  	_ =	shalt  }
0x4e: {  	_ =	shalt  }
0x4f: {  	_ =	shalt  }
0x50: {  	_ =	shalt  }
0x51: {  	_ =	shalt  }
0x52: {  	_ =	shalt  }
0x53: {  	_ =	shalt  }
0x54: {  	_ =	shalt  }
0x55: {  	_ =	shalt  }
0x56: {  	_ =	shalt  }
0x57: {  	_ =	shalt  }
0x58: {  	_ =	shalt  }
0x59: {  	_ =	shalt  }
0x5a: {  	_ =	shalt  }
0x5b: {  	_ =	shalt  }
0x5c: {  	_ =	shalt  }
0x5d: {  	_ =	shalt  }
0x5e: {  	_ =	shalt  }
0x5f: {  	_ =	shalt  }
0x60: {  	_ =	shalt  }
0x61: {  	_ =	shalt  }
0x62: {  	_ =	shalt  }
0x63: {  	_ =	shalt  }
0x64: {  	_ =	shalt  }
0x65: {  	_ =	shalt  }
0x66: {  	_ =	shalt  }
0x67: {  	_ =	shalt  }
0x68: {  	_ =	shalt  }
0x69: {  	_ =	shalt  }
0x6a: {  	_ =	shalt  }
0x6b: {  	_ =	shalt  }
0x6c: {  	_ =	shalt  }
0x6d: {  	_ =	shalt  }
0x6e: {  	_ =	shalt  }
0x6f: {  	_ =	shalt  }
0x70: {  	_ =	shalt  }
0x71: {  	_ =	shalt  }
0x72: {  	_ =	shalt  }
0x73: {  	_ =	shalt  }
0x74: {  	_ =	shalt  }
0x75: {  	_ =	shalt  }
0x76: {  	_ =	shalt  }
0x77: {  	_ =	shalt  }
0x78: {  	_ =	shalt  }
0x79: {  	_ =	shalt  }
0x7a: {  	_ =	shalt  }
0x7b: {  	_ =	shalt  }
0x7c: {  	_ =	shalt  }
0x7d: {  	_ =	shalt  }
0x7e: {  	_ =	shalt  }
0x7f: {  	_ =	shalt  }
0x80: {  	_ =	shalt  }
0x81: {  	_ =	shalt  }
0x82: {  	_ =	shalt  }
0x83: {  	_ =	shalt  }
0x84: {  	_ =	shalt  }
0x85: {  	_ =	shalt  }
0x86: {  	_ =	shalt  }
0x87: {  	_ =	shalt  }
.Lfunc_end0:
.L_simem_size_0:
called_computation.2_lowered:
.L_overlay_start_0:
0x88: {  	s2 =	sld [smem:$0x3FD9]  }
0x89: {  	s3 =	sld [smem:$0x3FFE];
	_ =	sdelay $0x1  }
0x8a: {  	s1 =	srdreg.scid  }
0x8b: {  	s0 =	sand.u32 $0x1, s1  }
0x8c: {  	s17 =	sshll.u32 s0, $0xA;
	s2 =	sadd.s32 s3, s2  }
0x8d: {  	s2 =	sadd.s32 s2, s17  }
0x8e: {  	[smem:$0x3FBE] =	sst s2  }
0x8f: {  	_ = 	snop  }
0x90: {  	s2 =	sld [smem:$0x3FD0];
	(tm) =	ssettm $0x1  }
0x91: {  	s18 =	sld [smem:$0x3FFB];
	_ =	sdelay $0x3  }
0x92: {  	_ =	strace s18  }
0x93: {  	s3 =	sld [smem:$0x3FFC];
	_ =	sdelay $0x3  }
0x94: {  	_ =	strace s3  }
0x95: {  	s3 =	sld [smem:$0x3FFD];
	_ =	sdelay $0x3  }
0x96: {  	_ =	strace s3  }
0x97: {  	_ =	strace $0x8FFFFFFF  }
0x98: {  	s19 =	sld [smem:$0x3FDB];
	_ =	sdelay $0x1  }
0x99: {  	s4 =	simm.s32 $_scs_section_size  }
0x9a: {  	s5 =	simm.s32 $_size__tile_overlayer_lowered;
	s6 =	simm.s32 $_tile_overlayer_lowered  }
0x9b: {  	s22 =	simm.s32 $0x1BFF;
	s21 =	sshll.u32 s6, $0x1;
	s3 =	sadd.s32 s4, s19  }
0x9c: {  	s7 =	simm.s32 $0x0;
	s20 =	sshll.u32 s5, $0x1;
	s5 =	sadd.s32 s21, s3  }
0x9d: {  	[timem:s7], [sflag:s22] =	dma.local [hbm:s5], s20  }
0x9e: {  	_ =	swait.ge [sflag:s22], s20  }
0x9f: {  	s4 =	ssub.s32 $0x0, s20;
	[sflag:s22] =	ssyncset.done $0x0  }
0xa0: {  	[sflag:s22] =	ssyncadd.s32 s4;
	_ =	sdelay $0x1  }
0xa1: {  	s23 =	simm.s32 $0x1B8B  }
0xa2: {  	_ =	swait.ge [sflag:s23], $0x1  }
0xa3: {  	[sflag:s23] =	ssyncset.done $0x0  }
0xa4: {  	s25 =	simm.s32 $0x1B8E;
	s24 =	sld [smem:$0x3FFE];
	[sflag:s23] =	ssyncadd.s32 $0xFFFFFFFF  }
0xa5: {  	s26 =	simm.s32 $execute0_lowered;
	[smem:$0x3FD2] =	sst s25  }
0xa6: {  	s5 =	sshll.u32 s26, $0x1;
	_ =	strace $0x8000004C;
	[dreg:$0x1] =	wrdreg $0xFFFFFFFF  }
0xa7: {  	s28 =	simm.s32 $_size_execute0_lowered;
	s3 =	sadd.s32 s3, s5;
	[dreg:$0x0] =	wrdreg $0x0  }
0xa8: {  	s5 =	sshll.u32 s28, $0x1;
	[dreg:$0x2] =	wrdreg s3  }
0xa9: {  	[dreg:$0x3] =	wrdreg s5  }
0xaa: {  	[dreg:$0x4] =	wrdreg $0xC0  }
0xab: {  	_ =	task [dreg:s7], $0x5FFFF  }
0xac: {  	[dreg:$0x1] =	wrdreg $0xFFFFFFFF  }
0xad: {  	[dreg:$0x0] =	wrdreg $0x60  }
0xae: {  	[dreg:$0x2] =	wrdreg s24  }
0xaf: {  	[dreg:$0x3] =	wrdreg s2  }
0xb0: {  	[dreg:$0x4] =	wrdreg $0x0  }
0xb1: {  	[dreg:$0x5] =	wrdreg $0x9  }
0xb2: {  	_ =	task.clear_ibuf [dreg:s7], $0x6FFFF;
	_ =	strace $0x9000004C  }
0xb3: {  	s29 =	simm.s32 $0x9;
	_ =	strace $0x8000004E  }
0xb4: {  	_ =	swait.ge [sflag:s29], $0x1  }
0xb5: {  	[sflag:s29] =	ssyncadd.s32 $0xFFFFFFFF  }
0xb6: {  	_ =	strace $0x9000004E  }
0xb7: {  	_ =	sfence  }
0xb8: {  	s30 =	sld [smem:$0x0];
	_ =	sdelay $0x2  }
0xb9: {  	s31 =	sshll.u32 s1, $0xD;
	s1 =	sshrl.u32 s1, $0x2  }
0xba: {  	s3 =	sand.u32 $0x4000, s31;
	s1 =	sadd.s32 s1, s30  }
0xbb: {  	s0 =	sor.u32 s3, s0;
	s1 =	sshll.u32 s1, $0x11  }
0xbc: {  	s0 =	sor.u32 s1, s0  }
0xbd: {  	s0 =	sadd.s32 $0x8F2B, s0  }
0xbe: {  	[sflag:s0] =	ssyncadd.remote.s32 $0x1  }
0xbf: {  	_ =	sfence.sel $0xFFFF  }
0xc0: {  	[dreg:$0x0] =	wrdreg $0xFFFFFFFF;
	(pc) =	sbr.abs _section_cstart, $3  }
0xc1: {  	[dreg:$0x1] =	wrdreg $0xFFFFFFFF  }
0xc2: {  	_ =	task.clear_ibuf [dreg:s7], $0x2FFFF;
	_ =	strace $0x9FFFFFFF  }
0xc3: {  	(tm) =	ssettm $0x7FFFFFFF  }
tec
execute0_lowered:
.L_overlay_start_1:
0x0: {  	(tag) =	ssettag $0x1  }
0x1: {  	s3 =	rddreg [dreg:$0x0];
	s0 =	srdreg.scid  }
0x2: {  	s1 =	rddreg [dreg:$0x1];
	s6 =	sand.u32 $0x1, s0  }
0x3: {  	s2 =	rddreg [dreg:$0x2];
	s10 =	simm.s32 $0x70;
	p0 =	seq.s32 s6, $0x0  }
0x4: {  	s4 =	simm.s32 $0x0;
	s12 =	stileid.u32;
	s10 =	simm.s32 @!p0 $0x30  }
0x5: {  	[smem:$0x7FF] =	sst s4;
	s8 =	smul.u32 $0x14000, s12;
	s22 =	sadd.s32 $0xFFFFFFFF, s10  }
0x6: {  	_ =	strace $0x8000004D;
	s23 =	sadd.s32 $0xFFFFFFFE, s10;
	[dreg:$0x4] =	wrdreg s22  }
0x7: {  	s11 =	smul.u32 $0x50000, s12;
	s24 =	sadd.s32 $0xFFFFFFFD, s10;
	[dreg:$0x5] =	wrdreg s23  }
0x8: {  	s7 =	smul.u32 $0x140000, s6;
	s25 =	sadd.s32 $0xFFFFFFFC, s10;
	[dreg:$0x6] =	wrdreg s24  }
0x9: {  	s9 =	sshrl.u32 s8, $0x3;
	s30 =	sadd.s32 $0xFFFFFFFB, s10;
	[dreg:$0x7] =	wrdreg s25  }
0xa: {  	s14 =	sshrl.u32 s11, $0x2;
	s31 =	sadd.s32 $0xFFFFFFFA, s10;
	[dreg:$0x8] =	wrdreg s30  }
0xb: {  	s21 =	sshrl.u32 s7, $0x3;
	s13 =	sadd.s32 $0xFFFFFFF9, s10;
	[dreg:$0x9] =	wrdreg s31  }
0xc: {  	s7 =	sadd.s32 s8, s7;
	s8 =	sadd.s32 s14, s2;
	[dreg:$0xa] =	wrdreg s13  }
0xd: {  	s15 =	sadd.s32 $0xFFFFFFF8, s10;
	[smem:$0x7F4] =	sst s8  }
0xe: {  	s16 =	sadd.s32 $0xFFFFFFF7, s10;
	[dreg:$0xb] =	wrdreg s15  }
0xf: {  	s6 =	ssub.s32 $0x2, s6;
	s18 =	sadd.s32 $0xFFFFFFF6, s10;
	[dreg:$0xc] =	wrdreg s16  }
0x10: {  	s26 =	sshrl.u32 s6, $0x1;
	s20 =	sadd.s32 $0xFFFFFFF5, s10;
	[dreg:$0xd] =	wrdreg s18  }
0x11: {  	s6 =	ssub.s32 s6, s26;
	s26 =	sadd.s32 $0xFFFFFFF0, s10;
	[dreg:$0xe] =	wrdreg s20  }
0x12: {  	s9 =	sadd.s32 s9, s3;
	s14 =	simm.s32 $0x14900;
	[dreg:$0x13] =	wrdreg s26  }
0x13: {  	s17 =	sadd.s32 $0x70600, s9;
	[dreg:$0x16] =	wrdreg s14  }
0x14: {  	s0 =	sadd.s32 s21, s3;
	s21 =	sadd.s32 $0xFFFFFFF4, s10;
	[smem:$0x7F5] =	sst s17  }
0x15: {  	s28 =	simm.s32 $0x2;
	s23 =	sadd.s32 $0xFFFFFFF3, s10;
	[dreg:$0xf] =	wrdreg s21  }
0x16: {  	s29 =	simm.s32 $0x0;
	s24 =	sadd.s32 $0xFFFFFFF2, s10;
	[dreg:$0x10] =	wrdreg s23  }
0x17: {  	s5 =	sadd.s32 $0x16600, s3;
	s25 =	sadd.s32 $0xFFFFFFF1, s10;
	[dreg:$0x11] =	wrdreg s24  }
0x18: {  	s19 =	sshll.u32 s12, $0x6;
	s10 =	sshrl.u32 s10, $0x4;
	[dreg:$0x12] =	wrdreg s25  }
0x19: {  	s11 =	smul.u32 $0x70, s12;
	s30 =	simm.s32 $0x14880;
	[smem:$0x7F6] =	sst s10  }
0x1a: {  	s7 =	sshrl.u32 s7, $0x3;
	s16 =	simm.s32 $0x14980;
	[dreg:$0x14] =	wrdreg s30  }
0x1b: {  	s8 =	sor.u32 $0x1C04, s19;
	s19 =	smax.u32 s6, $0x1;
	[dreg:$0x17] =	wrdreg s16  }
0x1c: {  	s22 =	smul.u32 $0x30, s12;
	s18 =	simm.s32 $0x14A80;
	[smem:$0x7F8] =	sst s19  }
0x1d: {  	s20 =	simm.s32 $0x14B00;
	s26 =	simm.s32 $0x14E80;
	[dreg:$0x19] =	wrdreg s18  }
0x1e: {  	s3 =	sadd.s32 s7, s3;
	s10 =	simm.s32 $0x14400;
	[dreg:$0x1a] =	wrdreg s20  }
0x1f: {  	s13 =	sadd.s32 $0x20600, s0;
	s17 =	simm.s32 $0x14A00;
	[smem:$0x7FB] =	sst s26  }
0x20: {  	s21 =	simm.s32 $0x14B80;
	s18 =	simm.s32 $0x4;
	[dreg:$0x15] =	wrdreg s10  }
0x21: {  	s23 =	simm.s32 $0x14D00;
	s19 =	simm.s32 $0x14000;
	[dreg:$0x18] =	wrdreg s17  }
0x22: {  	s24 =	simm.s32 $0x14D80;
	s20 =	simm.s32 $0x14800;
	[dreg:$0x1b] =	wrdreg s21  }
0x23: {  	s25 =	simm.s32 $0x14E00;
	s30 =	simm.s32 $0x14F00;
	[dreg:$0x1d] =	wrdreg s23  }
0x24: {  	s26 =	simm.s32 $0x3;
	s9 =	sadd.s32 $0x700, s22;
	[dreg:$0x1e] =	wrdreg s24  }
0x25: {  	s3 =	sadd.s32 $0x98600, s3;
	s22 =	simm.s32 $0x14C80;
	[dreg:$0x1f] =	wrdreg s25  }
0x26: {  	s21 =	simm.s32 $0x80;
	[smem:$0x7FC] =	sst s30;
	s9 =	smov.u32 @p0 s11  }
0x27: {  	s23 =	simm.s32 $0x1;
	[smem:$0x7F7] =	sst s3;
	s31 =	sshll.u32 s9, $0x4  }
0x28: {  	s24 =	simm.s32 $0x19000;
	[dreg:$0x1c] =	wrdreg s22;
	s11 =	sadd.s32 s5, s31  }
0x29: {  	s25 =	simm.s32 $0x14C00;
	s15 =	sadd.s32 s1, s31;
	[smem:$0x7F9] =	sst s11  }
0x2a: {  	s22 =	simm.s32 $0x15000;
	s31 =	simm.s32 $0x14F80;
	[smem:$0x7FA] =	sst s15  }
0x2b: {  	s16 =	sadd.s32 $0x80, s11;
	s17 =	sadd.s32 $0x80, s15;
	[smem:$0x7FD] =	sst s31  }
.LBB2_1:
0x2c: {  	s0 =	sld [smem:$0x7F4]  }
0x2d: {  	s11 =	sld [smem:$0x7F5];
	_ =	sdelay $0x1  }
0x2e: {  	s30 =	sshrl.u32 s0, $0x3  }
0x2f: {  	[spmem:s30], [sflag:s8] =	dma.local [hbm:s11], $0x2800  }
0x30: {  	_ =	swait.ge [sflag:s18], $0x2800  }
0x31: {  	[sflag:s18] =	ssyncset.done $0x0  }
0x32: {  	[sflag:s18] =	ssyncadd.s32 $0xFFFFD800  }
0x33: {  	[bflag:$0x0] =	sbarrier.arrive $0xFFFF  }
0x34: {  	s12 =	sld [smem:$0x7F9];
	_ =	sdelay $0x2  }
0x35: {  	[tilespmem:s19], [sflag:$0x4] =	stream.linear.gather [hbm4b:s12+s4], $0x400, $0x38;
	[tilespmem:$0x1D000] =	vst v63  }
0x36: {  	_ =	swait.ge [sflag:s18], $0x400  }
0x37: {  	s14 =	sld [smem:$0x7FA]  }
0x38: {  	[sflag:s18] =	ssyncset.done $0x0  }
0x39: {  	[sflag:s18] =	ssyncadd.s32 $0xFFFFFC00  }
0x3a: {  	[tilespmem:s20], [sflag:$0x4] =	stream.linear.gather [hbm4b:s14+s4], $0x400, $0x38;
	[tilespmem:$0x1D000] =	vst v63  }
0x3b: {  	_ =	swait.ge [sflag:s18], $0x400  }
0x3c: {  	[sflag:s18] =	ssyncset.done $0x0  }
0x3d: {  	[sflag:s18] =	ssyncadd.s32 $0xFFFFFC00  }
0x3e: {  	[tilespmem:s22], [sflag:$0x1] =	stream.indirect.gather [hbm4b:s13+s21], $0x80, s19, s21, $0xb8;
	[tilespmem:$0x1D000] =	vst v63  }
0x3f: {  	_ =	swait.ge [sflag:s23], $0x4000  }
0x40: {  	[sflag:s23] =	ssyncset.done $0x0;
	s15 =	rddreg [dreg:$0x4]  }
0x41: {  	[sflag:s23] =	ssyncadd.s32 $0xFFFFC000;
	p0 =	sle.u32 s15, $0x0  }
0x42: {  	[spmem:s2] =	stream.indirect.scatter.add.f32 [tilespmem:s22], [sflag:$0x2], $0x80, s20, s21, $0xb8;
	[tilespmem:$0x1D000] =	vst v63  }
0x43: {  	p1 =	por @!p0 $0x1, $0x1  }
0x44: {  	p1 =	por p1, p0  }
0x45: {  	s0 =	simm.s32 @!p1 $0x2  }
0x46: {  	_ =	swait.ge @!p1 [sflag:s0], $0x4000  }
0x47: {  	s3 =	simm.s32 @!p0 $0x19000;
	[sflag:s0] =	ssyncset.done @!p1 $0x0  }
0x48: {  	s6 =	simm.s32 @!p0 $0x14080;
	[sflag:s0] =	ssyncadd.s32 @!p1 $0xFFFFC000;
	s0 =	simm.s32 @!p0 $0x80  }
0x49: {  	[tilespmem:s3], [sflag:$0x1] =	stream.indirect.gather @!p0 [hbm4b:s13+s0], $0x80, s6, s0, $0xb8;
	[tilespmem:$0x1D000] =	vst v63  }
0x4a: {  	_ =	swait.ge [sflag:s23], $0x4000  }
0x4b: {  	s3 =	rddreg [dreg:$0x5]  }
0x4c: {  	[sflag:s23] =	ssyncset.done $0x0;
	p0 =	sle.u32 s3, $0x0  }
0x4d: {  	s6 =	rddreg [dreg:$0x14];
	[sflag:s23] =	ssyncadd.s32 $0xFFFFC000;
	s0 =	simm.s32 @!p0 $0x2  }
0x4e: {  	[spmem:s2] =	stream.indirect.scatter.add.f32 [tilespmem:s24], [sflag:$0x2], $0x80, s6, s21, $0xb8;
	[tilespmem:$0x1D000] =	vst v63  }
0x4f: {  	_ =	swait.ge @!p0 [sflag:s0], $0x4000  }
0x50: {  	s3 =	simm.s32 @!p0 $0x14100;
	[sflag:s0] =	ssyncset.done @!p0 $0x0  }
0x51: {  	s6 =	simm.s32 @!p0 $0x15000;
	s7 =	simm.s32 @!p0 $0x80;
	[sflag:s0] =	ssyncadd.s32 @!p0 $0xFFFFC000  }
0x52: {  	[tilespmem:s6], [sflag:$0x1] =	stream.indirect.gather @!p0 [hbm4b:s13+s7], $0x80, s3, s7, $0xb8;
	[tilespmem:$0x1D000] =	vst v63  }
0x53: {  	s31 =	rddreg [dreg:$0x15]  }
0x54: {  	[tilespmem:s31], [sflag:$0x3] =	stream.linear.gather [hbm4b:s16+s4], $0x400, $0x38;
	[tilespmem:$0x1D000] =	vst v63  }
0x55: {  	_ = 	snop  }
0x56: {  	[tilespmem:s25], [sflag:$0x3] =	stream.linear.gather [hbm4b:s17+s4], $0x400, $0x38;
	[tilespmem:$0x1D000] =	vst v63  }
0x57: {  	_ =	swait.ge [sflag:s23], $0x4000  }
0x58: {  	s7 =	rddreg [dreg:$0x6]  }
0x59: {  	[sflag:s23] =	ssyncset.done $0x0;
	p0 =	sle.u32 s7, $0x0  }
0x5a: {  	s10 =	rddreg [dreg:$0x16];
	[sflag:s23] =	ssyncadd.s32 $0xFFFFC000;
	s0 =	simm.s32 @!p0 $0x2  }
0x5b: {  	[spmem:s2] =	stream.indirect.scatter.add.f32 [tilespmem:s22], [sflag:$0x2], $0x80, s10, s21, $0xb8;
	[tilespmem:$0x1D000] =	vst v63  }
0x5c: {  	_ =	swait.ge @!p0 [sflag:s0], $0x4000  }
0x5d: {  	s3 =	simm.s32 @!p0 $0x19000;
	[sflag:s0] =	ssyncset.done @!p0 $0x0  }
0x5e: {  	s6 =	simm.s32 @!p0 $0x80;
	s7 =	simm.s32 @!p0 $0x14180;
	[sflag:s0] =	ssyncadd.s32 @!p0 $0xFFFFC000  }
0x5f: {  	[tilespmem:s3], [sflag:$0x1] =	stream.indirect.gather @!p0 [hbm4b:s13+s6], $0x80, s7, s6, $0xb8;
	[tilespmem:$0x1D000] =	vst v63  }
0x60: {  	_ =	swait.ge [sflag:s23], $0x4000  }
0x61: {  	s11 =	rddreg [dreg:$0x7]  }
0x62: {  	[sflag:s23] =	ssyncset.done $0x0;
	p0 =	sle.u32 s11, $0x0  }
0x63: {  	s12 =	rddreg [dreg:$0x17];
	[sflag:s23] =	ssyncadd.s32 $0xFFFFC000;
	s0 =	simm.s32 @!p0 $0x2  }
0x64: {  	[spmem:s2] =	stream.indirect.scatter.add.f32 [tilespmem:s24], [sflag:$0x2], $0x80, s12, s21, $0xb8;
	[tilespmem:$0x1D000] =	vst v63  }
0x65: {  	_ =	swait.ge @!p0 [sflag:s0], $0x4000  }
0x66: {  	s3 =	simm.s32 @!p0 $0x15000;
	[sflag:s0] =	ssyncset.done @!p0 $0x0  }
0x67: {  	s6 =	simm.s32 @!p0 $0x80;
	s7 =	simm.s32 @!p0 $0x14200;
	[sflag:s0] =	ssyncadd.s32 @!p0 $0xFFFFC000  }
0x68: {  	[tilespmem:s3], [sflag:$0x1] =	stream.indirect.gather @!p0 [hbm4b:s13+s6], $0x80, s7, s6, $0xb8;
	[tilespmem:$0x1D000] =	vst v63  }
0x69: {  	_ =	swait.ge [sflag:s23], $0x4000  }
0x6a: {  	s14 =	rddreg [dreg:$0x8]  }
0x6b: {  	[sflag:s23] =	ssyncset.done $0x0;
	p0 =	sle.u32 s14, $0x0  }
0x6c: {  	s15 =	rddreg [dreg:$0x18];
	[sflag:s23] =	ssyncadd.s32 $0xFFFFC000;
	s0 =	simm.s32 @!p0 $0x2  }
0x6d: {  	[spmem:s2] =	stream.indirect.scatter.add.f32 [tilespmem:s22], [sflag:$0x2], $0x80, s15, s21, $0xb8;
	[tilespmem:$0x1D000] =	vst v63  }
0x6e: {  	_ =	swait.ge @!p0 [sflag:s0], $0x4000  }
0x6f: {  	s3 =	simm.s32 @!p0 $0x19000;
	[sflag:s0] =	ssyncset.done @!p0 $0x0  }
0x70: {  	s6 =	simm.s32 @!p0 $0x80;
	s7 =	simm.s32 @!p0 $0x14280;
	[sflag:s0] =	ssyncadd.s32 @!p0 $0xFFFFC000  }
0x71: {  	[tilespmem:s3], [sflag:$0x1] =	stream.indirect.gather @!p0 [hbm4b:s13+s6], $0x80, s7, s6, $0xb8;
	[tilespmem:$0x1D000] =	vst v63  }
0x72: {  	_ =	swait.ge [sflag:s23], $0x4000  }
0x73: {  	s3 =	rddreg [dreg:$0x9]  }
0x74: {  	[sflag:s23] =	ssyncset.done $0x0;
	p0 =	sle.u32 s3, $0x0  }
0x75: {  	s6 =	rddreg [dreg:$0x19];
	[sflag:s23] =	ssyncadd.s32 $0xFFFFC000;
	s0 =	simm.s32 @!p0 $0x2  }
0x76: {  	[spmem:s2] =	stream.indirect.scatter.add.f32 [tilespmem:s24], [sflag:$0x2], $0x80, s6, s21, $0xb8;
	[tilespmem:$0x1D000] =	vst v63  }
0x77: {  	_ =	swait.ge @!p0 [sflag:s0], $0x4000  }
0x78: {  	s3 =	simm.s32 @!p0 $0x15000;
	[sflag:s0] =	ssyncset.done @!p0 $0x0  }
0x79: {  	s6 =	simm.s32 @!p0 $0x80;
	s7 =	simm.s32 @!p0 $0x14300;
	[sflag:s0] =	ssyncadd.s32 @!p0 $0xFFFFC000  }
0x7a: {  	[tilespmem:s3], [sflag:$0x1] =	stream.indirect.gather @!p0 [hbm4b:s13+s6], $0x80, s7, s6, $0xb8;
	[tilespmem:$0x1D000] =	vst v63  }
0x7b: {  	_ =	swait.ge [sflag:s23], $0x4000  }
0x7c: {  	s7 =	rddreg [dreg:$0xa]  }
0x7d: {  	[sflag:s23] =	ssyncset.done $0x0;
	p0 =	sle.u32 s7, $0x0  }
0x7e: {  	s10 =	rddreg [dreg:$0x1a];
	[sflag:s23] =	ssyncadd.s32 $0xFFFFC000;
	s0 =	simm.s32 @!p0 $0x2  }
0x7f: {  	[spmem:s2] =	stream.indirect.scatter.add.f32 [tilespmem:s22], [sflag:$0x2], $0x80, s10, s21, $0xb8;
	[tilespmem:$0x1D000] =	vst v63  }
0x80: {  	_ =	swait.ge @!p0 [sflag:s0], $0x4000  }
0x81: {  	s3 =	simm.s32 @!p0 $0x19000;
	[sflag:s0] =	ssyncset.done @!p0 $0x0  }
0x82: {  	s6 =	simm.s32 @!p0 $0x80;
	s7 =	simm.s32 @!p0 $0x14380;
	[sflag:s0] =	ssyncadd.s32 @!p0 $0xFFFFC000  }
0x83: {  	[tilespmem:s3], [sflag:$0x1] =	stream.indirect.gather @!p0 [hbm4b:s13+s6], $0x80, s7, s6, $0xb8;
	[tilespmem:$0x1D000] =	vst v63  }
0x84: {  	_ =	swait.ge [sflag:s26], $0x400  }
0x85: {  	[sflag:s26] =	ssyncset.done $0x0  }
0x86: {  	[sflag:s26] =	ssyncadd.s32 $0xFFFFFC00  }
0x87: {  	_ =	swait.ge [sflag:s26], $0x400  }
0x88: {  	[sflag:s26] =	ssyncset.done $0x0  }
0x89: {  	[sflag:s26] =	ssyncadd.s32 $0xFFFFFC00  }
0x8a: {  	_ =	swait.ge [sflag:s23], $0x4000  }
0x8b: {  	s11 =	rddreg [dreg:$0xb]  }
0x8c: {  	[sflag:s23] =	ssyncset.done $0x0;
	p0 =	sle.u32 s11, $0x0  }
0x8d: {  	s12 =	rddreg [dreg:$0x1b];
	[sflag:s23] =	ssyncadd.s32 $0xFFFFC000;
	s0 =	simm.s32 @!p0 $0x2  }
0x8e: {  	[spmem:s2] =	stream.indirect.scatter.add.f32 [tilespmem:s24], [sflag:$0x2], $0x80, s12, s21, $0xb8;
	[tilespmem:$0x1D000] =	vst v63  }
0x8f: {  	_ =	swait.ge @!p0 [sflag:s0], $0x4000  }
0x90: {  	s3 =	simm.s32 @!p0 $0x15000;
	[sflag:s0] =	ssyncset.done @!p0 $0x0  }
0x91: {  	s6 =	simm.s32 @!p0 $0x80;
	s7 =	simm.s32 @!p0 $0x14400;
	[sflag:s0] =	ssyncadd.s32 @!p0 $0xFFFFC000  }
0x92: {  	[tilespmem:s3], [sflag:$0x1] =	stream.indirect.gather @!p0 [hbm4b:s13+s6], $0x80, s7, s6, $0xb8;
	[tilespmem:$0x1D000] =	vst v63  }
0x93: {  	_ =	swait.ge [sflag:s23], $0x4000  }
0x94: {  	s3 =	sadd.s32 $0x0, s9;
	[sflag:s23] =	ssyncset.done $0x0;
	s14 =	rddreg [dreg:$0xc]  }
0x95: {  	p1 =	slt.s32 s3, $0x9E8;
	[sflag:s23] =	ssyncadd.s32 $0xFFFFC000;
	p0 =	sle.u32 s14, $0x0  }
0x96: {  	[spmem:s2] =	stream.indirect.scatter.add.f32 [tilespmem:s22], [sflag:$0x2], $0x80, s25, s21, $0xb8;
	[tilespmem:$0x1D000] =	vst v63  }
0x97: {  	s3 =	simm.s32 @!p1 $0x9E8;
	s0 =	simm.s32 @!p0 $0x2  }
0x98: {  	s3 =	sshll.u32 s3, $0x4;
	s6 =	simm.s32 @!p0 $0x19000;
	_ =	swait.ge @!p0 [sflag:s0], $0x4000  }
0x99: {  	s7 =	simm.s32 @!p0 $0x80;
	s3 =	sadd.s32 $0x100, s3;
	[sflag:s0] =	ssyncset.done @!p0 $0x0  }
0x9a: {  	s3 =	sand.u32 $0x1FFFFFF0, s3;
	[sflag:s0] =	ssyncadd.s32 @!p0 $0xFFFFC000;
	s0 =	simm.s32 @!p0 $0x14480  }
0x9b: {  	[tilespmem:s6], [sflag:$0x1] =	stream.indirect.gather @!p0 [hbm4b:s13+s7], $0x80, s0, s7, $0xb8;
	[tilespmem:$0x1D000] =	vst v63  }
0x9c: {  	s15 =	sadd.s32 s5, s3  }
0x9d: {  	[tilespmem:s19], [sflag:$0x3] =	stream.linear.gather [hbm4b:s15+s4], $0x400, $0x38;
	[tilespmem:$0x1D000] =	vst v63  }
0x9e: {  	s6 =	sadd.s32 s1, s3  }
0x9f: {  	[tilespmem:s20], [sflag:$0x3] =	stream.linear.gather [hbm4b:s6+s4], $0x400, $0x38;
	[tilespmem:$0x1D000] =	vst v63  }
0xa0: {  	_ =	swait.ge [sflag:s23], $0x4000  }
0xa1: {  	s7 =	rddreg [dreg:$0xd]  }
0xa2: {  	[sflag:s23] =	ssyncset.done $0x0;
	p0 =	sle.u32 s7, $0x0  }
0xa3: {  	s10 =	rddreg [dreg:$0x1c];
	[sflag:s23] =	ssyncadd.s32 $0xFFFFC000;
	s0 =	simm.s32 @!p0 $0x2  }
0xa4: {  	[spmem:s2] =	stream.indirect.scatter.add.f32 [tilespmem:s24], [sflag:$0x2], $0x80, s10, s21, $0xb8;
	[tilespmem:$0x1D000] =	vst v63  }
0xa5: {  	_ =	swait.ge @!p0 [sflag:s0], $0x4000  }
0xa6: {  	s3 =	simm.s32 @!p0 $0x15000;
	[sflag:s0] =	ssyncset.done @!p0 $0x0  }
0xa7: {  	s6 =	simm.s32 @!p0 $0x80;
	s7 =	simm.s32 @!p0 $0x14500;
	[sflag:s0] =	ssyncadd.s32 @!p0 $0xFFFFC000  }
0xa8: {  	[tilespmem:s3], [sflag:$0x1] =	stream.indirect.gather @!p0 [hbm4b:s13+s6], $0x80, s7, s6, $0xb8;
	[tilespmem:$0x1D000] =	vst v63  }
0xa9: {  	_ =	swait.ge [sflag:s23], $0x4000  }
0xaa: {  	s11 =	rddreg [dreg:$0xe]  }
0xab: {  	[sflag:s23] =	ssyncset.done $0x0;
	p0 =	sle.u32 s11, $0x0  }
0xac: {  	s12 =	rddreg [dreg:$0x1d];
	[sflag:s23] =	ssyncadd.s32 $0xFFFFC000;
	s0 =	simm.s32 @!p0 $0x2  }
0xad: {  	[spmem:s2] =	stream.indirect.scatter.add.f32 [tilespmem:s22], [sflag:$0x2], $0x80, s12, s21, $0xb8;
	[tilespmem:$0x1D000] =	vst v63  }
0xae: {  	_ =	swait.ge @!p0 [sflag:s0], $0x4000  }
0xaf: {  	s3 =	simm.s32 @!p0 $0x19000;
	[sflag:s0] =	ssyncset.done @!p0 $0x0  }
0xb0: {  	s6 =	simm.s32 @!p0 $0x80;
	s7 =	simm.s32 @!p0 $0x14580;
	[sflag:s0] =	ssyncadd.s32 @!p0 $0xFFFFC000  }
0xb1: {  	[tilespmem:s3], [sflag:$0x1] =	stream.indirect.gather @!p0 [hbm4b:s13+s6], $0x80, s7, s6, $0xb8;
	[tilespmem:$0x1D000] =	vst v63  }
0xb2: {  	_ =	swait.ge [sflag:s23], $0x4000  }
0xb3: {  	s14 =	rddreg [dreg:$0xf]  }
0xb4: {  	[sflag:s23] =	ssyncset.done $0x0;
	p0 =	sle.u32 s14, $0x0  }
0xb5: {  	s15 =	rddreg [dreg:$0x1e];
	[sflag:s23] =	ssyncadd.s32 $0xFFFFC000;
	s0 =	simm.s32 @!p0 $0x2  }
0xb6: {  	[spmem:s2] =	stream.indirect.scatter.add.f32 [tilespmem:s24], [sflag:$0x2], $0x80, s15, s21, $0xb8;
	[tilespmem:$0x1D000] =	vst v63  }
0xb7: {  	_ =	swait.ge @!p0 [sflag:s0], $0x4000  }
0xb8: {  	s3 =	simm.s32 @!p0 $0x15000;
	[sflag:s0] =	ssyncset.done @!p0 $0x0  }
0xb9: {  	s6 =	simm.s32 @!p0 $0x80;
	s7 =	simm.s32 @!p0 $0x14600;
	[sflag:s0] =	ssyncadd.s32 @!p0 $0xFFFFC000  }
0xba: {  	[tilespmem:s3], [sflag:$0x1] =	stream.indirect.gather @!p0 [hbm4b:s13+s6], $0x80, s7, s6, $0xb8;
	[tilespmem:$0x1D000] =	vst v63  }
0xbb: {  	_ =	swait.ge [sflag:s23], $0x4000  }
0xbc: {  	s6 =	rddreg [dreg:$0x10]  }
0xbd: {  	[sflag:s23] =	ssyncset.done $0x0;
	p0 =	sle.u32 s6, $0x0  }
0xbe: {  	s7 =	rddreg [dreg:$0x1f];
	[sflag:s23] =	ssyncadd.s32 $0xFFFFC000;
	s0 =	simm.s32 @!p0 $0x2  }
0xbf: {  	[spmem:s2] =	stream.indirect.scatter.add.f32 [tilespmem:s22], [sflag:$0x2], $0x80, s7, s21, $0xb8;
	[tilespmem:$0x1D000] =	vst v63  }
0xc0: {  	_ =	swait.ge @!p0 [sflag:s0], $0x4000  }
0xc1: {  	s3 =	simm.s32 @!p0 $0x19000;
	[sflag:s0] =	ssyncset.done @!p0 $0x0  }
0xc2: {  	s6 =	simm.s32 @!p0 $0x80;
	s7 =	simm.s32 @!p0 $0x14680;
	[sflag:s0] =	ssyncadd.s32 @!p0 $0xFFFFC000  }
0xc3: {  	[tilespmem:s3], [sflag:$0x1] =	stream.indirect.gather @!p0 [hbm4b:s13+s6], $0x80, s7, s6, $0xb8;
	[tilespmem:$0x1D000] =	vst v63  }
0xc4: {  	_ =	swait.ge [sflag:s23], $0x4000  }
0xc5: {  	s10 =	rddreg [dreg:$0x11]  }
0xc6: {  	s11 =	sld [smem:$0x7FB]  }
0xc7: {  	[sflag:s23] =	ssyncset.done $0x0;
	p0 =	sle.u32 s10, $0x0  }
0xc8: {  	[sflag:s23] =	ssyncadd.s32 $0xFFFFC000;
	s0 =	simm.s32 @!p0 $0x2  }
0xc9: {  	[spmem:s2] =	stream.indirect.scatter.add.f32 [tilespmem:s24], [sflag:$0x2], $0x80, s11, s21, $0xb8;
	[tilespmem:$0x1D000] =	vst v63  }
0xca: {  	_ =	swait.ge @!p0 [sflag:s0], $0x4000  }
0xcb: {  	s3 =	simm.s32 @!p0 $0x15000;
	[sflag:s0] =	ssyncset.done @!p0 $0x0  }
0xcc: {  	s6 =	simm.s32 @!p0 $0x80;
	s7 =	simm.s32 @!p0 $0x14700;
	[sflag:s0] =	ssyncadd.s32 @!p0 $0xFFFFC000  }
0xcd: {  	[tilespmem:s3], [sflag:$0x1] =	stream.indirect.gather @!p0 [hbm4b:s13+s6], $0x80, s7, s6, $0xb8;
	[tilespmem:$0x1D000] =	vst v63  }
0xce: {  	_ =	swait.ge [sflag:s23], $0x4000  }
0xcf: {  	s12 =	rddreg [dreg:$0x12]  }
0xd0: {  	s14 =	sld [smem:$0x7FC]  }
0xd1: {  	[sflag:s23] =	ssyncset.done $0x0;
	p0 =	sle.u32 s12, $0x0  }
0xd2: {  	[sflag:s23] =	ssyncadd.s32 $0xFFFFC000;
	s0 =	simm.s32 @!p0 $0x2  }
0xd3: {  	[spmem:s2] =	stream.indirect.scatter.add.f32 [tilespmem:s22], [sflag:$0x2], $0x80, s14, s21, $0xb8;
	[tilespmem:$0x1D000] =	vst v63  }
0xd4: {  	_ =	swait.ge @!p0 [sflag:s0], $0x4000  }
0xd5: {  	s3 =	simm.s32 @!p0 $0x19000;
	[sflag:s0] =	ssyncset.done @!p0 $0x0;
	s15 =	sld [smem:$0x7F6]  }
0xd6: {  	s6 =	simm.s32 @!p0 $0x80;
	s7 =	simm.s32 @!p0 $0x14780;
	[sflag:s0] =	ssyncadd.s32 @!p0 $0xFFFFC000  }
0xd7: {  	[tilespmem:s3], [sflag:$0x1] =	stream.indirect.gather @!p0 [hbm4b:s13+s6], $0x80, s7, s6, $0xb8;
	[tilespmem:$0x1D000] =	vst v63  }
0xd8: {  	s0 =	sadd.s32 $0xFFFFFFFF, s15  }
0xd9: {  	p0 =	sne.s32 s0, $0x0  }
.Ltmp0:
0xda: {  	_ = 	snop;
	(pc) =	sbr.rel @!p0 .LBB2_3-.Ltmp0, $3  }
0xdb: {  	_ =	sdelay $0x1  }
0xdc: {  	s31 =	simm.s32 $0x0;
	s3 =	sadd.s32 $0x100, s16;
	_ =	swait.ge [sflag:s26], $0x400  }
0xdd: {  	s6 =	sadd.s32 $0x100, s17;
	s7 =	simm.s32 $0x0;
	[sflag:s26] =	ssyncset.done $0x0  }
.LBB2_2:
0xde: {  	[sflag:s26] =	ssyncadd.s32 $0xFFFFFC00  }
0xdf: {  	_ =	swait.ge [sflag:s26], $0x400  }
0xe0: {  	[sflag:s26] =	ssyncset.done $0x0  }
0xe1: {  	[sflag:s26] =	ssyncadd.s32 $0xFFFFFC00  }
0xe2: {  	_ =	swait.ge [sflag:s23], $0x4000  }
0xe3: {  	s10 =	rddreg [dreg:$0x13]  }
0xe4: {  	s14 =	sld [smem:$0x7FD]  }
0xe5: {  	[sflag:s23] =	ssyncset.done $0x0;
	p1 =	sge.u32 s31, s10  }
0xe6: {  	[sflag:s23] =	ssyncadd.s32 $0xFFFFC000;
	s10 =	simm.s32 @!p1 $0x2  }
0xe7: {  	[spmem:s2] =	stream.indirect.scatter.add.f32 [tilespmem:s24], [sflag:$0x2], $0x80, s14, s21, $0xb8;
	[tilespmem:$0x1D000] =	vst v63  }
0xe8: {  	_ =	swait.ge @!p1 [sflag:s10], $0x4000  }
0xe9: {  	s15 =	simm.s32 @!p1 $0x80;
	[sflag:s10] =	ssyncset.done @!p1 $0x0  }
0xea: {  	s11 =	simm.s32 @!p1 $0x14000;
	s14 =	simm.s32 @!p1 $0x15000;
	[sflag:s10] =	ssyncadd.s32 @!p1 $0xFFFFC000  }
0xeb: {  	[tilespmem:s14], [sflag:$0x1] =	stream.indirect.gather @!p1 [hbm4b:s13+s15], $0x80, s11, s15, $0xb8;
	[tilespmem:$0x1D000] =	vst v63  }
0xec: {  	_ =	swait.ge [sflag:s23], $0x4000  }
0xed: {  	s7 =	sadd.s32 $0x10, s7;
	[sflag:s23] =	ssyncset.done $0x0;
	s15 =	rddreg [dreg:$0x4]  }
0xee: {  	[sflag:s23] =	ssyncadd.s32 $0xFFFFC000;
	p1 =	sge.u32 s7, s15  }
0xef: {  	[spmem:s2] =	stream.indirect.scatter.add.f32 [tilespmem:s22], [sflag:$0x2], $0x80, s20, s21, $0xb8;
	[tilespmem:$0x1D000] =	vst v63  }
0xf0: {  	p2 =	seq.s32 @!p1 s7, $0x0  }
0xf1: {  	p2 =	por p2, p1  }
0xf2: {  	s10 =	simm.s32 @!p2 $0x2  }
0xf3: {  	_ =	swait.ge @!p2 [sflag:s10], $0x4000  }
0xf4: {  	s11 =	simm.s32 @!p1 $0x19000;
	[sflag:s10] =	ssyncset.done @!p2 $0x0  }
0xf5: {  	s14 =	simm.s32 @!p1 $0x14080;
	[sflag:s10] =	ssyncadd.s32 @!p2 $0xFFFFC000;
	s10 =	simm.s32 @!p1 $0x80  }
0xf6: {  	[tilespmem:s11], [sflag:$0x1] =	stream.indirect.gather @!p1 [hbm4b:s13+s10], $0x80, s14, s10, $0xb8;
	[tilespmem:$0x1D000] =	vst v63  }
0xf7: {  	_ =	swait.ge [sflag:s23], $0x4000  }
0xf8: {  	s11 =	rddreg [dreg:$0x5]  }
0xf9: {  	[sflag:s23] =	ssyncset.done $0x0;
	p1 =	sge.u32 s7, s11  }
0xfa: {  	s12 =	rddreg [dreg:$0x14];
	[sflag:s23] =	ssyncadd.s32 $0xFFFFC000;
	s10 =	simm.s32 @!p1 $0x2  }
0xfb: {  	[spmem:s2] =	stream.indirect.scatter.add.f32 [tilespmem:s24], [sflag:$0x2], $0x80, s12, s21, $0xb8;
	[tilespmem:$0x1D000] =	vst v63  }
0xfc: {  	_ =	swait.ge @!p1 [sflag:s10], $0x4000  }
0xfd: {  	s11 =	simm.s32 @!p1 $0x14100;
	[sflag:s10] =	ssyncset.done @!p1 $0x0  }
0xfe: {  	s14 =	simm.s32 @!p1 $0x15000;
	s15 =	simm.s32 @!p1 $0x80;
	[sflag:s10] =	ssyncadd.s32 @!p1 $0xFFFFC000  }
0xff: {  	[tilespmem:s14], [sflag:$0x1] =	stream.indirect.gather @!p1 [hbm4b:s13+s15], $0x80, s11, s15, $0xb8;
	[tilespmem:$0x1D000] =	vst v63  }
0x100: {  	s12 =	rddreg [dreg:$0x15]  }
0x101: {  	[tilespmem:s12], [sflag:$0x3] =	stream.linear.gather [hbm4b:s3+s4], $0x400, $0x38;
	[tilespmem:$0x1D000] =	vst v63  }
0x102: {  	_ = 	snop  }
0x103: {  	[tilespmem:s25], [sflag:$0x3] =	stream.linear.gather [hbm4b:s6+s4], $0x400, $0x38;
	[tilespmem:$0x1D000] =	vst v63  }
0x104: {  	_ =	swait.ge [sflag:s23], $0x4000  }
0x105: {  	s14 =	rddreg [dreg:$0x6]  }
0x106: {  	[sflag:s23] =	ssyncset.done $0x0;
	p1 =	sge.u32 s7, s14  }
0x107: {  	s15 =	rddreg [dreg:$0x16];
	[sflag:s23] =	ssyncadd.s32 $0xFFFFC000;
	s10 =	simm.s32 @!p1 $0x2  }
0x108: {  	[spmem:s2] =	stream.indirect.scatter.add.f32 [tilespmem:s22], [sflag:$0x2], $0x80, s15, s21, $0xb8;
	[tilespmem:$0x1D000] =	vst v63  }
0x109: {  	_ =	swait.ge @!p1 [sflag:s10], $0x4000  }
0x10a: {  	s11 =	simm.s32 @!p1 $0x19000;
	[sflag:s10] =	ssyncset.done @!p1 $0x0  }
0x10b: {  	s12 =	simm.s32 @!p1 $0x80;
	s14 =	simm.s32 @!p1 $0x14180;
	[sflag:s10] =	ssyncadd.s32 @!p1 $0xFFFFC000  }
0x10c: {  	[tilespmem:s11], [sflag:$0x1] =	stream.indirect.gather @!p1 [hbm4b:s13+s12], $0x80, s14, s12, $0xb8;
	[tilespmem:$0x1D000] =	vst v63  }
0x10d: {  	_ =	swait.ge [sflag:s23], $0x4000  }
0x10e: {  	s11 =	rddreg [dreg:$0x7]  }
0x10f: {  	[sflag:s23] =	ssyncset.done $0x0;
	p1 =	sge.u32 s7, s11  }
0x110: {  	s12 =	rddreg [dreg:$0x17];
	[sflag:s23] =	ssyncadd.s32 $0xFFFFC000;
	s10 =	simm.s32 @!p1 $0x2  }
0x111: {  	[spmem:s2] =	stream.indirect.scatter.add.f32 [tilespmem:s24], [sflag:$0x2], $0x80, s12, s21, $0xb8;
	[tilespmem:$0x1D000] =	vst v63  }
0x112: {  	_ =	swait.ge @!p1 [sflag:s10], $0x4000  }
0x113: {  	s11 =	simm.s32 @!p1 $0x15000;
	[sflag:s10] =	ssyncset.done @!p1 $0x0  }
0x114: {  	s12 =	simm.s32 @!p1 $0x80;
	s14 =	simm.s32 @!p1 $0x14200;
	[sflag:s10] =	ssyncadd.s32 @!p1 $0xFFFFC000  }
0x115: {  	[tilespmem:s11], [sflag:$0x1] =	stream.indirect.gather @!p1 [hbm4b:s13+s12], $0x80, s14, s12, $0xb8;
	[tilespmem:$0x1D000] =	vst v63  }
0x116: {  	_ =	swait.ge [sflag:s23], $0x4000  }
0x117: {  	s14 =	rddreg [dreg:$0x8]  }
0x118: {  	[sflag:s23] =	ssyncset.done $0x0;
	p1 =	sge.u32 s7, s14  }
0x119: {  	s15 =	rddreg [dreg:$0x18];
	[sflag:s23] =	ssyncadd.s32 $0xFFFFC000;
	s10 =	simm.s32 @!p1 $0x2  }
0x11a: {  	[spmem:s2] =	stream.indirect.scatter.add.f32 [tilespmem:s22], [sflag:$0x2], $0x80, s15, s21, $0xb8;
	[tilespmem:$0x1D000] =	vst v63  }
0x11b: {  	_ =	swait.ge @!p1 [sflag:s10], $0x4000  }
0x11c: {  	s11 =	simm.s32 @!p1 $0x19000;
	[sflag:s10] =	ssyncset.done @!p1 $0x0  }
0x11d: {  	s12 =	simm.s32 @!p1 $0x80;
	s14 =	simm.s32 @!p1 $0x14280;
	[sflag:s10] =	ssyncadd.s32 @!p1 $0xFFFFC000  }
0x11e: {  	[tilespmem:s11], [sflag:$0x1] =	stream.indirect.gather @!p1 [hbm4b:s13+s12], $0x80, s14, s12, $0xb8;
	[tilespmem:$0x1D000] =	vst v63  }
0x11f: {  	_ =	swait.ge [sflag:s23], $0x4000  }
0x120: {  	s11 =	rddreg [dreg:$0x9]  }
0x121: {  	[sflag:s23] =	ssyncset.done $0x0;
	p1 =	sge.u32 s7, s11  }
0x122: {  	s12 =	rddreg [dreg:$0x19];
	[sflag:s23] =	ssyncadd.s32 $0xFFFFC000;
	s10 =	simm.s32 @!p1 $0x2  }
0x123: {  	[spmem:s2] =	stream.indirect.scatter.add.f32 [tilespmem:s24], [sflag:$0x2], $0x80, s12, s21, $0xb8;
	[tilespmem:$0x1D000] =	vst v63  }
0x124: {  	_ =	swait.ge @!p1 [sflag:s10], $0x4000  }
0x125: {  	s11 =	simm.s32 @!p1 $0x15000;
	[sflag:s10] =	ssyncset.done @!p1 $0x0  }
0x126: {  	s12 =	simm.s32 @!p1 $0x80;
	s14 =	simm.s32 @!p1 $0x14300;
	[sflag:s10] =	ssyncadd.s32 @!p1 $0xFFFFC000  }
0x127: {  	[tilespmem:s11], [sflag:$0x1] =	stream.indirect.gather @!p1 [hbm4b:s13+s12], $0x80, s14, s12, $0xb8;
	[tilespmem:$0x1D000] =	vst v63  }
0x128: {  	_ =	swait.ge [sflag:s23], $0x4000  }
0x129: {  	s14 =	rddreg [dreg:$0xa]  }
0x12a: {  	[sflag:s23] =	ssyncset.done $0x0;
	p1 =	sge.u32 s7, s14  }
0x12b: {  	s15 =	rddreg [dreg:$0x1a];
	[sflag:s23] =	ssyncadd.s32 $0xFFFFC000;
	s10 =	simm.s32 @!p1 $0x2  }
0x12c: {  	[spmem:s2] =	stream.indirect.scatter.add.f32 [tilespmem:s22], [sflag:$0x2], $0x80, s15, s21, $0xb8;
	[tilespmem:$0x1D000] =	vst v63  }
0x12d: {  	_ =	swait.ge @!p1 [sflag:s10], $0x4000  }
0x12e: {  	s11 =	simm.s32 @!p1 $0x19000;
	[sflag:s10] =	ssyncset.done @!p1 $0x0  }
0x12f: {  	s12 =	simm.s32 @!p1 $0x80;
	s14 =	simm.s32 @!p1 $0x14380;
	[sflag:s10] =	ssyncadd.s32 @!p1 $0xFFFFC000  }
0x130: {  	[tilespmem:s11], [sflag:$0x1] =	stream.indirect.gather @!p1 [hbm4b:s13+s12], $0x80, s14, s12, $0xb8;
	[tilespmem:$0x1D000] =	vst v63  }
0x131: {  	_ =	swait.ge [sflag:s26], $0x400  }
0x132: {  	[sflag:s26] =	ssyncset.done $0x0  }
0x133: {  	[sflag:s26] =	ssyncadd.s32 $0xFFFFFC00  }
0x134: {  	_ =	swait.ge [sflag:s26], $0x400  }
0x135: {  	[sflag:s26] =	ssyncset.done $0x0  }
0x136: {  	[sflag:s26] =	ssyncadd.s32 $0xFFFFFC00  }
0x137: {  	_ =	swait.ge [sflag:s23], $0x4000  }
0x138: {  	s11 =	rddreg [dreg:$0xb]  }
0x139: {  	[sflag:s23] =	ssyncset.done $0x0;
	p1 =	sge.u32 s7, s11  }
0x13a: {  	s12 =	rddreg [dreg:$0x1b];
	[sflag:s23] =	ssyncadd.s32 $0xFFFFC000;
	s10 =	simm.s32 @!p1 $0x2  }
0x13b: {  	[spmem:s2] =	stream.indirect.scatter.add.f32 [tilespmem:s24], [sflag:$0x2], $0x80, s12, s21, $0xb8;
	[tilespmem:$0x1D000] =	vst v63  }
0x13c: {  	_ =	swait.ge @!p1 [sflag:s10], $0x4000  }
0x13d: {  	s11 =	simm.s32 @!p1 $0x15000;
	[sflag:s10] =	ssyncset.done @!p1 $0x0  }
0x13e: {  	s12 =	simm.s32 @!p1 $0x80;
	s14 =	simm.s32 @!p1 $0x14400;
	[sflag:s10] =	ssyncadd.s32 @!p1 $0xFFFFC000  }
0x13f: {  	[tilespmem:s11], [sflag:$0x1] =	stream.indirect.gather @!p1 [hbm4b:s13+s12], $0x80, s14, s12, $0xb8;
	[tilespmem:$0x1D000] =	vst v63  }
0x140: {  	_ =	swait.ge [sflag:s23], $0x4000  }
0x141: {  	s11 =	sadd.s32 s7, s9;
	[sflag:s23] =	ssyncset.done $0x0;
	s14 =	rddreg [dreg:$0xc]  }
0x142: {  	p2 =	slt.s32 s11, $0x9E8;
	[sflag:s23] =	ssyncadd.s32 $0xFFFFC000;
	p1 =	sge.u32 s7, s14  }
0x143: {  	[spmem:s2] =	stream.indirect.scatter.add.f32 [tilespmem:s22], [sflag:$0x2], $0x80, s25, s21, $0xb8;
	[tilespmem:$0x1D000] =	vst v63  }
0x144: {  	s11 =	simm.s32 @!p2 $0x9E8;
	s10 =	simm.s32 @!p1 $0x2  }
0x145: {  	s11 =	sshll.u32 s11, $0x4;
	s12 =	simm.s32 @!p1 $0x19000;
	_ =	swait.ge @!p1 [sflag:s10], $0x4000  }
0x146: {  	s14 =	simm.s32 @!p1 $0x80;
	s11 =	sadd.s32 $0x100, s11;
	[sflag:s10] =	ssyncset.done @!p1 $0x0  }
0x147: {  	s11 =	sand.u32 $0x1FFFFFF0, s11;
	[sflag:s10] =	ssyncadd.s32 @!p1 $0xFFFFC000;
	s10 =	simm.s32 @!p1 $0x14480  }
0x148: {  	[tilespmem:s12], [sflag:$0x1] =	stream.indirect.gather @!p1 [hbm4b:s13+s14], $0x80, s10, s14, $0xb8;
	[tilespmem:$0x1D000] =	vst v63  }
0x149: {  	s15 =	sadd.s32 s5, s11  }
0x14a: {  	[tilespmem:s19], [sflag:$0x3] =	stream.linear.gather [hbm4b:s15+s4], $0x400, $0x38;
	[tilespmem:$0x1D000] =	vst v63  }
0x14b: {  	s11 =	sadd.s32 s1, s11  }
0x14c: {  	[tilespmem:s20], [sflag:$0x3] =	stream.linear.gather [hbm4b:s11+s4], $0x400, $0x38;
	[tilespmem:$0x1D000] =	vst v63  }
0x14d: {  	_ =	swait.ge [sflag:s23], $0x4000  }
0x14e: {  	s11 =	rddreg [dreg:$0xd]  }
0x14f: {  	[sflag:s23] =	ssyncset.done $0x0;
	p1 =	sge.u32 s7, s11  }
0x150: {  	s12 =	rddreg [dreg:$0x1c];
	[sflag:s23] =	ssyncadd.s32 $0xFFFFC000;
	s10 =	simm.s32 @!p1 $0x2  }
0x151: {  	[spmem:s2] =	stream.indirect.scatter.add.f32 [tilespmem:s24], [sflag:$0x2], $0x80, s12, s21, $0xb8;
	[tilespmem:$0x1D000] =	vst v63  }
0x152: {  	_ =	swait.ge @!p1 [sflag:s10], $0x4000  }
0x153: {  	s11 =	simm.s32 @!p1 $0x15000;
	[sflag:s10] =	ssyncset.done @!p1 $0x0  }
0x154: {  	s12 =	simm.s32 @!p1 $0x80;
	s14 =	simm.s32 @!p1 $0x14500;
	[sflag:s10] =	ssyncadd.s32 @!p1 $0xFFFFC000  }
0x155: {  	[tilespmem:s11], [sflag:$0x1] =	stream.indirect.gather @!p1 [hbm4b:s13+s12], $0x80, s14, s12, $0xb8;
	[tilespmem:$0x1D000] =	vst v63  }
0x156: {  	_ =	swait.ge [sflag:s23], $0x4000  }
0x157: {  	s14 =	rddreg [dreg:$0xe]  }
0x158: {  	[sflag:s23] =	ssyncset.done $0x0;
	p1 =	sge.u32 s7, s14  }
0x159: {  	s15 =	rddreg [dreg:$0x1d];
	[sflag:s23] =	ssyncadd.s32 $0xFFFFC000;
	s10 =	simm.s32 @!p1 $0x2  }
0x15a: {  	[spmem:s2] =	stream.indirect.scatter.add.f32 [tilespmem:s22], [sflag:$0x2], $0x80, s15, s21, $0xb8;
	[tilespmem:$0x1D000] =	vst v63  }
0x15b: {  	_ =	swait.ge @!p1 [sflag:s10], $0x4000  }
0x15c: {  	s11 =	simm.s32 @!p1 $0x19000;
	[sflag:s10] =	ssyncset.done @!p1 $0x0  }
0x15d: {  	s12 =	simm.s32 @!p1 $0x80;
	s14 =	simm.s32 @!p1 $0x14580;
	[sflag:s10] =	ssyncadd.s32 @!p1 $0xFFFFC000  }
0x15e: {  	[tilespmem:s11], [sflag:$0x1] =	stream.indirect.gather @!p1 [hbm4b:s13+s12], $0x80, s14, s12, $0xb8;
	[tilespmem:$0x1D000] =	vst v63  }
0x15f: {  	_ =	swait.ge [sflag:s23], $0x4000  }
0x160: {  	s11 =	rddreg [dreg:$0xf]  }
0x161: {  	[sflag:s23] =	ssyncset.done $0x0;
	p1 =	sge.u32 s7, s11  }
0x162: {  	s12 =	rddreg [dreg:$0x1e];
	[sflag:s23] =	ssyncadd.s32 $0xFFFFC000;
	s10 =	simm.s32 @!p1 $0x2  }
0x163: {  	[spmem:s2] =	stream.indirect.scatter.add.f32 [tilespmem:s24], [sflag:$0x2], $0x80, s12, s21, $0xb8;
	[tilespmem:$0x1D000] =	vst v63  }
0x164: {  	_ =	swait.ge @!p1 [sflag:s10], $0x4000  }
0x165: {  	s11 =	simm.s32 @!p1 $0x15000;
	[sflag:s10] =	ssyncset.done @!p1 $0x0  }
0x166: {  	s12 =	simm.s32 @!p1 $0x80;
	s14 =	simm.s32 @!p1 $0x14600;
	[sflag:s10] =	ssyncadd.s32 @!p1 $0xFFFFC000  }
0x167: {  	[tilespmem:s11], [sflag:$0x1] =	stream.indirect.gather @!p1 [hbm4b:s13+s12], $0x80, s14, s12, $0xb8;
	[tilespmem:$0x1D000] =	vst v63  }
0x168: {  	_ =	swait.ge [sflag:s23], $0x4000  }
0x169: {  	s14 =	rddreg [dreg:$0x10]  }
0x16a: {  	[sflag:s23] =	ssyncset.done $0x0;
	p1 =	sge.u32 s7, s14  }
0x16b: {  	s15 =	rddreg [dreg:$0x1f];
	[sflag:s23] =	ssyncadd.s32 $0xFFFFC000;
	s10 =	simm.s32 @!p1 $0x2  }
0x16c: {  	[spmem:s2] =	stream.indirect.scatter.add.f32 [tilespmem:s22], [sflag:$0x2], $0x80, s15, s21, $0xb8;
	[tilespmem:$0x1D000] =	vst v63  }
0x16d: {  	_ =	swait.ge @!p1 [sflag:s10], $0x4000  }
0x16e: {  	s11 =	simm.s32 @!p1 $0x19000;
	[sflag:s10] =	ssyncset.done @!p1 $0x0  }
0x16f: {  	s12 =	simm.s32 @!p1 $0x80;
	s14 =	simm.s32 @!p1 $0x14680;
	[sflag:s10] =	ssyncadd.s32 @!p1 $0xFFFFC000  }
0x170: {  	[tilespmem:s11], [sflag:$0x1] =	stream.indirect.gather @!p1 [hbm4b:s13+s12], $0x80, s14, s12, $0xb8;
	[tilespmem:$0x1D000] =	vst v63  }
0x171: {  	_ =	swait.ge [sflag:s23], $0x4000  }
0x172: {  	s11 =	rddreg [dreg:$0x11]  }
0x173: {  	s12 =	sld [smem:$0x7FB]  }
0x174: {  	[sflag:s23] =	ssyncset.done $0x0;
	p1 =	sge.u32 s7, s11  }
0x175: {  	[sflag:s23] =	ssyncadd.s32 $0xFFFFC000;
	s10 =	simm.s32 @!p1 $0x2  }
0x176: {  	[spmem:s2] =	stream.indirect.scatter.add.f32 [tilespmem:s24], [sflag:$0x2], $0x80, s12, s21, $0xb8;
	[tilespmem:$0x1D000] =	vst v63  }
0x177: {  	_ =	swait.ge @!p1 [sflag:s10], $0x4000  }
0x178: {  	s11 =	simm.s32 @!p1 $0x15000;
	[sflag:s10] =	ssyncset.done @!p1 $0x0  }
0x179: {  	s14 =	simm.s32 @!p1 $0x14700;
	s12 =	simm.s32 @!p1 $0x80;
	[sflag:s10] =	ssyncadd.s32 @!p1 $0xFFFFC000  }
0x17a: {  	[tilespmem:s11], [sflag:$0x1] =	stream.indirect.gather @!p1 [hbm4b:s13+s12], $0x80, s14, s12, $0xb8;
	[tilespmem:$0x1D000] =	vst v63  }
0x17b: {  	_ =	swait.ge [sflag:s23], $0x4000  }
0x17c: {  	s14 =	rddreg [dreg:$0x12]  }
0x17d: {  	s15 =	sld [smem:$0x7FC]  }
0x17e: {  	[sflag:s23] =	ssyncset.done $0x0;
	p1 =	sge.u32 s7, s14  }
0x17f: {  	s0 =	sadd.s32 $0xFFFFFFFF, s0;
	[sflag:s23] =	ssyncadd.s32 $0xFFFFC000;
	s10 =	simm.s32 @!p1 $0x2  }
0x180: {  	[spmem:s2] =	stream.indirect.scatter.add.f32 [tilespmem:s22], [sflag:$0x2], $0x80, s15, s21, $0xb8;
	[tilespmem:$0x1D000] =	vst v63  }
0x181: {  	p0 =	sne.s32 s0, $0x0;
	_ =	swait.ge @!p1 [sflag:s10], $0x4000  }
.Ltmp1:
0x182: {  	s11 =	simm.s32 @!p1 $0x19000;
	[sflag:s10] =	ssyncset.done @!p1 $0x0;
	(pc) =	sbr.rel @p0 .LBB2_2-.Ltmp1, $4  }
0x183: {  	s12 =	simm.s32 @!p1 $0x80;
	s14 =	simm.s32 @!p1 $0x14780;
	[sflag:s10] =	ssyncadd.s32 @!p1 $0xFFFFC000  }
0x184: {  	[tilespmem:s11], [sflag:$0x1] =	stream.indirect.gather @!p1 [hbm4b:s13+s12], $0x80, s14, s12, $0xb8;
	[tilespmem:$0x1D000] =	vst v63  }
0x185: {  	s31 =	smov.u32 s7;
	_ =	swait.ge [sflag:s26], $0x400  }
0x186: {  	s3 =	sadd.s32 $0x100, s3;
	s6 =	sadd.s32 $0x100, s6;
	[sflag:s26] =	ssyncset.done $0x0  }
.LBB2_3:
0x187: {  	[sflag:s26] =	ssyncadd.s32 $0xFFFFFC00  }
0x188: {  	_ =	swait.ge [sflag:s26], $0x400  }
0x189: {  	[sflag:s26] =	ssyncset.done $0x0  }
0x18a: {  	[sflag:s26] =	ssyncadd.s32 $0xFFFFFC00  }
0x18b: {  	_ =	swait.ge [sflag:s23], $0x4000  }
0x18c: {  	s0 =	rddreg [dreg:$0x13]  }
0x18d: {  	s3 =	sld [smem:$0x7FD]  }
0x18e: {  	[sflag:s23] =	ssyncset.done $0x0;
	p0 =	sge.u32 s31, s0  }
0x18f: {  	[sflag:s23] =	ssyncadd.s32 $0xFFFFC000;
	s0 =	simm.s32 @!p0 $0x2  }
0x190: {  	[spmem:s2] =	stream.indirect.scatter.add.f32 [tilespmem:s24], [sflag:$0x2], $0x80, s3, s21, $0xb8;
	[tilespmem:$0x1D000] =	vst v63  }
0x191: {  	_ =	swait.ge @!p0 [sflag:s0], $0x4000  }
0x192: {  	s6 =	simm.s32 @!p0 $0x80;
	[sflag:s0] =	ssyncset.done @!p0 $0x0  }
0x193: {  	s7 =	simm.s32 @!p0 $0x14000;
	s3 =	simm.s32 @!p0 $0x15000;
	[sflag:s0] =	ssyncadd.s32 @!p0 $0xFFFFC000  }
0x194: {  	[tilespmem:s3], [sflag:$0x1] =	stream.indirect.gather @!p0 [hbm4b:s13+s6], $0x80, s7, s6, $0xb8;
	[tilespmem:$0x1D000] =	vst v63  }
0x195: {  	_ =	swait.ge [sflag:s28], $0x4000  }
0x196: {  	[sflag:s28] =	ssyncset.done $0x0  }
0x197: {  	[sflag:s28] =	ssyncadd.s32 $0xFFFFC000  }
0x198: {  	_ =	swait.ge [sflag:s28], $0x4000  }
0x199: {  	[sflag:s28] =	ssyncset.done $0x0  }
0x19a: {  	[sflag:s28] =	ssyncadd.s32 $0xFFFFC000  }
0x19b: {  	[bflag:$0x0] =	sbarrier.arrive $0xFFFF  }
0x19c: {  	s15 =	sld [smem:$0x7F7];
	_ =	sdelay $0x2  }
0x19d: {  	[hbm:s15], [sflag:s8] =	dma.local [spmem:s30], $0x2800  }
0x19e: {  	_ =	swait.ge [sflag:s18], $0x2800  }
0x19f: {  	s31 =	sld [smem:$0x7F8];
	_ =	sdelay $0x1  }
0x1a0: {  	s29 =	sadd.s32 $0x1, s29  }
0x1a1: {  	p0 =	sne.s32 s29, s31  }
.Ltmp2:
0x1a2: {  	_ = 	snop;
	(pc) =	sbr.rel @p0 .LBB2_1-.Ltmp2, $3  }
0x1a3: {  	_ =	sdelay $0x1  }
0x1a4: {  	[sflag:s18] =	ssyncset.done $0x0  }
0x1a5: {  	[sflag:s18] =	ssyncadd.s32 $0xFFFFD800  }
0x1a6: {  	_ =	sfence.sel $0x180000  }
0x1a7: {  	[bflag:$0x0] =	sbarrier.arrive $0xFFFF  }
0x1a8: {  	_ =	strace $0x9000004D  }
0x1a9: {  	s0 =	stileid.u32;
	[bflag:$0x2] =	sbarrier.arrive $0xFFFF  }
0x1aa: {  	p0 =	sne.s32 s0, $0x0;
	s0 =	rddreg [dreg:$0x3]  }
0x1ab: {  	s0 =	sadd.s32 @!p0 $0x100000, s0  }
0x1ac: {  	[sflag:s0] =	ssyncadd.tile.s32 @!p0 $0x1;
	_ =	shalt  }
.Lfunc_end2:
_tile_overlayer_lowered:
.L_overlay_start_2:
0x1ad: {  	(tag) =	ssettag $0x2  }
0x1ae: {  	s0 =	rddreg [dreg:$0x0];
	s2 =	stileid.u32  }
0x1af: {  	s1 =	rddreg [dreg:$0x1];
	p0 =	sne.s32 s2, $0x0  }
0x1b0: {  	s3 =	rddreg [dreg:$0x2];
	[bflag:$0x3] =	sbarrier.arrive $0xFFFF;
	s2 =	simm.s32 @!p0 $0x1C04  }
0x1b1: {  	[timem:s3], [sflag:s2] =	dma.local @!p0 [hbm:s0], s1  }
0x1b2: {  	s0 =	simm.s32 @!p0 $0x4  }
0x1b3: {  	_ =	swait.ge @!p0 [sflag:s0], s1  }
0x1b4: {  	s1 =	ssub.s32 @!p0 $0x0, s1;
	[sflag:s0] =	ssyncset.done @!p0 $0x0  }
0x1b5: {  	[sflag:s0] =	ssyncadd.s32 @!p0 s1  }
0x1b6: {  	[bflag:$0x3] =	sbarrier.arrive $0xFFFF  }
0x1b7: {  	_ =	shalt  }

// kernel: kernel.8.cloned.1.call-start
scs
__scs_entry_jumppad:
0x0: {  	(pc) =	sbr.rel $0x88, $3  }
0x1: {  	(tag) =	ssettag $0x0;
	lr =	simm.s32 $0x1  }
0x2: {  	[smem:$0x3F97] =	sst lr;
	_ =	strace $0xD0000000  }
0x3: {  	_ = 	snop  }
0x4: {  	_ = 	snop  }
0x5: {  	_ = 	snop  }
0x6: {  	_ = 	snop  }
0x7: {  	_ = 	snop  }
__scs_overlays_trampoline_lowered:
0x8: {  	[smem:$0x3FA6] =	sst s0  }
0x9: {  	[smem:$0x3FA7] =	sst s1  }
0xa: {  	[smem:$0x3FA8] =	sst s2  }
0xb: {  	[smem:$0x3FA9] =	sst s3  }
0xc: {  	[smem:$0x3FAA] =	sst s4  }
0xd: {  	[smem:$0x3FAB] =	sst s5  }
0xe: {  	[smem:$0x3FAC] =	sst s6  }
0xf: {  	[smem:$0x3FAD] =	sst s7  }
0x10: {  	[smem:$0x3FAE] =	sst s8  }
0x11: {  	[smem:$0x3FAF] =	sst s9;
	s0 =	simm.s32 @!p0 $0x0  }
0x12: {  	s1 =	sld [smem:$0x3F95];
	s0 =	simm.s32 @p0 $0x1  }
0x13: {  	[smem:$0x3FB0] =	sst s0;
	s0 =	simm.s32 @!p1 $0x0  }
0x14: {  	s2 =	sld [smem:$0x3F94];
	s0 =	simm.s32 @p1 $0x1  }
0x15: {  	[smem:$0x3FB1] =	sst s0;
	s0 =	simm.s32 @!p2 $0x0  }
0x16: {  	s3 =	sld [smem:$0x3FDB];
	s0 =	simm.s32 @p2 $0x1  }
0x17: {  	s4 =	simm.s32 $0x1BF5;
	[smem:$0x3FB3] =	sst s0  }
0x18: {  	s0 =	sld [smem:$0x3F96];
	_ =	swait.ge [sflag:s4], $0x0  }
0x19: {  	s7 =	sld [smem:$0x3F97]  }
0x1a: {  	s8 =	sadd.s32 $0xFFFFE003, lr  }
0x1b: {  	s9 =	sadd.s32 $0xFFFFFEF7, lr;
	s5 =	simm.s32 $0xFFFFFFFF;
	p2 =	slt.u32 s8, $0xFFFFF086  }
0x1c: {  	p1 =	slt.u32 s9, $0xF7A;
	s5 =	simm.s32 @!p2 $0x0  }
0x1d: {  	s5 =	simm.s32 @p1 $0x1;
	p0 =	seq.s32 s7, s2  }
0x1e: {  	s7 =	smul.u32 @!p0 $0xF7A, s2;
	p2 =	seq.s32 @!p0 s5, $0x0  }
0x1f: {  	s9 =	smul.u32 $0xF7A, s1;
	s8 =	simm.s32 @!p0 $0x1BF5;
	p2 =	por !p2, p0  }
0x20: {  	[sflag:s8] =	ssyncset.s32 @!p0 $0xFFFFF086;
	s6 =	sadd.s32 @!p0 s3, s7;
	s7 =	simm.s32 @!p0 $0x108  }
0x21: {  	s3 =	sadd.s32 s3, s9;
	s6 =	sadd.s32 @!p0 $0x88, s6;
	s7 =	simm.s32 @p2 $0x1082  }
0x22: {  	[simem:s7], [sflag:s8] =	dma.local @!p0 [hbm:s6], $0xF7A  }
0x23: {  	s9 =	sor.u32 $0xD0000000, s2;
	s6 =	simm.s32 $0x108;
	_ =	swait.ge @!p0 [sflag:s8], $0x0  }
0x24: {  	s3 =	sadd.s32 $0x88, s3;
	s6 =	simm.s32 @!p1 $0x1082;
	[sflag:s4] =	ssyncset.s32 $0xFFFFF086  }
0x25: {  	[simem:s6], [sflag:s4] =	dma.local [hbm:s3], $0xF7A  }
0x26: {  	[smem:$0x3F97] =	sst s1;
	(tag) =	ssettag s2;
	_ =	strace s9  }
0x27: {  	s1 =	sld [smem:$0x3FA7]  }
0x28: {  	s2 =	sld [smem:$0x3FA8]  }
0x29: {  	s4 =	sld [smem:$0x3FAA]  }
0x2a: {  	p0 =	seq.s32 s5, $0x0;
	s5 =	sld [smem:$0x3FAB]  }
0x2b: {  	s6 =	sld [smem:$0x3FAC]  }
0x2c: {  	s7 =	sld [smem:$0x3FAD]  }
0x2d: {  	s3 =	simm.s32 $0x108;
	s8 =	sld [smem:$0x3FAE]  }
0x2e: {  	s3 =	simm.s32 @!p0 $0x1082;
	s9 =	sld [smem:$0x3FAF]  }
0x2f: {  	lr =	sadd.s32 s0, s3;
	s0 =	sld [smem:$0x3FA6]  }
0x30: {  	s3 =	sld [smem:$0x3FA9]  }
0x31: {  	[smem:$0x3FB2] =	sst s10  }
0x32: {  	s10 =	sld [smem:$0x3FB0];
	_ =	sdelay $0x3  }
0x33: {  	p0 =	seq.s32 s10, $0x1;
	s10 =	sld [smem:$0x3FB2];
	_ =	sdelay $0x3  }
0x34: {  	[smem:$0x3FB2] =	sst s10  }
0x35: {  	s10 =	sld [smem:$0x3FB1];
	_ =	sdelay $0x3  }
0x36: {  	p1 =	seq.s32 s10, $0x1;
	s10 =	sld [smem:$0x3FB2];
	_ =	sdelay $0x3  }
0x37: {  	[smem:$0x3FB2] =	sst s10  }
0x38: {  	s10 =	sld [smem:$0x3FB3]  }
0x39: {  	_ = 	snop;
	(pc) =	sbr.ind lr, $3  }
0x3a: {  	_ = 	snop  }
0x3b: {  	_ = 	snop  }
0x3c: {  	p2 =	seq.s32 s10, $0x1;
	s10 =	sld [smem:$0x3FB2]  }
0x3d: {  	_ =	shalt  }
0x3e: {  	_ =	shalt  }
0x3f: {  	_ =	shalt  }
0x40: {  	_ =	shalt  }
0x41: {  	_ =	shalt  }
0x42: {  	_ =	shalt  }
0x43: {  	_ =	shalt  }
0x44: {  	_ =	shalt  }
0x45: {  	_ =	shalt  }
0x46: {  	_ =	shalt  }
0x47: {  	_ =	shalt  }
0x48: {  	_ =	shalt  }
0x49: {  	_ =	shalt  }
0x4a: {  	_ =	shalt  }
0x4b: {  	_ =	shalt  }
0x4c: {  	_ =	shalt  }
0x4d: {  	_ =	shalt  }
0x4e: {  	_ =	shalt  }
0x4f: {  	_ =	shalt  }
0x50: {  	_ =	shalt  }
0x51: {  	_ =	shalt  }
0x52: {  	_ =	shalt  }
0x53: {  	_ =	shalt  }
0x54: {  	_ =	shalt  }
0x55: {  	_ =	shalt  }
0x56: {  	_ =	shalt  }
0x57: {  	_ =	shalt  }
0x58: {  	_ =	shalt  }
0x59: {  	_ =	shalt  }
0x5a: {  	_ =	shalt  }
0x5b: {  	_ =	shalt  }
0x5c: {  	_ =	shalt  }
0x5d: {  	_ =	shalt  }
0x5e: {  	_ =	shalt  }
0x5f: {  	_ =	shalt  }
0x60: {  	_ =	shalt  }
0x61: {  	_ =	shalt  }
0x62: {  	_ =	shalt  }
0x63: {  	_ =	shalt  }
0x64: {  	_ =	shalt  }
0x65: {  	_ =	shalt  }
0x66: {  	_ =	shalt  }
0x67: {  	_ =	shalt  }
0x68: {  	_ =	shalt  }
0x69: {  	_ =	shalt  }
0x6a: {  	_ =	shalt  }
0x6b: {  	_ =	shalt  }
0x6c: {  	_ =	shalt  }
0x6d: {  	_ =	shalt  }
0x6e: {  	_ =	shalt  }
0x6f: {  	_ =	shalt  }
0x70: {  	_ =	shalt  }
0x71: {  	_ =	shalt  }
0x72: {  	_ =	shalt  }
0x73: {  	_ =	shalt  }
0x74: {  	_ =	shalt  }
0x75: {  	_ =	shalt  }
0x76: {  	_ =	shalt  }
0x77: {  	_ =	shalt  }
0x78: {  	_ =	shalt  }
0x79: {  	_ =	shalt  }
0x7a: {  	_ =	shalt  }
0x7b: {  	_ =	shalt  }
0x7c: {  	_ =	shalt  }
0x7d: {  	_ =	shalt  }
0x7e: {  	_ =	shalt  }
0x7f: {  	_ =	shalt  }
0x80: {  	_ =	shalt  }
0x81: {  	_ =	shalt  }
0x82: {  	_ =	shalt  }
0x83: {  	_ =	shalt  }
0x84: {  	_ =	shalt  }
0x85: {  	_ =	shalt  }
0x86: {  	_ =	shalt  }
0x87: {  	_ =	shalt  }
.Lfunc_end0:
.L_simem_size_0:
called_computation_lowered:
.L_overlay_start_0:
0x88: {  	s2 =	sld [smem:$0x3FD9]  }
0x89: {  	s3 =	sld [smem:$0x3FFE];
	_ =	sdelay $0x1  }
0x8a: {  	s1 =	srdreg.scid  }
0x8b: {  	s0 =	sand.u32 $0x1, s1  }
0x8c: {  	s16 =	sshll.u32 s0, $0xA;
	s2 =	sadd.s32 s3, s2  }
0x8d: {  	s2 =	sadd.s32 s2, s16  }
0x8e: {  	[smem:$0x3FBE] =	sst s2  }
0x8f: {  	_ = 	snop  }
0x90: {  	(tm) =	ssettm $0x1  }
0x91: {  	s17 =	sld [smem:$0x3FFB];
	_ =	sdelay $0x3  }
0x92: {  	_ =	strace s17  }
0x93: {  	s2 =	sld [smem:$0x3FFC];
	_ =	sdelay $0x3  }
0x94: {  	_ =	strace s2  }
0x95: {  	s2 =	sld [smem:$0x3FFD];
	_ =	sdelay $0x3  }
0x96: {  	_ =	strace s2  }
0x97: {  	_ =	strace $0x8FFFFFFF  }
0x98: {  	s18 =	sld [smem:$0x3FDB];
	_ =	sdelay $0x1  }
0x99: {  	s19 =	simm.s32 $_scs_section_size  }
0x9a: {  	s4 =	simm.s32 $_size__tile_overlayer_lowered;
	s5 =	simm.s32 $_tile_overlayer_lowered  }
0x9b: {  	s22 =	simm.s32 $0x1BFF;
	s21 =	sshll.u32 s5, $0x1;
	s2 =	sadd.s32 s19, s18  }
0x9c: {  	s6 =	simm.s32 $0x0;
	s20 =	sshll.u32 s4, $0x1;
	s4 =	sadd.s32 s21, s2  }
0x9d: {  	[timem:s6], [sflag:s22] =	dma.local [hbm:s4], s20  }
0x9e: {  	_ =	swait.ge [sflag:s22], s20  }
0x9f: {  	s3 =	ssub.s32 $0x0, s20;
	[sflag:s22] =	ssyncset.done $0x0  }
0xa0: {  	[sflag:s22] =	ssyncadd.s32 s3;
	_ =	sdelay $0x1  }
0xa1: {  	s23 =	simm.s32 $0x1B8B  }
0xa2: {  	_ =	swait.ge [sflag:s23], $0x1  }
0xa3: {  	[sflag:s23] =	ssyncset.done $0x0  }
0xa4: {  	s25 =	simm.s32 $0x1B8E;
	s24 =	sld [smem:$0x3FFE];
	[sflag:s23] =	ssyncadd.s32 $0xFFFFFFFF  }
0xa5: {  	s26 =	simm.s32 $execute0_lowered;
	[smem:$0x3FD2] =	sst s25  }
0xa6: {  	s4 =	sshll.u32 s26, $0x1;
	_ =	strace $0x80000046;
	[dreg:$0x1] =	wrdreg $0xFFFFFFFF  }
0xa7: {  	s28 =	simm.s32 $_size_execute0_lowered;
	s2 =	sadd.s32 s2, s4;
	[dreg:$0x0] =	wrdreg $0x0  }
0xa8: {  	s4 =	sshll.u32 s28, $0x1;
	[dreg:$0x2] =	wrdreg s2  }
0xa9: {  	[dreg:$0x3] =	wrdreg s4  }
0xaa: {  	[dreg:$0x4] =	wrdreg $0xC0  }
0xab: {  	_ =	task [dreg:s6], $0x5FFFF  }
0xac: {  	[dreg:$0x1] =	wrdreg $0xFFFFFFFF  }
0xad: {  	[dreg:$0x0] =	wrdreg $0x60  }
0xae: {  	[dreg:$0x2] =	wrdreg s24  }
0xaf: {  	[dreg:$0x3] =	wrdreg $0x0  }
0xb0: {  	[dreg:$0x4] =	wrdreg $0x9  }
0xb1: {  	_ =	task.clear_ibuf [dreg:s6], $0x5FFFF;
	_ =	strace $0x90000046  }
0xb2: {  	s29 =	simm.s32 $0x9;
	_ =	strace $0x80000048  }
0xb3: {  	_ =	swait.ge [sflag:s29], $0x1  }
0xb4: {  	[sflag:s29] =	ssyncadd.s32 $0xFFFFFFFF  }
0xb5: {  	_ =	strace $0x90000048  }
0xb6: {  	_ =	sfence  }
0xb7: {  	s30 =	sld [smem:$0x0];
	_ =	sdelay $0x2  }
0xb8: {  	s31 =	sshll.u32 s1, $0xD;
	s1 =	sshrl.u32 s1, $0x2  }
0xb9: {  	s3 =	sand.u32 $0x4000, s31;
	s1 =	sadd.s32 s1, s30  }
0xba: {  	s0 =	sor.u32 s3, s0;
	s1 =	sshll.u32 s1, $0x11  }
0xbb: {  	s0 =	sor.u32 s1, s0  }
0xbc: {  	s0 =	sadd.s32 $0x8F2B, s0  }
0xbd: {  	[sflag:s0] =	ssyncadd.remote.s32 $0x1  }
0xbe: {  	_ =	sfence.sel $0xFFFF  }
0xbf: {  	[dreg:$0x0] =	wrdreg $0xFFFFFFFF;
	(pc) =	sbr.abs _section_cstart, $3  }
0xc0: {  	[dreg:$0x1] =	wrdreg $0xFFFFFFFF  }
0xc1: {  	_ =	task.clear_ibuf [dreg:s6], $0x2FFFF;
	_ =	strace $0x9FFFFFFF  }
0xc2: {  	(tm) =	ssettm $0x7FFFFFFF  }
0xc3: {  	_ =	shalt  }
tec
execute0_lowered:
.L_overlay_start_1:
0x0: {  	(tag) =	ssettag $0x1  }
0x1: {  	s1 =	srdreg.scid  }
0x2: {  	s1 =	sand.u32 $0x1, s1  }
0x3: {  	p0 =	seq.s32 s1, $0x1  }
.Ltmp0:
0x4: {  	_ = 	snop;
	(pc) =	sbr.rel @p0 .LBB2_4-.Ltmp0, $4  }
0x5: {  	s16 =	rddreg [dreg:$0x0]  }
0x6: {  	s2 =	rddreg [dreg:$0x1];
	s7 =	simm.s32 $0x0  }
0x7: {  	[smem:$0x7FF] =	sst s7  }
0x8: {  	s0 =	rddreg [dreg:$0x2];
	_ =	strace $0x80000047;
	s1 =	stileid.u32  }
0x9: {  	s3 =	smul.u32 $0x2800, s1  }
0xa: {  	s4 =	sadd.s32 $0xC600, s16;
	s29 =	sshll.u32 s1, $0x6  }
0xb: {  	s18 =	sshrl.u32 s3, $0x3;
	s5 =	sadd.s32 s3, s2;
	s3 =	sor.u32 $0x1C01, s29  }
0xc: {  	s6 =	sadd.s32 s4, s18;
	s4 =	sshrl.u32 s5, $0x3;
	s5 =	simm.s32 $0x1  }
0xd: {  	[spmem:s4], [sflag:s3] =	dma.local [hbm:s6], $0x500  }
0xe: {  	_ =	swait.ge [sflag:s5], $0x500  }
0xf: {  	[sflag:s5] =	ssyncset.done $0x0  }
0x10: {  	s8 =	sadd.s32 $0xC400, s16;
	s6 =	simm.s32 $0x2C00;
	[sflag:s5] =	ssyncadd.s32 $0xFFFFFB00  }
0x11: {  	[tilespmem:s6], [sflag:$0x1] =	stream.linear.gather [hbm4b:s8+s7], $0x800, $0x38;
	[tilespmem:$0x3400] =	vst v63  }
0x12: {  	s30 =	smul.u32 $0xA00, s1;
	_ =	swait.ge [sflag:s5], $0x800  }
0x13: {  	s9 =	sadd.s32 $0x2400, s16;
	[sflag:s5] =	ssyncset.done $0x0  }
0x14: {  	s10 =	sadd.s32 s30, s9;
	[sflag:s5] =	ssyncadd.s32 $0xFFFFF800  }
0x15: {  	s9 =	simm.s32 $0x2800;
	s8 =	sadd.s32 $0x0, s10;
	[bflag:$0x0] =	sbarrier.arrive $0xFFFF  }
0x16: {  	[tilespmem:s9], [sflag:$0x1] =	stream.linear.gather [hbm4b:s8+s7], $0x400, $0x38;
	[tilespmem:$0x3400] =	vst v63  }
0x17: {  	_ =	swait.ge [sflag:s5], $0x400  }
0x18: {  	[sflag:s5] =	ssyncset.done $0x0  }
0x19: {  	s8 =	simm.s32 $0x80;
	[sflag:s5] =	ssyncadd.s32 $0xFFFFFC00  }
0x1a: {  	[spmem:s2] =	stream.indirect.scatter.add.f32 [tilespmem:s6], [sflag:$0x1], $0x10, s9, s8, $0xb8;
	[tilespmem:$0x3400] =	vst v63  }
0x1b: {  	_ =	swait.ge [sflag:s5], $0x800  }
0x1c: {  	[sflag:s5] =	ssyncset.done $0x0  }
0x1d: {  	s11 =	simm.s32 $0x2880;
	[sflag:s5] =	ssyncadd.s32 $0xFFFFF800  }
0x1e: {  	[spmem:s2] =	stream.indirect.scatter.add.f32 [tilespmem:s6], [sflag:$0x1], $0x10, s11, s8, $0xb8;
	[tilespmem:$0x3400] =	vst v63  }
0x1f: {  	_ =	swait.ge [sflag:s5], $0x800  }
0x20: {  	[sflag:s5] =	ssyncset.done $0x0  }
0x21: {  	s12 =	simm.s32 $0x2900;
	[sflag:s5] =	ssyncadd.s32 $0xFFFFF800  }
0x22: {  	[spmem:s2] =	stream.indirect.scatter.add.f32 [tilespmem:s6], [sflag:$0x1], $0x10, s12, s8, $0xb8;
	[tilespmem:$0x3400] =	vst v63  }
0x23: {  	_ =	swait.ge [sflag:s5], $0x800  }
0x24: {  	[sflag:s5] =	ssyncset.done $0x0  }
0x25: {  	s13 =	simm.s32 $0x2980;
	[sflag:s5] =	ssyncadd.s32 $0xFFFFF800  }
0x26: {  	[spmem:s2] =	stream.indirect.scatter.add.f32 [tilespmem:s6], [sflag:$0x1], $0x10, s13, s8, $0xb8;
	[tilespmem:$0x3400] =	vst v63  }
0x27: {  	_ =	swait.ge [sflag:s5], $0x800  }
0x28: {  	[sflag:s5] =	ssyncset.done $0x0  }
0x29: {  	s14 =	simm.s32 $0x2A00;
	[sflag:s5] =	ssyncadd.s32 $0xFFFFF800  }
0x2a: {  	[spmem:s2] =	stream.indirect.scatter.add.f32 [tilespmem:s6], [sflag:$0x1], $0x10, s14, s8, $0xb8;
	[tilespmem:$0x3400] =	vst v63  }
0x2b: {  	_ =	swait.ge [sflag:s5], $0x800  }
0x2c: {  	[sflag:s5] =	ssyncset.done $0x0  }
0x2d: {  	s15 =	simm.s32 $0x2A80;
	[sflag:s5] =	ssyncadd.s32 $0xFFFFF800  }
0x2e: {  	[spmem:s2] =	stream.indirect.scatter.add.f32 [tilespmem:s6], [sflag:$0x1], $0x10, s15, s8, $0xb8;
	[tilespmem:$0x3400] =	vst v63  }
0x2f: {  	_ =	swait.ge [sflag:s5], $0x800  }
0x30: {  	[sflag:s5] =	ssyncset.done $0x0  }
0x31: {  	s17 =	simm.s32 $0x2B00;
	[sflag:s5] =	ssyncadd.s32 $0xFFFFF800  }
0x32: {  	[spmem:s2] =	stream.indirect.scatter.add.f32 [tilespmem:s6], [sflag:$0x1], $0x10, s17, s8, $0xb8;
	[tilespmem:$0x3400] =	vst v63  }
0x33: {  	_ =	swait.ge [sflag:s5], $0x800  }
0x34: {  	[sflag:s5] =	ssyncset.done $0x0  }
0x35: {  	s31 =	sadd.s32 s18, s16;
	s18 =	simm.s32 $0x2B80;
	[sflag:s5] =	ssyncadd.s32 $0xFFFFF800  }
0x36: {  	[spmem:s2] =	stream.indirect.scatter.add.f32 [tilespmem:s6], [sflag:$0x1], $0x10, s18, s8, $0xb8;
	[tilespmem:$0x3400] =	vst v63  }
0x37: {  	s19 =	simm.s32 $0x80;
	_ =	swait.ge [sflag:s5], $0x800  }
0x38: {  	s21 =	simm.s32 $0x100;
	s16 =	sadd.s32 $0x11600, s31;
	[sflag:s5] =	ssyncset.done $0x0  }
.LBB2_2:
0x39: {  	s22 =	sadd.s32 s19, s10  }
0x3a: {  	[sflag:s5] =	ssyncadd.s32 $0xFFFFF800;
	s19 =	smov.u32 s21;
	s20 =	sadd.s32 $0x80, s21  }
0x3b: {  	[tilespmem:s9], [sflag:$0x1] =	stream.linear.gather [hbm4b:s22+s7], $0x400, $0x38;
	[tilespmem:$0x3400] =	vst v63  }
0x3c: {  	p0 =	sne.s32 s21, $0x980;
	_ =	swait.ge [sflag:s5], $0x400  }
0x3d: {  	[sflag:s5] =	ssyncset.done $0x0  }
0x3e: {  	[sflag:s5] =	ssyncadd.s32 $0xFFFFFC00  }
0x3f: {  	[spmem:s2] =	stream.indirect.scatter.add.f32 [tilespmem:s6], [sflag:$0x1], $0x10, s9, s8, $0xb8;
	[tilespmem:$0x3400] =	vst v63  }
0x40: {  	_ =	swait.ge [sflag:s5], $0x800  }
0x41: {  	[sflag:s5] =	ssyncset.done $0x0  }
0x42: {  	[sflag:s5] =	ssyncadd.s32 $0xFFFFF800  }
0x43: {  	[spmem:s2] =	stream.indirect.scatter.add.f32 [tilespmem:s6], [sflag:$0x1], $0x10, s11, s8, $0xb8;
	[tilespmem:$0x3400] =	vst v63  }
0x44: {  	_ =	swait.ge [sflag:s5], $0x800  }
0x45: {  	[sflag:s5] =	ssyncset.done $0x0  }
0x46: {  	[sflag:s5] =	ssyncadd.s32 $0xFFFFF800  }
0x47: {  	[spmem:s2] =	stream.indirect.scatter.add.f32 [tilespmem:s6], [sflag:$0x1], $0x10, s12, s8, $0xb8;
	[tilespmem:$0x3400] =	vst v63  }
0x48: {  	_ =	swait.ge [sflag:s5], $0x800  }
0x49: {  	[sflag:s5] =	ssyncset.done $0x0  }
0x4a: {  	[sflag:s5] =	ssyncadd.s32 $0xFFFFF800  }
0x4b: {  	[spmem:s2] =	stream.indirect.scatter.add.f32 [tilespmem:s6], [sflag:$0x1], $0x10, s13, s8, $0xb8;
	[tilespmem:$0x3400] =	vst v63  }
0x4c: {  	_ =	swait.ge [sflag:s5], $0x800  }
0x4d: {  	[sflag:s5] =	ssyncset.done $0x0  }
0x4e: {  	[sflag:s5] =	ssyncadd.s32 $0xFFFFF800  }
0x4f: {  	[spmem:s2] =	stream.indirect.scatter.add.f32 [tilespmem:s6], [sflag:$0x1], $0x10, s14, s8, $0xb8;
	[tilespmem:$0x3400] =	vst v63  }
0x50: {  	_ =	swait.ge [sflag:s5], $0x800  }
0x51: {  	[sflag:s5] =	ssyncset.done $0x0  }
0x52: {  	[sflag:s5] =	ssyncadd.s32 $0xFFFFF800  }
0x53: {  	[spmem:s2] =	stream.indirect.scatter.add.f32 [tilespmem:s6], [sflag:$0x1], $0x10, s15, s8, $0xb8;
	[tilespmem:$0x3400] =	vst v63  }
0x54: {  	_ =	swait.ge [sflag:s5], $0x800  }
0x55: {  	[sflag:s5] =	ssyncset.done $0x0  }
0x56: {  	[sflag:s5] =	ssyncadd.s32 $0xFFFFF800  }
0x57: {  	[spmem:s2] =	stream.indirect.scatter.add.f32 [tilespmem:s6], [sflag:$0x1], $0x10, s17, s8, $0xb8;
	[tilespmem:$0x3400] =	vst v63  }
0x58: {  	_ =	swait.ge [sflag:s5], $0x800  }
.Ltmp1:
0x59: {  	[sflag:s5] =	ssyncset.done $0x0;
	(pc) =	sbr.rel @p0 .LBB2_2-.Ltmp1, $4  }
0x5a: {  	[sflag:s5] =	ssyncadd.s32 $0xFFFFF800  }
0x5b: {  	[spmem:s2] =	stream.indirect.scatter.add.f32 [tilespmem:s6], [sflag:$0x1], $0x10, s18, s8, $0xb8;
	[tilespmem:$0x3400] =	vst v63  }
0x5c: {  	_ =	swait.ge [sflag:s5], $0x800  }
0x5d: {  	s21 =	smov.u32 s20;
	[sflag:s5] =	ssyncset.done $0x0  }
0x5e: {  	s10 =	sadd.s32 s19, s10;
	[sflag:s5] =	ssyncadd.s32 $0xFFFFF800  }
0x5f: {  	[tilespmem:s9], [sflag:$0x1] =	stream.linear.gather [hbm4b:s10+s7], $0x400, $0x38;
	[tilespmem:$0x3400] =	vst v63  }
0x60: {  	_ =	swait.ge [sflag:s5], $0x400  }
0x61: {  	[sflag:s5] =	ssyncset.done $0x0  }
0x62: {  	[sflag:s5] =	ssyncadd.s32 $0xFFFFFC00  }
0x63: {  	[spmem:s2] =	stream.indirect.scatter.add.f32 [tilespmem:s6], [sflag:$0x1], $0x10, s9, s8, $0xb8;
	[tilespmem:$0x3400] =	vst v63  }
0x64: {  	_ =	swait.ge [sflag:s5], $0x800  }
0x65: {  	[sflag:s5] =	ssyncset.done $0x0  }
0x66: {  	[sflag:s5] =	ssyncadd.s32 $0xFFFFF800  }
0x67: {  	[spmem:s2] =	stream.indirect.scatter.add.f32 [tilespmem:s6], [sflag:$0x1], $0x10, s11, s8, $0xb8;
	[tilespmem:$0x3400] =	vst v63  }
0x68: {  	_ =	swait.ge [sflag:s5], $0x800  }
0x69: {  	[sflag:s5] =	ssyncset.done $0x0  }
0x6a: {  	[sflag:s5] =	ssyncadd.s32 $0xFFFFF800  }
0x6b: {  	[spmem:s2] =	stream.indirect.scatter.add.f32 [tilespmem:s6], [sflag:$0x1], $0x10, s12, s8, $0xb8;
	[tilespmem:$0x3400] =	vst v63  }
0x6c: {  	_ =	swait.ge [sflag:s5], $0x800  }
0x6d: {  	[sflag:s5] =	ssyncset.done $0x0  }
0x6e: {  	[sflag:s5] =	ssyncadd.s32 $0xFFFFF800  }
0x6f: {  	[spmem:s2] =	stream.indirect.scatter.add.f32 [tilespmem:s6], [sflag:$0x1], $0x10, s13, s8, $0xb8;
	[tilespmem:$0x3400] =	vst v63  }
0x70: {  	_ =	swait.ge [sflag:s5], $0x800  }
0x71: {  	[sflag:s5] =	ssyncset.done $0x0  }
0x72: {  	[sflag:s5] =	ssyncadd.s32 $0xFFFFF800  }
0x73: {  	[spmem:s2] =	stream.indirect.scatter.add.f32 [tilespmem:s6], [sflag:$0x1], $0x10, s14, s8, $0xb8;
	[tilespmem:$0x3400] =	vst v63  }
0x74: {  	_ =	swait.ge [sflag:s5], $0x800  }
0x75: {  	[sflag:s5] =	ssyncset.done $0x0  }
0x76: {  	[sflag:s5] =	ssyncadd.s32 $0xFFFFF800  }
0x77: {  	[spmem:s2] =	stream.indirect.scatter.add.f32 [tilespmem:s6], [sflag:$0x1], $0x10, s15, s8, $0xb8;
	[tilespmem:$0x3400] =	vst v63  }
0x78: {  	_ =	swait.ge [sflag:s5], $0x800  }
0x79: {  	[sflag:s5] =	ssyncset.done $0x0  }
0x7a: {  	[sflag:s5] =	ssyncadd.s32 $0xFFFFF800  }
0x7b: {  	[spmem:s2] =	stream.indirect.scatter.add.f32 [tilespmem:s6], [sflag:$0x1], $0x10, s17, s8, $0xb8;
	[tilespmem:$0x3400] =	vst v63  }
0x7c: {  	_ =	swait.ge [sflag:s5], $0x800  }
0x7d: {  	[sflag:s5] =	ssyncset.done $0x0  }
0x7e: {  	[sflag:s5] =	ssyncadd.s32 $0xFFFFF800  }
0x7f: {  	[spmem:s2] =	stream.indirect.scatter.add.f32 [tilespmem:s6], [sflag:$0x1], $0x10, s18, s8, $0xb8;
	[tilespmem:$0x3400] =	vst v63  }
0x80: {  	_ =	swait.ge [sflag:s5], $0x800  }
0x81: {  	[sflag:s5] =	ssyncset.done $0x0  }
0x82: {  	[sflag:s5] =	ssyncadd.s32 $0xFFFFF800  }
0x83: {  	s31 =	simm.s32 $0x1;
	[bflag:$0x0] =	sbarrier.arrive $0xFFFF  }
0x84: {  	[hbm:s16], [sflag:s3] =	dma.local [spmem:s4], $0x500  }
0x85: {  	_ =	swait.ge [sflag:s31], $0x500  }
0x86: {  	[sflag:s31] =	ssyncset.done $0x0  }
0x87: {  	[sflag:s31] =	ssyncadd.s32 $0xFFFFFB00  }
.LBB2_4:
0x88: {  	_ =	sfence.sel $0x180000  }
0x89: {  	[bflag:$0x0] =	sbarrier.arrive $0xFFFF  }
0x8a: {  	p0 =	sne.s32 s1, $0x0;
	_ =	strace $0x90000047  }
0x8b: {  	s0 =	sadd.s32 @!p0 $0x100000, s0;
	[bflag:$0x2] =	sbarrier.arrive $0xFFFF  }
0x8c: {  	[sflag:s0] =	ssyncadd.tile.s32 @!p0 $0x1;
	_ =	shalt  }
.Lfunc_end2:
_tile_overlayer_lowered:
.L_overlay_start_2:
0x8d: {  	(tag) =	ssettag $0x2  }
0x8e: {  	s0 =	rddreg [dreg:$0x0];
	s2 =	stileid.u32  }
0x8f: {  	s1 =	rddreg [dreg:$0x1];
	p0 =	sne.s32 s2, $0x0  }
0x90: {  	s3 =	rddreg [dreg:$0x2];
	[bflag:$0x3] =	sbarrier.arrive $0xFFFF;
	s2 =	simm.s32 @!p0 $0x1C01  }
0x91: {  	[timem:s3], [sflag:s2] =	dma.local @!p0 [hbm:s0], s1  }
0x92: {  	s0 =	simm.s32 @!p0 $0x1  }
0x93: {  	_ =	swait.ge @!p0 [sflag:s0], s1  }
0x94: {  	s1 =	ssub.s32 @!p0 $0x0, s1;
	[sflag:s0] =	ssyncset.done @!p0 $0x0  }
0x95: {  	[sflag:s0] =	ssyncadd.s32 @!p0 s1  }
0x96: {  	[bflag:$0x3] =	sbarrier.arrive $0xFFFF  }
0x97: {  	_ =	shalt  }

</sc_bundles>
